<compile_context>
chip_gen: v7x
topology: tpu7x:2x2x1
jax: 0.10.2.dev20260603
libtpu: 0.0.44.dev20260713+nightly
codegen_flags: <defaults>
</compile_context>

<pallas_src>
import functools

import jax
import jax.numpy as jnp
from jax import lax
from jax.experimental import pallas as pl
from jax.experimental.pallas import tpu as pltpu
from jax.experimental.pallas import tpu_sc as plsc

N = 10000
E = 160000
D = 256
HALF = 128
NB = 10
RB = N // NB
NC, NS, LANES = 2, 16, 16
K_MASK = 1500
K_NOISE = 150
NPAD = 160
EPW = E // NS
CHUNK = 128
NFULL = EPW // CHUNK
TAIL = EPW - NFULL * CHUNK
NV = N // LANES
RPW = 624
RTAIL = N - NS * RPW

_MESH = dict(core_axis_name="c", subcore_axis_name="s")



def _split_body(x_ref, o_ref):
    o_ref[...] = x_ref[...]


def _split(x):
    return pl.pallas_call(
        _split_body,
        grid=(NC, NB),
        in_specs=[pl.BlockSpec((RB, HALF), lambda c, i: (i, c))],
        out_specs=pl.BlockSpec((RB, HALF), lambda c, i: (c * NB + i, 0)),
        out_shape=jax.ShapeDtypeStruct((2 * N, HALF), jnp.float32),
    )(x)


def _z1_body(ha, hb, ga, gb, w, b, o):
    z = jnp.concatenate([ha[...] + ga[...], hb[...] + gb[...]], axis=1)
    o[...] = jnp.maximum(
        jnp.dot(z, w[...], preferred_element_type=jnp.float32) + b[...], 0.0)


def _z1(h2, agg2, W1, b1):
    return pl.pallas_call(
        _z1_body,
        grid=(NB,),
        in_specs=[
            pl.BlockSpec((RB, HALF), lambda i: (i, 0)),
            pl.BlockSpec((RB, HALF), lambda i: (i + NB, 0)),
            pl.BlockSpec((RB, HALF), lambda i: (i, 0)),
            pl.BlockSpec((RB, HALF), lambda i: (i + NB, 0)),
            pl.BlockSpec((D, D), lambda i: (0, 0)),
            pl.BlockSpec((1, D), lambda i: (0, 0)),
        ],
        out_specs=pl.BlockSpec((RB, D), lambda i: (i, 0)),
        out_shape=jax.ShapeDtypeStruct((N, D), jnp.float32),
    )(h2, h2, agg2, agg2, W1, b1.reshape(1, D))


def _z2_body(z, w, b, o, *, relu):
    r = jnp.dot(z[...], w[...], preferred_element_type=jnp.float32) + b[...]
    if relu:
        r = jnp.maximum(r, 0.0)
    o[...] = r


def _z2(z1, W2, b2, relu):
    return pl.pallas_call(
        functools.partial(_z2_body, relu=relu),
        grid=(NC, NB),
        in_specs=[
            pl.BlockSpec((RB, D), lambda c, i: (i, 0)),
            pl.BlockSpec((D, HALF), lambda c, i: (0, c)),
            pl.BlockSpec((1, HALF), lambda c, i: (0, c)),
        ],
        out_specs=pl.BlockSpec((RB, HALF), lambda c, i: (c * NB + i, 0)),
        out_shape=jax.ShapeDtypeStruct((2 * N, HALF), jnp.float32),
    )(z1, W2, b2.reshape(1, D))


def _score_body(ha, hb, ga, gb, w1, b1, w2, b2, o):
    z = jnp.concatenate([ha[...] + ga[...], hb[...] + gb[...]], axis=1)
    z1 = jnp.maximum(
        jnp.dot(z, w1[...], preferred_element_type=jnp.float32) + b1[...],
        0.0)
    s = jax.nn.sigmoid(
        jnp.dot(z1, w2[...], preferred_element_type=jnp.float32) + b2[...])
    o[...] = jax.lax.bitcast_convert_type(s, jnp.int32)


def _score(h2, agg2, sg_W1, sg_b1, sg_W2, sg_b2):
    return pl.pallas_call(
        _score_body,
        grid=(NB,),
        in_specs=[
            pl.BlockSpec((RB, HALF), lambda i: (i, 0)),
            pl.BlockSpec((RB, HALF), lambda i: (i + NB, 0)),
            pl.BlockSpec((RB, HALF), lambda i: (i, 0)),
            pl.BlockSpec((RB, HALF), lambda i: (i + NB, 0)),
            pl.BlockSpec((D, D), lambda i: (0, 0)),
            pl.BlockSpec((1, D), lambda i: (0, 0)),
            pl.BlockSpec((D, 1), lambda i: (0, 0)),
            pl.BlockSpec((1, 1), lambda i: (0, 0)),
        ],
        out_specs=pl.BlockSpec((RB, 1), lambda i: (i, 0)),
        out_shape=jax.ShapeDtypeStruct((N, 1), jnp.int32),
    )(h2, h2, agg2, agg2, sg_W1, sg_b1.reshape(1, D), sg_W2,
      sg_b2.reshape(1, 1))


def _maskx_body(xa, m, mn, tok, o):
    mm = m[...]
    o[...] = xa[...] * (1.0 - mm) + (mm - mn[...]) * tok[...]


def _maskx(x2, m, mn, token):
    return pl.pallas_call(
        _maskx_body,
        grid=(NC, NB),
        in_specs=[
            pl.BlockSpec((RB, HALF), lambda c, i: (c * NB + i, 0)),
            pl.BlockSpec((RB, 1), lambda c, i: (i, 0)),
            pl.BlockSpec((RB, 1), lambda c, i: (i, 0)),
            pl.BlockSpec((1, HALF), lambda c, i: (0, c)),
        ],
        out_specs=pl.BlockSpec((RB, HALF), lambda c, i: (c * NB + i, 0)),
        out_shape=jax.ShapeDtypeStruct((2 * N, HALF), jnp.float32),
    )(x2, m, mn, token)


def _rep_body(ha, hb, w, m, o):
    z = jnp.concatenate([ha[...], hb[...]], axis=1)
    o[...] = jnp.dot(z, w[...], preferred_element_type=jnp.float32) * (1.0 - m[...])


def _rep(h2, e2d_W, m):
    return pl.pallas_call(
        _rep_body,
        grid=(NC, NB),
        in_specs=[
            pl.BlockSpec((RB, HALF), lambda c, i: (i, 0)),
            pl.BlockSpec((RB, HALF), lambda c, i: (i + NB, 0)),
            pl.BlockSpec((D, HALF), lambda c, i: (0, c)),
            pl.BlockSpec((RB, 1), lambda c, i: (i, 0)),
        ],
        out_specs=pl.BlockSpec((RB, HALF), lambda c, i: (c * NB + i, 0)),
        out_shape=jax.ShapeDtypeStruct((2 * N, HALF), jnp.float32),
    )(h2, h2, e2d_W, m)


def _loss_body(ra, rb, xf, m, o):
    r = jnp.concatenate([ra[...], rb[...]], axis=1)
    t = xf[...]
    rr = jnp.sum(r * r, axis=1, keepdims=True)
    tt = jnp.sum(t * t, axis=1, keepdims=True)
    rt = jnp.sum(r * t, axis=1, keepdims=True)
    cos = rt / ((jnp.sqrt(rr) + 1e-8) * (jnp.sqrt(tt) + 1e-8))
    dd = 1.0 - cos
    v = jnp.sum(dd * dd * m[...]) * (1.0 / K_MASK)

    @pl.when(pl.program_id(0) == 0)
    def _():
        o[...] = jnp.zeros((1, 1), jnp.float32)

    o[...] += jnp.reshape(v, (1, 1))


def _loss(recon2, x, m):
    return pl.pallas_call(
        _loss_body,
        grid=(NB,),
        in_specs=[
            pl.BlockSpec((RB, HALF), lambda i: (i, 0)),
            pl.BlockSpec((RB, HALF), lambda i: (i + NB, 0)),
            pl.BlockSpec((RB, D), lambda i: (i, 0)),
            pl.BlockSpec((RB, 1), lambda i: (i, 0)),
        ],
        out_specs=pl.BlockSpec((1, 1), lambda i: (0, 0)),
        out_shape=jax.ShapeDtypeStruct((1, 1), jnp.float32),
    )(recon2, recon2, x, m)



def _segsum(h2, src, dst, zsrc):
    mesh = plsc.VectorSubcoreMesh(**_MESH)

    @functools.partial(
        pl.kernel, mesh=mesh,
        compiler_params=pltpu.CompilerParams(needs_layout_passes=False),
        out_type=jax.ShapeDtypeStruct((2 * N, HALF), jnp.float32),
        scratch_types=[
            pltpu.VMEM((CHUNK,), jnp.int32),
            pltpu.VMEM((CHUNK,), jnp.int32),
            pltpu.VMEM((CHUNK,), jnp.int32),
            pltpu.VMEM((CHUNK,), jnp.int32),
            pltpu.VMEM((CHUNK,), jnp.int32),
            pltpu.VMEM((CHUNK,), jnp.int32),
            pltpu.VMEM((CHUNK, HALF), jnp.float32),
            pltpu.VMEM((CHUNK, HALF), jnp.float32),
            pltpu.VMEM((TAIL,), jnp.int32),
            pltpu.VMEM((TAIL,), jnp.int32),
            pltpu.VMEM((TAIL,), jnp.int32),
            pltpu.VMEM((TAIL, HALF), jnp.float32),
            pltpu.VMEM_SHARED((N, HALF), jnp.float32),
            pltpu.SemaphoreType.DMA,
            pltpu.SemaphoreType.DMA,
            pltpu.SemaphoreType.DMA,
            pltpu.SemaphoreType.DMA,
        ],
    )
    def k(h2_hbm, src_hbm, dst_hbm, zsrc_hbm, out_hbm,
          sidxa, aidxa, didxa, sidxb, aidxb, didxb, gbufa, gbufb,
          tsidx, taidx, tdidx, tgbuf, acc, gsema, gsemb, isema, isemb):
        c = lax.axis_index("c")
        s = lax.axis_index("s")
        coff = c * N
        r0 = s * RPW
        e0 = s * EPW

        def fetch_idx(eoff, si, di, isem):
            pltpu.async_copy(src_hbm.at[pl.ds(eoff, CHUNK)], si, isem)
            pltpu.async_copy(dst_hbm.at[pl.ds(eoff, CHUNK)], di, isem)

        def wait_idx(si, di, isem):
            pltpu.make_async_copy(src_hbm.at[pl.ds(0, CHUNK)], si,
                                  isem).wait()
            pltpu.make_async_copy(src_hbm.at[pl.ds(0, CHUNK)], di,
                                  isem).wait()

        def adjust(si, ai):
            for l in range(CHUNK // LANES):
                sl = pl.ds(l * LANES, LANES)
                ai[sl] = si[sl] + coff

        fetch_idx(e0, sidxa, didxa, isema)

        pltpu.sync_copy(zsrc_hbm.at[pl.ds(0, RPW)], acc.at[pl.ds(r0, RPW)])

        @pl.when(s == NS - 1)
        def _():
            pltpu.sync_copy(zsrc_hbm.at[pl.ds(0, RTAIL)],
                            acc.at[pl.ds(NS * RPW, RTAIL)])

        plsc.subcore_barrier()

        wait_idx(sidxa, didxa, isema)
        adjust(sidxa, aidxa)
        pltpu.async_copy(h2_hbm.at[aidxa], gbufa, gsema)

        def body(g, carry):
            j0 = 2 * g
            fetch_idx(e0 + (j0 + 1) * CHUNK, sidxb, didxb, isemb)
            wait_idx(sidxb, didxb, isemb)
            adjust(sidxb, aidxb)
            pltpu.make_async_copy(h2_hbm, gbufa, gsema).wait()
            pltpu.async_copy(h2_hbm.at[aidxb], gbufb, gsemb)
            pltpu.sync_copy(gbufa, acc.at[didxa], add=True)

            @pl.when(g < NFULL // 2 - 1)
            def _():
                fetch_idx(e0 + (j0 + 2) * CHUNK, sidxa, didxa, isema)
                wait_idx(sidxa, didxa, isema)
                adjust(sidxa, aidxa)
                pltpu.async_copy(h2_hbm.at[aidxa], gbufa, gsema)

            pltpu.make_async_copy(h2_hbm, gbufb, gsemb).wait()
            pltpu.sync_copy(gbufb, acc.at[didxb], add=True)
            return carry

        lax.fori_loop(0, NFULL // 2, body, 0)

        if TAIL:
            pltpu.sync_copy(src_hbm.at[pl.ds(e0 + NFULL * CHUNK, TAIL)],
                            tsidx)
            pltpu.sync_copy(dst_hbm.at[pl.ds(e0 + NFULL * CHUNK, TAIL)],
                            tdidx)
            for l in range(TAIL // LANES):
                sl = pl.ds(l * LANES, LANES)
                taidx[sl] = tsidx[sl] + coff
            pltpu.async_copy(h2_hbm.at[taidx], tgbuf, gsema).wait()
            pltpu.sync_copy(tgbuf, acc.at[tdidx], add=True)

        plsc.subcore_barrier()
        pltpu.sync_copy(acc.at[pl.ds(r0, RPW)],
                        out_hbm.at[pl.ds(coff + r0, RPW)])

        @pl.when(s == NS - 1)
        def _():
            pltpu.sync_copy(acc.at[pl.ds(NS * RPW, RTAIL)],
                            out_hbm.at[pl.ds(coff + NS * RPW, RTAIL)])

    return k(h2, src, dst, zsrc)


def _select(scores):
    mesh = plsc.VectorSubcoreMesh(**_MESH)
    NT = NPAD // LANES

    @functools.partial(
        pl.kernel, mesh=mesh,
        compiler_params=pltpu.CompilerParams(needs_layout_passes=False),
        out_type=(jax.ShapeDtypeStruct((N,), jnp.float32),
                  jax.ShapeDtypeStruct((N,), jnp.float32),
                  jax.ShapeDtypeStruct((NPAD,), jnp.int32)),
        scratch_types=[
            pltpu.VMEM((N,), jnp.int32),
            pltpu.VMEM((N,), jnp.float32),
            pltpu.VMEM((N,), jnp.float32),
            pltpu.VMEM((176,), jnp.int32),
            pltpu.VMEM((176,), jnp.int32),
            pltpu.VMEM((NPAD,), jnp.int32),
            pltpu.VMEM((1504,), jnp.int32),
            pltpu.SemaphoreType.DMA,
        ],
    )
    def k(sc_hbm, m_hbm, mn_hbm, nd_hbm,
          kbuf, mbuf, mnbuf, tk, ti, nd, t15, sem):
        c = lax.axis_index("c")
        s = lax.axis_index("s")

        @pl.when(jnp.logical_and(c == 0, s == 0))
        def _():
            pltpu.sync_copy(sc_hbm, kbuf)

            one16 = jnp.ones((LANES,), jnp.int32)
            zero16i = jnp.zeros((LANES,), jnp.int32)

            def count_ge(t):
                def cb(j, acc):
                    v = kbuf[pl.ds(j * LANES, LANES)]
                    return acc + jnp.where(v >= t, one16, zero16i)
                accv = lax.fori_loop(0, NV, cb, jnp.zeros((LANES,), jnp.int32))
                return jnp.sum(accv)

            def bisect(kk, counter):
                def bb(it, lh):
                    lo, hi = lh
                    mid = lo + ((hi - lo) >> 1)
                    big = counter(mid) >= kk
                    return (jnp.where(big, mid, lo), jnp.where(big, hi, mid))
                lo, _ = lax.fori_loop(
                    0, 32, bb, (jnp.int32(0), jnp.int32(0x7FFFFFFF)))
                return lo

            t1500 = bisect(K_MASK, count_ge)

            zero16 = jnp.zeros((LANES,), jnp.int32)
            NV15 = 1504 // LANES

            def zt(j, carry):
                t15[pl.ds(j * LANES, LANES)] = zero16
                return carry
            lax.fori_loop(0, NV15, zt, 0)

            def comp(j, off):
                v = kbuf[pl.ds(j * LANES, LANES)]
                m1 = v >= t1500
                pc = plsc.cumsum(jnp.where(m1, one16, zero16i))
                plsc.store_scatter(t15, [off + pc - 1], v, mask=m1)
                return off + jnp.max(pc)
            lax.fori_loop(0, NV, comp, jnp.int32(0))

            def count_ge15(t):
                def cb(j, acc):
                    v = t15[pl.ds(j * LANES, LANES)]
                    return acc + jnp.where(v >= t, one16, zero16i)
                accv = lax.fori_loop(0, NV15, cb,
                                     jnp.zeros((LANES,), jnp.int32))
                return jnp.sum(accv)

            t150 = bisect(K_NOISE, count_ge15)
            for j in range(176 // LANES):
                tk[pl.ds(j * LANES, LANES)] = zero16

            iota16 = lax.iota(jnp.int32, LANES)

            def mb(j, off):
                sl = pl.ds(j * LANES, LANES)
                v = kbuf[sl]
                m1 = v >= t1500
                m2 = v >= t150
                mbuf[sl] = jnp.where(m1, 1.0, 0.0)
                mnbuf[sl] = jnp.where(m2, 1.0, 0.0)
                pc = plsc.cumsum(jnp.where(m2, one16, zero16i))
                pos = off + pc - 1
                ids = j * LANES + iota16
                plsc.store_scatter(tk, [pos], v, mask=m2)
                plsc.store_scatter(ti, [pos], ids, mask=m2)
                return off + jnp.max(pc)
            lax.fori_loop(0, NV, mb, jnp.int32(0))

            lane0 = iota16 == 0

            def rb(i, carry):
                iv = jnp.full((LANES,), i, jnp.int32)
                kv = plsc.load_gather(tk, [iv])

                def cb2(j, a):
                    w = tk[pl.ds(j * LANES, LANES)]
                    return a + jnp.where(w > kv, one16, zero16i)
                av = lax.fori_loop(0, NT, cb2, jnp.zeros((LANES,), jnp.int32))
                rv = jnp.full((LANES,), jnp.sum(av), jnp.int32)
                idv = plsc.load_gather(ti, [iv])
                plsc.store_scatter(nd, [rv], idv, mask=lane0)
                return carry
            lax.fori_loop(0, K_NOISE, rb, 0)

            nd0 = plsc.load_gather(nd, [jnp.zeros((LANES,), jnp.int32)])
            plsc.store_scatter(nd, [K_NOISE + iota16], nd0,
                               mask=iota16 < (NPAD - K_NOISE))

            pltpu.sync_copy(mbuf, m_hbm)
            pltpu.sync_copy(mnbuf, mn_hbm)
            pltpu.sync_copy(nd, nd_hbm)

    return k(scores)


def _noise_patch(base, x2, nsrc, nd):
    mesh = plsc.VectorSubcoreMesh(**_MESH)
    ROWS = 624
    CTAIL = 2 * N - NC * NS * ROWS

    @functools.partial(
        pl.kernel, mesh=mesh,
        compiler_params=pltpu.CompilerParams(needs_layout_passes=False),
        out_type=jax.ShapeDtypeStruct((2 * N, HALF), jnp.float32),
        scratch_types=[
            pltpu.VMEM((ROWS, HALF), jnp.float32),
            pltpu.VMEM((CTAIL, HALF), jnp.float32),
            pltpu.VMEM((NPAD,), jnp.int32),
            pltpu.VMEM((NPAD,), jnp.int32),
            pltpu.VMEM((NPAD, HALF), jnp.float32),
            pltpu.SemaphoreType.DMA,
        ],
    )
    def k(base_hbm, x2_hbm, nsrc_hbm, nd_hbm, out_hbm, buf, tbuf, gi, si,
          nbuf, sem):
        c = lax.axis_index("c")
        s = lax.axis_index("s")
        wid = c * NS + s
        r0 = wid * ROWS
        pltpu.sync_copy(base_hbm.at[pl.ds(r0, ROWS)], buf)
        pltpu.sync_copy(buf, out_hbm.at[pl.ds(r0, ROWS)])

        @pl.when(wid == NC * NS - 1)
        def _():
            t0 = NC * NS * ROWS
            pltpu.sync_copy(base_hbm.at[pl.ds(t0, CTAIL)], tbuf)
            pltpu.sync_copy(tbuf, out_hbm.at[pl.ds(t0, CTAIL)])

        plsc.subcore_barrier()

        @pl.when(s == 0)
        def _():
            coff = c * N
            pltpu.sync_copy(nsrc_hbm, gi)
            pltpu.sync_copy(nd_hbm, si)
            for l in range(NPAD // LANES):
                sl = pl.ds(l * LANES, LANES)
                gi[sl] = gi[sl] + coff
                si[sl] = si[sl] + coff
            pltpu.async_copy(x2_hbm.at[gi], nbuf, sem).wait()
            pltpu.sync_copy(nbuf, out_hbm.at[si])

    return k(base, x2, nsrc, nd)



def kernel(x, edge_index, epoch, max_epoch, sg_W1, sg_b1, sg_W2, sg_b2,
           sg2_W, sg2_b, e1_W1, e1_b1, e1_W2, e1_b2, e2_W1, e2_b1, e2_W2,
           e2_b2, e2d_W, d_W1, d_b1, d_W2, d_b2, enc_mask_token):
    src = edge_index[0]
    dst = edge_index[1]
    zsrc = jnp.zeros((RPW, HALF), jnp.float32)

    x2 = _split(x)

    agg0 = _segsum(x2, src, dst, zsrc)
    scores = _score(x2, agg0, sg_W1, sg_b1, sg_W2, sg_b2)

    m, mn, nd = _select(scores.reshape(N))
    m = m.reshape(N, 1)
    mn = mn.reshape(N, 1)

    nsrc = jax.random.randint(jax.random.key(7), (K_NOISE,), 0, N,
                              dtype=jnp.int32)
    nsrc = jnp.concatenate([nsrc, jnp.full((NPAD - K_NOISE,), nsrc[0],
                                           jnp.int32)])

    base = _maskx(x2, m, mn, enc_mask_token)
    out_x2 = _noise_patch(base, x2, nsrc, nd)

    agg1 = _segsum(out_x2, src, dst, zsrc)
    h = _z2(_z1(out_x2, agg1, e1_W1, e1_b1), e1_W2, e1_b2, relu=True)
    agg2 = _segsum(h, src, dst, zsrc)
    h = _z2(_z1(h, agg2, e2_W1, e2_b1), e2_W2, e2_b2, relu=True)

    rep = _rep(h, e2d_W, m)

    agg3 = _segsum(rep, src, dst, zsrc)
    recon = _z2(_z1(rep, agg3, d_W1, d_b1), d_W2, d_b2, relu=False)

    lossv = _loss(recon, x, m)[0, 0]
    ep = jnp.asarray(epoch).astype(jnp.float32)
    mep = jnp.asarray(max_epoch).astype(jnp.float32)
    return lossv + 0.0 * (0.3 * ep / mep)

# --- scband reference (transcript-rebuilt; emitter-appended) ---
"""Pipeline reference for scband-pre-model-12403865551378 (READ-ONLY COPY).

The authoritative reference and input builder live on the scoring server;
editing this copy changes nothing except your own understanding.
"""

import jax, jax.numpy as jnp
import numpy as np

N = 10000
E = 160000
D = 256
H = 256
MASK_RATE = 0.3
REPLACE_RATE = 0.1
ALPHA_L = 2.0


def _gin_layer(h, src, dst, W1, b1, W2, b2):
    # GIN: MLP((1+eps)*x + sum_{j in N(i)} x_j), eps=0
    agg = jax.ops.segment_sum(h[src], dst, num_segments=h.shape[0])
    z = h + agg
    z = jax.nn.relu(jnp.dot(z, W1) + b1)
    z = jnp.dot(z, W2) + b2
    return z


def _sce_loss(pred, target, alpha):
    pn = pred / (jnp.linalg.norm(pred, axis=-1, keepdims=True) + 1e-8)
    tn = target / (jnp.linalg.norm(target, axis=-1, keepdims=True) + 1e-8)
    cos = jnp.sum(pn * tn, axis=-1)
    return jnp.mean(jnp.power(1.0 - cos, alpha))


def setup_inputs(seed: int = 0) -> dict:
    key = jax.random.key(seed)
    ks = jax.random.split(key, 16)
    def w(i, shape):
        return jax.random.normal(ks[i], shape, dtype=jnp.float32) * 0.05
    return {
        "x": jax.random.normal(ks[0], (N, D), dtype=jnp.float32),
        "edge_index": jax.random.randint(ks[1], (2, E), 0, N),
        "epoch": 50,
        "max_epoch": 100,
        "sg_W1": w(2, (D, H)), "sg_b1": jnp.zeros((H,), jnp.float32),
        "sg_W2": w(3, (H, 1)), "sg_b2": jnp.zeros((1,), jnp.float32),
        "sg2_W": w(4, (D, 1)), "sg2_b": jnp.zeros((1,), jnp.float32),
        "e1_W1": w(5, (D, H)), "e1_b1": jnp.zeros((H,), jnp.float32),
        "e1_W2": w(6, (H, H)), "e1_b2": jnp.zeros((H,), jnp.float32),
        "e2_W1": w(7, (H, H)), "e2_b1": jnp.zeros((H,), jnp.float32),
        "e2_W2": w(8, (H, H)), "e2_b2": jnp.zeros((H,), jnp.float32),
        "e2d_W": w(9, (H, H)),
        "d_W1": w(10, (H, H)), "d_b1": jnp.zeros((H,), jnp.float32),
        "d_W2": w(11, (H, D)), "d_b2": jnp.zeros((D,), jnp.float32),
        "enc_mask_token": jnp.zeros((1, D), jnp.float32),
    }


def reference(x, edge_index, epoch, max_epoch,
              sg_W1, sg_b1, sg_W2, sg_b2, sg2_W, sg2_b,
              e1_W1, e1_b1, e1_W2, e1_b2, e2_W1, e2_b1, e2_W2, e2_b2,
              e2d_W, d_W1, d_b1, d_W2, d_b2, enc_mask_token):
    epoch_f = jnp.asarray(epoch).astype(jnp.float32)
    max_epoch_f = jnp.asarray(max_epoch).astype(jnp.float32)
    src, dst = edge_index[0], edge_index[1]
    # learnable mask-score generator (1-layer GIN -> scalar score), sc_sigmoid='True'
    scores = jax.nn.sigmoid(_gin_layer(x, src, dst, sg_W1, sg_b1, sg_W2, sg_b2)[:, 0])
    # getMaskRate, curMode='linear'
    tmp_rate = MASK_RATE * epoch_f / max_epoch_f
    num_mask = int(MASK_RATE * 50 / 100 * N)
    perm = jnp.argsort(-scores)
    mask_nodes = perm[:num_mask]
    num_noise = int(REPLACE_RATE * num_mask)
    noise_nodes = mask_nodes[:num_noise]
    token_nodes = mask_nodes[num_noise:]
    noise_src = jax.random.randint(jax.random.key(7), (num_noise,), 0, N)
    out_x = x.at[mask_nodes].set(0.0)
    out_x = out_x.at[noise_nodes].set(x[noise_src])
    out_x = out_x.at[token_nodes].add(enc_mask_token[0])
    # GIN encoder, 2 layers
    h = jax.nn.relu(_gin_layer(out_x, src, dst, e1_W1, e1_b1, e1_W2, e1_b2))
    h = jax.nn.relu(_gin_layer(h, src, dst, e2_W1, e2_b1, e2_W2, e2_b2))
    rep = jnp.dot(h, e2d_W)
    # re-mask before decoding
    rep = rep.at[mask_nodes].set(0.0)
    recon = _gin_layer(rep, src, dst, d_W1, d_b1, d_W2, d_b2)
    loss = _sce_loss(recon[mask_nodes], x[mask_nodes], ALPHA_L)
    loss = loss + 0.0 * tmp_rate
    return loss

if __name__ == "__main__":
    import jax
    _d = setup_inputs()
    print(jax.jit(kernel)(*tuple(_d.values())))

</pallas_src>

<mosaic_0001>
#map = affine_map<(d0, d1) -> (0, 0)>
#map1 = affine_map<(d0, d1) -> (0)>
module attributes {stable_mosaic.version = 14 : i64} {
  func.func @k(%arg0: i32, %arg1: i32, %arg2: memref<20000x128xf32, #tpu.memory_space<hbm>>, %arg3: memref<20000x128xf32, #tpu.memory_space<hbm>>, %arg4: memref<160xi32, #tpu.memory_space<hbm>>, %arg5: memref<160xi32, #tpu.memory_space<hbm>>, %arg6: memref<20000x128xf32, #tpu.memory_space<hbm>>, %arg7: memref<624x128xf32, #tpu.memory_space<vmem>>, %arg8: memref<32x128xf32, #tpu.memory_space<vmem>>, %arg9: memref<160xi32, #tpu.memory_space<vmem>>, %arg10: memref<160xi32, #tpu.memory_space<vmem>>, %arg11: memref<160x128xf32, #tpu.memory_space<vmem>>, %arg12: memref<!tpu.dma_semaphore, #tpu.memory_space<semaphore_mem>>) attributes {dimension_semantics = [#tpu.dimension_semantics<core_parallel>, #tpu.dimension_semantics<subcore_parallel>], iteration_bounds = array<i64: 2, 16>, scalar_prefetch = 0 : i64, scratch_operands = 6 : i64, tpu.core_type = #tpu.core_type<sc_vector_subcore>, window_params = [{transform_indices = #map}, {transform_indices = #map}, {transform_indices = #map1}, {transform_indices = #map1}, {transform_indices = #map}]} {
    %mul3A = arith.constant 16 : i32
    %mul3A_0 = arith.muli %arg0, %mul3A : i32
    %add3A = arith.addi %mul3A_0, %arg1 : i32
    %mul3A_1 = arith.constant 624 : i32
    %mul3A_2 = arith.muli %add3A, %mul3A_1 : i32
    "tpu.region"() ({
      %run_scoped3A = tpu.sem_alloc : memref<!tpu.dma_semaphore, #tpu.memory_space<semaphore_mem>>
      %dma_start3A = arith.constant 0 : i32
      %dma_start3A_10 = tpu.memref_slice %arg2[%mul3A_2, %dma_start3A] : memref<20000x128xf32, #tpu.memory_space<hbm>> -> memref<624x128xf32, #tpu.memory_space<hbm>>
      %dma_start3A_11 = arith.constant 0 : i32
      %dma_start3A_12 = tpu.memref_slice %arg2[%mul3A_2, %dma_start3A_11] : memref<20000x128xf32, #tpu.memory_space<hbm>> -> memref<624x128xf32, #tpu.memory_space<hbm>>
      tpu.enqueue_dma source(%dma_start3A_12 : memref<624x128xf32, #tpu.memory_space<hbm>>) target(%arg7 : memref<624x128xf32, #tpu.memory_space<vmem>>) target_semaphore(%run_scoped3A : memref<!tpu.dma_semaphore, #tpu.memory_space<semaphore_mem>>)
      %dma_wait3A = arith.constant 0 : i32
      %dma_wait3A_13 = tpu.memref_slice %arg2[%mul3A_2, %dma_wait3A] : memref<20000x128xf32, #tpu.memory_space<hbm>> -> memref<624x128xf32, #tpu.memory_space<hbm>>
      %dma_wait3A_14 = arith.constant 0 : i32
      %dma_wait3A_15 = tpu.memref_slice %arg2[%mul3A_2, %dma_wait3A_14] : memref<20000x128xf32, #tpu.memory_space<hbm>> -> memref<624x128xf32, #tpu.memory_space<hbm>>
      tpu.wait_dma2 semaphore(%run_scoped3A : memref<!tpu.dma_semaphore, #tpu.memory_space<semaphore_mem>>) src(%dma_wait3A_15 : memref<624x128xf32, #tpu.memory_space<hbm>>) dst(%arg7 : memref<624x128xf32, #tpu.memory_space<vmem>>)
      tpu.yield
    }) : () -> ()
    "tpu.region"() ({
      %run_scoped3A = tpu.sem_alloc : memref<!tpu.dma_semaphore, #tpu.memory_space<semaphore_mem>>
      %dma_start3A = arith.constant 0 : i32
      %dma_start3A_10 = tpu.memref_slice %arg6[%mul3A_2, %dma_start3A] : memref<20000x128xf32, #tpu.memory_space<hbm>> -> memref<624x128xf32, #tpu.memory_space<hbm>>
      %dma_start3A_11 = arith.constant 0 : i32
      %dma_start3A_12 = tpu.memref_slice %arg6[%mul3A_2, %dma_start3A_11] : memref<20000x128xf32, #tpu.memory_space<hbm>> -> memref<624x128xf32, #tpu.memory_space<hbm>>
      tpu.enqueue_dma source(%arg7 : memref<624x128xf32, #tpu.memory_space<vmem>>) target(%dma_start3A_12 : memref<624x128xf32, #tpu.memory_space<hbm>>) target_semaphore(%run_scoped3A : memref<!tpu.dma_semaphore, #tpu.memory_space<semaphore_mem>>)
      %dma_wait3A = arith.constant 0 : i32
      %dma_wait3A_13 = tpu.memref_slice %arg6[%mul3A_2, %dma_wait3A] : memref<20000x128xf32, #tpu.memory_space<hbm>> -> memref<624x128xf32, #tpu.memory_space<hbm>>
      %dma_wait3A_14 = arith.constant 0 : i32
      %dma_wait3A_15 = tpu.memref_slice %arg6[%mul3A_2, %dma_wait3A_14] : memref<20000x128xf32, #tpu.memory_space<hbm>> -> memref<624x128xf32, #tpu.memory_space<hbm>>
      tpu.wait_dma2 semaphore(%run_scoped3A : memref<!tpu.dma_semaphore, #tpu.memory_space<semaphore_mem>>) src(%arg7 : memref<624x128xf32, #tpu.memory_space<vmem>>) dst(%dma_wait3A_15 : memref<624x128xf32, #tpu.memory_space<hbm>>)
      tpu.yield
    }) : () -> ()
    %eq3A = arith.constant 31 : i32
    %eq3A_3 = arith.cmpi eq, %add3A, %eq3A : i32
    %convert_element_type3A = arith.extui %eq3A_3 : i1 to i32
    %cond3A = arith.constant 0 : i32
    %cond3A_4 = arith.cmpi ne, %convert_element_type3A, %cond3A : i32
    scf.if %cond3A_4 {
      "tpu.region"() ({
        %run_scoped3A = tpu.sem_alloc : memref<!tpu.dma_semaphore, #tpu.memory_space<semaphore_mem>>
        %dma_start3A = arith.constant 19968 : i32
        %dma_start3A_10 = arith.constant 0 : i32
        %dma_start3A_11 = tpu.memref_slice %arg2[%dma_start3A, %dma_start3A_10] : memref<20000x128xf32, #tpu.memory_space<hbm>> -> memref<32x128xf32, #tpu.memory_space<hbm>>
        %dma_start3A_12 = arith.constant 19968 : i32
        %dma_start3A_13 = arith.constant 0 : i32
        %dma_start3A_14 = tpu.memref_slice %arg2[%dma_start3A_12, %dma_start3A_13] : memref<20000x128xf32, #tpu.memory_space<hbm>> -> memref<32x128xf32, #tpu.memory_space<hbm>>
        tpu.enqueue_dma source(%dma_start3A_14 : memref<32x128xf32, #tpu.memory_space<hbm>>) target(%arg8 : memref<32x128xf32, #tpu.memory_space<vmem>>) target_semaphore(%run_scoped3A : memref<!tpu.dma_semaphore, #tpu.memory_space<semaphore_mem>>)
        %dma_wait3A = arith.constant 19968 : i32
        %dma_wait3A_15 = arith.constant 0 : i32
        %dma_wait3A_16 = tpu.memref_slice %arg2[%dma_wait3A, %dma_wait3A_15] : memref<20000x128xf32, #tpu.memory_space<hbm>> -> memref<32x128xf32, #tpu.memory_space<hbm>>
        %dma_wait3A_17 = arith.constant 19968 : i32
        %dma_wait3A_18 = arith.constant 0 : i32
        %dma_wait3A_19 = tpu.memref_slice %arg2[%dma_wait3A_17, %dma_wait3A_18] : memref<20000x128xf32, #tpu.memory_space<hbm>> -> memref<32x128xf32, #tpu.memory_space<hbm>>
        tpu.wait_dma2 semaphore(%run_scoped3A : memref<!tpu.dma_semaphore, #tpu.memory_space<semaphore_mem>>) src(%dma_wait3A_19 : memref<32x128xf32, #tpu.memory_space<hbm>>) dst(%arg8 : memref<32x128xf32, #tpu.memory_space<vmem>>)
        tpu.yield
      }) : () -> ()
      "tpu.region"() ({
        %run_scoped3A = tpu.sem_alloc : memref<!tpu.dma_semaphore, #tpu.memory_space<semaphore_mem>>
        %dma_start3A = arith.constant 19968 : i32
        %dma_start3A_10 = arith.constant 0 : i32
        %dma_start3A_11 = tpu.memref_slice %arg6[%dma_start3A, %dma_start3A_10] : memref<20000x128xf32, #tpu.memory_space<hbm>> -> memref<32x128xf32, #tpu.memory_space<hbm>>
        %dma_start3A_12 = arith.constant 19968 : i32
        %dma_start3A_13 = arith.constant 0 : i32
        %dma_start3A_14 = tpu.memref_slice %arg6[%dma_start3A_12, %dma_start3A_13] : memref<20000x128xf32, #tpu.memory_space<hbm>> -> memref<32x128xf32, #tpu.memory_space<hbm>>
        tpu.enqueue_dma source(%arg8 : memref<32x128xf32, #tpu.memory_space<vmem>>) target(%dma_start3A_14 : memref<32x128xf32, #tpu.memory_space<hbm>>) target_semaphore(%run_scoped3A : memref<!tpu.dma_semaphore, #tpu.memory_space<semaphore_mem>>)
        %dma_wait3A = arith.constant 19968 : i32
        %dma_wait3A_15 = arith.constant 0 : i32
        %dma_wait3A_16 = tpu.memref_slice %arg6[%dma_wait3A, %dma_wait3A_15] : memref<20000x128xf32, #tpu.memory_space<hbm>> -> memref<32x128xf32, #tpu.memory_space<hbm>>
        %dma_wait3A_17 = arith.constant 19968 : i32
        %dma_wait3A_18 = arith.constant 0 : i32
        %dma_wait3A_19 = tpu.memref_slice %arg6[%dma_wait3A_17, %dma_wait3A_18] : memref<20000x128xf32, #tpu.memory_space<hbm>> -> memref<32x128xf32, #tpu.memory_space<hbm>>
        tpu.wait_dma2 semaphore(%run_scoped3A : memref<!tpu.dma_semaphore, #tpu.memory_space<semaphore_mem>>) src(%arg8 : memref<32x128xf32, #tpu.memory_space<vmem>>) dst(%dma_wait3A_19 : memref<32x128xf32, #tpu.memory_space<hbm>>)
        tpu.yield
      }) : () -> ()
    } else {
    }
    %barrier3A = arith.constant 0 : index
    tpu.barrier barrier_id(%barrier3A)
    %eq3A_5 = arith.constant 0 : i32
    %eq3A_6 = arith.cmpi eq, %arg1, %eq3A_5 : i32
    %convert_element_type3A_7 = arith.extui %eq3A_6 : i1 to i32
    %cond3A_8 = arith.constant 0 : i32
    %cond3A_9 = arith.cmpi ne, %convert_element_type3A_7, %cond3A_8 : i32
    scf.if %cond3A_9 {
      %mul3A_10 = arith.constant 10000 : i32
      %mul3A_11 = arith.muli %arg0, %mul3A_10 : i32
      "tpu.region"() ({
        %run_scoped3A = tpu.sem_alloc : memref<!tpu.dma_semaphore, #tpu.memory_space<semaphore_mem>>
        tpu.enqueue_dma source(%arg4 : memref<160xi32, #tpu.memory_space<hbm>>) target(%arg9 : memref<160xi32, #tpu.memory_space<vmem>>) target_semaphore(%run_scoped3A : memref<!tpu.dma_semaphore, #tpu.memory_space<semaphore_mem>>)
        tpu.wait_dma2 semaphore(%run_scoped3A : memref<!tpu.dma_semaphore, #tpu.memory_space<semaphore_mem>>) src(%arg4 : memref<160xi32, #tpu.memory_space<hbm>>) dst(%arg9 : memref<160xi32, #tpu.memory_space<vmem>>)
        tpu.yield
      }) : () -> ()
      "tpu.region"() ({
        %run_scoped3A = tpu.sem_alloc : memref<!tpu.dma_semaphore, #tpu.memory_space<semaphore_mem>>
        tpu.enqueue_dma source(%arg5 : memref<160xi32, #tpu.memory_space<hbm>>) target(%arg10 : memref<160xi32, #tpu.memory_space<vmem>>) target_semaphore(%run_scoped3A : memref<!tpu.dma_semaphore, #tpu.memory_space<semaphore_mem>>)
        tpu.wait_dma2 semaphore(%run_scoped3A : memref<!tpu.dma_semaphore, #tpu.memory_space<semaphore_mem>>) src(%arg5 : memref<160xi32, #tpu.memory_space<hbm>>) dst(%arg10 : memref<160xi32, #tpu.memory_space<vmem>>)
        tpu.yield
      }) : () -> ()
      %get3A = arith.constant 0 : index
      %get3A_12 = tpu.vector_load %arg9[%get3A] {strides = array<i32>} : memref<160xi32, #tpu.memory_space<vmem>>, vector<16xi32>,
      %add3A_13 = vector.broadcast %mul3A_11 : i32 to vector<16xi32>
      %add3A_14 = arith.addi %get3A_12, %add3A_13 : vector<16xi32>
      %swap3A = arith.constant 0 : index
      %swap3A_15 = tpu.vector_load %arg9[%swap3A] {strides = array<i32>} : memref<160xi32, #tpu.memory_space<vmem>>, vector<16xi32>,
      tpu.vector_store %arg9[%swap3A], %add3A_14 {strides = array<i32>} : memref<160xi32, #tpu.memory_space<vmem>>, vector<16xi32>,
      %get3A_16 = arith.constant 0 : index
      %get3A_17 = tpu.vector_load %arg10[%get3A_16] {strides = array<i32>} : memref<160xi32, #tpu.memory_space<vmem>>, vector<16xi32>,
      %add3A_18 = vector.broadcast %mul3A_11 : i32 to vector<16xi32>
      %add3A_19 = arith.addi %get3A_17, %add3A_18 : vector<16xi32>
      %swap3A_20 = arith.constant 0 : index
      %swap3A_21 = tpu.vector_load %arg10[%swap3A_20] {strides = array<i32>} : memref<160xi32, #tpu.memory_space<vmem>>, vector<16xi32>,
      tpu.vector_store %arg10[%swap3A_20], %add3A_19 {strides = array<i32>} : memref<160xi32, #tpu.memory_space<vmem>>, vector<16xi32>,
      %get3A_22 = arith.constant 16 : index
      %get3A_23 = tpu.vector_load %arg9[%get3A_22] {strides = array<i32>} : memref<160xi32, #tpu.memory_space<vmem>>, vector<16xi32>,
      %add3A_24 = vector.broadcast %mul3A_11 : i32 to vector<16xi32>
      %add3A_25 = arith.addi %get3A_23, %add3A_24 : vector<16xi32>
      %swap3A_26 = arith.constant 16 : index
      %swap3A_27 = tpu.vector_load %arg9[%swap3A_26] {strides = array<i32>} : memref<160xi32, #tpu.memory_space<vmem>>, vector<16xi32>,
      tpu.vector_store %arg9[%swap3A_26], %add3A_25 {strides = array<i32>} : memref<160xi32, #tpu.memory_space<vmem>>, vector<16xi32>,
      %get3A_28 = arith.constant 16 : index
      %get3A_29 = tpu.vector_load %arg10[%get3A_28] {strides = array<i32>} : memref<160xi32, #tpu.memory_space<vmem>>, vector<16xi32>,
      %add3A_30 = vector.broadcast %mul3A_11 : i32 to vector<16xi32>
      %add3A_31 = arith.addi %get3A_29, %add3A_30 : vector<16xi32>
      %swap3A_32 = arith.constant 16 : index
      %swap3A_33 = tpu.vector_load %arg10[%swap3A_32] {strides = array<i32>} : memref<160xi32, #tpu.memory_space<vmem>>, vector<16xi32>,
      tpu.vector_store %arg10[%swap3A_32], %add3A_31 {strides = array<i32>} : memref<160xi32, #tpu.memory_space<vmem>>, vector<16xi32>,
      %get3A_34 = arith.constant 32 : index
      %get3A_35 = tpu.vector_load %arg9[%get3A_34] {strides = array<i32>} : memref<160xi32, #tpu.memory_space<vmem>>, vector<16xi32>,
      %add3A_36 = vector.broadcast %mul3A_11 : i32 to vector<16xi32>
      %add3A_37 = arith.addi %get3A_35, %add3A_36 : vector<16xi32>
      %swap3A_38 = arith.constant 32 : index
      %swap3A_39 = tpu.vector_load %arg9[%swap3A_38] {strides = array<i32>} : memref<160xi32, #tpu.memory_space<vmem>>, vector<16xi32>,
      tpu.vector_store %arg9[%swap3A_38], %add3A_37 {strides = array<i32>} : memref<160xi32, #tpu.memory_space<vmem>>, vector<16xi32>,
      %get3A_40 = arith.constant 32 : index
      %get3A_41 = tpu.vector_load %arg10[%get3A_40] {strides = array<i32>} : memref<160xi32, #tpu.memory_space<vmem>>, vector<16xi32>,
      %add3A_42 = vector.broadcast %mul3A_11 : i32 to vector<16xi32>
      %add3A_43 = arith.addi %get3A_41, %add3A_42 : vector<16xi32>
      %swap3A_44 = arith.constant 32 : index
      %swap3A_45 = tpu.vector_load %arg10[%swap3A_44] {strides = array<i32>} : memref<160xi32, #tpu.memory_space<vmem>>, vector<16xi32>,
      tpu.vector_store %arg10[%swap3A_44], %add3A_43 {strides = array<i32>} : memref<160xi32, #tpu.memory_space<vmem>>, vector<16xi32>,
      %get3A_46 = arith.constant 48 : index
      %get3A_47 = tpu.vector_load %arg9[%get3A_46] {strides = array<i32>} : memref<160xi32, #tpu.memory_space<vmem>>, vector<16xi32>,
      %add3A_48 = vector.broadcast %mul3A_11 : i32 to vector<16xi32>
      %add3A_49 = arith.addi %get3A_47, %add3A_48 : vector<16xi32>
      %swap3A_50 = arith.constant 48 : index
      %swap3A_51 = tpu.vector_load %arg9[%swap3A_50] {strides = array<i32>} : memref<160xi32, #tpu.memory_space<vmem>>, vector<16xi32>,
      tpu.vector_store %arg9[%swap3A_50], %add3A_49 {strides = array<i32>} : memref<160xi32, #tpu.memory_space<vmem>>, vector<16xi32>,
      %get3A_52 = arith.constant 48 : index
      %get3A_53 = tpu.vector_load %arg10[%get3A_52] {strides = array<i32>} : memref<160xi32, #tpu.memory_space<vmem>>, vector<16xi32>,
      %add3A_54 = vector.broadcast %mul3A_11 : i32 to vector<16xi32>
      %add3A_55 = arith.addi %get3A_53, %add3A_54 : vector<16xi32>
      %swap3A_56 = arith.constant 48 : index
      %swap3A_57 = tpu.vector_load %arg10[%swap3A_56] {strides = array<i32>} : memref<160xi32, #tpu.memory_space<vmem>>, vector<16xi32>,
      tpu.vector_store %arg10[%swap3A_56], %add3A_55 {strides = array<i32>} : memref<160xi32, #tpu.memory_space<vmem>>, vector<16xi32>,
      %get3A_58 = arith.constant 64 : index
      %get3A_59 = tpu.vector_load %arg9[%get3A_58] {strides = array<i32>} : memref<160xi32, #tpu.memory_space<vmem>>, vector<16xi32>,
      %add3A_60 = vector.broadcast %mul3A_11 : i32 to vector<16xi32>
      %add3A_61 = arith.addi %get3A_59, %add3A_60 : vector<16xi32>
      %swap3A_62 = arith.constant 64 : index
      %swap3A_63 = tpu.vector_load %arg9[%swap3A_62] {strides = array<i32>} : memref<160xi32, #tpu.memory_space<vmem>>, vector<16xi32>,
      tpu.vector_store %arg9[%swap3A_62], %add3A_61 {strides = array<i32>} : memref<160xi32, #tpu.memory_space<vmem>>, vector<16xi32>,
      %get3A_64 = arith.constant 64 : index
      %get3A_65 = tpu.vector_load %arg10[%get3A_64] {strides = array<i32>} : memref<160xi32, #tpu.memory_space<vmem>>, vector<16xi32>,
      %add3A_66 = vector.broadcast %mul3A_11 : i32 to vector<16xi32>
      %add3A_67 = arith.addi %get3A_65, %add3A_66 : vector<16xi32>
      %swap3A_68 = arith.constant 64 : index
      %swap3A_69 = tpu.vector_load %arg10[%swap3A_68] {strides = array<i32>} : memref<160xi32, #tpu.memory_space<vmem>>, vector<16xi32>,
      tpu.vector_store %arg10[%swap3A_68], %add3A_67 {strides = array<i32>} : memref<160xi32, #tpu.memory_space<vmem>>, vector<16xi32>,
      %get3A_70 = arith.constant 80 : index
      %get3A_71 = tpu.vector_load %arg9[%get3A_70] {strides = array<i32>} : memref<160xi32, #tpu.memory_space<vmem>>, vector<16xi32>,
      %add3A_72 = vector.broadcast %mul3A_11 : i32 to vector<16xi32>
      %add3A_73 = arith.addi %get3A_71, %add3A_72 : vector<16xi32>
      %swap3A_74 = arith.constant 80 : index
      %swap3A_75 = tpu.vector_load %arg9[%swap3A_74] {strides = array<i32>} : memref<160xi32, #tpu.memory_space<vmem>>, vector<16xi32>,
      tpu.vector_store %arg9[%swap3A_74], %add3A_73 {strides = array<i32>} : memref<160xi32, #tpu.memory_space<vmem>>, vector<16xi32>,
      %get3A_76 = arith.constant 80 : index
      %get3A_77 = tpu.vector_load %arg10[%get3A_76] {strides = array<i32>} : memref<160xi32, #tpu.memory_space<vmem>>, vector<16xi32>,
      %add3A_78 = vector.broadcast %mul3A_11 : i32 to vector<16xi32>
      %add3A_79 = arith.addi %get3A_77, %add3A_78 : vector<16xi32>
      %swap3A_80 = arith.constant 80 : index
      %swap3A_81 = tpu.vector_load %arg10[%swap3A_80] {strides = array<i32>} : memref<160xi32, #tpu.memory_space<vmem>>, vector<16xi32>,
      tpu.vector_store %arg10[%swap3A_80], %add3A_79 {strides = array<i32>} : memref<160xi32, #tpu.memory_space<vmem>>, vector<16xi32>,
      %get3A_82 = arith.constant 96 : index
      %get3A_83 = tpu.vector_load %arg9[%get3A_82] {strides = array<i32>} : memref<160xi32, #tpu.memory_space<vmem>>, vector<16xi32>,
      %add3A_84 = vector.broadcast %mul3A_11 : i32 to vector<16xi32>
      %add3A_85 = arith.addi %get3A_83, %add3A_84 : vector<16xi32>
      %swap3A_86 = arith.constant 96 : index
      %swap3A_87 = tpu.vector_load %arg9[%swap3A_86] {strides = array<i32>} : memref<160xi32, #tpu.memory_space<vmem>>, vector<16xi32>,
      tpu.vector_store %arg9[%swap3A_86], %add3A_85 {strides = array<i32>} : memref<160xi32, #tpu.memory_space<vmem>>, vector<16xi32>,
      %get3A_88 = arith.constant 96 : index
      %get3A_89 = tpu.vector_load %arg10[%get3A_88] {strides = array<i32>} : memref<160xi32, #tpu.memory_space<vmem>>, vector<16xi32>,
      %add3A_90 = vector.broadcast %mul3A_11 : i32 to vector<16xi32>
      %add3A_91 = arith.addi %get3A_89, %add3A_90 : vector<16xi32>
      %swap3A_92 = arith.constant 96 : index
      %swap3A_93 = tpu.vector_load %arg10[%swap3A_92] {strides = array<i32>} : memref<160xi32, #tpu.memory_space<vmem>>, vector<16xi32>,
      tpu.vector_store %arg10[%swap3A_92], %add3A_91 {strides = array<i32>} : memref<160xi32, #tpu.memory_space<vmem>>, vector<16xi32>,
      %get3A_94 = arith.constant 112 : index
      %get3A_95 = tpu.vector_load %arg9[%get3A_94] {strides = array<i32>} : memref<160xi32, #tpu.memory_space<vmem>>, vector<16xi32>,
      %add3A_96 = vector.broadcast %mul3A_11 : i32 to vector<16xi32>
      %add3A_97 = arith.addi %get3A_95, %add3A_96 : vector<16xi32>
      %swap3A_98 = arith.constant 112 : index
      %swap3A_99 = tpu.vector_load %arg9[%swap3A_98] {strides = array<i32>} : memref<160xi32, #tpu.memory_space<vmem>>, vector<16xi32>,
      tpu.vector_store %arg9[%swap3A_98], %add3A_97 {strides = array<i32>} : memref<160xi32, #tpu.memory_space<vmem>>, vector<16xi32>,
      %get3A_100 = arith.constant 112 : index
      %get3A_101 = tpu.vector_load %arg10[%get3A_100] {strides = array<i32>} : memref<160xi32, #tpu.memory_space<vmem>>, vector<16xi32>,
      %add3A_102 = vector.broadcast %mul3A_11 : i32 to vector<16xi32>
      %add3A_103 = arith.addi %get3A_101, %add3A_102 : vector<16xi32>
      %swap3A_104 = arith.constant 112 : index
      %swap3A_105 = tpu.vector_load %arg10[%swap3A_104] {strides = array<i32>} : memref<160xi32, #tpu.memory_space<vmem>>, vector<16xi32>,
      tpu.vector_store %arg10[%swap3A_104], %add3A_103 {strides = array<i32>} : memref<160xi32, #tpu.memory_space<vmem>>, vector<16xi32>,
      %get3A_106 = arith.constant 128 : index
      %get3A_107 = tpu.vector_load %arg9[%get3A_106] {strides = array<i32>} : memref<160xi32, #tpu.memory_space<vmem>>, vector<16xi32>,
      %add3A_108 = vector.broadcast %mul3A_11 : i32 to vector<16xi32>
      %add3A_109 = arith.addi %get3A_107, %add3A_108 : vector<16xi32>
      %swap3A_110 = arith.constant 128 : index
      %swap3A_111 = tpu.vector_load %arg9[%swap3A_110] {strides = array<i32>} : memref<160xi32, #tpu.memory_space<vmem>>, vector<16xi32>,
      tpu.vector_store %arg9[%swap3A_110], %add3A_109 {strides = array<i32>} : memref<160xi32, #tpu.memory_space<vmem>>, vector<16xi32>,
      %get3A_112 = arith.constant 128 : index
      %get3A_113 = tpu.vector_load %arg10[%get3A_112] {strides = array<i32>} : memref<160xi32, #tpu.memory_space<vmem>>, vector<16xi32>,
      %add3A_114 = vector.broadcast %mul3A_11 : i32 to vector<16xi32>
      %add3A_115 = arith.addi %get3A_113, %add3A_114 : vector<16xi32>
      %swap3A_116 = arith.constant 128 : index
      %swap3A_117 = tpu.vector_load %arg10[%swap3A_116] {strides = array<i32>} : memref<160xi32, #tpu.memory_space<vmem>>, vector<16xi32>,
      tpu.vector_store %arg10[%swap3A_116], %add3A_115 {strides = array<i32>} : memref<160xi32, #tpu.memory_space<vmem>>, vector<16xi32>,
      %get3A_118 = arith.constant 144 : index
      %get3A_119 = tpu.vector_load %arg9[%get3A_118] {strides = array<i32>} : memref<160xi32, #tpu.memory_space<vmem>>, vector<16xi32>,
      %add3A_120 = vector.broadcast %mul3A_11 : i32 to vector<16xi32>
      %add3A_121 = arith.addi %get3A_119, %add3A_120 : vector<16xi32>
      %swap3A_122 = arith.constant 144 : index
      %swap3A_123 = tpu.vector_load %arg9[%swap3A_122] {strides = array<i32>} : memref<160xi32, #tpu.memory_space<vmem>>, vector<16xi32>,
      tpu.vector_store %arg9[%swap3A_122], %add3A_121 {strides = array<i32>} : memref<160xi32, #tpu.memory_space<vmem>>, vector<16xi32>,
      %get3A_124 = arith.constant 144 : index
      %get3A_125 = tpu.vector_load %arg10[%get3A_124] {strides = array<i32>} : memref<160xi32, #tpu.memory_space<vmem>>, vector<16xi32>,
      %add3A_126 = vector.broadcast %mul3A_11 : i32 to vector<16xi32>
      %add3A_127 = arith.addi %get3A_125, %add3A_126 : vector<16xi32>
      %swap3A_128 = arith.constant 144 : index
      %swap3A_129 = tpu.vector_load %arg10[%swap3A_128] {strides = array<i32>} : memref<160xi32, #tpu.memory_space<vmem>>, vector<16xi32>,
      tpu.vector_store %arg10[%swap3A_128], %add3A_127 {strides = array<i32>} : memref<160xi32, #tpu.memory_space<vmem>>, vector<16xi32>,
      %dma_start3A = arith.constant 0 : i32
      %dma_start3A_130 = arith.constant 0 : i32
      %dma_start3A_131 = tpu.memref_slice %arg3[%dma_start3A, %dma_start3A_130] : memref<20000x128xf32, #tpu.memory_space<hbm>> -> memref<20000x128xf32, #tpu.memory_space<hbm>>
      tpu.enqueue_indirect_dma source(%dma_start3A_131 : memref<20000x128xf32, #tpu.memory_space<hbm>>) target(%arg11 : memref<160x128xf32, #tpu.memory_space<vmem>>) offsets(%arg9 : memref<160xi32, #tpu.memory_space<vmem>>) semaphore(%arg12 : memref<!tpu.dma_semaphore, #tpu.memory_space<semaphore_mem>>)
      %dma_wait3A = arith.constant 0 : i32
      %dma_wait3A_132 = arith.constant 0 : i32
      %dma_wait3A_133 = tpu.memref_slice %arg3[%dma_wait3A, %dma_wait3A_132] : memref<20000x128xf32, #tpu.memory_space<hbm>> -> memref<20000x128xf32, #tpu.memory_space<hbm>>
      tpu.wait_indirect_dma semaphore(%arg12 : memref<!tpu.dma_semaphore, #tpu.memory_space<semaphore_mem>>) src(%dma_wait3A_133 : memref<20000x128xf32, #tpu.memory_space<hbm>>) dst(%arg11 : memref<160x128xf32, #tpu.memory_space<vmem>>)
      "tpu.region"() ({
        %run_scoped3A = tpu.sem_alloc : memref<!tpu.dma_semaphore, #tpu.memory_space<semaphore_mem>>
        %dma_start3A_134 = arith.constant 0 : i32
        %dma_start3A_135 = arith.constant 0 : i32
        %dma_start3A_136 = tpu.memref_slice %arg6[%dma_start3A_134, %dma_start3A_135] : memref<20000x128xf32, #tpu.memory_space<hbm>> -> memref<20000x128xf32, #tpu.memory_space<hbm>>
        tpu.enqueue_indirect_dma source(%arg11 : memref<160x128xf32, #tpu.memory_space<vmem>>) target(%dma_start3A_136 : memref<20000x128xf32, #tpu.memory_space<hbm>>) offsets(%arg10 : memref<160xi32, #tpu.memory_space<vmem>>) semaphore(%run_scoped3A : memref<!tpu.dma_semaphore, #tpu.memory_space<semaphore_mem>>)
        %dma_wait3A_137 = arith.constant 0 : i32
        %dma_wait3A_138 = arith.constant 0 : i32
        %dma_wait3A_139 = tpu.memref_slice %arg6[%dma_wait3A_137, %dma_wait3A_138] : memref<20000x128xf32, #tpu.memory_space<hbm>> -> memref<20000x128xf32, #tpu.memory_space<hbm>>
        tpu.wait_indirect_dma semaphore(%run_scoped3A : memref<!tpu.dma_semaphore, #tpu.memory_space<semaphore_mem>>) src(%arg11 : memref<160x128xf32, #tpu.memory_space<vmem>>) dst(%dma_wait3A_139 : memref<20000x128xf32, #tpu.memory_space<hbm>>)
        tpu.yield
      }) : () -> ()
    } else {
    }
    return
  }
}

#map = affine_map<(d0, d1) -> (0)>
module attributes {stable_mosaic.version = 14 : i64} {
  func.func @k(%arg0: i32, %arg1: i32, %arg2: memref<10000xi32, #tpu.memory_space<hbm>>, %arg3: memref<10000xf32, #tpu.memory_space<hbm>>, %arg4: memref<10000xf32, #tpu.memory_space<hbm>>, %arg5: memref<160xi32, #tpu.memory_space<hbm>>, %arg6: memref<10000xi32, #tpu.memory_space<vmem>>, %arg7: memref<10000xf32, #tpu.memory_space<vmem>>, %arg8: memref<10000xf32, #tpu.memory_space<vmem>>, %arg9: memref<176xi32, #tpu.memory_space<vmem>>, %arg10: memref<176xi32, #tpu.memory_space<vmem>>, %arg11: memref<160xi32, #tpu.memory_space<vmem>>, %arg12: memref<1504xi32, #tpu.memory_space<vmem>>, %arg13: memref<!tpu.dma_semaphore, #tpu.memory_space<semaphore_mem>>) attributes {dimension_semantics = [#tpu.dimension_semantics<core_parallel>, #tpu.dimension_semantics<subcore_parallel>], iteration_bounds = array<i64: 2, 16>, scalar_prefetch = 0 : i64, scratch_operands = 8 : i64, tpu.core_type = #tpu.core_type<sc_vector_subcore>, window_params = [{transform_indices = #map}, {transform_indices = #map}, {transform_indices = #map}, {transform_indices = #map}]} {
    %eq3A = arith.constant 0 : i32
    %eq3A_0 = arith.cmpi eq, %arg0, %eq3A : i32
    %eq3A_1 = arith.constant 0 : i32
    %eq3A_2 = arith.cmpi eq, %arg1, %eq3A_1 : i32
    %and3A = arith.andi %eq3A_0, %eq3A_2 : i1
    %convert_element_type3A = arith.extui %and3A : i1 to i32
    %cond3A = arith.constant 0 : i32
    %cond3A_3 = arith.cmpi ne, %convert_element_type3A, %cond3A : i32
    scf.if %cond3A_3 {
      "tpu.region"() ({
        %run_scoped3A = tpu.sem_alloc : memref<!tpu.dma_semaphore, #tpu.memory_space<semaphore_mem>>
        tpu.enqueue_dma source(%arg2 : memref<10000xi32, #tpu.memory_space<hbm>>) target(%arg6 : memref<10000xi32, #tpu.memory_space<vmem>>) target_semaphore(%run_scoped3A : memref<!tpu.dma_semaphore, #tpu.memory_space<semaphore_mem>>)
        tpu.wait_dma2 semaphore(%run_scoped3A : memref<!tpu.dma_semaphore, #tpu.memory_space<semaphore_mem>>) src(%arg2 : memref<10000xi32, #tpu.memory_space<hbm>>) dst(%arg6 : memref<10000xi32, #tpu.memory_space<vmem>>)
        tpu.yield
      }) : () -> ()
      %broadcast_in_dim3A = arith.constant 1 : i32
      %broadcast_in_dim3A_4 = vector.broadcast %broadcast_in_dim3A : i32 to vector<16xi32>
      %broadcast_in_dim3A_5 = arith.constant 0 : i32
      %broadcast_in_dim3A_6 = vector.broadcast %broadcast_in_dim3A_5 : i32 to vector<16xi32>
      %scan3A = arith.constant 0 : i32
      %scan3A_7 = arith.constant 2147483647 : i32
      %scan3A_8 = arith.constant 0 : i32
      %scan3A_9 = arith.constant 32 : i32
      %scan3A_10 = arith.addi %scan3A_8, %scan3A_9 : i32
      %scan3A_11 = arith.constant 1 : i32
      %scan3A_12:2 = scf.for %scan3A_80 = %scan3A_8 to %scan3A_10 step %scan3A_11 iter_args(%scan3A_81 = %scan3A, %scan3A_82 = %scan3A_7) -> (i32, i32)  : i32 {
        %sub3A = arith.subi %scan3A_82, %scan3A_81 : i32
        %shift_right_arithmetic3A = arith.constant 1 : i32
        %shift_right_arithmetic3A_83 = arith.shrsi %sub3A, %shift_right_arithmetic3A : i32
        %add3A_84 = arith.addi %scan3A_81, %shift_right_arithmetic3A_83 : i32
        %broadcast_in_dim3A_85 = arith.constant 0 : i32
        %broadcast_in_dim3A_86 = vector.broadcast %broadcast_in_dim3A_85 : i32 to vector<16xi32>
        %scan3A_87 = arith.constant 0 : i32
        %scan3A_88 = arith.constant 625 : i32
        %scan3A_89 = arith.addi %scan3A_87, %scan3A_88 : i32
        %scan3A_90 = arith.constant 1 : i32
        %scan3A_91 = scf.for %scan3A_98 = %scan3A_87 to %scan3A_89 step %scan3A_90 iter_args(%scan3A_99 = %broadcast_in_dim3A_86) -> (vector<16xi32>)  : i32 {
          %mul3A = arith.constant 16 : i32
          %mul3A_100 = arith.muli %scan3A_98, %mul3A : i32
          %get3A = arith.index_cast %mul3A_100 : i32 to index
          %get3A_101 = tpu.vector_load %arg6[%get3A] {strides = array<i32>} : memref<10000xi32, #tpu.memory_space<vmem>>, vector<16xi32>,
          %ge3A_102 = vector.broadcast %add3A_84 : i32 to vector<16xi32>
          %ge3A_103 = arith.cmpi sge, %get3A_101, %ge3A_102 : vector<16xi32>
          %select_n3A_104 = arith.select %ge3A_103, %broadcast_in_dim3A_4, %broadcast_in_dim3A_6 : vector<16xi1>, vector<16xi32>
          %add3A_105 = arith.addi %scan3A_99, %select_n3A_104 : vector<16xi32>
          scf.yield %add3A_105 : vector<16xi32>
        }
        %scan3A_92 = arith.constant 625 : i32
        %reduce_sum3A = arith.constant true
        %reduce_sum3A_93 = vector.broadcast %reduce_sum3A : i1 to vector<16xi1>
        %reduce_sum3A_94 = tpu.scan <sum>, %scan3A_91 masked %reduce_sum3A_93 : vector<16xi32>, vector<16xi1> -> vector<16xi32>
        %reduce_sum3A_95 = vector.extract %reduce_sum3A_94[15] : i32 from vector<16xi32>
        %ge3A = arith.constant 1500 : i32
        %ge3A_96 = arith.cmpi sge, %reduce_sum3A_95, %ge3A : i32
        %select_n3A = arith.select %ge3A_96, %add3A_84, %scan3A_81 : i32
        %select_n3A_97 = arith.select %ge3A_96, %scan3A_82, %add3A_84 : i32
        scf.yield %select_n3A, %select_n3A_97 : i32, i32
      }
      %scan3A_13 = arith.constant 32 : i32
      %broadcast_in_dim3A_14 = arith.constant 0 : i32
      %broadcast_in_dim3A_15 = vector.broadcast %broadcast_in_dim3A_14 : i32 to vector<16xi32>
      %scan3A_16 = arith.constant 0 : i32
      %scan3A_17 = arith.constant 0 : i32
      %scan3A_18 = arith.constant 94 : i32
      %scan3A_19 = arith.addi %scan3A_17, %scan3A_18 : i32
      %scan3A_20 = arith.constant 1 : i32
      scf.for %scan3A_80 = %scan3A_17 to %scan3A_19 step %scan3A_20  : i32 {
        %mul3A = arith.constant 16 : i32
        %mul3A_81 = arith.muli %scan3A_80, %mul3A : i32
        %swap3A_82 = arith.index_cast %mul3A_81 : i32 to index
        %swap3A_83 = tpu.vector_load %arg12[%swap3A_82] {strides = array<i32>} : memref<1504xi32, #tpu.memory_space<vmem>>, vector<16xi32>,
        tpu.vector_store %arg12[%swap3A_82], %broadcast_in_dim3A_15 {strides = array<i32>} : memref<1504xi32, #tpu.memory_space<vmem>>, vector<16xi32>,
      }
      %scan3A_21 = arith.constant 94 : i32
      %scan3A_22 = arith.constant 0 : i32
      %scan3A_23 = arith.constant 0 : i32
      %scan3A_24 = arith.constant 625 : i32
      %scan3A_25 = arith.addi %scan3A_23, %scan3A_24 : i32
      %scan3A_26 = arith.constant 1 : i32
      %scan3A_27 = scf.for %scan3A_80 = %scan3A_23 to %scan3A_25 step %scan3A_26 iter_args(%scan3A_81 = %scan3A_22) -> (i32)  : i32 {
        %mul3A = arith.constant 16 : i32
        %mul3A_82 = arith.muli %scan3A_80, %mul3A : i32
        %get3A = arith.index_cast %mul3A_82 : i32 to index
        %get3A_83 = tpu.vector_load %arg6[%get3A] {strides = array<i32>} : memref<10000xi32, #tpu.memory_space<vmem>>, vector<16xi32>,
        %ge3A = vector.broadcast %scan3A_12#0 : i32 to vector<16xi32>
        %ge3A_84 = arith.cmpi sge, %get3A_83, %ge3A : vector<16xi32>
        %select_n3A = arith.select %ge3A_84, %broadcast_in_dim3A_4, %broadcast_in_dim3A_6 : vector<16xi1>, vector<16xi32>
        %broadcast_in_dim3A_85 = arith.constant true
        %broadcast_in_dim3A_86 = vector.broadcast %broadcast_in_dim3A_85 : i1 to vector<16xi1>
        %masked_cumsum3A = tpu.scan <sum>, %select_n3A masked %broadcast_in_dim3A_86 : vector<16xi32>, vector<16xi1> -> vector<16xi32>
        %add3A_87 = vector.broadcast %scan3A_81 : i32 to vector<16xi32>
        %add3A_88 = arith.addi %add3A_87, %masked_cumsum3A : vector<16xi32>
        %sub3A = arith.constant 1 : i32
        %sub3A_89 = vector.broadcast %sub3A : i32 to vector<16xi32>
        %sub3A_90 = arith.subi %add3A_88, %sub3A_89 : vector<16xi32>
        tpu.vector_store_idx %arg12[%sub3A_90], %get3A_83 masked %ge3A_84 : memref<1504xi32, #tpu.memory_space<vmem>>[vector<16xi32>], vector<16xi32>, vector<16xi1>
        %reduce_max3A = arith.constant true
        %reduce_max3A_91 = vector.broadcast %reduce_max3A : i1 to vector<16xi1>
        %reduce_max3A_92 = arith.constant -2147483648 : i32
        %reduce_max3A_93 = vector.broadcast %reduce_max3A_92 : i32 to vector<16xi32>
        %reduce_max3A_94 = arith.xori %masked_cumsum3A, %reduce_max3A_93 : vector<16xi32>
        %reduce_max3A_95 = tpu.scan <max>, %reduce_max3A_94 masked %reduce_max3A_91 : vector<16xi32>, vector<16xi1> -> vector<16xi32>
        %reduce_max3A_96 = arith.xori %reduce_max3A_95, %reduce_max3A_93 : vector<16xi32>
        %reduce_max3A_97 = vector.extract %reduce_max3A_96[15] : i32 from vector<16xi32>
        %add3A_98 = arith.addi %scan3A_81, %reduce_max3A_97 : i32
        scf.yield %add3A_98 : i32
      }
      %scan3A_28 = arith.constant 625 : i32
      %scan3A_29 = arith.constant 0 : i32
      %scan3A_30 = arith.constant 2147483647 : i32
      %scan3A_31 = arith.constant 0 : i32
      %scan3A_32 = arith.constant 32 : i32
      %scan3A_33 = arith.addi %scan3A_31, %scan3A_32 : i32
      %scan3A_34 = arith.constant 1 : i32
      %scan3A_35:2 = scf.for %scan3A_80 = %scan3A_31 to %scan3A_33 step %scan3A_34 iter_args(%scan3A_81 = %scan3A_29, %scan3A_82 = %scan3A_30) -> (i32, i32)  : i32 {
        %sub3A = arith.subi %scan3A_82, %scan3A_81 : i32
        %shift_right_arithmetic3A = arith.constant 1 : i32
        %shift_right_arithmetic3A_83 = arith.shrsi %sub3A, %shift_right_arithmetic3A : i32
        %add3A_84 = arith.addi %scan3A_81, %shift_right_arithmetic3A_83 : i32
        %broadcast_in_dim3A_85 = arith.constant 0 : i32
        %broadcast_in_dim3A_86 = vector.broadcast %broadcast_in_dim3A_85 : i32 to vector<16xi32>
        %scan3A_87 = arith.constant 0 : i32
        %scan3A_88 = arith.constant 94 : i32
        %scan3A_89 = arith.addi %scan3A_87, %scan3A_88 : i32
        %scan3A_90 = arith.constant 1 : i32
        %scan3A_91 = scf.for %scan3A_98 = %scan3A_87 to %scan3A_89 step %scan3A_90 iter_args(%scan3A_99 = %broadcast_in_dim3A_86) -> (vector<16xi32>)  : i32 {
          %mul3A = arith.constant 16 : i32
          %mul3A_100 = arith.muli %scan3A_98, %mul3A : i32
          %get3A = arith.index_cast %mul3A_100 : i32 to index
          %get3A_101 = tpu.vector_load %arg12[%get3A] {strides = array<i32>} : memref<1504xi32, #tpu.memory_space<vmem>>, vector<16xi32>,
          %ge3A_102 = vector.broadcast %add3A_84 : i32 to vector<16xi32>
          %ge3A_103 = arith.cmpi sge, %get3A_101, %ge3A_102 : vector<16xi32>
          %select_n3A_104 = arith.select %ge3A_103, %broadcast_in_dim3A_4, %broadcast_in_dim3A_6 : vector<16xi1>, vector<16xi32>
          %add3A_105 = arith.addi %scan3A_99, %select_n3A_104 : vector<16xi32>
          scf.yield %add3A_105 : vector<16xi32>
        }
        %scan3A_92 = arith.constant 94 : i32
        %reduce_sum3A = arith.constant true
        %reduce_sum3A_93 = vector.broadcast %reduce_sum3A : i1 to vector<16xi1>
        %reduce_sum3A_94 = tpu.scan <sum>, %scan3A_91 masked %reduce_sum3A_93 : vector<16xi32>, vector<16xi1> -> vector<16xi32>
        %reduce_sum3A_95 = vector.extract %reduce_sum3A_94[15] : i32 from vector<16xi32>
        %ge3A = arith.constant 150 : i32
        %ge3A_96 = arith.cmpi sge, %reduce_sum3A_95, %ge3A : i32
        %select_n3A = arith.select %ge3A_96, %add3A_84, %scan3A_81 : i32
        %select_n3A_97 = arith.select %ge3A_96, %scan3A_82, %add3A_84 : i32
        scf.yield %select_n3A, %select_n3A_97 : i32, i32
      }
      %scan3A_36 = arith.constant 32 : i32
      %swap3A = arith.constant 0 : index
      %swap3A_37 = tpu.vector_load %arg9[%swap3A] {strides = array<i32>} : memref<176xi32, #tpu.memory_space<vmem>>, vector<16xi32>,
      tpu.vector_store %arg9[%swap3A], %broadcast_in_dim3A_15 {strides = array<i32>} : memref<176xi32, #tpu.memory_space<vmem>>, vector<16xi32>,
      %swap3A_38 = arith.constant 16 : index
      %swap3A_39 = tpu.vector_load %arg9[%swap3A_38] {strides = array<i32>} : memref<176xi32, #tpu.memory_space<vmem>>, vector<16xi32>,
      tpu.vector_store %arg9[%swap3A_38], %broadcast_in_dim3A_15 {strides = array<i32>} : memref<176xi32, #tpu.memory_space<vmem>>, vector<16xi32>,
      %swap3A_40 = arith.constant 32 : index
      %swap3A_41 = tpu.vector_load %arg9[%swap3A_40] {strides = array<i32>} : memref<176xi32, #tpu.memory_space<vmem>>, vector<16xi32>,
      tpu.vector_store %arg9[%swap3A_40], %broadcast_in_dim3A_15 {strides = array<i32>} : memref<176xi32, #tpu.memory_space<vmem>>, vector<16xi32>,
      %swap3A_42 = arith.constant 48 : index
      %swap3A_43 = tpu.vector_load %arg9[%swap3A_42] {strides = array<i32>} : memref<176xi32, #tpu.memory_space<vmem>>, vector<16xi32>,
      tpu.vector_store %arg9[%swap3A_42], %broadcast_in_dim3A_15 {strides = array<i32>} : memref<176xi32, #tpu.memory_space<vmem>>, vector<16xi32>,
      %swap3A_44 = arith.constant 64 : index
      %swap3A_45 = tpu.vector_load %arg9[%swap3A_44] {strides = array<i32>} : memref<176xi32, #tpu.memory_space<vmem>>, vector<16xi32>,
      tpu.vector_store %arg9[%swap3A_44], %broadcast_in_dim3A_15 {strides = array<i32>} : memref<176xi32, #tpu.memory_space<vmem>>, vector<16xi32>,
      %swap3A_46 = arith.constant 80 : index
      %swap3A_47 = tpu.vector_load %arg9[%swap3A_46] {strides = array<i32>} : memref<176xi32, #tpu.memory_space<vmem>>, vector<16xi32>,
      tpu.vector_store %arg9[%swap3A_46], %broadcast_in_dim3A_15 {strides = array<i32>} : memref<176xi32, #tpu.memory_space<vmem>>, vector<16xi32>,
      %swap3A_48 = arith.constant 96 : index
      %swap3A_49 = tpu.vector_load %arg9[%swap3A_48] {strides = array<i32>} : memref<176xi32, #tpu.memory_space<vmem>>, vector<16xi32>,
      tpu.vector_store %arg9[%swap3A_48], %broadcast_in_dim3A_15 {strides = array<i32>} : memref<176xi32, #tpu.memory_space<vmem>>, vector<16xi32>,
      %swap3A_50 = arith.constant 112 : index
      %swap3A_51 = tpu.vector_load %arg9[%swap3A_50] {strides = array<i32>} : memref<176xi32, #tpu.memory_space<vmem>>, vector<16xi32>,
      tpu.vector_store %arg9[%swap3A_50], %broadcast_in_dim3A_15 {strides = array<i32>} : memref<176xi32, #tpu.memory_space<vmem>>, vector<16xi32>,
      %swap3A_52 = arith.constant 128 : index
      %swap3A_53 = tpu.vector_load %arg9[%swap3A_52] {strides = array<i32>} : memref<176xi32, #tpu.memory_space<vmem>>, vector<16xi32>,
      tpu.vector_store %arg9[%swap3A_52], %broadcast_in_dim3A_15 {strides = array<i32>} : memref<176xi32, #tpu.memory_space<vmem>>, vector<16xi32>,
      %swap3A_54 = arith.constant 144 : index
      %swap3A_55 = tpu.vector_load %arg9[%swap3A_54] {strides = array<i32>} : memref<176xi32, #tpu.memory_space<vmem>>, vector<16xi32>,
      tpu.vector_store %arg9[%swap3A_54], %broadcast_in_dim3A_15 {strides = array<i32>} : memref<176xi32, #tpu.memory_space<vmem>>, vector<16xi32>,
      %swap3A_56 = arith.constant 160 : index
      %swap3A_57 = tpu.vector_load %arg9[%swap3A_56] {strides = array<i32>} : memref<176xi32, #tpu.memory_space<vmem>>, vector<16xi32>,
      tpu.vector_store %arg9[%swap3A_56], %broadcast_in_dim3A_15 {strides = array<i32>} : memref<176xi32, #tpu.memory_space<vmem>>, vector<16xi32>,
      %iota3A = tpu.iota {dimensions = array<i32: 0>} : vector<16xi32>
      %scan3A_58 = arith.constant 0 : i32
      %scan3A_59 = arith.constant 0 : i32
      %scan3A_60 = arith.constant 625 : i32
      %scan3A_61 = arith.addi %scan3A_59, %scan3A_60 : i32
      %scan3A_62 = arith.constant 1 : i32
      %scan3A_63 = scf.for %scan3A_80 = %scan3A_59 to %scan3A_61 step %scan3A_62 iter_args(%scan3A_81 = %scan3A_58) -> (i32)  : i32 {
        %mul3A = arith.constant 16 : i32
        %mul3A_82 = arith.muli %scan3A_80, %mul3A : i32
        %get3A = arith.index_cast %mul3A_82 : i32 to index
        %get3A_83 = tpu.vector_load %arg6[%get3A] {strides = array<i32>} : memref<10000xi32, #tpu.memory_space<vmem>>, vector<16xi32>,
        %ge3A = vector.broadcast %scan3A_12#0 : i32 to vector<16xi32>
        %ge3A_84 = arith.cmpi sge, %get3A_83, %ge3A : vector<16xi32>
        %ge3A_85 = vector.broadcast %scan3A_35#0 : i32 to vector<16xi32>
        %ge3A_86 = arith.cmpi sge, %get3A_83, %ge3A_85 : vector<16xi32>
        %jit3A = arith.constant 1.000000e+00 : f32
        %jit3A_87 = arith.constant 0.000000e+00 : f32
        %broadcast_in_dim3A_88 = vector.broadcast %jit3A : f32 to vector<16xf32>
        %broadcast_in_dim3A_89 = vector.broadcast %jit3A_87 : f32 to vector<16xf32>
        %select_n3A = arith.select %ge3A_84, %broadcast_in_dim3A_88, %broadcast_in_dim3A_89 : vector<16xi1>, vector<16xf32>
        %swap3A_90 = arith.index_cast %mul3A_82 : i32 to index
        %swap3A_91 = tpu.vector_load %arg7[%swap3A_90] {strides = array<i32>} : memref<10000xf32, #tpu.memory_space<vmem>>, vector<16xf32>,
        tpu.vector_store %arg7[%swap3A_90], %select_n3A {strides = array<i32>} : memref<10000xf32, #tpu.memory_space<vmem>>, vector<16xf32>,
        %jit3A_92 = arith.constant 1.000000e+00 : f32
        %jit3A_93 = arith.constant 0.000000e+00 : f32
        %broadcast_in_dim3A_94 = vector.broadcast %jit3A_92 : f32 to vector<16xf32>
        %broadcast_in_dim3A_95 = vector.broadcast %jit3A_93 : f32 to vector<16xf32>
        %select_n3A_96 = arith.select %ge3A_86, %broadcast_in_dim3A_94, %broadcast_in_dim3A_95 : vector<16xi1>, vector<16xf32>
        %swap3A_97 = arith.index_cast %mul3A_82 : i32 to index
        %swap3A_98 = tpu.vector_load %arg8[%swap3A_97] {strides = array<i32>} : memref<10000xf32, #tpu.memory_space<vmem>>, vector<16xf32>,
        tpu.vector_store %arg8[%swap3A_97], %select_n3A_96 {strides = array<i32>} : memref<10000xf32, #tpu.memory_space<vmem>>, vector<16xf32>,
        %select_n3A_99 = arith.select %ge3A_86, %broadcast_in_dim3A_4, %broadcast_in_dim3A_6 : vector<16xi1>, vector<16xi32>
        %broadcast_in_dim3A_100 = arith.constant true
        %broadcast_in_dim3A_101 = vector.broadcast %broadcast_in_dim3A_100 : i1 to vector<16xi1>
        %masked_cumsum3A = tpu.scan <sum>, %select_n3A_99 masked %broadcast_in_dim3A_101 : vector<16xi32>, vector<16xi1> -> vector<16xi32>
        %add3A_102 = vector.broadcast %scan3A_81 : i32 to vector<16xi32>
        %add3A_103 = arith.addi %add3A_102, %masked_cumsum3A : vector<16xi32>
        %sub3A = arith.constant 1 : i32
        %sub3A_104 = vector.broadcast %sub3A : i32 to vector<16xi32>
        %sub3A_105 = arith.subi %add3A_103, %sub3A_104 : vector<16xi32>
        %mul3A_106 = arith.constant 16 : i32
        %mul3A_107 = arith.muli %scan3A_80, %mul3A_106 : i32
        %add3A_108 = vector.broadcast %mul3A_107 : i32 to vector<16xi32>
        %add3A_109 = arith.addi %add3A_108, %iota3A : vector<16xi32>
        tpu.vector_store_idx %arg9[%sub3A_105], %get3A_83 masked %ge3A_86 : memref<176xi32, #tpu.memory_space<vmem>>[vector<16xi32>], vector<16xi32>, vector<16xi1>
        tpu.vector_store_idx %arg10[%sub3A_105], %add3A_109 masked %ge3A_86 : memref<176xi32, #tpu.memory_space<vmem>>[vector<16xi32>], vector<16xi32>, vector<16xi1>
        %reduce_max3A = arith.constant true
        %reduce_max3A_110 = vector.broadcast %reduce_max3A : i1 to vector<16xi1>
        %reduce_max3A_111 = arith.constant -2147483648 : i32
        %reduce_max3A_112 = vector.broadcast %reduce_max3A_111 : i32 to vector<16xi32>
        %reduce_max3A_113 = arith.xori %masked_cumsum3A, %reduce_max3A_112 : vector<16xi32>
        %reduce_max3A_114 = tpu.scan <max>, %reduce_max3A_113 masked %reduce_max3A_110 : vector<16xi32>, vector<16xi1> -> vector<16xi32>
        %reduce_max3A_115 = arith.xori %reduce_max3A_114, %reduce_max3A_112 : vector<16xi32>
        %reduce_max3A_116 = vector.extract %reduce_max3A_115[15] : i32 from vector<16xi32>
        %add3A_117 = arith.addi %scan3A_81, %reduce_max3A_116 : i32
        scf.yield %add3A_117 : i32
      }
      %scan3A_64 = arith.constant 625 : i32
      %eq3A_65 = arith.constant 0 : i32
      %eq3A_66 = vector.broadcast %eq3A_65 : i32 to vector<16xi32>
      %eq3A_67 = arith.cmpi eq, %iota3A, %eq3A_66 : vector<16xi32>
      %scan3A_68 = arith.constant 0 : i32
      %scan3A_69 = arith.constant 0 : i32
      %scan3A_70 = arith.constant 150 : i32
      %scan3A_71 = arith.addi %scan3A_69, %scan3A_70 : i32
      %scan3A_72 = arith.constant 1 : i32
      scf.for %scan3A_80 = %scan3A_69 to %scan3A_71 step %scan3A_72  : i32 {
        %broadcast_in_dim3A_81 = vector.broadcast %scan3A_80 : i32 to vector<16xi32>
        %gather3A_82 = tpu.vector_load_idx %arg9[%broadcast_in_dim3A_81] : memref<176xi32, #tpu.memory_space<vmem>>[vector<16xi32>], vector<16xi32>,
        %broadcast_in_dim3A_83 = arith.constant 0 : i32
        %broadcast_in_dim3A_84 = vector.broadcast %broadcast_in_dim3A_83 : i32 to vector<16xi32>
        %scan3A_85 = arith.constant 0 : i32
        %scan3A_86 = arith.constant 10 : i32
        %scan3A_87 = arith.addi %scan3A_85, %scan3A_86 : i32
        %scan3A_88 = arith.constant 1 : i32
        %scan3A_89 = scf.for %scan3A_96 = %scan3A_85 to %scan3A_87 step %scan3A_88 iter_args(%scan3A_97 = %broadcast_in_dim3A_84) -> (vector<16xi32>)  : i32 {
          %mul3A = arith.constant 16 : i32
          %mul3A_98 = arith.muli %scan3A_96, %mul3A : i32
          %get3A = arith.index_cast %mul3A_98 : i32 to index
          %get3A_99 = tpu.vector_load %arg9[%get3A] {strides = array<i32>} : memref<176xi32, #tpu.memory_space<vmem>>, vector<16xi32>,
          %gt3A = arith.cmpi sgt, %get3A_99, %gather3A_82 : vector<16xi32>
          %select_n3A = arith.select %gt3A, %broadcast_in_dim3A_4, %broadcast_in_dim3A_6 : vector<16xi1>, vector<16xi32>
          %add3A_100 = arith.addi %scan3A_97, %select_n3A : vector<16xi32>
          scf.yield %add3A_100 : vector<16xi32>
        }
        %scan3A_90 = arith.constant 10 : i32
        %reduce_sum3A = arith.constant true
        %reduce_sum3A_91 = vector.broadcast %reduce_sum3A : i1 to vector<16xi1>
        %reduce_sum3A_92 = tpu.scan <sum>, %scan3A_89 masked %reduce_sum3A_91 : vector<16xi32>, vector<16xi1> -> vector<16xi32>
        %reduce_sum3A_93 = vector.extract %reduce_sum3A_92[15] : i32 from vector<16xi32>
        %broadcast_in_dim3A_94 = vector.broadcast %reduce_sum3A_93 : i32 to vector<16xi32>
        %gather3A_95 = tpu.vector_load_idx %arg10[%broadcast_in_dim3A_81] : memref<176xi32, #tpu.memory_space<vmem>>[vector<16xi32>], vector<16xi32>,
        tpu.vector_store_idx %arg11[%broadcast_in_dim3A_94], %gather3A_95 masked %eq3A_67 : memref<160xi32, #tpu.memory_space<vmem>>[vector<16xi32>], vector<16xi32>, vector<16xi1>
      }
      %scan3A_73 = arith.constant 150 : i32
      %broadcast_in_dim3A_74 = arith.constant 0 : i32
      %broadcast_in_dim3A_75 = vector.broadcast %broadcast_in_dim3A_74 : i32 to vector<16xi32>
      %gather3A = tpu.vector_load_idx %arg11[%broadcast_in_dim3A_75] : memref<160xi32, #tpu.memory_space<vmem>>[vector<16xi32>], vector<16xi32>,
      %add3A = arith.constant 150 : i32
      %add3A_76 = vector.broadcast %add3A : i32 to vector<16xi32>
      %add3A_77 = arith.addi %add3A_76, %iota3A : vector<16xi32>
      %lt3A = arith.constant 10 : i32
      %lt3A_78 = vector.broadcast %lt3A : i32 to vector<16xi32>
      %lt3A_79 = arith.cmpi slt, %iota3A, %lt3A_78 : vector<16xi32>
      tpu.vector_store_idx %arg11[%add3A_77], %gather3A masked %lt3A_79 : memref<160xi32, #tpu.memory_space<vmem>>[vector<16xi32>], vector<16xi32>, vector<16xi1>
      "tpu.region"() ({
        %run_scoped3A = tpu.sem_alloc : memref<!tpu.dma_semaphore, #tpu.memory_space<semaphore_mem>>
        tpu.enqueue_dma source(%arg7 : memref<10000xf32, #tpu.memory_space<vmem>>) target(%arg3 : memref<10000xf32, #tpu.memory_space<hbm>>) target_semaphore(%run_scoped3A : memref<!tpu.dma_semaphore, #tpu.memory_space<semaphore_mem>>)
        tpu.wait_dma2 semaphore(%run_scoped3A : memref<!tpu.dma_semaphore, #tpu.memory_space<semaphore_mem>>) src(%arg7 : memref<10000xf32, #tpu.memory_space<vmem>>) dst(%arg3 : memref<10000xf32, #tpu.memory_space<hbm>>)
        tpu.yield
      }) : () -> ()
      "tpu.region"() ({
        %run_scoped3A = tpu.sem_alloc : memref<!tpu.dma_semaphore, #tpu.memory_space<semaphore_mem>>
        tpu.enqueue_dma source(%arg8 : memref<10000xf32, #tpu.memory_space<vmem>>) target(%arg4 : memref<10000xf32, #tpu.memory_space<hbm>>) target_semaphore(%run_scoped3A : memref<!tpu.dma_semaphore, #tpu.memory_space<semaphore_mem>>)
        tpu.wait_dma2 semaphore(%run_scoped3A : memref<!tpu.dma_semaphore, #tpu.memory_space<semaphore_mem>>) src(%arg8 : memref<10000xf32, #tpu.memory_space<vmem>>) dst(%arg4 : memref<10000xf32, #tpu.memory_space<hbm>>)
        tpu.yield
      }) : () -> ()
      "tpu.region"() ({
        %run_scoped3A = tpu.sem_alloc : memref<!tpu.dma_semaphore, #tpu.memory_space<semaphore_mem>>
        tpu.enqueue_dma source(%arg11 : memref<160xi32, #tpu.memory_space<vmem>>) target(%arg5 : memref<160xi32, #tpu.memory_space<hbm>>) target_semaphore(%run_scoped3A : memref<!tpu.dma_semaphore, #tpu.memory_space<semaphore_mem>>)
        tpu.wait_dma2 semaphore(%run_scoped3A : memref<!tpu.dma_semaphore, #tpu.memory_space<semaphore_mem>>) src(%arg11 : memref<160xi32, #tpu.memory_space<vmem>>) dst(%arg5 : memref<160xi32, #tpu.memory_space<hbm>>)
        tpu.yield
      }) : () -> ()
    } else {
    }
    return
  }
}

#map = affine_map<(d0, d1) -> (0, 0)>
#map1 = affine_map<(d0, d1) -> (0)>
module attributes {stable_mosaic.version = 14 : i64} {
  func.func @k(%arg0: i32, %arg1: i32, %arg2: memref<20000x128xf32, #tpu.memory_space<hbm>>, %arg3: memref<160000xi32, #tpu.memory_space<hbm>>, %arg4: memref<160000xi32, #tpu.memory_space<hbm>>, %arg5: memref<624x128xf32, #tpu.memory_space<hbm>>, %arg6: memref<20000x128xf32, #tpu.memory_space<hbm>>, %arg7: memref<128xi32, #tpu.memory_space<vmem>>, %arg8: memref<128xi32, #tpu.memory_space<vmem>>, %arg9: memref<128xi32, #tpu.memory_space<vmem>>, %arg10: memref<128xi32, #tpu.memory_space<vmem>>, %arg11: memref<128xi32, #tpu.memory_space<vmem>>, %arg12: memref<128xi32, #tpu.memory_space<vmem>>, %arg13: memref<128x128xf32, #tpu.memory_space<vmem>>, %arg14: memref<128x128xf32, #tpu.memory_space<vmem>>, %arg15: memref<16xi32, #tpu.memory_space<vmem>>, %arg16: memref<16xi32, #tpu.memory_space<vmem>>, %arg17: memref<16xi32, #tpu.memory_space<vmem>>, %arg18: memref<16x128xf32, #tpu.memory_space<vmem>>, %arg19: memref<10000x128xf32, #tpu.memory_space<vmem_shared>>, %arg20: memref<!tpu.dma_semaphore, #tpu.memory_space<semaphore_mem>>, %arg21: memref<!tpu.dma_semaphore, #tpu.memory_space<semaphore_mem>>, %arg22: memref<!tpu.dma_semaphore, #tpu.memory_space<semaphore_mem>>, %arg23: memref<!tpu.dma_semaphore, #tpu.memory_space<semaphore_mem>>) attributes {dimension_semantics = [#tpu.dimension_semantics<core_parallel>, #tpu.dimension_semantics<subcore_parallel>], iteration_bounds = array<i64: 2, 16>, scalar_prefetch = 0 : i64, scratch_operands = 17 : i64, tpu.core_type = #tpu.core_type<sc_vector_subcore>, window_params = [{transform_indices = #map}, {transform_indices = #map1}, {transform_indices = #map1}, {transform_indices = #map}, {transform_indices = #map}]} {
    %mul3A = arith.constant 10000 : i32
    %mul3A_0 = arith.muli %arg0, %mul3A : i32
    %mul3A_1 = arith.constant 624 : i32
    %mul3A_2 = arith.muli %arg1, %mul3A_1 : i32
    %mul3A_3 = arith.constant 10000 : i32
    %mul3A_4 = arith.muli %arg1, %mul3A_3 : i32
    %dma_start3A = tpu.memref_slice %arg3[%mul3A_4] : memref<160000xi32, #tpu.memory_space<hbm>> -> memref<128xi32, #tpu.memory_space<hbm>>
    %dma_start3A_5 = tpu.memref_slice %arg3[%mul3A_4] : memref<160000xi32, #tpu.memory_space<hbm>> -> memref<128xi32, #tpu.memory_space<hbm>>
    tpu.enqueue_dma source(%dma_start3A_5 : memref<128xi32, #tpu.memory_space<hbm>>) target(%arg7 : memref<128xi32, #tpu.memory_space<vmem>>) target_semaphore(%arg22 : memref<!tpu.dma_semaphore, #tpu.memory_space<semaphore_mem>>)
    %dma_start3A_6 = tpu.memref_slice %arg4[%mul3A_4] : memref<160000xi32, #tpu.memory_space<hbm>> -> memref<128xi32, #tpu.memory_space<hbm>>
    %dma_start3A_7 = tpu.memref_slice %arg4[%mul3A_4] : memref<160000xi32, #tpu.memory_space<hbm>> -> memref<128xi32, #tpu.memory_space<hbm>>
    tpu.enqueue_dma source(%dma_start3A_7 : memref<128xi32, #tpu.memory_space<hbm>>) target(%arg9 : memref<128xi32, #tpu.memory_space<vmem>>) target_semaphore(%arg22 : memref<!tpu.dma_semaphore, #tpu.memory_space<semaphore_mem>>)
    "tpu.region"() ({
      %run_scoped3A = tpu.sem_alloc : memref<!tpu.dma_semaphore, #tpu.memory_space<semaphore_mem>>
      %dma_start3A_93 = arith.constant 0 : i32
      %dma_start3A_94 = tpu.memref_slice %arg19[%mul3A_2, %dma_start3A_93] : memref<10000x128xf32, #tpu.memory_space<vmem_shared>> -> memref<624x128xf32, #tpu.memory_space<vmem_shared>>
      %dma_start3A_95 = arith.constant 0 : i32
      %dma_start3A_96 = arith.constant 0 : i32
      %dma_start3A_97 = tpu.memref_slice %arg5[%dma_start3A_95, %dma_start3A_96] : memref<624x128xf32, #tpu.memory_space<hbm>> -> memref<624x128xf32, #tpu.memory_space<hbm>>
      tpu.enqueue_dma source(%dma_start3A_97 : memref<624x128xf32, #tpu.memory_space<hbm>>) target(%dma_start3A_94 : memref<624x128xf32, #tpu.memory_space<vmem_shared>>) target_semaphore(%run_scoped3A : memref<!tpu.dma_semaphore, #tpu.memory_space<semaphore_mem>>)
      %dma_wait3A_98 = arith.constant 0 : i32
      %dma_wait3A_99 = tpu.memref_slice %arg19[%mul3A_2, %dma_wait3A_98] : memref<10000x128xf32, #tpu.memory_space<vmem_shared>> -> memref<624x128xf32, #tpu.memory_space<vmem_shared>>
      %dma_wait3A_100 = arith.constant 0 : i32
      %dma_wait3A_101 = arith.constant 0 : i32
      %dma_wait3A_102 = tpu.memref_slice %arg5[%dma_wait3A_100, %dma_wait3A_101] : memref<624x128xf32, #tpu.memory_space<hbm>> -> memref<624x128xf32, #tpu.memory_space<hbm>>
      tpu.wait_dma2 semaphore(%run_scoped3A : memref<!tpu.dma_semaphore, #tpu.memory_space<semaphore_mem>>) src(%dma_wait3A_102 : memref<624x128xf32, #tpu.memory_space<hbm>>) dst(%dma_wait3A_99 : memref<624x128xf32, #tpu.memory_space<vmem_shared>>)
      tpu.yield
    }) : () -> ()
    %eq3A = arith.constant 15 : i32
    %eq3A_8 = arith.cmpi eq, %arg1, %eq3A : i32
    %convert_element_type3A = arith.extui %eq3A_8 : i1 to i32
    %cond3A = arith.constant 0 : i32
    %cond3A_9 = arith.cmpi ne, %convert_element_type3A, %cond3A : i32
    scf.if %cond3A_9 {
      "tpu.region"() ({
        %run_scoped3A = tpu.sem_alloc : memref<!tpu.dma_semaphore, #tpu.memory_space<semaphore_mem>>
        %dma_start3A_93 = arith.constant 9984 : i32
        %dma_start3A_94 = arith.constant 0 : i32
        %dma_start3A_95 = tpu.memref_slice %arg19[%dma_start3A_93, %dma_start3A_94] : memref<10000x128xf32, #tpu.memory_space<vmem_shared>> -> memref<16x128xf32, #tpu.memory_space<vmem_shared>>
        %dma_start3A_96 = arith.constant 0 : i32
        %dma_start3A_97 = arith.constant 0 : i32
        %dma_start3A_98 = tpu.memref_slice %arg5[%dma_start3A_96, %dma_start3A_97] : memref<624x128xf32, #tpu.memory_space<hbm>> -> memref<16x128xf32, #tpu.memory_space<hbm>>
        tpu.enqueue_dma source(%dma_start3A_98 : memref<16x128xf32, #tpu.memory_space<hbm>>) target(%dma_start3A_95 : memref<16x128xf32, #tpu.memory_space<vmem_shared>>) target_semaphore(%run_scoped3A : memref<!tpu.dma_semaphore, #tpu.memory_space<semaphore_mem>>)
        %dma_wait3A_99 = arith.constant 9984 : i32
        %dma_wait3A_100 = arith.constant 0 : i32
        %dma_wait3A_101 = tpu.memref_slice %arg19[%dma_wait3A_99, %dma_wait3A_100] : memref<10000x128xf32, #tpu.memory_space<vmem_shared>> -> memref<16x128xf32, #tpu.memory_space<vmem_shared>>
        %dma_wait3A_102 = arith.constant 0 : i32
        %dma_wait3A_103 = arith.constant 0 : i32
        %dma_wait3A_104 = tpu.memref_slice %arg5[%dma_wait3A_102, %dma_wait3A_103] : memref<624x128xf32, #tpu.memory_space<hbm>> -> memref<16x128xf32, #tpu.memory_space<hbm>>
        tpu.wait_dma2 semaphore(%run_scoped3A : memref<!tpu.dma_semaphore, #tpu.memory_space<semaphore_mem>>) src(%dma_wait3A_104 : memref<16x128xf32, #tpu.memory_space<hbm>>) dst(%dma_wait3A_101 : memref<16x128xf32, #tpu.memory_space<vmem_shared>>)
        tpu.yield
      }) : () -> ()
    } else {
    }
    %barrier3A = arith.constant 0 : index
    tpu.barrier barrier_id(%barrier3A)
    %dma_wait3A = arith.constant 0 : i32
    %dma_wait3A_10 = tpu.memref_slice %arg3[%dma_wait3A] : memref<160000xi32, #tpu.memory_space<hbm>> -> memref<128xi32, #tpu.memory_space<hbm>>
    %dma_wait3A_11 = arith.constant 0 : i32
    %dma_wait3A_12 = tpu.memref_slice %arg3[%dma_wait3A_11] : memref<160000xi32, #tpu.memory_space<hbm>> -> memref<128xi32, #tpu.memory_space<hbm>>
    tpu.wait_dma2 semaphore(%arg22 : memref<!tpu.dma_semaphore, #tpu.memory_space<semaphore_mem>>) src(%dma_wait3A_12 : memref<128xi32, #tpu.memory_space<hbm>>) dst(%arg7 : memref<128xi32, #tpu.memory_space<vmem>>)
    %dma_wait3A_13 = arith.constant 0 : i32
    %dma_wait3A_14 = tpu.memref_slice %arg3[%dma_wait3A_13] : memref<160000xi32, #tpu.memory_space<hbm>> -> memref<128xi32, #tpu.memory_space<hbm>>
    %dma_wait3A_15 = arith.constant 0 : i32
    %dma_wait3A_16 = tpu.memref_slice %arg3[%dma_wait3A_15] : memref<160000xi32, #tpu.memory_space<hbm>> -> memref<128xi32, #tpu.memory_space<hbm>>
    tpu.wait_dma2 semaphore(%arg22 : memref<!tpu.dma_semaphore, #tpu.memory_space<semaphore_mem>>) src(%dma_wait3A_16 : memref<128xi32, #tpu.memory_space<hbm>>) dst(%arg9 : memref<128xi32, #tpu.memory_space<vmem>>)
    %get3A = arith.constant 0 : index
    %get3A_17 = tpu.vector_load %arg7[%get3A] {strides = array<i32>} : memref<128xi32, #tpu.memory_space<vmem>>, vector<16xi32>,
    %add3A = vector.broadcast %mul3A_0 : i32 to vector<16xi32>
    %add3A_18 = arith.addi %get3A_17, %add3A : vector<16xi32>
    %swap3A = arith.constant 0 : index
    %swap3A_19 = tpu.vector_load %arg8[%swap3A] {strides = array<i32>} : memref<128xi32, #tpu.memory_space<vmem>>, vector<16xi32>,
    tpu.vector_store %arg8[%swap3A], %add3A_18 {strides = array<i32>} : memref<128xi32, #tpu.memory_space<vmem>>, vector<16xi32>,
    %get3A_20 = arith.constant 16 : index
    %get3A_21 = tpu.vector_load %arg7[%get3A_20] {strides = array<i32>} : memref<128xi32, #tpu.memory_space<vmem>>, vector<16xi32>,
    %add3A_22 = vector.broadcast %mul3A_0 : i32 to vector<16xi32>
    %add3A_23 = arith.addi %get3A_21, %add3A_22 : vector<16xi32>
    %swap3A_24 = arith.constant 16 : index
    %swap3A_25 = tpu.vector_load %arg8[%swap3A_24] {strides = array<i32>} : memref<128xi32, #tpu.memory_space<vmem>>, vector<16xi32>,
    tpu.vector_store %arg8[%swap3A_24], %add3A_23 {strides = array<i32>} : memref<128xi32, #tpu.memory_space<vmem>>, vector<16xi32>,
    %get3A_26 = arith.constant 32 : index
    %get3A_27 = tpu.vector_load %arg7[%get3A_26] {strides = array<i32>} : memref<128xi32, #tpu.memory_space<vmem>>, vector<16xi32>,
    %add3A_28 = vector.broadcast %mul3A_0 : i32 to vector<16xi32>
    %add3A_29 = arith.addi %get3A_27, %add3A_28 : vector<16xi32>
    %swap3A_30 = arith.constant 32 : index
    %swap3A_31 = tpu.vector_load %arg8[%swap3A_30] {strides = array<i32>} : memref<128xi32, #tpu.memory_space<vmem>>, vector<16xi32>,
    tpu.vector_store %arg8[%swap3A_30], %add3A_29 {strides = array<i32>} : memref<128xi32, #tpu.memory_space<vmem>>, vector<16xi32>,
    %get3A_32 = arith.constant 48 : index
    %get3A_33 = tpu.vector_load %arg7[%get3A_32] {strides = array<i32>} : memref<128xi32, #tpu.memory_space<vmem>>, vector<16xi32>,
    %add3A_34 = vector.broadcast %mul3A_0 : i32 to vector<16xi32>
    %add3A_35 = arith.addi %get3A_33, %add3A_34 : vector<16xi32>
    %swap3A_36 = arith.constant 48 : index
    %swap3A_37 = tpu.vector_load %arg8[%swap3A_36] {strides = array<i32>} : memref<128xi32, #tpu.memory_space<vmem>>, vector<16xi32>,
    tpu.vector_store %arg8[%swap3A_36], %add3A_35 {strides = array<i32>} : memref<128xi32, #tpu.memory_space<vmem>>, vector<16xi32>,
    %get3A_38 = arith.constant 64 : index
    %get3A_39 = tpu.vector_load %arg7[%get3A_38] {strides = array<i32>} : memref<128xi32, #tpu.memory_space<vmem>>, vector<16xi32>,
    %add3A_40 = vector.broadcast %mul3A_0 : i32 to vector<16xi32>
    %add3A_41 = arith.addi %get3A_39, %add3A_40 : vector<16xi32>
    %swap3A_42 = arith.constant 64 : index
    %swap3A_43 = tpu.vector_load %arg8[%swap3A_42] {strides = array<i32>} : memref<128xi32, #tpu.memory_space<vmem>>, vector<16xi32>,
    tpu.vector_store %arg8[%swap3A_42], %add3A_41 {strides = array<i32>} : memref<128xi32, #tpu.memory_space<vmem>>, vector<16xi32>,
    %get3A_44 = arith.constant 80 : index
    %get3A_45 = tpu.vector_load %arg7[%get3A_44] {strides = array<i32>} : memref<128xi32, #tpu.memory_space<vmem>>, vector<16xi32>,
    %add3A_46 = vector.broadcast %mul3A_0 : i32 to vector<16xi32>
    %add3A_47 = arith.addi %get3A_45, %add3A_46 : vector<16xi32>
    %swap3A_48 = arith.constant 80 : index
    %swap3A_49 = tpu.vector_load %arg8[%swap3A_48] {strides = array<i32>} : memref<128xi32, #tpu.memory_space<vmem>>, vector<16xi32>,
    tpu.vector_store %arg8[%swap3A_48], %add3A_47 {strides = array<i32>} : memref<128xi32, #tpu.memory_space<vmem>>, vector<16xi32>,
    %get3A_50 = arith.constant 96 : index
    %get3A_51 = tpu.vector_load %arg7[%get3A_50] {strides = array<i32>} : memref<128xi32, #tpu.memory_space<vmem>>, vector<16xi32>,
    %add3A_52 = vector.broadcast %mul3A_0 : i32 to vector<16xi32>
    %add3A_53 = arith.addi %get3A_51, %add3A_52 : vector<16xi32>
    %swap3A_54 = arith.constant 96 : index
    %swap3A_55 = tpu.vector_load %arg8[%swap3A_54] {strides = array<i32>} : memref<128xi32, #tpu.memory_space<vmem>>, vector<16xi32>,
    tpu.vector_store %arg8[%swap3A_54], %add3A_53 {strides = array<i32>} : memref<128xi32, #tpu.memory_space<vmem>>, vector<16xi32>,
    %get3A_56 = arith.constant 112 : index
    %get3A_57 = tpu.vector_load %arg7[%get3A_56] {strides = array<i32>} : memref<128xi32, #tpu.memory_space<vmem>>, vector<16xi32>,
    %add3A_58 = vector.broadcast %mul3A_0 : i32 to vector<16xi32>
    %add3A_59 = arith.addi %get3A_57, %add3A_58 : vector<16xi32>
    %swap3A_60 = arith.constant 112 : index
    %swap3A_61 = tpu.vector_load %arg8[%swap3A_60] {strides = array<i32>} : memref<128xi32, #tpu.memory_space<vmem>>, vector<16xi32>,
    tpu.vector_store %arg8[%swap3A_60], %add3A_59 {strides = array<i32>} : memref<128xi32, #tpu.memory_space<vmem>>, vector<16xi32>,
    %dma_start3A_62 = arith.constant 0 : i32
    %dma_start3A_63 = arith.constant 0 : i32
    %dma_start3A_64 = tpu.memref_slice %arg2[%dma_start3A_62, %dma_start3A_63] : memref<20000x128xf32, #tpu.memory_space<hbm>> -> memref<20000x128xf32, #tpu.memory_space<hbm>>
    tpu.enqueue_indirect_dma source(%dma_start3A_64 : memref<20000x128xf32, #tpu.memory_space<hbm>>) target(%arg13 : memref<128x128xf32, #tpu.memory_space<vmem>>) offsets(%arg8 : memref<128xi32, #tpu.memory_space<vmem>>) semaphore(%arg20 : memref<!tpu.dma_semaphore, #tpu.memory_space<semaphore_mem>>)
    %scan3A = arith.constant 0 : i32
    %scan3A_65 = arith.constant 0 : i32
    %scan3A_66 = arith.constant 39 : i32
    %scan3A_67 = arith.addi %scan3A_65, %scan3A_66 : i32
    %scan3A_68 = arith.constant 1 : i32
    scf.for %scan3A_93 = %scan3A_65 to %scan3A_67 step %scan3A_68  : i32 {
      %mul3A_94 = arith.constant 2 : i32
      %mul3A_95 = arith.muli %mul3A_94, %scan3A_93 : i32
      %add3A_96 = arith.constant 1 : i32
      %add3A_97 = arith.addi %mul3A_95, %add3A_96 : i32
      %mul3A_98 = arith.constant 128 : i32
      %mul3A_99 = arith.muli %add3A_97, %mul3A_98 : i32
      %add3A_100 = arith.addi %mul3A_4, %mul3A_99 : i32
      %dma_start3A_101 = tpu.memref_slice %arg3[%add3A_100] : memref<160000xi32, #tpu.memory_space<hbm>> -> memref<128xi32, #tpu.memory_space<hbm>>
      %dma_start3A_102 = tpu.memref_slice %arg3[%add3A_100] : memref<160000xi32, #tpu.memory_space<hbm>> -> memref<128xi32, #tpu.memory_space<hbm>>
      tpu.enqueue_dma source(%dma_start3A_102 : memref<128xi32, #tpu.memory_space<hbm>>) target(%arg10 : memref<128xi32, #tpu.memory_space<vmem>>) target_semaphore(%arg23 : memref<!tpu.dma_semaphore, #tpu.memory_space<semaphore_mem>>)
      %dma_start3A_103 = tpu.memref_slice %arg4[%add3A_100] : memref<160000xi32, #tpu.memory_space<hbm>> -> memref<128xi32, #tpu.memory_space<hbm>>
      %dma_start3A_104 = tpu.memref_slice %arg4[%add3A_100] : memref<160000xi32, #tpu.memory_space<hbm>> -> memref<128xi32, #tpu.memory_space<hbm>>
      tpu.enqueue_dma source(%dma_start3A_104 : memref<128xi32, #tpu.memory_space<hbm>>) target(%arg12 : memref<128xi32, #tpu.memory_space<vmem>>) target_semaphore(%arg23 : memref<!tpu.dma_semaphore, #tpu.memory_space<semaphore_mem>>)
      %dma_wait3A_105 = arith.constant 0 : i32
      %dma_wait3A_106 = tpu.memref_slice %arg3[%dma_wait3A_105] : memref<160000xi32, #tpu.memory_space<hbm>> -> memref<128xi32, #tpu.memory_space<hbm>>
      %dma_wait3A_107 = arith.constant 0 : i32
      %dma_wait3A_108 = tpu.memref_slice %arg3[%dma_wait3A_107] : memref<160000xi32, #tpu.memory_space<hbm>> -> memref<128xi32, #tpu.memory_space<hbm>>
      tpu.wait_dma2 semaphore(%arg23 : memref<!tpu.dma_semaphore, #tpu.memory_space<semaphore_mem>>) src(%dma_wait3A_108 : memref<128xi32, #tpu.memory_space<hbm>>) dst(%arg10 : memref<128xi32, #tpu.memory_space<vmem>>)
      %dma_wait3A_109 = arith.constant 0 : i32
      %dma_wait3A_110 = tpu.memref_slice %arg3[%dma_wait3A_109] : memref<160000xi32, #tpu.memory_space<hbm>> -> memref<128xi32, #tpu.memory_space<hbm>>
      %dma_wait3A_111 = arith.constant 0 : i32
      %dma_wait3A_112 = tpu.memref_slice %arg3[%dma_wait3A_111] : memref<160000xi32, #tpu.memory_space<hbm>> -> memref<128xi32, #tpu.memory_space<hbm>>
      tpu.wait_dma2 semaphore(%arg23 : memref<!tpu.dma_semaphore, #tpu.memory_space<semaphore_mem>>) src(%dma_wait3A_112 : memref<128xi32, #tpu.memory_space<hbm>>) dst(%arg12 : memref<128xi32, #tpu.memory_space<vmem>>)
      %get3A_113 = arith.constant 0 : index
      %get3A_114 = tpu.vector_load %arg10[%get3A_113] {strides = array<i32>} : memref<128xi32, #tpu.memory_space<vmem>>, vector<16xi32>,
      %add3A_115 = vector.broadcast %mul3A_0 : i32 to vector<16xi32>
      %add3A_116 = arith.addi %get3A_114, %add3A_115 : vector<16xi32>
      %swap3A_117 = arith.constant 0 : index
      %swap3A_118 = tpu.vector_load %arg11[%swap3A_117] {strides = array<i32>} : memref<128xi32, #tpu.memory_space<vmem>>, vector<16xi32>,
      tpu.vector_store %arg11[%swap3A_117], %add3A_116 {strides = array<i32>} : memref<128xi32, #tpu.memory_space<vmem>>, vector<16xi32>,
      %get3A_119 = arith.constant 16 : index
      %get3A_120 = tpu.vector_load %arg10[%get3A_119] {strides = array<i32>} : memref<128xi32, #tpu.memory_space<vmem>>, vector<16xi32>,
      %add3A_121 = vector.broadcast %mul3A_0 : i32 to vector<16xi32>
      %add3A_122 = arith.addi %get3A_120, %add3A_121 : vector<16xi32>
      %swap3A_123 = arith.constant 16 : index
      %swap3A_124 = tpu.vector_load %arg11[%swap3A_123] {strides = array<i32>} : memref<128xi32, #tpu.memory_space<vmem>>, vector<16xi32>,
      tpu.vector_store %arg11[%swap3A_123], %add3A_122 {strides = array<i32>} : memref<128xi32, #tpu.memory_space<vmem>>, vector<16xi32>,
      %get3A_125 = arith.constant 32 : index
      %get3A_126 = tpu.vector_load %arg10[%get3A_125] {strides = array<i32>} : memref<128xi32, #tpu.memory_space<vmem>>, vector<16xi32>,
      %add3A_127 = vector.broadcast %mul3A_0 : i32 to vector<16xi32>
      %add3A_128 = arith.addi %get3A_126, %add3A_127 : vector<16xi32>
      %swap3A_129 = arith.constant 32 : index
      %swap3A_130 = tpu.vector_load %arg11[%swap3A_129] {strides = array<i32>} : memref<128xi32, #tpu.memory_space<vmem>>, vector<16xi32>,
      tpu.vector_store %arg11[%swap3A_129], %add3A_128 {strides = array<i32>} : memref<128xi32, #tpu.memory_space<vmem>>, vector<16xi32>,
      %get3A_131 = arith.constant 48 : index
      %get3A_132 = tpu.vector_load %arg10[%get3A_131] {strides = array<i32>} : memref<128xi32, #tpu.memory_space<vmem>>, vector<16xi32>,
      %add3A_133 = vector.broadcast %mul3A_0 : i32 to vector<16xi32>
      %add3A_134 = arith.addi %get3A_132, %add3A_133 : vector<16xi32>
      %swap3A_135 = arith.constant 48 : index
      %swap3A_136 = tpu.vector_load %arg11[%swap3A_135] {strides = array<i32>} : memref<128xi32, #tpu.memory_space<vmem>>, vector<16xi32>,
      tpu.vector_store %arg11[%swap3A_135], %add3A_134 {strides = array<i32>} : memref<128xi32, #tpu.memory_space<vmem>>, vector<16xi32>,
      %get3A_137 = arith.constant 64 : index
      %get3A_138 = tpu.vector_load %arg10[%get3A_137] {strides = array<i32>} : memref<128xi32, #tpu.memory_space<vmem>>, vector<16xi32>,
      %add3A_139 = vector.broadcast %mul3A_0 : i32 to vector<16xi32>
      %add3A_140 = arith.addi %get3A_138, %add3A_139 : vector<16xi32>
      %swap3A_141 = arith.constant 64 : index
      %swap3A_142 = tpu.vector_load %arg11[%swap3A_141] {strides = array<i32>} : memref<128xi32, #tpu.memory_space<vmem>>, vector<16xi32>,
      tpu.vector_store %arg11[%swap3A_141], %add3A_140 {strides = array<i32>} : memref<128xi32, #tpu.memory_space<vmem>>, vector<16xi32>,
      %get3A_143 = arith.constant 80 : index
      %get3A_144 = tpu.vector_load %arg10[%get3A_143] {strides = array<i32>} : memref<128xi32, #tpu.memory_space<vmem>>, vector<16xi32>,
      %add3A_145 = vector.broadcast %mul3A_0 : i32 to vector<16xi32>
      %add3A_146 = arith.addi %get3A_144, %add3A_145 : vector<16xi32>
      %swap3A_147 = arith.constant 80 : index
      %swap3A_148 = tpu.vector_load %arg11[%swap3A_147] {strides = array<i32>} : memref<128xi32, #tpu.memory_space<vmem>>, vector<16xi32>,
      tpu.vector_store %arg11[%swap3A_147], %add3A_146 {strides = array<i32>} : memref<128xi32, #tpu.memory_space<vmem>>, vector<16xi32>,
      %get3A_149 = arith.constant 96 : index
      %get3A_150 = tpu.vector_load %arg10[%get3A_149] {strides = array<i32>} : memref<128xi32, #tpu.memory_space<vmem>>, vector<16xi32>,
      %add3A_151 = vector.broadcast %mul3A_0 : i32 to vector<16xi32>
      %add3A_152 = arith.addi %get3A_150, %add3A_151 : vector<16xi32>
      %swap3A_153 = arith.constant 96 : index
      %swap3A_154 = tpu.vector_load %arg11[%swap3A_153] {strides = array<i32>} : memref<128xi32, #tpu.memory_space<vmem>>, vector<16xi32>,
      tpu.vector_store %arg11[%swap3A_153], %add3A_152 {strides = array<i32>} : memref<128xi32, #tpu.memory_space<vmem>>, vector<16xi32>,
      %get3A_155 = arith.constant 112 : index
      %get3A_156 = tpu.vector_load %arg10[%get3A_155] {strides = array<i32>} : memref<128xi32, #tpu.memory_space<vmem>>, vector<16xi32>,
      %add3A_157 = vector.broadcast %mul3A_0 : i32 to vector<16xi32>
      %add3A_158 = arith.addi %get3A_156, %add3A_157 : vector<16xi32>
      %swap3A_159 = arith.constant 112 : index
      %swap3A_160 = tpu.vector_load %arg11[%swap3A_159] {strides = array<i32>} : memref<128xi32, #tpu.memory_space<vmem>>, vector<16xi32>,
      tpu.vector_store %arg11[%swap3A_159], %add3A_158 {strides = array<i32>} : memref<128xi32, #tpu.memory_space<vmem>>, vector<16xi32>,
      tpu.wait_dma2 semaphore(%arg20 : memref<!tpu.dma_semaphore, #tpu.memory_space<semaphore_mem>>) src(%arg2 : memref<20000x128xf32, #tpu.memory_space<hbm>>) dst(%arg13 : memref<128x128xf32, #tpu.memory_space<vmem>>)
      %dma_start3A_161 = arith.constant 0 : i32
      %dma_start3A_162 = arith.constant 0 : i32
      %dma_start3A_163 = tpu.memref_slice %arg2[%dma_start3A_161, %dma_start3A_162] : memref<20000x128xf32, #tpu.memory_space<hbm>> -> memref<20000x128xf32, #tpu.memory_space<hbm>>
      tpu.enqueue_indirect_dma source(%dma_start3A_163 : memref<20000x128xf32, #tpu.memory_space<hbm>>) target(%arg14 : memref<128x128xf32, #tpu.memory_space<vmem>>) offsets(%arg11 : memref<128xi32, #tpu.memory_space<vmem>>) semaphore(%arg21 : memref<!tpu.dma_semaphore, #tpu.memory_space<semaphore_mem>>)
      "tpu.region"() ({
        %run_scoped3A = tpu.sem_alloc : memref<!tpu.dma_semaphore, #tpu.memory_space<semaphore_mem>>
        %dma_start3A_168 = arith.constant 0 : i32
        %dma_start3A_169 = arith.constant 0 : i32
        %dma_start3A_170 = tpu.memref_slice %arg19[%dma_start3A_168, %dma_start3A_169] : memref<10000x128xf32, #tpu.memory_space<vmem_shared>> -> memref<10000x128xf32, #tpu.memory_space<vmem_shared>>
        tpu.enqueue_indirect_dma source(%arg13 : memref<128x128xf32, #tpu.memory_space<vmem>>) target(%dma_start3A_170 : memref<10000x128xf32, #tpu.memory_space<vmem_shared>>) offsets(%arg9 : memref<128xi32, #tpu.memory_space<vmem>>) semaphore(%run_scoped3A : memref<!tpu.dma_semaphore, #tpu.memory_space<semaphore_mem>>) {add = true}
        %dma_wait3A_171 = arith.constant 0 : i32
        %dma_wait3A_172 = arith.constant 0 : i32
        %dma_wait3A_173 = tpu.memref_slice %arg19[%dma_wait3A_171, %dma_wait3A_172] : memref<10000x128xf32, #tpu.memory_space<vmem_shared>> -> memref<10000x128xf32, #tpu.memory_space<vmem_shared>>
        tpu.wait_indirect_dma semaphore(%run_scoped3A : memref<!tpu.dma_semaphore, #tpu.memory_space<semaphore_mem>>) src(%arg13 : memref<128x128xf32, #tpu.memory_space<vmem>>) dst(%dma_wait3A_173 : memref<10000x128xf32, #tpu.memory_space<vmem_shared>>)
        tpu.yield
      }) : () -> ()
      %lt3A = arith.constant 38 : i32
      %lt3A_164 = arith.cmpi slt, %scan3A_93, %lt3A : i32
      %convert_element_type3A_165 = arith.extui %lt3A_164 : i1 to i32
      %cond3A_166 = arith.constant 0 : i32
      %cond3A_167 = arith.cmpi ne, %convert_element_type3A_165, %cond3A_166 : i32
      scf.if %cond3A_167 {
        %add3A_168 = arith.constant 2 : i32
        %add3A_169 = arith.addi %mul3A_95, %add3A_168 : i32
        %mul3A_170 = arith.constant 128 : i32
        %mul3A_171 = arith.muli %add3A_169, %mul3A_170 : i32
        %add3A_172 = arith.addi %mul3A_4, %mul3A_171 : i32
        %dma_start3A_173 = tpu.memref_slice %arg3[%add3A_172] : memref<160000xi32, #tpu.memory_space<hbm>> -> memref<128xi32, #tpu.memory_space<hbm>>
        %dma_start3A_174 = tpu.memref_slice %arg3[%add3A_172] : memref<160000xi32, #tpu.memory_space<hbm>> -> memref<128xi32, #tpu.memory_space<hbm>>
        tpu.enqueue_dma source(%dma_start3A_174 : memref<128xi32, #tpu.memory_space<hbm>>) target(%arg7 : memref<128xi32, #tpu.memory_space<vmem>>) target_semaphore(%arg22 : memref<!tpu.dma_semaphore, #tpu.memory_space<semaphore_mem>>)
        %dma_start3A_175 = tpu.memref_slice %arg4[%add3A_172] : memref<160000xi32, #tpu.memory_space<hbm>> -> memref<128xi32, #tpu.memory_space<hbm>>
        %dma_start3A_176 = tpu.memref_slice %arg4[%add3A_172] : memref<160000xi32, #tpu.memory_space<hbm>> -> memref<128xi32, #tpu.memory_space<hbm>>
        tpu.enqueue_dma source(%dma_start3A_176 : memref<128xi32, #tpu.memory_space<hbm>>) target(%arg9 : memref<128xi32, #tpu.memory_space<vmem>>) target_semaphore(%arg22 : memref<!tpu.dma_semaphore, #tpu.memory_space<semaphore_mem>>)
        %dma_wait3A_177 = arith.constant 0 : i32
        %dma_wait3A_178 = tpu.memref_slice %arg3[%dma_wait3A_177] : memref<160000xi32, #tpu.memory_space<hbm>> -> memref<128xi32, #tpu.memory_space<hbm>>
        %dma_wait3A_179 = arith.constant 0 : i32
        %dma_wait3A_180 = tpu.memref_slice %arg3[%dma_wait3A_179] : memref<160000xi32, #tpu.memory_space<hbm>> -> memref<128xi32, #tpu.memory_space<hbm>>
        tpu.wait_dma2 semaphore(%arg22 : memref<!tpu.dma_semaphore, #tpu.memory_space<semaphore_mem>>) src(%dma_wait3A_180 : memref<128xi32, #tpu.memory_space<hbm>>) dst(%arg7 : memref<128xi32, #tpu.memory_space<vmem>>)
        %dma_wait3A_181 = arith.constant 0 : i32
        %dma_wait3A_182 = tpu.memref_slice %arg3[%dma_wait3A_181] : memref<160000xi32, #tpu.memory_space<hbm>> -> memref<128xi32, #tpu.memory_space<hbm>>
        %dma_wait3A_183 = arith.constant 0 : i32
        %dma_wait3A_184 = tpu.memref_slice %arg3[%dma_wait3A_183] : memref<160000xi32, #tpu.memory_space<hbm>> -> memref<128xi32, #tpu.memory_space<hbm>>
        tpu.wait_dma2 semaphore(%arg22 : memref<!tpu.dma_semaphore, #tpu.memory_space<semaphore_mem>>) src(%dma_wait3A_184 : memref<128xi32, #tpu.memory_space<hbm>>) dst(%arg9 : memref<128xi32, #tpu.memory_space<vmem>>)
        %get3A_185 = arith.constant 0 : index
        %get3A_186 = tpu.vector_load %arg7[%get3A_185] {strides = array<i32>} : memref<128xi32, #tpu.memory_space<vmem>>, vector<16xi32>,
        %add3A_187 = vector.broadcast %mul3A_0 : i32 to vector<16xi32>
        %add3A_188 = arith.addi %get3A_186, %add3A_187 : vector<16xi32>
        %swap3A_189 = arith.constant 0 : index
        %swap3A_190 = tpu.vector_load %arg8[%swap3A_189] {strides = array<i32>} : memref<128xi32, #tpu.memory_space<vmem>>, vector<16xi32>,
        tpu.vector_store %arg8[%swap3A_189], %add3A_188 {strides = array<i32>} : memref<128xi32, #tpu.memory_space<vmem>>, vector<16xi32>,
        %get3A_191 = arith.constant 16 : index
        %get3A_192 = tpu.vector_load %arg7[%get3A_191] {strides = array<i32>} : memref<128xi32, #tpu.memory_space<vmem>>, vector<16xi32>,
        %add3A_193 = vector.broadcast %mul3A_0 : i32 to vector<16xi32>
        %add3A_194 = arith.addi %get3A_192, %add3A_193 : vector<16xi32>
        %swap3A_195 = arith.constant 16 : index
        %swap3A_196 = tpu.vector_load %arg8[%swap3A_195] {strides = array<i32>} : memref<128xi32, #tpu.memory_space<vmem>>, vector<16xi32>,
        tpu.vector_store %arg8[%swap3A_195], %add3A_194 {strides = array<i32>} : memref<128xi32, #tpu.memory_space<vmem>>, vector<16xi32>,
        %get3A_197 = arith.constant 32 : index
        %get3A_198 = tpu.vector_load %arg7[%get3A_197] {strides = array<i32>} : memref<128xi32, #tpu.memory_space<vmem>>, vector<16xi32>,
        %add3A_199 = vector.broadcast %mul3A_0 : i32 to vector<16xi32>
        %add3A_200 = arith.addi %get3A_198, %add3A_199 : vector<16xi32>
        %swap3A_201 = arith.constant 32 : index
        %swap3A_202 = tpu.vector_load %arg8[%swap3A_201] {strides = array<i32>} : memref<128xi32, #tpu.memory_space<vmem>>, vector<16xi32>,
        tpu.vector_store %arg8[%swap3A_201], %add3A_200 {strides = array<i32>} : memref<128xi32, #tpu.memory_space<vmem>>, vector<16xi32>,
        %get3A_203 = arith.constant 48 : index
        %get3A_204 = tpu.vector_load %arg7[%get3A_203] {strides = array<i32>} : memref<128xi32, #tpu.memory_space<vmem>>, vector<16xi32>,
        %add3A_205 = vector.broadcast %mul3A_0 : i32 to vector<16xi32>
        %add3A_206 = arith.addi %get3A_204, %add3A_205 : vector<16xi32>
        %swap3A_207 = arith.constant 48 : index
        %swap3A_208 = tpu.vector_load %arg8[%swap3A_207] {strides = array<i32>} : memref<128xi32, #tpu.memory_space<vmem>>, vector<16xi32>,
        tpu.vector_store %arg8[%swap3A_207], %add3A_206 {strides = array<i32>} : memref<128xi32, #tpu.memory_space<vmem>>, vector<16xi32>,
        %get3A_209 = arith.constant 64 : index
        %get3A_210 = tpu.vector_load %arg7[%get3A_209] {strides = array<i32>} : memref<128xi32, #tpu.memory_space<vmem>>, vector<16xi32>,
        %add3A_211 = vector.broadcast %mul3A_0 : i32 to vector<16xi32>
        %add3A_212 = arith.addi %get3A_210, %add3A_211 : vector<16xi32>
        %swap3A_213 = arith.constant 64 : index
        %swap3A_214 = tpu.vector_load %arg8[%swap3A_213] {strides = array<i32>} : memref<128xi32, #tpu.memory_space<vmem>>, vector<16xi32>,
        tpu.vector_store %arg8[%swap3A_213], %add3A_212 {strides = array<i32>} : memref<128xi32, #tpu.memory_space<vmem>>, vector<16xi32>,
        %get3A_215 = arith.constant 80 : index
        %get3A_216 = tpu.vector_load %arg7[%get3A_215] {strides = array<i32>} : memref<128xi32, #tpu.memory_space<vmem>>, vector<16xi32>,
        %add3A_217 = vector.broadcast %mul3A_0 : i32 to vector<16xi32>
        %add3A_218 = arith.addi %get3A_216, %add3A_217 : vector<16xi32>
        %swap3A_219 = arith.constant 80 : index
        %swap3A_220 = tpu.vector_load %arg8[%swap3A_219] {strides = array<i32>} : memref<128xi32, #tpu.memory_space<vmem>>, vector<16xi32>,
        tpu.vector_store %arg8[%swap3A_219], %add3A_218 {strides = array<i32>} : memref<128xi32, #tpu.memory_space<vmem>>, vector<16xi32>,
        %get3A_221 = arith.constant 96 : index
        %get3A_222 = tpu.vector_load %arg7[%get3A_221] {strides = array<i32>} : memref<128xi32, #tpu.memory_space<vmem>>, vector<16xi32>,
        %add3A_223 = vector.broadcast %mul3A_0 : i32 to vector<16xi32>
        %add3A_224 = arith.addi %get3A_222, %add3A_223 : vector<16xi32>
        %swap3A_225 = arith.constant 96 : index
        %swap3A_226 = tpu.vector_load %arg8[%swap3A_225] {strides = array<i32>} : memref<128xi32, #tpu.memory_space<vmem>>, vector<16xi32>,
        tpu.vector_store %arg8[%swap3A_225], %add3A_224 {strides = array<i32>} : memref<128xi32, #tpu.memory_space<vmem>>, vector<16xi32>,
        %get3A_227 = arith.constant 112 : index
        %get3A_228 = tpu.vector_load %arg7[%get3A_227] {strides = array<i32>} : memref<128xi32, #tpu.memory_space<vmem>>, vector<16xi32>,
        %add3A_229 = vector.broadcast %mul3A_0 : i32 to vector<16xi32>
        %add3A_230 = arith.addi %get3A_228, %add3A_229 : vector<16xi32>
        %swap3A_231 = arith.constant 112 : index
        %swap3A_232 = tpu.vector_load %arg8[%swap3A_231] {strides = array<i32>} : memref<128xi32, #tpu.memory_space<vmem>>, vector<16xi32>,
        tpu.vector_store %arg8[%swap3A_231], %add3A_230 {strides = array<i32>} : memref<128xi32, #tpu.memory_space<vmem>>, vector<16xi32>,
        %dma_start3A_233 = arith.constant 0 : i32
        %dma_start3A_234 = arith.constant 0 : i32
        %dma_start3A_235 = tpu.memref_slice %arg2[%dma_start3A_233, %dma_start3A_234] : memref<20000x128xf32, #tpu.memory_space<hbm>> -> memref<20000x128xf32, #tpu.memory_space<hbm>>
        tpu.enqueue_indirect_dma source(%dma_start3A_235 : memref<20000x128xf32, #tpu.memory_space<hbm>>) target(%arg13 : memref<128x128xf32, #tpu.memory_space<vmem>>) offsets(%arg8 : memref<128xi32, #tpu.memory_space<vmem>>) semaphore(%arg20 : memref<!tpu.dma_semaphore, #tpu.memory_space<semaphore_mem>>)
      } else {
      }
      tpu.wait_dma2 semaphore(%arg21 : memref<!tpu.dma_semaphore, #tpu.memory_space<semaphore_mem>>) src(%arg2 : memref<20000x128xf32, #tpu.memory_space<hbm>>) dst(%arg14 : memref<128x128xf32, #tpu.memory_space<vmem>>)
      "tpu.region"() ({
        %run_scoped3A = tpu.sem_alloc : memref<!tpu.dma_semaphore, #tpu.memory_space<semaphore_mem>>
        %dma_start3A_168 = arith.constant 0 : i32
        %dma_start3A_169 = arith.constant 0 : i32
        %dma_start3A_170 = tpu.memref_slice %arg19[%dma_start3A_168, %dma_start3A_169] : memref<10000x128xf32, #tpu.memory_space<vmem_shared>> -> memref<10000x128xf32, #tpu.memory_space<vmem_shared>>
        tpu.enqueue_indirect_dma source(%arg14 : memref<128x128xf32, #tpu.memory_space<vmem>>) target(%dma_start3A_170 : memref<10000x128xf32, #tpu.memory_space<vmem_shared>>) offsets(%arg12 : memref<128xi32, #tpu.memory_space<vmem>>) semaphore(%run_scoped3A : memref<!tpu.dma_semaphore, #tpu.memory_space<semaphore_mem>>) {add = true}
        %dma_wait3A_171 = arith.constant 0 : i32
        %dma_wait3A_172 = arith.constant 0 : i32
        %dma_wait3A_173 = tpu.memref_slice %arg19[%dma_wait3A_171, %dma_wait3A_172] : memref<10000x128xf32, #tpu.memory_space<vmem_shared>> -> memref<10000x128xf32, #tpu.memory_space<vmem_shared>>
        tpu.wait_indirect_dma semaphore(%run_scoped3A : memref<!tpu.dma_semaphore, #tpu.memory_space<semaphore_mem>>) src(%arg14 : memref<128x128xf32, #tpu.memory_space<vmem>>) dst(%dma_wait3A_173 : memref<10000x128xf32, #tpu.memory_space<vmem_shared>>)
        tpu.yield
      }) : () -> ()
    }
    %scan3A_69 = arith.constant 39 : i32
    %add3A_70 = arith.constant 9984 : i32
    %add3A_71 = arith.addi %mul3A_4, %add3A_70 : i32
    "tpu.region"() ({
      %run_scoped3A = tpu.sem_alloc : memref<!tpu.dma_semaphore, #tpu.memory_space<semaphore_mem>>
      %dma_start3A_93 = tpu.memref_slice %arg3[%add3A_71] : memref<160000xi32, #tpu.memory_space<hbm>> -> memref<16xi32, #tpu.memory_space<hbm>>
      %dma_start3A_94 = tpu.memref_slice %arg3[%add3A_71] : memref<160000xi32, #tpu.memory_space<hbm>> -> memref<16xi32, #tpu.memory_space<hbm>>
      tpu.enqueue_dma source(%dma_start3A_94 : memref<16xi32, #tpu.memory_space<hbm>>) target(%arg15 : memref<16xi32, #tpu.memory_space<vmem>>) target_semaphore(%run_scoped3A : memref<!tpu.dma_semaphore, #tpu.memory_space<semaphore_mem>>)
      %dma_wait3A_95 = tpu.memref_slice %arg3[%add3A_71] : memref<160000xi32, #tpu.memory_space<hbm>> -> memref<16xi32, #tpu.memory_space<hbm>>
      %dma_wait3A_96 = tpu.memref_slice %arg3[%add3A_71] : memref<160000xi32, #tpu.memory_space<hbm>> -> memref<16xi32, #tpu.memory_space<hbm>>
      tpu.wait_dma2 semaphore(%run_scoped3A : memref<!tpu.dma_semaphore, #tpu.memory_space<semaphore_mem>>) src(%dma_wait3A_96 : memref<16xi32, #tpu.memory_space<hbm>>) dst(%arg15 : memref<16xi32, #tpu.memory_space<vmem>>)
      tpu.yield
    }) : () -> ()
    %add3A_72 = arith.constant 9984 : i32
    %add3A_73 = arith.addi %mul3A_4, %add3A_72 : i32
    "tpu.region"() ({
      %run_scoped3A = tpu.sem_alloc : memref<!tpu.dma_semaphore, #tpu.memory_space<semaphore_mem>>
      %dma_start3A_93 = tpu.memref_slice %arg4[%add3A_73] : memref<160000xi32, #tpu.memory_space<hbm>> -> memref<16xi32, #tpu.memory_space<hbm>>
      %dma_start3A_94 = tpu.memref_slice %arg4[%add3A_73] : memref<160000xi32, #tpu.memory_space<hbm>> -> memref<16xi32, #tpu.memory_space<hbm>>
      tpu.enqueue_dma source(%dma_start3A_94 : memref<16xi32, #tpu.memory_space<hbm>>) target(%arg17 : memref<16xi32, #tpu.memory_space<vmem>>) target_semaphore(%run_scoped3A : memref<!tpu.dma_semaphore, #tpu.memory_space<semaphore_mem>>)
      %dma_wait3A_95 = tpu.memref_slice %arg4[%add3A_73] : memref<160000xi32, #tpu.memory_space<hbm>> -> memref<16xi32, #tpu.memory_space<hbm>>
      %dma_wait3A_96 = tpu.memref_slice %arg4[%add3A_73] : memref<160000xi32, #tpu.memory_space<hbm>> -> memref<16xi32, #tpu.memory_space<hbm>>
      tpu.wait_dma2 semaphore(%run_scoped3A : memref<!tpu.dma_semaphore, #tpu.memory_space<semaphore_mem>>) src(%dma_wait3A_96 : memref<16xi32, #tpu.memory_space<hbm>>) dst(%arg17 : memref<16xi32, #tpu.memory_space<vmem>>)
      tpu.yield
    }) : () -> ()
    %get3A_74 = arith.constant 0 : index
    %get3A_75 = tpu.vector_load %arg15[%get3A_74] {strides = array<i32>} : memref<16xi32, #tpu.memory_space<vmem>>, vector<16xi32>,
    %add3A_76 = vector.broadcast %mul3A_0 : i32 to vector<16xi32>
    %add3A_77 = arith.addi %get3A_75, %add3A_76 : vector<16xi32>
    %swap3A_78 = arith.constant 0 : index
    %swap3A_79 = tpu.vector_load %arg16[%swap3A_78] {strides = array<i32>} : memref<16xi32, #tpu.memory_space<vmem>>, vector<16xi32>,
    tpu.vector_store %arg16[%swap3A_78], %add3A_77 {strides = array<i32>} : memref<16xi32, #tpu.memory_space<vmem>>, vector<16xi32>,
    %dma_start3A_80 = arith.constant 0 : i32
    %dma_start3A_81 = arith.constant 0 : i32
    %dma_start3A_82 = tpu.memref_slice %arg2[%dma_start3A_80, %dma_start3A_81] : memref<20000x128xf32, #tpu.memory_space<hbm>> -> memref<20000x128xf32, #tpu.memory_space<hbm>>
    tpu.enqueue_indirect_dma source(%dma_start3A_82 : memref<20000x128xf32, #tpu.memory_space<hbm>>) target(%arg18 : memref<16x128xf32, #tpu.memory_space<vmem>>) offsets(%arg16 : memref<16xi32, #tpu.memory_space<vmem>>) semaphore(%arg20 : memref<!tpu.dma_semaphore, #tpu.memory_space<semaphore_mem>>)
    %dma_wait3A_83 = arith.constant 0 : i32
    %dma_wait3A_84 = arith.constant 0 : i32
    %dma_wait3A_85 = tpu.memref_slice %arg2[%dma_wait3A_83, %dma_wait3A_84] : memref<20000x128xf32, #tpu.memory_space<hbm>> -> memref<20000x128xf32, #tpu.memory_space<hbm>>
    tpu.wait_indirect_dma semaphore(%arg20 : memref<!tpu.dma_semaphore, #tpu.memory_space<semaphore_mem>>) src(%dma_wait3A_85 : memref<20000x128xf32, #tpu.memory_space<hbm>>) dst(%arg18 : memref<16x128xf32, #tpu.memory_space<vmem>>)
    "tpu.region"() ({
      %run_scoped3A = tpu.sem_alloc : memref<!tpu.dma_semaphore, #tpu.memory_space<semaphore_mem>>
      %dma_start3A_93 = arith.constant 0 : i32
      %dma_start3A_94 = arith.constant 0 : i32
      %dma_start3A_95 = tpu.memref_slice %arg19[%dma_start3A_93, %dma_start3A_94] : memref<10000x128xf32, #tpu.memory_space<vmem_shared>> -> memref<10000x128xf32, #tpu.memory_space<vmem_shared>>
      tpu.enqueue_indirect_dma source(%arg18 : memref<16x128xf32, #tpu.memory_space<vmem>>) target(%dma_start3A_95 : memref<10000x128xf32, #tpu.memory_space<vmem_shared>>) offsets(%arg17 : memref<16xi32, #tpu.memory_space<vmem>>) semaphore(%run_scoped3A : memref<!tpu.dma_semaphore, #tpu.memory_space<semaphore_mem>>) {add = true}
      %dma_wait3A_96 = arith.constant 0 : i32
      %dma_wait3A_97 = arith.constant 0 : i32
      %dma_wait3A_98 = tpu.memref_slice %arg19[%dma_wait3A_96, %dma_wait3A_97] : memref<10000x128xf32, #tpu.memory_space<vmem_shared>> -> memref<10000x128xf32, #tpu.memory_space<vmem_shared>>
      tpu.wait_indirect_dma semaphore(%run_scoped3A : memref<!tpu.dma_semaphore, #tpu.memory_space<semaphore_mem>>) src(%arg18 : memref<16x128xf32, #tpu.memory_space<vmem>>) dst(%dma_wait3A_98 : memref<10000x128xf32, #tpu.memory_space<vmem_shared>>)
      tpu.yield
    }) : () -> ()
    %barrier3A_86 = arith.constant 0 : index
    tpu.barrier barrier_id(%barrier3A_86)
    %add3A_87 = arith.addi %mul3A_0, %mul3A_2 : i32
    "tpu.region"() ({
      %run_scoped3A = tpu.sem_alloc : memref<!tpu.dma_semaphore, #tpu.memory_space<semaphore_mem>>
      %dma_start3A_93 = arith.constant 0 : i32
      %dma_start3A_94 = tpu.memref_slice %arg6[%add3A_87, %dma_start3A_93] : memref<20000x128xf32, #tpu.memory_space<hbm>> -> memref<624x128xf32, #tpu.memory_space<hbm>>
      %dma_start3A_95 = arith.constant 0 : i32
      %dma_start3A_96 = tpu.memref_slice %arg19[%mul3A_2, %dma_start3A_95] : memref<10000x128xf32, #tpu.memory_space<vmem_shared>> -> memref<624x128xf32, #tpu.memory_space<vmem_shared>>
      tpu.enqueue_dma source(%dma_start3A_96 : memref<624x128xf32, #tpu.memory_space<vmem_shared>>) target(%dma_start3A_94 : memref<624x128xf32, #tpu.memory_space<hbm>>) target_semaphore(%run_scoped3A : memref<!tpu.dma_semaphore, #tpu.memory_space<semaphore_mem>>)
      %dma_wait3A_97 = arith.constant 0 : i32
      %dma_wait3A_98 = tpu.memref_slice %arg6[%add3A_87, %dma_wait3A_97] : memref<20000x128xf32, #tpu.memory_space<hbm>> -> memref<624x128xf32, #tpu.memory_space<hbm>>
      %dma_wait3A_99 = arith.constant 0 : i32
      %dma_wait3A_100 = tpu.memref_slice %arg19[%mul3A_2, %dma_wait3A_99] : memref<10000x128xf32, #tpu.memory_space<vmem_shared>> -> memref<624x128xf32, #tpu.memory_space<vmem_shared>>
      tpu.wait_dma2 semaphore(%run_scoped3A : memref<!tpu.dma_semaphore, #tpu.memory_space<semaphore_mem>>) src(%dma_wait3A_100 : memref<624x128xf32, #tpu.memory_space<vmem_shared>>) dst(%dma_wait3A_98 : memref<624x128xf32, #tpu.memory_space<hbm>>)
      tpu.yield
    }) : () -> ()
    %eq3A_88 = arith.constant 15 : i32
    %eq3A_89 = arith.cmpi eq, %arg1, %eq3A_88 : i32
    %convert_element_type3A_90 = arith.extui %eq3A_89 : i1 to i32
    %cond3A_91 = arith.constant 0 : i32
    %cond3A_92 = arith.cmpi ne, %convert_element_type3A_90, %cond3A_91 : i32
    scf.if %cond3A_92 {
      %add3A_93 = arith.constant 9984 : i32
      %add3A_94 = arith.addi %mul3A_0, %add3A_93 : i32
      "tpu.region"() ({
        %run_scoped3A = tpu.sem_alloc : memref<!tpu.dma_semaphore, #tpu.memory_space<semaphore_mem>>
        %dma_start3A_95 = arith.constant 0 : i32
        %dma_start3A_96 = tpu.memref_slice %arg6[%add3A_94, %dma_start3A_95] : memref<20000x128xf32, #tpu.memory_space<hbm>> -> memref<16x128xf32, #tpu.memory_space<hbm>>
        %dma_start3A_97 = arith.constant 9984 : i32
        %dma_start3A_98 = arith.constant 0 : i32
        %dma_start3A_99 = tpu.memref_slice %arg19[%dma_start3A_97, %dma_start3A_98] : memref<10000x128xf32, #tpu.memory_space<vmem_shared>> -> memref<16x128xf32, #tpu.memory_space<vmem_shared>>
        tpu.enqueue_dma source(%dma_start3A_99 : memref<16x128xf32, #tpu.memory_space<vmem_shared>>) target(%dma_start3A_96 : memref<16x128xf32, #tpu.memory_space<hbm>>) target_semaphore(%run_scoped3A : memref<!tpu.dma_semaphore, #tpu.memory_space<semaphore_mem>>)
        %dma_wait3A_100 = arith.constant 0 : i32
        %dma_wait3A_101 = tpu.memref_slice %arg6[%add3A_94, %dma_wait3A_100] : memref<20000x128xf32, #tpu.memory_space<hbm>> -> memref<16x128xf32, #tpu.memory_space<hbm>>
        %dma_wait3A_102 = arith.constant 9984 : i32
        %dma_wait3A_103 = arith.constant 0 : i32
        %dma_wait3A_104 = tpu.memref_slice %arg19[%dma_wait3A_102, %dma_wait3A_103] : memref<10000x128xf32, #tpu.memory_space<vmem_shared>> -> memref<16x128xf32, #tpu.memory_space<vmem_shared>>
        tpu.wait_dma2 semaphore(%run_scoped3A : memref<!tpu.dma_semaphore, #tpu.memory_space<semaphore_mem>>) src(%dma_wait3A_104 : memref<16x128xf32, #tpu.memory_space<vmem_shared>>) dst(%dma_wait3A_101 : memref<16x128xf32, #tpu.memory_space<hbm>>)
        tpu.yield
      }) : () -> ()
    } else {
    }
    return
  }
}

#map = affine_map<(d0, d1) -> (0, 0)>
#map1 = affine_map<(d0, d1) -> (0)>
module attributes {stable_mosaic.version = 14 : i64} {
  func.func @k(%arg0: i32, %arg1: i32, %arg2: memref<20000x128xf32, #tpu.memory_space<hbm>>, %arg3: memref<160000xi32, #tpu.memory_space<hbm>>, %arg4: memref<160000xi32, #tpu.memory_space<hbm>>, %arg5: memref<624x128xf32, #tpu.memory_space<hbm>>, %arg6: memref<20000x128xf32, #tpu.memory_space<hbm>>, %arg7: memref<128xi32, #tpu.memory_space<vmem>>, %arg8: memref<128xi32, #tpu.memory_space<vmem>>, %arg9: memref<128xi32, #tpu.memory_space<vmem>>, %arg10: memref<128xi32, #tpu.memory_space<vmem>>, %arg11: memref<128xi32, #tpu.memory_space<vmem>>, %arg12: memref<128xi32, #tpu.memory_space<vmem>>, %arg13: memref<128x128xf32, #tpu.memory_space<vmem>>, %arg14: memref<128x128xf32, #tpu.memory_space<vmem>>, %arg15: memref<16xi32, #tpu.memory_space<vmem>>, %arg16: memref<16xi32, #tpu.memory_space<vmem>>, %arg17: memref<16xi32, #tpu.memory_space<vmem>>, %arg18: memref<16x128xf32, #tpu.memory_space<vmem>>, %arg19: memref<10000x128xf32, #tpu.memory_space<vmem_shared>>, %arg20: memref<!tpu.dma_semaphore, #tpu.memory_space<semaphore_mem>>, %arg21: memref<!tpu.dma_semaphore, #tpu.memory_space<semaphore_mem>>, %arg22: memref<!tpu.dma_semaphore, #tpu.memory_space<semaphore_mem>>, %arg23: memref<!tpu.dma_semaphore, #tpu.memory_space<semaphore_mem>>) attributes {dimension_semantics = [#tpu.dimension_semantics<core_parallel>, #tpu.dimension_semantics<subcore_parallel>], iteration_bounds = array<i64: 2, 16>, scalar_prefetch = 0 : i64, scratch_operands = 17 : i64, tpu.core_type = #tpu.core_type<sc_vector_subcore>, window_params = [{transform_indices = #map}, {transform_indices = #map1}, {transform_indices = #map1}, {transform_indices = #map}, {transform_indices = #map}]} {
    %mul3A = arith.constant 10000 : i32
    %mul3A_0 = arith.muli %arg0, %mul3A : i32
    %mul3A_1 = arith.constant 624 : i32
    %mul3A_2 = arith.muli %arg1, %mul3A_1 : i32
    %mul3A_3 = arith.constant 10000 : i32
    %mul3A_4 = arith.muli %arg1, %mul3A_3 : i32
    %dma_start3A = tpu.memref_slice %arg3[%mul3A_4] : memref<160000xi32, #tpu.memory_space<hbm>> -> memref<128xi32, #tpu.memory_space<hbm>>
    %dma_start3A_5 = tpu.memref_slice %arg3[%mul3A_4] : memref<160000xi32, #tpu.memory_space<hbm>> -> memref<128xi32, #tpu.memory_space<hbm>>
    tpu.enqueue_dma source(%dma_start3A_5 : memref<128xi32, #tpu.memory_space<hbm>>) target(%arg7 : memref<128xi32, #tpu.memory_space<vmem>>) target_semaphore(%arg22 : memref<!tpu.dma_semaphore, #tpu.memory_space<semaphore_mem>>)
    %dma_start3A_6 = tpu.memref_slice %arg4[%mul3A_4] : memref<160000xi32, #tpu.memory_space<hbm>> -> memref<128xi32, #tpu.memory_space<hbm>>
    %dma_start3A_7 = tpu.memref_slice %arg4[%mul3A_4] : memref<160000xi32, #tpu.memory_space<hbm>> -> memref<128xi32, #tpu.memory_space<hbm>>
    tpu.enqueue_dma source(%dma_start3A_7 : memref<128xi32, #tpu.memory_space<hbm>>) target(%arg9 : memref<128xi32, #tpu.memory_space<vmem>>) target_semaphore(%arg22 : memref<!tpu.dma_semaphore, #tpu.memory_space<semaphore_mem>>)
    "tpu.region"() ({
      %run_scoped3A = tpu.sem_alloc : memref<!tpu.dma_semaphore, #tpu.memory_space<semaphore_mem>>
      %dma_start3A_93 = arith.constant 0 : i32
      %dma_start3A_94 = tpu.memref_slice %arg19[%mul3A_2, %dma_start3A_93] : memref<10000x128xf32, #tpu.memory_space<vmem_shared>> -> memref<624x128xf32, #tpu.memory_space<vmem_shared>>
      %dma_start3A_95 = arith.constant 0 : i32
      %dma_start3A_96 = arith.constant 0 : i32
      %dma_start3A_97 = tpu.memref_slice %arg5[%dma_start3A_95, %dma_start3A_96] : memref<624x128xf32, #tpu.memory_space<hbm>> -> memref<624x128xf32, #tpu.memory_space<hbm>>
      tpu.enqueue_dma source(%dma_start3A_97 : memref<624x128xf32, #tpu.memory_space<hbm>>) target(%dma_start3A_94 : memref<624x128xf32, #tpu.memory_space<vmem_shared>>) target_semaphore(%run_scoped3A : memref<!tpu.dma_semaphore, #tpu.memory_space<semaphore_mem>>)
      %dma_wait3A_98 = arith.constant 0 : i32
      %dma_wait3A_99 = tpu.memref_slice %arg19[%mul3A_2, %dma_wait3A_98] : memref<10000x128xf32, #tpu.memory_space<vmem_shared>> -> memref<624x128xf32, #tpu.memory_space<vmem_shared>>
      %dma_wait3A_100 = arith.constant 0 : i32
      %dma_wait3A_101 = arith.constant 0 : i32
      %dma_wait3A_102 = tpu.memref_slice %arg5[%dma_wait3A_100, %dma_wait3A_101] : memref<624x128xf32, #tpu.memory_space<hbm>> -> memref<624x128xf32, #tpu.memory_space<hbm>>
      tpu.wait_dma2 semaphore(%run_scoped3A : memref<!tpu.dma_semaphore, #tpu.memory_space<semaphore_mem>>) src(%dma_wait3A_102 : memref<624x128xf32, #tpu.memory_space<hbm>>) dst(%dma_wait3A_99 : memref<624x128xf32, #tpu.memory_space<vmem_shared>>)
      tpu.yield
    }) : () -> ()
    %eq3A = arith.constant 15 : i32
    %eq3A_8 = arith.cmpi eq, %arg1, %eq3A : i32
    %convert_element_type3A = arith.extui %eq3A_8 : i1 to i32
    %cond3A = arith.constant 0 : i32
    %cond3A_9 = arith.cmpi ne, %convert_element_type3A, %cond3A : i32
    scf.if %cond3A_9 {
      "tpu.region"() ({
        %run_scoped3A = tpu.sem_alloc : memref<!tpu.dma_semaphore, #tpu.memory_space<semaphore_mem>>
        %dma_start3A_93 = arith.constant 9984 : i32
        %dma_start3A_94 = arith.constant 0 : i32
        %dma_start3A_95 = tpu.memref_slice %arg19[%dma_start3A_93, %dma_start3A_94] : memref<10000x128xf32, #tpu.memory_space<vmem_shared>> -> memref<16x128xf32, #tpu.memory_space<vmem_shared>>
        %dma_start3A_96 = arith.constant 0 : i32
        %dma_start3A_97 = arith.constant 0 : i32
        %dma_start3A_98 = tpu.memref_slice %arg5[%dma_start3A_96, %dma_start3A_97] : memref<624x128xf32, #tpu.memory_space<hbm>> -> memref<16x128xf32, #tpu.memory_space<hbm>>
        tpu.enqueue_dma source(%dma_start3A_98 : memref<16x128xf32, #tpu.memory_space<hbm>>) target(%dma_start3A_95 : memref<16x128xf32, #tpu.memory_space<vmem_shared>>) target_semaphore(%run_scoped3A : memref<!tpu.dma_semaphore, #tpu.memory_space<semaphore_mem>>)
        %dma_wait3A_99 = arith.constant 9984 : i32
        %dma_wait3A_100 = arith.constant 0 : i32
        %dma_wait3A_101 = tpu.memref_slice %arg19[%dma_wait3A_99, %dma_wait3A_100] : memref<10000x128xf32, #tpu.memory_space<vmem_shared>> -> memref<16x128xf32, #tpu.memory_space<vmem_shared>>
        %dma_wait3A_102 = arith.constant 0 : i32
        %dma_wait3A_103 = arith.constant 0 : i32
        %dma_wait3A_104 = tpu.memref_slice %arg5[%dma_wait3A_102, %dma_wait3A_103] : memref<624x128xf32, #tpu.memory_space<hbm>> -> memref<16x128xf32, #tpu.memory_space<hbm>>
        tpu.wait_dma2 semaphore(%run_scoped3A : memref<!tpu.dma_semaphore, #tpu.memory_space<semaphore_mem>>) src(%dma_wait3A_104 : memref<16x128xf32, #tpu.memory_space<hbm>>) dst(%dma_wait3A_101 : memref<16x128xf32, #tpu.memory_space<vmem_shared>>)
        tpu.yield
      }) : () -> ()
    } else {
    }
    %barrier3A = arith.constant 0 : index
    tpu.barrier barrier_id(%barrier3A)
    %dma_wait3A = arith.constant 0 : i32
    %dma_wait3A_10 = tpu.memref_slice %arg3[%dma_wait3A] : memref<160000xi32, #tpu.memory_space<hbm>> -> memref<128xi32, #tpu.memory_space<hbm>>
    %dma_wait3A_11 = arith.constant 0 : i32
    %dma_wait3A_12 = tpu.memref_slice %arg3[%dma_wait3A_11] : memref<160000xi32, #tpu.memory_space<hbm>> -> memref<128xi32, #tpu.memory_space<hbm>>
    tpu.wait_dma2 semaphore(%arg22 : memref<!tpu.dma_semaphore, #tpu.memory_space<semaphore_mem>>) src(%dma_wait3A_12 : memref<128xi32, #tpu.memory_space<hbm>>) dst(%arg7 : memref<128xi32, #tpu.memory_space<vmem>>)
    %dma_wait3A_13 = arith.constant 0 : i32
    %dma_wait3A_14 = tpu.memref_slice %arg3[%dma_wait3A_13] : memref<160000xi32, #tpu.memory_space<hbm>> -> memref<128xi32, #tpu.memory_space<hbm>>
    %dma_wait3A_15 = arith.constant 0 : i32
    %dma_wait3A_16 = tpu.memref_slice %arg3[%dma_wait3A_15] : memref<160000xi32, #tpu.memory_space<hbm>> -> memref<128xi32, #tpu.memory_space<hbm>>
    tpu.wait_dma2 semaphore(%arg22 : memref<!tpu.dma_semaphore, #tpu.memory_space<semaphore_mem>>) src(%dma_wait3A_16 : memref<128xi32, #tpu.memory_space<hbm>>) dst(%arg9 : memref<128xi32, #tpu.memory_space<vmem>>)
    %get3A = arith.constant 0 : index
    %get3A_17 = tpu.vector_load %arg7[%get3A] {strides = array<i32>} : memref<128xi32, #tpu.memory_space<vmem>>, vector<16xi32>,
    %add3A = vector.broadcast %mul3A_0 : i32 to vector<16xi32>
    %add3A_18 = arith.addi %get3A_17, %add3A : vector<16xi32>
    %swap3A = arith.constant 0 : index
    %swap3A_19 = tpu.vector_load %arg8[%swap3A] {strides = array<i32>} : memref<128xi32, #tpu.memory_space<vmem>>, vector<16xi32>,
    tpu.vector_store %arg8[%swap3A], %add3A_18 {strides = array<i32>} : memref<128xi32, #tpu.memory_space<vmem>>, vector<16xi32>,
    %get3A_20 = arith.constant 16 : index
    %get3A_21 = tpu.vector_load %arg7[%get3A_20] {strides = array<i32>} : memref<128xi32, #tpu.memory_space<vmem>>, vector<16xi32>,
    %add3A_22 = vector.broadcast %mul3A_0 : i32 to vector<16xi32>
    %add3A_23 = arith.addi %get3A_21, %add3A_22 : vector<16xi32>
    %swap3A_24 = arith.constant 16 : index
    %swap3A_25 = tpu.vector_load %arg8[%swap3A_24] {strides = array<i32>} : memref<128xi32, #tpu.memory_space<vmem>>, vector<16xi32>,
    tpu.vector_store %arg8[%swap3A_24], %add3A_23 {strides = array<i32>} : memref<128xi32, #tpu.memory_space<vmem>>, vector<16xi32>,
    %get3A_26 = arith.constant 32 : index
    %get3A_27 = tpu.vector_load %arg7[%get3A_26] {strides = array<i32>} : memref<128xi32, #tpu.memory_space<vmem>>, vector<16xi32>,
    %add3A_28 = vector.broadcast %mul3A_0 : i32 to vector<16xi32>
    %add3A_29 = arith.addi %get3A_27, %add3A_28 : vector<16xi32>
    %swap3A_30 = arith.constant 32 : index
    %swap3A_31 = tpu.vector_load %arg8[%swap3A_30] {strides = array<i32>} : memref<128xi32, #tpu.memory_space<vmem>>, vector<16xi32>,
    tpu.vector_store %arg8[%swap3A_30], %add3A_29 {strides = array<i32>} : memref<128xi32, #tpu.memory_space<vmem>>, vector<16xi32>,
    %get3A_32 = arith.constant 48 : index
    %get3A_33 = tpu.vector_load %arg7[%get3A_32] {strides = array<i32>} : memref<128xi32, #tpu.memory_space<vmem>>, vector<16xi32>,
    %add3A_34 = vector.broadcast %mul3A_0 : i32 to vector<16xi32>
    %add3A_35 = arith.addi %get3A_33, %add3A_34 : vector<16xi32>
    %swap3A_36 = arith.constant 48 : index
    %swap3A_37 = tpu.vector_load %arg8[%swap3A_36] {strides = array<i32>} : memref<128xi32, #tpu.memory_space<vmem>>, vector<16xi32>,
    tpu.vector_store %arg8[%swap3A_36], %add3A_35 {strides = array<i32>} : memref<128xi32, #tpu.memory_space<vmem>>, vector<16xi32>,
    %get3A_38 = arith.constant 64 : index
    %get3A_39 = tpu.vector_load %arg7[%get3A_38] {strides = array<i32>} : memref<128xi32, #tpu.memory_space<vmem>>, vector<16xi32>,
    %add3A_40 = vector.broadcast %mul3A_0 : i32 to vector<16xi32>
    %add3A_41 = arith.addi %get3A_39, %add3A_40 : vector<16xi32>
    %swap3A_42 = arith.constant 64 : index
    %swap3A_43 = tpu.vector_load %arg8[%swap3A_42] {strides = array<i32>} : memref<128xi32, #tpu.memory_space<vmem>>, vector<16xi32>,
    tpu.vector_store %arg8[%swap3A_42], %add3A_41 {strides = array<i32>} : memref<128xi32, #tpu.memory_space<vmem>>, vector<16xi32>,
    %get3A_44 = arith.constant 80 : index
    %get3A_45 = tpu.vector_load %arg7[%get3A_44] {strides = array<i32>} : memref<128xi32, #tpu.memory_space<vmem>>, vector<16xi32>,
    %add3A_46 = vector.broadcast %mul3A_0 : i32 to vector<16xi32>
    %add3A_47 = arith.addi %get3A_45, %add3A_46 : vector<16xi32>
    %swap3A_48 = arith.constant 80 : index
    %swap3A_49 = tpu.vector_load %arg8[%swap3A_48] {strides = array<i32>} : memref<128xi32, #tpu.memory_space<vmem>>, vector<16xi32>,
    tpu.vector_store %arg8[%swap3A_48], %add3A_47 {strides = array<i32>} : memref<128xi32, #tpu.memory_space<vmem>>, vector<16xi32>,
    %get3A_50 = arith.constant 96 : index
    %get3A_51 = tpu.vector_load %arg7[%get3A_50] {strides = array<i32>} : memref<128xi32, #tpu.memory_space<vmem>>, vector<16xi32>,
    %add3A_52 = vector.broadcast %mul3A_0 : i32 to vector<16xi32>
    %add3A_53 = arith.addi %get3A_51, %add3A_52 : vector<16xi32>
    %swap3A_54 = arith.constant 96 : index
    %swap3A_55 = tpu.vector_load %arg8[%swap3A_54] {strides = array<i32>} : memref<128xi32, #tpu.memory_space<vmem>>, vector<16xi32>,
    tpu.vector_store %arg8[%swap3A_54], %add3A_53 {strides = array<i32>} : memref<128xi32, #tpu.memory_space<vmem>>, vector<16xi32>,
    %get3A_56 = arith.constant 112 : index
    %get3A_57 = tpu.vector_load %arg7[%get3A_56] {strides = array<i32>} : memref<128xi32, #tpu.memory_space<vmem>>, vector<16xi32>,
    %add3A_58 = vector.broadcast %mul3A_0 : i32 to vector<16xi32>
    %add3A_59 = arith.addi %get3A_57, %add3A_58 : vector<16xi32>
    %swap3A_60 = arith.constant 112 : index
    %swap3A_61 = tpu.vector_load %arg8[%swap3A_60] {strides = array<i32>} : memref<128xi32, #tpu.memory_space<vmem>>, vector<16xi32>,
    tpu.vector_store %arg8[%swap3A_60], %add3A_59 {strides = array<i32>} : memref<128xi32, #tpu.memory_space<vmem>>, vector<16xi32>,
    %dma_start3A_62 = arith.constant 0 : i32
    %dma_start3A_63 = arith.constant 0 : i32
    %dma_start3A_64 = tpu.memref_slice %arg2[%dma_start3A_62, %dma_start3A_63] : memref<20000x128xf32, #tpu.memory_space<hbm>> -> memref<20000x128xf32, #tpu.memory_space<hbm>>
    tpu.enqueue_indirect_dma source(%dma_start3A_64 : memref<20000x128xf32, #tpu.memory_space<hbm>>) target(%arg13 : memref<128x128xf32, #tpu.memory_space<vmem>>) offsets(%arg8 : memref<128xi32, #tpu.memory_space<vmem>>) semaphore(%arg20 : memref<!tpu.dma_semaphore, #tpu.memory_space<semaphore_mem>>)
    %scan3A = arith.constant 0 : i32
    %scan3A_65 = arith.constant 0 : i32
    %scan3A_66 = arith.constant 39 : i32
    %scan3A_67 = arith.addi %scan3A_65, %scan3A_66 : i32
    %scan3A_68 = arith.constant 1 : i32
    scf.for %scan3A_93 = %scan3A_65 to %scan3A_67 step %scan3A_68  : i32 {
      %mul3A_94 = arith.constant 2 : i32
      %mul3A_95 = arith.muli %mul3A_94, %scan3A_93 : i32
      %add3A_96 = arith.constant 1 : i32
      %add3A_97 = arith.addi %mul3A_95, %add3A_96 : i32
      %mul3A_98 = arith.constant 128 : i32
      %mul3A_99 = arith.muli %add3A_97, %mul3A_98 : i32
      %add3A_100 = arith.addi %mul3A_4, %mul3A_99 : i32
      %dma_start3A_101 = tpu.memref_slice %arg3[%add3A_100] : memref<160000xi32, #tpu.memory_space<hbm>> -> memref<128xi32, #tpu.memory_space<hbm>>
      %dma_start3A_102 = tpu.memref_slice %arg3[%add3A_100] : memref<160000xi32, #tpu.memory_space<hbm>> -> memref<128xi32, #tpu.memory_space<hbm>>
      tpu.enqueue_dma source(%dma_start3A_102 : memref<128xi32, #tpu.memory_space<hbm>>) target(%arg10 : memref<128xi32, #tpu.memory_space<vmem>>) target_semaphore(%arg23 : memref<!tpu.dma_semaphore, #tpu.memory_space<semaphore_mem>>)
      %dma_start3A_103 = tpu.memref_slice %arg4[%add3A_100] : memref<160000xi32, #tpu.memory_space<hbm>> -> memref<128xi32, #tpu.memory_space<hbm>>
      %dma_start3A_104 = tpu.memref_slice %arg4[%add3A_100] : memref<160000xi32, #tpu.memory_space<hbm>> -> memref<128xi32, #tpu.memory_space<hbm>>
      tpu.enqueue_dma source(%dma_start3A_104 : memref<128xi32, #tpu.memory_space<hbm>>) target(%arg12 : memref<128xi32, #tpu.memory_space<vmem>>) target_semaphore(%arg23 : memref<!tpu.dma_semaphore, #tpu.memory_space<semaphore_mem>>)
      %dma_wait3A_105 = arith.constant 0 : i32
      %dma_wait3A_106 = tpu.memref_slice %arg3[%dma_wait3A_105] : memref<160000xi32, #tpu.memory_space<hbm>> -> memref<128xi32, #tpu.memory_space<hbm>>
      %dma_wait3A_107 = arith.constant 0 : i32
      %dma_wait3A_108 = tpu.memref_slice %arg3[%dma_wait3A_107] : memref<160000xi32, #tpu.memory_space<hbm>> -> memref<128xi32, #tpu.memory_space<hbm>>
      tpu.wait_dma2 semaphore(%arg23 : memref<!tpu.dma_semaphore, #tpu.memory_space<semaphore_mem>>) src(%dma_wait3A_108 : memref<128xi32, #tpu.memory_space<hbm>>) dst(%arg10 : memref<128xi32, #tpu.memory_space<vmem>>)
      %dma_wait3A_109 = arith.constant 0 : i32
      %dma_wait3A_110 = tpu.memref_slice %arg3[%dma_wait3A_109] : memref<160000xi32, #tpu.memory_space<hbm>> -> memref<128xi32, #tpu.memory_space<hbm>>
      %dma_wait3A_111 = arith.constant 0 : i32
      %dma_wait3A_112 = tpu.memref_slice %arg3[%dma_wait3A_111] : memref<160000xi32, #tpu.memory_space<hbm>> -> memref<128xi32, #tpu.memory_space<hbm>>
      tpu.wait_dma2 semaphore(%arg23 : memref<!tpu.dma_semaphore, #tpu.memory_space<semaphore_mem>>) src(%dma_wait3A_112 : memref<128xi32, #tpu.memory_space<hbm>>) dst(%arg12 : memref<128xi32, #tpu.memory_space<vmem>>)
      %get3A_113 = arith.constant 0 : index
      %get3A_114 = tpu.vector_load %arg10[%get3A_113] {strides = array<i32>} : memref<128xi32, #tpu.memory_space<vmem>>, vector<16xi32>,
      %add3A_115 = vector.broadcast %mul3A_0 : i32 to vector<16xi32>
      %add3A_116 = arith.addi %get3A_114, %add3A_115 : vector<16xi32>
      %swap3A_117 = arith.constant 0 : index
      %swap3A_118 = tpu.vector_load %arg11[%swap3A_117] {strides = array<i32>} : memref<128xi32, #tpu.memory_space<vmem>>, vector<16xi32>,
      tpu.vector_store %arg11[%swap3A_117], %add3A_116 {strides = array<i32>} : memref<128xi32, #tpu.memory_space<vmem>>, vector<16xi32>,
      %get3A_119 = arith.constant 16 : index
      %get3A_120 = tpu.vector_load %arg10[%get3A_119] {strides = array<i32>} : memref<128xi32, #tpu.memory_space<vmem>>, vector<16xi32>,
      %add3A_121 = vector.broadcast %mul3A_0 : i32 to vector<16xi32>
      %add3A_122 = arith.addi %get3A_120, %add3A_121 : vector<16xi32>
      %swap3A_123 = arith.constant 16 : index
      %swap3A_124 = tpu.vector_load %arg11[%swap3A_123] {strides = array<i32>} : memref<128xi32, #tpu.memory_space<vmem>>, vector<16xi32>,
      tpu.vector_store %arg11[%swap3A_123], %add3A_122 {strides = array<i32>} : memref<128xi32, #tpu.memory_space<vmem>>, vector<16xi32>,
      %get3A_125 = arith.constant 32 : index
      %get3A_126 = tpu.vector_load %arg10[%get3A_125] {strides = array<i32>} : memref<128xi32, #tpu.memory_space<vmem>>, vector<16xi32>,
      %add3A_127 = vector.broadcast %mul3A_0 : i32 to vector<16xi32>
      %add3A_128 = arith.addi %get3A_126, %add3A_127 : vector<16xi32>
      %swap3A_129 = arith.constant 32 : index
      %swap3A_130 = tpu.vector_load %arg11[%swap3A_129] {strides = array<i32>} : memref<128xi32, #tpu.memory_space<vmem>>, vector<16xi32>,
      tpu.vector_store %arg11[%swap3A_129], %add3A_128 {strides = array<i32>} : memref<128xi32, #tpu.memory_space<vmem>>, vector<16xi32>,
      %get3A_131 = arith.constant 48 : index
      %get3A_132 = tpu.vector_load %arg10[%get3A_131] {strides = array<i32>} : memref<128xi32, #tpu.memory_space<vmem>>, vector<16xi32>,
      %add3A_133 = vector.broadcast %mul3A_0 : i32 to vector<16xi32>
      %add3A_134 = arith.addi %get3A_132, %add3A_133 : vector<16xi32>
      %swap3A_135 = arith.constant 48 : index
      %swap3A_136 = tpu.vector_load %arg11[%swap3A_135] {strides = array<i32>} : memref<128xi32, #tpu.memory_space<vmem>>, vector<16xi32>,
      tpu.vector_store %arg11[%swap3A_135], %add3A_134 {strides = array<i32>} : memref<128xi32, #tpu.memory_space<vmem>>, vector<16xi32>,
      %get3A_137 = arith.constant 64 : index
      %get3A_138 = tpu.vector_load %arg10[%get3A_137] {strides = array<i32>} : memref<128xi32, #tpu.memory_space<vmem>>, vector<16xi32>,
      %add3A_139 = vector.broadcast %mul3A_0 : i32 to vector<16xi32>
      %add3A_140 = arith.addi %get3A_138, %add3A_139 : vector<16xi32>
      %swap3A_141 = arith.constant 64 : index
      %swap3A_142 = tpu.vector_load %arg11[%swap3A_141] {strides = array<i32>} : memref<128xi32, #tpu.memory_space<vmem>>, vector<16xi32>,
      tpu.vector_store %arg11[%swap3A_141], %add3A_140 {strides = array<i32>} : memref<128xi32, #tpu.memory_space<vmem>>, vector<16xi32>,
      %get3A_143 = arith.constant 80 : index
      %get3A_144 = tpu.vector_load %arg10[%get3A_143] {strides = array<i32>} : memref<128xi32, #tpu.memory_space<vmem>>, vector<16xi32>,
      %add3A_145 = vector.broadcast %mul3A_0 : i32 to vector<16xi32>
      %add3A_146 = arith.addi %get3A_144, %add3A_145 : vector<16xi32>
      %swap3A_147 = arith.constant 80 : index
      %swap3A_148 = tpu.vector_load %arg11[%swap3A_147] {strides = array<i32>} : memref<128xi32, #tpu.memory_space<vmem>>, vector<16xi32>,
      tpu.vector_store %arg11[%swap3A_147], %add3A_146 {strides = array<i32>} : memref<128xi32, #tpu.memory_space<vmem>>, vector<16xi32>,
      %get3A_149 = arith.constant 96 : index
      %get3A_150 = tpu.vector_load %arg10[%get3A_149] {strides = array<i32>} : memref<128xi32, #tpu.memory_space<vmem>>, vector<16xi32>,
      %add3A_151 = vector.broadcast %mul3A_0 : i32 to vector<16xi32>
      %add3A_152 = arith.addi %get3A_150, %add3A_151 : vector<16xi32>
      %swap3A_153 = arith.constant 96 : index
      %swap3A_154 = tpu.vector_load %arg11[%swap3A_153] {strides = array<i32>} : memref<128xi32, #tpu.memory_space<vmem>>, vector<16xi32>,
      tpu.vector_store %arg11[%swap3A_153], %add3A_152 {strides = array<i32>} : memref<128xi32, #tpu.memory_space<vmem>>, vector<16xi32>,
      %get3A_155 = arith.constant 112 : index
      %get3A_156 = tpu.vector_load %arg10[%get3A_155] {strides = array<i32>} : memref<128xi32, #tpu.memory_space<vmem>>, vector<16xi32>,
      %add3A_157 = vector.broadcast %mul3A_0 : i32 to vector<16xi32>
      %add3A_158 = arith.addi %get3A_156, %add3A_157 : vector<16xi32>
      %swap3A_159 = arith.constant 112 : index
      %swap3A_160 = tpu.vector_load %arg11[%swap3A_159] {strides = array<i32>} : memref<128xi32, #tpu.memory_space<vmem>>, vector<16xi32>,
      tpu.vector_store %arg11[%swap3A_159], %add3A_158 {strides = array<i32>} : memref<128xi32, #tpu.memory_space<vmem>>, vector<16xi32>,
      tpu.wait_dma2 semaphore(%arg20 : memref<!tpu.dma_semaphore, #tpu.memory_space<semaphore_mem>>) src(%arg2 : memref<20000x128xf32, #tpu.memory_space<hbm>>) dst(%arg13 : memref<128x128xf32, #tpu.memory_space<vmem>>)
      %dma_start3A_161 = arith.constant 0 : i32
      %dma_start3A_162 = arith.constant 0 : i32
      %dma_start3A_163 = tpu.memref_slice %arg2[%dma_start3A_161, %dma_start3A_162] : memref<20000x128xf32, #tpu.memory_space<hbm>> -> memref<20000x128xf32, #tpu.memory_space<hbm>>
      tpu.enqueue_indirect_dma source(%dma_start3A_163 : memref<20000x128xf32, #tpu.memory_space<hbm>>) target(%arg14 : memref<128x128xf32, #tpu.memory_space<vmem>>) offsets(%arg11 : memref<128xi32, #tpu.memory_space<vmem>>) semaphore(%arg21 : memref<!tpu.dma_semaphore, #tpu.memory_space<semaphore_mem>>)
      "tpu.region"() ({
        %run_scoped3A = tpu.sem_alloc : memref<!tpu.dma_semaphore, #tpu.memory_space<semaphore_mem>>
        %dma_start3A_168 = arith.constant 0 : i32
        %dma_start3A_169 = arith.constant 0 : i32
        %dma_start3A_170 = tpu.memref_slice %arg19[%dma_start3A_168, %dma_start3A_169] : memref<10000x128xf32, #tpu.memory_space<vmem_shared>> -> memref<10000x128xf32, #tpu.memory_space<vmem_shared>>
        tpu.enqueue_indirect_dma source(%arg13 : memref<128x128xf32, #tpu.memory_space<vmem>>) target(%dma_start3A_170 : memref<10000x128xf32, #tpu.memory_space<vmem_shared>>) offsets(%arg9 : memref<128xi32, #tpu.memory_space<vmem>>) semaphore(%run_scoped3A : memref<!tpu.dma_semaphore, #tpu.memory_space<semaphore_mem>>) {add = true}
        %dma_wait3A_171 = arith.constant 0 : i32
        %dma_wait3A_172 = arith.constant 0 : i32
        %dma_wait3A_173 = tpu.memref_slice %arg19[%dma_wait3A_171, %dma_wait3A_172] : memref<10000x128xf32, #tpu.memory_space<vmem_shared>> -> memref<10000x128xf32, #tpu.memory_space<vmem_shared>>
        tpu.wait_indirect_dma semaphore(%run_scoped3A : memref<!tpu.dma_semaphore, #tpu.memory_space<semaphore_mem>>) src(%arg13 : memref<128x128xf32, #tpu.memory_space<vmem>>) dst(%dma_wait3A_173 : memref<10000x128xf32, #tpu.memory_space<vmem_shared>>)
        tpu.yield
      }) : () -> ()
      %lt3A = arith.constant 38 : i32
      %lt3A_164 = arith.cmpi slt, %scan3A_93, %lt3A : i32
      %convert_element_type3A_165 = arith.extui %lt3A_164 : i1 to i32
      %cond3A_166 = arith.constant 0 : i32
      %cond3A_167 = arith.cmpi ne, %convert_element_type3A_165, %cond3A_166 : i32
      scf.if %cond3A_167 {
        %add3A_168 = arith.constant 2 : i32
        %add3A_169 = arith.addi %mul3A_95, %add3A_168 : i32
        %mul3A_170 = arith.constant 128 : i32
        %mul3A_171 = arith.muli %add3A_169, %mul3A_170 : i32
        %add3A_172 = arith.addi %mul3A_4, %mul3A_171 : i32
        %dma_start3A_173 = tpu.memref_slice %arg3[%add3A_172] : memref<160000xi32, #tpu.memory_space<hbm>> -> memref<128xi32, #tpu.memory_space<hbm>>
        %dma_start3A_174 = tpu.memref_slice %arg3[%add3A_172] : memref<160000xi32, #tpu.memory_space<hbm>> -> memref<128xi32, #tpu.memory_space<hbm>>
        tpu.enqueue_dma source(%dma_start3A_174 : memref<128xi32, #tpu.memory_space<hbm>>) target(%arg7 : memref<128xi32, #tpu.memory_space<vmem>>) target_semaphore(%arg22 : memref<!tpu.dma_semaphore, #tpu.memory_space<semaphore_mem>>)
        %dma_start3A_175 = tpu.memref_slice %arg4[%add3A_172] : memref<160000xi32, #tpu.memory_space<hbm>> -> memref<128xi32, #tpu.memory_space<hbm>>
        %dma_start3A_176 = tpu.memref_slice %arg4[%add3A_172] : memref<160000xi32, #tpu.memory_space<hbm>> -> memref<128xi32, #tpu.memory_space<hbm>>
        tpu.enqueue_dma source(%dma_start3A_176 : memref<128xi32, #tpu.memory_space<hbm>>) target(%arg9 : memref<128xi32, #tpu.memory_space<vmem>>) target_semaphore(%arg22 : memref<!tpu.dma_semaphore, #tpu.memory_space<semaphore_mem>>)
        %dma_wait3A_177 = arith.constant 0 : i32
        %dma_wait3A_178 = tpu.memref_slice %arg3[%dma_wait3A_177] : memref<160000xi32, #tpu.memory_space<hbm>> -> memref<128xi32, #tpu.memory_space<hbm>>
        %dma_wait3A_179 = arith.constant 0 : i32
        %dma_wait3A_180 = tpu.memref_slice %arg3[%dma_wait3A_179] : memref<160000xi32, #tpu.memory_space<hbm>> -> memref<128xi32, #tpu.memory_space<hbm>>
        tpu.wait_dma2 semaphore(%arg22 : memref<!tpu.dma_semaphore, #tpu.memory_space<semaphore_mem>>) src(%dma_wait3A_180 : memref<128xi32, #tpu.memory_space<hbm>>) dst(%arg7 : memref<128xi32, #tpu.memory_space<vmem>>)
        %dma_wait3A_181 = arith.constant 0 : i32
        %dma_wait3A_182 = tpu.memref_slice %arg3[%dma_wait3A_181] : memref<160000xi32, #tpu.memory_space<hbm>> -> memref<128xi32, #tpu.memory_space<hbm>>
        %dma_wait3A_183 = arith.constant 0 : i32
        %dma_wait3A_184 = tpu.memref_slice %arg3[%dma_wait3A_183] : memref<160000xi32, #tpu.memory_space<hbm>> -> memref<128xi32, #tpu.memory_space<hbm>>
        tpu.wait_dma2 semaphore(%arg22 : memref<!tpu.dma_semaphore, #tpu.memory_space<semaphore_mem>>) src(%dma_wait3A_184 : memref<128xi32, #tpu.memory_space<hbm>>) dst(%arg9 : memref<128xi32, #tpu.memory_space<vmem>>)
        %get3A_185 = arith.constant 0 : index
        %get3A_186 = tpu.vector_load %arg7[%get3A_185] {strides = array<i32>} : memref<128xi32, #tpu.memory_space<vmem>>, vector<16xi32>,
        %add3A_187 = vector.broadcast %mul3A_0 : i32 to vector<16xi32>
        %add3A_188 = arith.addi %get3A_186, %add3A_187 : vector<16xi32>
        %swap3A_189 = arith.constant 0 : index
        %swap3A_190 = tpu.vector_load %arg8[%swap3A_189] {strides = array<i32>} : memref<128xi32, #tpu.memory_space<vmem>>, vector<16xi32>,
        tpu.vector_store %arg8[%swap3A_189], %add3A_188 {strides = array<i32>} : memref<128xi32, #tpu.memory_space<vmem>>, vector<16xi32>,
        %get3A_191 = arith.constant 16 : index
        %get3A_192 = tpu.vector_load %arg7[%get3A_191] {strides = array<i32>} : memref<128xi32, #tpu.memory_space<vmem>>, vector<16xi32>,
        %add3A_193 = vector.broadcast %mul3A_0 : i32 to vector<16xi32>
        %add3A_194 = arith.addi %get3A_192, %add3A_193 : vector<16xi32>
        %swap3A_195 = arith.constant 16 : index
        %swap3A_196 = tpu.vector_load %arg8[%swap3A_195] {strides = array<i32>} : memref<128xi32, #tpu.memory_space<vmem>>, vector<16xi32>,
        tpu.vector_store %arg8[%swap3A_195], %add3A_194 {strides = array<i32>} : memref<128xi32, #tpu.memory_space<vmem>>, vector<16xi32>,
        %get3A_197 = arith.constant 32 : index
        %get3A_198 = tpu.vector_load %arg7[%get3A_197] {strides = array<i32>} : memref<128xi32, #tpu.memory_space<vmem>>, vector<16xi32>,
        %add3A_199 = vector.broadcast %mul3A_0 : i32 to vector<16xi32>
        %add3A_200 = arith.addi %get3A_198, %add3A_199 : vector<16xi32>
        %swap3A_201 = arith.constant 32 : index
        %swap3A_202 = tpu.vector_load %arg8[%swap3A_201] {strides = array<i32>} : memref<128xi32, #tpu.memory_space<vmem>>, vector<16xi32>,
        tpu.vector_store %arg8[%swap3A_201], %add3A_200 {strides = array<i32>} : memref<128xi32, #tpu.memory_space<vmem>>, vector<16xi32>,
        %get3A_203 = arith.constant 48 : index
        %get3A_204 = tpu.vector_load %arg7[%get3A_203] {strides = array<i32>} : memref<128xi32, #tpu.memory_space<vmem>>, vector<16xi32>,
        %add3A_205 = vector.broadcast %mul3A_0 : i32 to vector<16xi32>
        %add3A_206 = arith.addi %get3A_204, %add3A_205 : vector<16xi32>
        %swap3A_207 = arith.constant 48 : index
        %swap3A_208 = tpu.vector_load %arg8[%swap3A_207] {strides = array<i32>} : memref<128xi32, #tpu.memory_space<vmem>>, vector<16xi32>,
        tpu.vector_store %arg8[%swap3A_207], %add3A_206 {strides = array<i32>} : memref<128xi32, #tpu.memory_space<vmem>>, vector<16xi32>,
        %get3A_209 = arith.constant 64 : index
        %get3A_210 = tpu.vector_load %arg7[%get3A_209] {strides = array<i32>} : memref<128xi32, #tpu.memory_space<vmem>>, vector<16xi32>,
        %add3A_211 = vector.broadcast %mul3A_0 : i32 to vector<16xi32>
        %add3A_212 = arith.addi %get3A_210, %add3A_211 : vector<16xi32>
        %swap3A_213 = arith.constant 64 : index
        %swap3A_214 = tpu.vector_load %arg8[%swap3A_213] {strides = array<i32>} : memref<128xi32, #tpu.memory_space<vmem>>, vector<16xi32>,
        tpu.vector_store %arg8[%swap3A_213], %add3A_212 {strides = array<i32>} : memref<128xi32, #tpu.memory_space<vmem>>, vector<16xi32>,
        %get3A_215 = arith.constant 80 : index
        %get3A_216 = tpu.vector_load %arg7[%get3A_215] {strides = array<i32>} : memref<128xi32, #tpu.memory_space<vmem>>, vector<16xi32>,
        %add3A_217 = vector.broadcast %mul3A_0 : i32 to vector<16xi32>
        %add3A_218 = arith.addi %get3A_216, %add3A_217 : vector<16xi32>
        %swap3A_219 = arith.constant 80 : index
        %swap3A_220 = tpu.vector_load %arg8[%swap3A_219] {strides = array<i32>} : memref<128xi32, #tpu.memory_space<vmem>>, vector<16xi32>,
        tpu.vector_store %arg8[%swap3A_219], %add3A_218 {strides = array<i32>} : memref<128xi32, #tpu.memory_space<vmem>>, vector<16xi32>,
        %get3A_221 = arith.constant 96 : index
        %get3A_222 = tpu.vector_load %arg7[%get3A_221] {strides = array<i32>} : memref<128xi32, #tpu.memory_space<vmem>>, vector<16xi32>,
        %add3A_223 = vector.broadcast %mul3A_0 : i32 to vector<16xi32>
        %add3A_224 = arith.addi %get3A_222, %add3A_223 : vector<16xi32>
        %swap3A_225 = arith.constant 96 : index
        %swap3A_226 = tpu.vector_load %arg8[%swap3A_225] {strides = array<i32>} : memref<128xi32, #tpu.memory_space<vmem>>, vector<16xi32>,
        tpu.vector_store %arg8[%swap3A_225], %add3A_224 {strides = array<i32>} : memref<128xi32, #tpu.memory_space<vmem>>, vector<16xi32>,
        %get3A_227 = arith.constant 112 : index
        %get3A_228 = tpu.vector_load %arg7[%get3A_227] {strides = array<i32>} : memref<128xi32, #tpu.memory_space<vmem>>, vector<16xi32>,
        %add3A_229 = vector.broadcast %mul3A_0 : i32 to vector<16xi32>
        %add3A_230 = arith.addi %get3A_228, %add3A_229 : vector<16xi32>
        %swap3A_231 = arith.constant 112 : index
        %swap3A_232 = tpu.vector_load %arg8[%swap3A_231] {strides = array<i32>} : memref<128xi32, #tpu.memory_space<vmem>>, vector<16xi32>,
        tpu.vector_store %arg8[%swap3A_231], %add3A_230 {strides = array<i32>} : memref<128xi32, #tpu.memory_space<vmem>>, vector<16xi32>,
        %dma_start3A_233 = arith.constant 0 : i32
        %dma_start3A_234 = arith.constant 0 : i32
        %dma_start3A_235 = tpu.memref_slice %arg2[%dma_start3A_233, %dma_start3A_234] : memref<20000x128xf32, #tpu.memory_space<hbm>> -> memref<20000x128xf32, #tpu.memory_space<hbm>>
        tpu.enqueue_indirect_dma source(%dma_start3A_235 : memref<20000x128xf32, #tpu.memory_space<hbm>>) target(%arg13 : memref<128x128xf32, #tpu.memory_space<vmem>>) offsets(%arg8 : memref<128xi32, #tpu.memory_space<vmem>>) semaphore(%arg20 : memref<!tpu.dma_semaphore, #tpu.memory_space<semaphore_mem>>)
      } else {
      }
      tpu.wait_dma2 semaphore(%arg21 : memref<!tpu.dma_semaphore, #tpu.memory_space<semaphore_mem>>) src(%arg2 : memref<20000x128xf32, #tpu.memory_space<hbm>>) dst(%arg14 : memref<128x128xf32, #tpu.memory_space<vmem>>)
      "tpu.region"() ({
        %run_scoped3A = tpu.sem_alloc : memref<!tpu.dma_semaphore, #tpu.memory_space<semaphore_mem>>
        %dma_start3A_168 = arith.constant 0 : i32
        %dma_start3A_169 = arith.constant 0 : i32
        %dma_start3A_170 = tpu.memref_slice %arg19[%dma_start3A_168, %dma_start3A_169] : memref<10000x128xf32, #tpu.memory_space<vmem_shared>> -> memref<10000x128xf32, #tpu.memory_space<vmem_shared>>
        tpu.enqueue_indirect_dma source(%arg14 : memref<128x128xf32, #tpu.memory_space<vmem>>) target(%dma_start3A_170 : memref<10000x128xf32, #tpu.memory_space<vmem_shared>>) offsets(%arg12 : memref<128xi32, #tpu.memory_space<vmem>>) semaphore(%run_scoped3A : memref<!tpu.dma_semaphore, #tpu.memory_space<semaphore_mem>>) {add = true}
        %dma_wait3A_171 = arith.constant 0 : i32
        %dma_wait3A_172 = arith.constant 0 : i32
        %dma_wait3A_173 = tpu.memref_slice %arg19[%dma_wait3A_171, %dma_wait3A_172] : memref<10000x128xf32, #tpu.memory_space<vmem_shared>> -> memref<10000x128xf32, #tpu.memory_space<vmem_shared>>
        tpu.wait_indirect_dma semaphore(%run_scoped3A : memref<!tpu.dma_semaphore, #tpu.memory_space<semaphore_mem>>) src(%arg14 : memref<128x128xf32, #tpu.memory_space<vmem>>) dst(%dma_wait3A_173 : memref<10000x128xf32, #tpu.memory_space<vmem_shared>>)
        tpu.yield
      }) : () -> ()
    }
    %scan3A_69 = arith.constant 39 : i32
    %add3A_70 = arith.constant 9984 : i32
    %add3A_71 = arith.addi %mul3A_4, %add3A_70 : i32
    "tpu.region"() ({
      %run_scoped3A = tpu.sem_alloc : memref<!tpu.dma_semaphore, #tpu.memory_space<semaphore_mem>>
      %dma_start3A_93 = tpu.memref_slice %arg3[%add3A_71] : memref<160000xi32, #tpu.memory_space<hbm>> -> memref<16xi32, #tpu.memory_space<hbm>>
      %dma_start3A_94 = tpu.memref_slice %arg3[%add3A_71] : memref<160000xi32, #tpu.memory_space<hbm>> -> memref<16xi32, #tpu.memory_space<hbm>>
      tpu.enqueue_dma source(%dma_start3A_94 : memref<16xi32, #tpu.memory_space<hbm>>) target(%arg15 : memref<16xi32, #tpu.memory_space<vmem>>) target_semaphore(%run_scoped3A : memref<!tpu.dma_semaphore, #tpu.memory_space<semaphore_mem>>)
      %dma_wait3A_95 = tpu.memref_slice %arg3[%add3A_71] : memref<160000xi32, #tpu.memory_space<hbm>> -> memref<16xi32, #tpu.memory_space<hbm>>
      %dma_wait3A_96 = tpu.memref_slice %arg3[%add3A_71] : memref<160000xi32, #tpu.memory_space<hbm>> -> memref<16xi32, #tpu.memory_space<hbm>>
      tpu.wait_dma2 semaphore(%run_scoped3A : memref<!tpu.dma_semaphore, #tpu.memory_space<semaphore_mem>>) src(%dma_wait3A_96 : memref<16xi32, #tpu.memory_space<hbm>>) dst(%arg15 : memref<16xi32, #tpu.memory_space<vmem>>)
      tpu.yield
    }) : () -> ()
    %add3A_72 = arith.constant 9984 : i32
    %add3A_73 = arith.addi %mul3A_4, %add3A_72 : i32
    "tpu.region"() ({
      %run_scoped3A = tpu.sem_alloc : memref<!tpu.dma_semaphore, #tpu.memory_space<semaphore_mem>>
      %dma_start3A_93 = tpu.memref_slice %arg4[%add3A_73] : memref<160000xi32, #tpu.memory_space<hbm>> -> memref<16xi32, #tpu.memory_space<hbm>>
      %dma_start3A_94 = tpu.memref_slice %arg4[%add3A_73] : memref<160000xi32, #tpu.memory_space<hbm>> -> memref<16xi32, #tpu.memory_space<hbm>>
      tpu.enqueue_dma source(%dma_start3A_94 : memref<16xi32, #tpu.memory_space<hbm>>) target(%arg17 : memref<16xi32, #tpu.memory_space<vmem>>) target_semaphore(%run_scoped3A : memref<!tpu.dma_semaphore, #tpu.memory_space<semaphore_mem>>)
      %dma_wait3A_95 = tpu.memref_slice %arg4[%add3A_73] : memref<160000xi32, #tpu.memory_space<hbm>> -> memref<16xi32, #tpu.memory_space<hbm>>
      %dma_wait3A_96 = tpu.memref_slice %arg4[%add3A_73] : memref<160000xi32, #tpu.memory_space<hbm>> -> memref<16xi32, #tpu.memory_space<hbm>>
      tpu.wait_dma2 semaphore(%run_scoped3A : memref<!tpu.dma_semaphore, #tpu.memory_space<semaphore_mem>>) src(%dma_wait3A_96 : memref<16xi32, #tpu.memory_space<hbm>>) dst(%arg17 : memref<16xi32, #tpu.memory_space<vmem>>)
      tpu.yield
    }) : () -> ()
    %get3A_74 = arith.constant 0 : index
    %get3A_75 = tpu.vector_load %arg15[%get3A_74] {strides = array<i32>} : memref<16xi32, #tpu.memory_space<vmem>>, vector<16xi32>,
    %add3A_76 = vector.broadcast %mul3A_0 : i32 to vector<16xi32>
    %add3A_77 = arith.addi %get3A_75, %add3A_76 : vector<16xi32>
    %swap3A_78 = arith.constant 0 : index
    %swap3A_79 = tpu.vector_load %arg16[%swap3A_78] {strides = array<i32>} : memref<16xi32, #tpu.memory_space<vmem>>, vector<16xi32>,
    tpu.vector_store %arg16[%swap3A_78], %add3A_77 {strides = array<i32>} : memref<16xi32, #tpu.memory_space<vmem>>, vector<16xi32>,
    %dma_start3A_80 = arith.constant 0 : i32
    %dma_start3A_81 = arith.constant 0 : i32
    %dma_start3A_82 = tpu.memref_slice %arg2[%dma_start3A_80, %dma_start3A_81] : memref<20000x128xf32, #tpu.memory_space<hbm>> -> memref<20000x128xf32, #tpu.memory_space<hbm>>
    tpu.enqueue_indirect_dma source(%dma_start3A_82 : memref<20000x128xf32, #tpu.memory_space<hbm>>) target(%arg18 : memref<16x128xf32, #tpu.memory_space<vmem>>) offsets(%arg16 : memref<16xi32, #tpu.memory_space<vmem>>) semaphore(%arg20 : memref<!tpu.dma_semaphore, #tpu.memory_space<semaphore_mem>>)
    %dma_wait3A_83 = arith.constant 0 : i32
    %dma_wait3A_84 = arith.constant 0 : i32
    %dma_wait3A_85 = tpu.memref_slice %arg2[%dma_wait3A_83, %dma_wait3A_84] : memref<20000x128xf32, #tpu.memory_space<hbm>> -> memref<20000x128xf32, #tpu.memory_space<hbm>>
    tpu.wait_indirect_dma semaphore(%arg20 : memref<!tpu.dma_semaphore, #tpu.memory_space<semaphore_mem>>) src(%dma_wait3A_85 : memref<20000x128xf32, #tpu.memory_space<hbm>>) dst(%arg18 : memref<16x128xf32, #tpu.memory_space<vmem>>)
    "tpu.region"() ({
      %run_scoped3A = tpu.sem_alloc : memref<!tpu.dma_semaphore, #tpu.memory_space<semaphore_mem>>
      %dma_start3A_93 = arith.constant 0 : i32
      %dma_start3A_94 = arith.constant 0 : i32
      %dma_start3A_95 = tpu.memref_slice %arg19[%dma_start3A_93, %dma_start3A_94] : memref<10000x128xf32, #tpu.memory_space<vmem_shared>> -> memref<10000x128xf32, #tpu.memory_space<vmem_shared>>
      tpu.enqueue_indirect_dma source(%arg18 : memref<16x128xf32, #tpu.memory_space<vmem>>) target(%dma_start3A_95 : memref<10000x128xf32, #tpu.memory_space<vmem_shared>>) offsets(%arg17 : memref<16xi32, #tpu.memory_space<vmem>>) semaphore(%run_scoped3A : memref<!tpu.dma_semaphore, #tpu.memory_space<semaphore_mem>>) {add = true}
      %dma_wait3A_96 = arith.constant 0 : i32
      %dma_wait3A_97 = arith.constant 0 : i32
      %dma_wait3A_98 = tpu.memref_slice %arg19[%dma_wait3A_96, %dma_wait3A_97] : memref<10000x128xf32, #tpu.memory_space<vmem_shared>> -> memref<10000x128xf32, #tpu.memory_space<vmem_shared>>
      tpu.wait_indirect_dma semaphore(%run_scoped3A : memref<!tpu.dma_semaphore, #tpu.memory_space<semaphore_mem>>) src(%arg18 : memref<16x128xf32, #tpu.memory_space<vmem>>) dst(%dma_wait3A_98 : memref<10000x128xf32, #tpu.memory_space<vmem_shared>>)
      tpu.yield
    }) : () -> ()
    %barrier3A_86 = arith.constant 0 : index
    tpu.barrier barrier_id(%barrier3A_86)
    %add3A_87 = arith.addi %mul3A_0, %mul3A_2 : i32
    "tpu.region"() ({
      %run_scoped3A = tpu.sem_alloc : memref<!tpu.dma_semaphore, #tpu.memory_space<semaphore_mem>>
      %dma_start3A_93 = arith.constant 0 : i32
      %dma_start3A_94 = tpu.memref_slice %arg6[%add3A_87, %dma_start3A_93] : memref<20000x128xf32, #tpu.memory_space<hbm>> -> memref<624x128xf32, #tpu.memory_space<hbm>>
      %dma_start3A_95 = arith.constant 0 : i32
      %dma_start3A_96 = tpu.memref_slice %arg19[%mul3A_2, %dma_start3A_95] : memref<10000x128xf32, #tpu.memory_space<vmem_shared>> -> memref<624x128xf32, #tpu.memory_space<vmem_shared>>
      tpu.enqueue_dma source(%dma_start3A_96 : memref<624x128xf32, #tpu.memory_space<vmem_shared>>) target(%dma_start3A_94 : memref<624x128xf32, #tpu.memory_space<hbm>>) target_semaphore(%run_scoped3A : memref<!tpu.dma_semaphore, #tpu.memory_space<semaphore_mem>>)
      %dma_wait3A_97 = arith.constant 0 : i32
      %dma_wait3A_98 = tpu.memref_slice %arg6[%add3A_87, %dma_wait3A_97] : memref<20000x128xf32, #tpu.memory_space<hbm>> -> memref<624x128xf32, #tpu.memory_space<hbm>>
      %dma_wait3A_99 = arith.constant 0 : i32
      %dma_wait3A_100 = tpu.memref_slice %arg19[%mul3A_2, %dma_wait3A_99] : memref<10000x128xf32, #tpu.memory_space<vmem_shared>> -> memref<624x128xf32, #tpu.memory_space<vmem_shared>>
      tpu.wait_dma2 semaphore(%run_scoped3A : memref<!tpu.dma_semaphore, #tpu.memory_space<semaphore_mem>>) src(%dma_wait3A_100 : memref<624x128xf32, #tpu.memory_space<vmem_shared>>) dst(%dma_wait3A_98 : memref<624x128xf32, #tpu.memory_space<hbm>>)
      tpu.yield
    }) : () -> ()
    %eq3A_88 = arith.constant 15 : i32
    %eq3A_89 = arith.cmpi eq, %arg1, %eq3A_88 : i32
    %convert_element_type3A_90 = arith.extui %eq3A_89 : i1 to i32
    %cond3A_91 = arith.constant 0 : i32
    %cond3A_92 = arith.cmpi ne, %convert_element_type3A_90, %cond3A_91 : i32
    scf.if %cond3A_92 {
      %add3A_93 = arith.constant 9984 : i32
      %add3A_94 = arith.addi %mul3A_0, %add3A_93 : i32
      "tpu.region"() ({
        %run_scoped3A = tpu.sem_alloc : memref<!tpu.dma_semaphore, #tpu.memory_space<semaphore_mem>>
        %dma_start3A_95 = arith.constant 0 : i32
        %dma_start3A_96 = tpu.memref_slice %arg6[%add3A_94, %dma_start3A_95] : memref<20000x128xf32, #tpu.memory_space<hbm>> -> memref<16x128xf32, #tpu.memory_space<hbm>>
        %dma_start3A_97 = arith.constant 9984 : i32
        %dma_start3A_98 = arith.constant 0 : i32
        %dma_start3A_99 = tpu.memref_slice %arg19[%dma_start3A_97, %dma_start3A_98] : memref<10000x128xf32, #tpu.memory_space<vmem_shared>> -> memref<16x128xf32, #tpu.memory_space<vmem_shared>>
        tpu.enqueue_dma source(%dma_start3A_99 : memref<16x128xf32, #tpu.memory_space<vmem_shared>>) target(%dma_start3A_96 : memref<16x128xf32, #tpu.memory_space<hbm>>) target_semaphore(%run_scoped3A : memref<!tpu.dma_semaphore, #tpu.memory_space<semaphore_mem>>)
        %dma_wait3A_100 = arith.constant 0 : i32
        %dma_wait3A_101 = tpu.memref_slice %arg6[%add3A_94, %dma_wait3A_100] : memref<20000x128xf32, #tpu.memory_space<hbm>> -> memref<16x128xf32, #tpu.memory_space<hbm>>
        %dma_wait3A_102 = arith.constant 9984 : i32
        %dma_wait3A_103 = arith.constant 0 : i32
        %dma_wait3A_104 = tpu.memref_slice %arg19[%dma_wait3A_102, %dma_wait3A_103] : memref<10000x128xf32, #tpu.memory_space<vmem_shared>> -> memref<16x128xf32, #tpu.memory_space<vmem_shared>>
        tpu.wait_dma2 semaphore(%run_scoped3A : memref<!tpu.dma_semaphore, #tpu.memory_space<semaphore_mem>>) src(%dma_wait3A_104 : memref<16x128xf32, #tpu.memory_space<vmem_shared>>) dst(%dma_wait3A_101 : memref<16x128xf32, #tpu.memory_space<hbm>>)
        tpu.yield
      }) : () -> ()
    } else {
    }
    return
  }
}

#map = affine_map<(d0, d1) -> (0, 0)>
#map1 = affine_map<(d0, d1) -> (0)>
module attributes {stable_mosaic.version = 14 : i64} {
  func.func @k(%arg0: i32, %arg1: i32, %arg2: memref<20000x128xf32, #tpu.memory_space<hbm>>, %arg3: memref<160000xi32, #tpu.memory_space<hbm>>, %arg4: memref<160000xi32, #tpu.memory_space<hbm>>, %arg5: memref<624x128xf32, #tpu.memory_space<hbm>>, %arg6: memref<20000x128xf32, #tpu.memory_space<hbm>>, %arg7: memref<128xi32, #tpu.memory_space<vmem>>, %arg8: memref<128xi32, #tpu.memory_space<vmem>>, %arg9: memref<128xi32, #tpu.memory_space<vmem>>, %arg10: memref<128xi32, #tpu.memory_space<vmem>>, %arg11: memref<128xi32, #tpu.memory_space<vmem>>, %arg12: memref<128xi32, #tpu.memory_space<vmem>>, %arg13: memref<128x128xf32, #tpu.memory_space<vmem>>, %arg14: memref<128x128xf32, #tpu.memory_space<vmem>>, %arg15: memref<16xi32, #tpu.memory_space<vmem>>, %arg16: memref<16xi32, #tpu.memory_space<vmem>>, %arg17: memref<16xi32, #tpu.memory_space<vmem>>, %arg18: memref<16x128xf32, #tpu.memory_space<vmem>>, %arg19: memref<10000x128xf32, #tpu.memory_space<vmem_shared>>, %arg20: memref<!tpu.dma_semaphore, #tpu.memory_space<semaphore_mem>>, %arg21: memref<!tpu.dma_semaphore, #tpu.memory_space<semaphore_mem>>, %arg22: memref<!tpu.dma_semaphore, #tpu.memory_space<semaphore_mem>>, %arg23: memref<!tpu.dma_semaphore, #tpu.memory_space<semaphore_mem>>) attributes {dimension_semantics = [#tpu.dimension_semantics<core_parallel>, #tpu.dimension_semantics<subcore_parallel>], iteration_bounds = array<i64: 2, 16>, scalar_prefetch = 0 : i64, scratch_operands = 17 : i64, tpu.core_type = #tpu.core_type<sc_vector_subcore>, window_params = [{transform_indices = #map}, {transform_indices = #map1}, {transform_indices = #map1}, {transform_indices = #map}, {transform_indices = #map}]} {
    %mul3A = arith.constant 10000 : i32
    %mul3A_0 = arith.muli %arg0, %mul3A : i32
    %mul3A_1 = arith.constant 624 : i32
    %mul3A_2 = arith.muli %arg1, %mul3A_1 : i32
    %mul3A_3 = arith.constant 10000 : i32
    %mul3A_4 = arith.muli %arg1, %mul3A_3 : i32
    %dma_start3A = tpu.memref_slice %arg3[%mul3A_4] : memref<160000xi32, #tpu.memory_space<hbm>> -> memref<128xi32, #tpu.memory_space<hbm>>
    %dma_start3A_5 = tpu.memref_slice %arg3[%mul3A_4] : memref<160000xi32, #tpu.memory_space<hbm>> -> memref<128xi32, #tpu.memory_space<hbm>>
    tpu.enqueue_dma source(%dma_start3A_5 : memref<128xi32, #tpu.memory_space<hbm>>) target(%arg7 : memref<128xi32, #tpu.memory_space<vmem>>) target_semaphore(%arg22 : memref<!tpu.dma_semaphore, #tpu.memory_space<semaphore_mem>>)
    %dma_start3A_6 = tpu.memref_slice %arg4[%mul3A_4] : memref<160000xi32, #tpu.memory_space<hbm>> -> memref<128xi32, #tpu.memory_space<hbm>>
    %dma_start3A_7 = tpu.memref_slice %arg4[%mul3A_4] : memref<160000xi32, #tpu.memory_space<hbm>> -> memref<128xi32, #tpu.memory_space<hbm>>
    tpu.enqueue_dma source(%dma_start3A_7 : memref<128xi32, #tpu.memory_space<hbm>>) target(%arg9 : memref<128xi32, #tpu.memory_space<vmem>>) target_semaphore(%arg22 : memref<!tpu.dma_semaphore, #tpu.memory_space<semaphore_mem>>)
    "tpu.region"() ({
      %run_scoped3A = tpu.sem_alloc : memref<!tpu.dma_semaphore, #tpu.memory_space<semaphore_mem>>
      %dma_start3A_93 = arith.constant 0 : i32
      %dma_start3A_94 = tpu.memref_slice %arg19[%mul3A_2, %dma_start3A_93] : memref<10000x128xf32, #tpu.memory_space<vmem_shared>> -> memref<624x128xf32, #tpu.memory_space<vmem_shared>>
      %dma_start3A_95 = arith.constant 0 : i32
      %dma_start3A_96 = arith.constant 0 : i32
      %dma_start3A_97 = tpu.memref_slice %arg5[%dma_start3A_95, %dma_start3A_96] : memref<624x128xf32, #tpu.memory_space<hbm>> -> memref<624x128xf32, #tpu.memory_space<hbm>>
      tpu.enqueue_dma source(%dma_start3A_97 : memref<624x128xf32, #tpu.memory_space<hbm>>) target(%dma_start3A_94 : memref<624x128xf32, #tpu.memory_space<vmem_shared>>) target_semaphore(%run_scoped3A : memref<!tpu.dma_semaphore, #tpu.memory_space<semaphore_mem>>)
      %dma_wait3A_98 = arith.constant 0 : i32
      %dma_wait3A_99 = tpu.memref_slice %arg19[%mul3A_2, %dma_wait3A_98] : memref<10000x128xf32, #tpu.memory_space<vmem_shared>> -> memref<624x128xf32, #tpu.memory_space<vmem_shared>>
      %dma_wait3A_100 = arith.constant 0 : i32
      %dma_wait3A_101 = arith.constant 0 : i32
      %dma_wait3A_102 = tpu.memref_slice %arg5[%dma_wait3A_100, %dma_wait3A_101] : memref<624x128xf32, #tpu.memory_space<hbm>> -> memref<624x128xf32, #tpu.memory_space<hbm>>
      tpu.wait_dma2 semaphore(%run_scoped3A : memref<!tpu.dma_semaphore, #tpu.memory_space<semaphore_mem>>) src(%dma_wait3A_102 : memref<624x128xf32, #tpu.memory_space<hbm>>) dst(%dma_wait3A_99 : memref<624x128xf32, #tpu.memory_space<vmem_shared>>)
      tpu.yield
    }) : () -> ()
    %eq3A = arith.constant 15 : i32
    %eq3A_8 = arith.cmpi eq, %arg1, %eq3A : i32
    %convert_element_type3A = arith.extui %eq3A_8 : i1 to i32
    %cond3A = arith.constant 0 : i32
    %cond3A_9 = arith.cmpi ne, %convert_element_type3A, %cond3A : i32
    scf.if %cond3A_9 {
      "tpu.region"() ({
        %run_scoped3A = tpu.sem_alloc : memref<!tpu.dma_semaphore, #tpu.memory_space<semaphore_mem>>
        %dma_start3A_93 = arith.constant 9984 : i32
        %dma_start3A_94 = arith.constant 0 : i32
        %dma_start3A_95 = tpu.memref_slice %arg19[%dma_start3A_93, %dma_start3A_94] : memref<10000x128xf32, #tpu.memory_space<vmem_shared>> -> memref<16x128xf32, #tpu.memory_space<vmem_shared>>
        %dma_start3A_96 = arith.constant 0 : i32
        %dma_start3A_97 = arith.constant 0 : i32
        %dma_start3A_98 = tpu.memref_slice %arg5[%dma_start3A_96, %dma_start3A_97] : memref<624x128xf32, #tpu.memory_space<hbm>> -> memref<16x128xf32, #tpu.memory_space<hbm>>
        tpu.enqueue_dma source(%dma_start3A_98 : memref<16x128xf32, #tpu.memory_space<hbm>>) target(%dma_start3A_95 : memref<16x128xf32, #tpu.memory_space<vmem_shared>>) target_semaphore(%run_scoped3A : memref<!tpu.dma_semaphore, #tpu.memory_space<semaphore_mem>>)
        %dma_wait3A_99 = arith.constant 9984 : i32
        %dma_wait3A_100 = arith.constant 0 : i32
        %dma_wait3A_101 = tpu.memref_slice %arg19[%dma_wait3A_99, %dma_wait3A_100] : memref<10000x128xf32, #tpu.memory_space<vmem_shared>> -> memref<16x128xf32, #tpu.memory_space<vmem_shared>>
        %dma_wait3A_102 = arith.constant 0 : i32
        %dma_wait3A_103 = arith.constant 0 : i32
        %dma_wait3A_104 = tpu.memref_slice %arg5[%dma_wait3A_102, %dma_wait3A_103] : memref<624x128xf32, #tpu.memory_space<hbm>> -> memref<16x128xf32, #tpu.memory_space<hbm>>
        tpu.wait_dma2 semaphore(%run_scoped3A : memref<!tpu.dma_semaphore, #tpu.memory_space<semaphore_mem>>) src(%dma_wait3A_104 : memref<16x128xf32, #tpu.memory_space<hbm>>) dst(%dma_wait3A_101 : memref<16x128xf32, #tpu.memory_space<vmem_shared>>)
        tpu.yield
      }) : () -> ()
    } else {
    }
    %barrier3A = arith.constant 0 : index
    tpu.barrier barrier_id(%barrier3A)
    %dma_wait3A = arith.constant 0 : i32
    %dma_wait3A_10 = tpu.memref_slice %arg3[%dma_wait3A] : memref<160000xi32, #tpu.memory_space<hbm>> -> memref<128xi32, #tpu.memory_space<hbm>>
    %dma_wait3A_11 = arith.constant 0 : i32
    %dma_wait3A_12 = tpu.memref_slice %arg3[%dma_wait3A_11] : memref<160000xi32, #tpu.memory_space<hbm>> -> memref<128xi32, #tpu.memory_space<hbm>>
    tpu.wait_dma2 semaphore(%arg22 : memref<!tpu.dma_semaphore, #tpu.memory_space<semaphore_mem>>) src(%dma_wait3A_12 : memref<128xi32, #tpu.memory_space<hbm>>) dst(%arg7 : memref<128xi32, #tpu.memory_space<vmem>>)
    %dma_wait3A_13 = arith.constant 0 : i32
    %dma_wait3A_14 = tpu.memref_slice %arg3[%dma_wait3A_13] : memref<160000xi32, #tpu.memory_space<hbm>> -> memref<128xi32, #tpu.memory_space<hbm>>
    %dma_wait3A_15 = arith.constant 0 : i32
    %dma_wait3A_16 = tpu.memref_slice %arg3[%dma_wait3A_15] : memref<160000xi32, #tpu.memory_space<hbm>> -> memref<128xi32, #tpu.memory_space<hbm>>
    tpu.wait_dma2 semaphore(%arg22 : memref<!tpu.dma_semaphore, #tpu.memory_space<semaphore_mem>>) src(%dma_wait3A_16 : memref<128xi32, #tpu.memory_space<hbm>>) dst(%arg9 : memref<128xi32, #tpu.memory_space<vmem>>)
    %get3A = arith.constant 0 : index
    %get3A_17 = tpu.vector_load %arg7[%get3A] {strides = array<i32>} : memref<128xi32, #tpu.memory_space<vmem>>, vector<16xi32>,
    %add3A = vector.broadcast %mul3A_0 : i32 to vector<16xi32>
    %add3A_18 = arith.addi %get3A_17, %add3A : vector<16xi32>
    %swap3A = arith.constant 0 : index
    %swap3A_19 = tpu.vector_load %arg8[%swap3A] {strides = array<i32>} : memref<128xi32, #tpu.memory_space<vmem>>, vector<16xi32>,
    tpu.vector_store %arg8[%swap3A], %add3A_18 {strides = array<i32>} : memref<128xi32, #tpu.memory_space<vmem>>, vector<16xi32>,
    %get3A_20 = arith.constant 16 : index
    %get3A_21 = tpu.vector_load %arg7[%get3A_20] {strides = array<i32>} : memref<128xi32, #tpu.memory_space<vmem>>, vector<16xi32>,
    %add3A_22 = vector.broadcast %mul3A_0 : i32 to vector<16xi32>
    %add3A_23 = arith.addi %get3A_21, %add3A_22 : vector<16xi32>
    %swap3A_24 = arith.constant 16 : index
    %swap3A_25 = tpu.vector_load %arg8[%swap3A_24] {strides = array<i32>} : memref<128xi32, #tpu.memory_space<vmem>>, vector<16xi32>,
    tpu.vector_store %arg8[%swap3A_24], %add3A_23 {strides = array<i32>} : memref<128xi32, #tpu.memory_space<vmem>>, vector<16xi32>,
    %get3A_26 = arith.constant 32 : index
    %get3A_27 = tpu.vector_load %arg7[%get3A_26] {strides = array<i32>} : memref<128xi32, #tpu.memory_space<vmem>>, vector<16xi32>,
    %add3A_28 = vector.broadcast %mul3A_0 : i32 to vector<16xi32>
    %add3A_29 = arith.addi %get3A_27, %add3A_28 : vector<16xi32>
    %swap3A_30 = arith.constant 32 : index
    %swap3A_31 = tpu.vector_load %arg8[%swap3A_30] {strides = array<i32>} : memref<128xi32, #tpu.memory_space<vmem>>, vector<16xi32>,
    tpu.vector_store %arg8[%swap3A_30], %add3A_29 {strides = array<i32>} : memref<128xi32, #tpu.memory_space<vmem>>, vector<16xi32>,
    %get3A_32 = arith.constant 48 : index
    %get3A_33 = tpu.vector_load %arg7[%get3A_32] {strides = array<i32>} : memref<128xi32, #tpu.memory_space<vmem>>, vector<16xi32>,
    %add3A_34 = vector.broadcast %mul3A_0 : i32 to vector<16xi32>
    %add3A_35 = arith.addi %get3A_33, %add3A_34 : vector<16xi32>
    %swap3A_36 = arith.constant 48 : index
    %swap3A_37 = tpu.vector_load %arg8[%swap3A_36] {strides = array<i32>} : memref<128xi32, #tpu.memory_space<vmem>>, vector<16xi32>,
    tpu.vector_store %arg8[%swap3A_36], %add3A_35 {strides = array<i32>} : memref<128xi32, #tpu.memory_space<vmem>>, vector<16xi32>,
    %get3A_38 = arith.constant 64 : index
    %get3A_39 = tpu.vector_load %arg7[%get3A_38] {strides = array<i32>} : memref<128xi32, #tpu.memory_space<vmem>>, vector<16xi32>,
    %add3A_40 = vector.broadcast %mul3A_0 : i32 to vector<16xi32>
    %add3A_41 = arith.addi %get3A_39, %add3A_40 : vector<16xi32>
    %swap3A_42 = arith.constant 64 : index
    %swap3A_43 = tpu.vector_load %arg8[%swap3A_42] {strides = array<i32>} : memref<128xi32, #tpu.memory_space<vmem>>, vector<16xi32>,
    tpu.vector_store %arg8[%swap3A_42], %add3A_41 {strides = array<i32>} : memref<128xi32, #tpu.memory_space<vmem>>, vector<16xi32>,
    %get3A_44 = arith.constant 80 : index
    %get3A_45 = tpu.vector_load %arg7[%get3A_44] {strides = array<i32>} : memref<128xi32, #tpu.memory_space<vmem>>, vector<16xi32>,
    %add3A_46 = vector.broadcast %mul3A_0 : i32 to vector<16xi32>
    %add3A_47 = arith.addi %get3A_45, %add3A_46 : vector<16xi32>
    %swap3A_48 = arith.constant 80 : index
    %swap3A_49 = tpu.vector_load %arg8[%swap3A_48] {strides = array<i32>} : memref<128xi32, #tpu.memory_space<vmem>>, vector<16xi32>,
    tpu.vector_store %arg8[%swap3A_48], %add3A_47 {strides = array<i32>} : memref<128xi32, #tpu.memory_space<vmem>>, vector<16xi32>,
    %get3A_50 = arith.constant 96 : index
    %get3A_51 = tpu.vector_load %arg7[%get3A_50] {strides = array<i32>} : memref<128xi32, #tpu.memory_space<vmem>>, vector<16xi32>,
    %add3A_52 = vector.broadcast %mul3A_0 : i32 to vector<16xi32>
    %add3A_53 = arith.addi %get3A_51, %add3A_52 : vector<16xi32>
    %swap3A_54 = arith.constant 96 : index
    %swap3A_55 = tpu.vector_load %arg8[%swap3A_54] {strides = array<i32>} : memref<128xi32, #tpu.memory_space<vmem>>, vector<16xi32>,
    tpu.vector_store %arg8[%swap3A_54], %add3A_53 {strides = array<i32>} : memref<128xi32, #tpu.memory_space<vmem>>, vector<16xi32>,
    %get3A_56 = arith.constant 112 : index
    %get3A_57 = tpu.vector_load %arg7[%get3A_56] {strides = array<i32>} : memref<128xi32, #tpu.memory_space<vmem>>, vector<16xi32>,
    %add3A_58 = vector.broadcast %mul3A_0 : i32 to vector<16xi32>
    %add3A_59 = arith.addi %get3A_57, %add3A_58 : vector<16xi32>
    %swap3A_60 = arith.constant 112 : index
    %swap3A_61 = tpu.vector_load %arg8[%swap3A_60] {strides = array<i32>} : memref<128xi32, #tpu.memory_space<vmem>>, vector<16xi32>,
    tpu.vector_store %arg8[%swap3A_60], %add3A_59 {strides = array<i32>} : memref<128xi32, #tpu.memory_space<vmem>>, vector<16xi32>,
    %dma_start3A_62 = arith.constant 0 : i32
    %dma_start3A_63 = arith.constant 0 : i32
    %dma_start3A_64 = tpu.memref_slice %arg2[%dma_start3A_62, %dma_start3A_63] : memref<20000x128xf32, #tpu.memory_space<hbm>> -> memref<20000x128xf32, #tpu.memory_space<hbm>>
    tpu.enqueue_indirect_dma source(%dma_start3A_64 : memref<20000x128xf32, #tpu.memory_space<hbm>>) target(%arg13 : memref<128x128xf32, #tpu.memory_space<vmem>>) offsets(%arg8 : memref<128xi32, #tpu.memory_space<vmem>>) semaphore(%arg20 : memref<!tpu.dma_semaphore, #tpu.memory_space<semaphore_mem>>)
    %scan3A = arith.constant 0 : i32
    %scan3A_65 = arith.constant 0 : i32
    %scan3A_66 = arith.constant 39 : i32
    %scan3A_67 = arith.addi %scan3A_65, %scan3A_66 : i32
    %scan3A_68 = arith.constant 1 : i32
    scf.for %scan3A_93 = %scan3A_65 to %scan3A_67 step %scan3A_68  : i32 {
      %mul3A_94 = arith.constant 2 : i32
      %mul3A_95 = arith.muli %mul3A_94, %scan3A_93 : i32
      %add3A_96 = arith.constant 1 : i32
      %add3A_97 = arith.addi %mul3A_95, %add3A_96 : i32
      %mul3A_98 = arith.constant 128 : i32
      %mul3A_99 = arith.muli %add3A_97, %mul3A_98 : i32
      %add3A_100 = arith.addi %mul3A_4, %mul3A_99 : i32
      %dma_start3A_101 = tpu.memref_slice %arg3[%add3A_100] : memref<160000xi32, #tpu.memory_space<hbm>> -> memref<128xi32, #tpu.memory_space<hbm>>
      %dma_start3A_102 = tpu.memref_slice %arg3[%add3A_100] : memref<160000xi32, #tpu.memory_space<hbm>> -> memref<128xi32, #tpu.memory_space<hbm>>
      tpu.enqueue_dma source(%dma_start3A_102 : memref<128xi32, #tpu.memory_space<hbm>>) target(%arg10 : memref<128xi32, #tpu.memory_space<vmem>>) target_semaphore(%arg23 : memref<!tpu.dma_semaphore, #tpu.memory_space<semaphore_mem>>)
      %dma_start3A_103 = tpu.memref_slice %arg4[%add3A_100] : memref<160000xi32, #tpu.memory_space<hbm>> -> memref<128xi32, #tpu.memory_space<hbm>>
      %dma_start3A_104 = tpu.memref_slice %arg4[%add3A_100] : memref<160000xi32, #tpu.memory_space<hbm>> -> memref<128xi32, #tpu.memory_space<hbm>>
      tpu.enqueue_dma source(%dma_start3A_104 : memref<128xi32, #tpu.memory_space<hbm>>) target(%arg12 : memref<128xi32, #tpu.memory_space<vmem>>) target_semaphore(%arg23 : memref<!tpu.dma_semaphore, #tpu.memory_space<semaphore_mem>>)
      %dma_wait3A_105 = arith.constant 0 : i32
      %dma_wait3A_106 = tpu.memref_slice %arg3[%dma_wait3A_105] : memref<160000xi32, #tpu.memory_space<hbm>> -> memref<128xi32, #tpu.memory_space<hbm>>
      %dma_wait3A_107 = arith.constant 0 : i32
      %dma_wait3A_108 = tpu.memref_slice %arg3[%dma_wait3A_107] : memref<160000xi32, #tpu.memory_space<hbm>> -> memref<128xi32, #tpu.memory_space<hbm>>
      tpu.wait_dma2 semaphore(%arg23 : memref<!tpu.dma_semaphore, #tpu.memory_space<semaphore_mem>>) src(%dma_wait3A_108 : memref<128xi32, #tpu.memory_space<hbm>>) dst(%arg10 : memref<128xi32, #tpu.memory_space<vmem>>)
      %dma_wait3A_109 = arith.constant 0 : i32
      %dma_wait3A_110 = tpu.memref_slice %arg3[%dma_wait3A_109] : memref<160000xi32, #tpu.memory_space<hbm>> -> memref<128xi32, #tpu.memory_space<hbm>>
      %dma_wait3A_111 = arith.constant 0 : i32
      %dma_wait3A_112 = tpu.memref_slice %arg3[%dma_wait3A_111] : memref<160000xi32, #tpu.memory_space<hbm>> -> memref<128xi32, #tpu.memory_space<hbm>>
      tpu.wait_dma2 semaphore(%arg23 : memref<!tpu.dma_semaphore, #tpu.memory_space<semaphore_mem>>) src(%dma_wait3A_112 : memref<128xi32, #tpu.memory_space<hbm>>) dst(%arg12 : memref<128xi32, #tpu.memory_space<vmem>>)
      %get3A_113 = arith.constant 0 : index
      %get3A_114 = tpu.vector_load %arg10[%get3A_113] {strides = array<i32>} : memref<128xi32, #tpu.memory_space<vmem>>, vector<16xi32>,
      %add3A_115 = vector.broadcast %mul3A_0 : i32 to vector<16xi32>
      %add3A_116 = arith.addi %get3A_114, %add3A_115 : vector<16xi32>
      %swap3A_117 = arith.constant 0 : index
      %swap3A_118 = tpu.vector_load %arg11[%swap3A_117] {strides = array<i32>} : memref<128xi32, #tpu.memory_space<vmem>>, vector<16xi32>,
      tpu.vector_store %arg11[%swap3A_117], %add3A_116 {strides = array<i32>} : memref<128xi32, #tpu.memory_space<vmem>>, vector<16xi32>,
      %get3A_119 = arith.constant 16 : index
      %get3A_120 = tpu.vector_load %arg10[%get3A_119] {strides = array<i32>} : memref<128xi32, #tpu.memory_space<vmem>>, vector<16xi32>,
      %add3A_121 = vector.broadcast %mul3A_0 : i32 to vector<16xi32>
      %add3A_122 = arith.addi %get3A_120, %add3A_121 : vector<16xi32>
      %swap3A_123 = arith.constant 16 : index
      %swap3A_124 = tpu.vector_load %arg11[%swap3A_123] {strides = array<i32>} : memref<128xi32, #tpu.memory_space<vmem>>, vector<16xi32>,
      tpu.vector_store %arg11[%swap3A_123], %add3A_122 {strides = array<i32>} : memref<128xi32, #tpu.memory_space<vmem>>, vector<16xi32>,
      %get3A_125 = arith.constant 32 : index
      %get3A_126 = tpu.vector_load %arg10[%get3A_125] {strides = array<i32>} : memref<128xi32, #tpu.memory_space<vmem>>, vector<16xi32>,
      %add3A_127 = vector.broadcast %mul3A_0 : i32 to vector<16xi32>
      %add3A_128 = arith.addi %get3A_126, %add3A_127 : vector<16xi32>
      %swap3A_129 = arith.constant 32 : index
      %swap3A_130 = tpu.vector_load %arg11[%swap3A_129] {strides = array<i32>} : memref<128xi32, #tpu.memory_space<vmem>>, vector<16xi32>,
      tpu.vector_store %arg11[%swap3A_129], %add3A_128 {strides = array<i32>} : memref<128xi32, #tpu.memory_space<vmem>>, vector<16xi32>,
      %get3A_131 = arith.constant 48 : index
      %get3A_132 = tpu.vector_load %arg10[%get3A_131] {strides = array<i32>} : memref<128xi32, #tpu.memory_space<vmem>>, vector<16xi32>,
      %add3A_133 = vector.broadcast %mul3A_0 : i32 to vector<16xi32>
      %add3A_134 = arith.addi %get3A_132, %add3A_133 : vector<16xi32>
      %swap3A_135 = arith.constant 48 : index
      %swap3A_136 = tpu.vector_load %arg11[%swap3A_135] {strides = array<i32>} : memref<128xi32, #tpu.memory_space<vmem>>, vector<16xi32>,
      tpu.vector_store %arg11[%swap3A_135], %add3A_134 {strides = array<i32>} : memref<128xi32, #tpu.memory_space<vmem>>, vector<16xi32>,
      %get3A_137 = arith.constant 64 : index
      %get3A_138 = tpu.vector_load %arg10[%get3A_137] {strides = array<i32>} : memref<128xi32, #tpu.memory_space<vmem>>, vector<16xi32>,
      %add3A_139 = vector.broadcast %mul3A_0 : i32 to vector<16xi32>
      %add3A_140 = arith.addi %get3A_138, %add3A_139 : vector<16xi32>
      %swap3A_141 = arith.constant 64 : index
      %swap3A_142 = tpu.vector_load %arg11[%swap3A_141] {strides = array<i32>} : memref<128xi32, #tpu.memory_space<vmem>>, vector<16xi32>,
      tpu.vector_store %arg11[%swap3A_141], %add3A_140 {strides = array<i32>} : memref<128xi32, #tpu.memory_space<vmem>>, vector<16xi32>,
      %get3A_143 = arith.constant 80 : index
      %get3A_144 = tpu.vector_load %arg10[%get3A_143] {strides = array<i32>} : memref<128xi32, #tpu.memory_space<vmem>>, vector<16xi32>,
      %add3A_145 = vector.broadcast %mul3A_0 : i32 to vector<16xi32>
      %add3A_146 = arith.addi %get3A_144, %add3A_145 : vector<16xi32>
      %swap3A_147 = arith.constant 80 : index
      %swap3A_148 = tpu.vector_load %arg11[%swap3A_147] {strides = array<i32>} : memref<128xi32, #tpu.memory_space<vmem>>, vector<16xi32>,
      tpu.vector_store %arg11[%swap3A_147], %add3A_146 {strides = array<i32>} : memref<128xi32, #tpu.memory_space<vmem>>, vector<16xi32>,
      %get3A_149 = arith.constant 96 : index
      %get3A_150 = tpu.vector_load %arg10[%get3A_149] {strides = array<i32>} : memref<128xi32, #tpu.memory_space<vmem>>, vector<16xi32>,
      %add3A_151 = vector.broadcast %mul3A_0 : i32 to vector<16xi32>
      %add3A_152 = arith.addi %get3A_150, %add3A_151 : vector<16xi32>
      %swap3A_153 = arith.constant 96 : index
      %swap3A_154 = tpu.vector_load %arg11[%swap3A_153] {strides = array<i32>} : memref<128xi32, #tpu.memory_space<vmem>>, vector<16xi32>,
      tpu.vector_store %arg11[%swap3A_153], %add3A_152 {strides = array<i32>} : memref<128xi32, #tpu.memory_space<vmem>>, vector<16xi32>,
      %get3A_155 = arith.constant 112 : index
      %get3A_156 = tpu.vector_load %arg10[%get3A_155] {strides = array<i32>} : memref<128xi32, #tpu.memory_space<vmem>>, vector<16xi32>,
      %add3A_157 = vector.broadcast %mul3A_0 : i32 to vector<16xi32>
      %add3A_158 = arith.addi %get3A_156, %add3A_157 : vector<16xi32>
      %swap3A_159 = arith.constant 112 : index
      %swap3A_160 = tpu.vector_load %arg11[%swap3A_159] {strides = array<i32>} : memref<128xi32, #tpu.memory_space<vmem>>, vector<16xi32>,
      tpu.vector_store %arg11[%swap3A_159], %add3A_158 {strides = array<i32>} : memref<128xi32, #tpu.memory_space<vmem>>, vector<16xi32>,
      tpu.wait_dma2 semaphore(%arg20 : memref<!tpu.dma_semaphore, #tpu.memory_space<semaphore_mem>>) src(%arg2 : memref<20000x128xf32, #tpu.memory_space<hbm>>) dst(%arg13 : memref<128x128xf32, #tpu.memory_space<vmem>>)
      %dma_start3A_161 = arith.constant 0 : i32
      %dma_start3A_162 = arith.constant 0 : i32
      %dma_start3A_163 = tpu.memref_slice %arg2[%dma_start3A_161, %dma_start3A_162] : memref<20000x128xf32, #tpu.memory_space<hbm>> -> memref<20000x128xf32, #tpu.memory_space<hbm>>
      tpu.enqueue_indirect_dma source(%dma_start3A_163 : memref<20000x128xf32, #tpu.memory_space<hbm>>) target(%arg14 : memref<128x128xf32, #tpu.memory_space<vmem>>) offsets(%arg11 : memref<128xi32, #tpu.memory_space<vmem>>) semaphore(%arg21 : memref<!tpu.dma_semaphore, #tpu.memory_space<semaphore_mem>>)
      "tpu.region"() ({
        %run_scoped3A = tpu.sem_alloc : memref<!tpu.dma_semaphore, #tpu.memory_space<semaphore_mem>>
        %dma_start3A_168 = arith.constant 0 : i32
        %dma_start3A_169 = arith.constant 0 : i32
        %dma_start3A_170 = tpu.memref_slice %arg19[%dma_start3A_168, %dma_start3A_169] : memref<10000x128xf32, #tpu.memory_space<vmem_shared>> -> memref<10000x128xf32, #tpu.memory_space<vmem_shared>>
        tpu.enqueue_indirect_dma source(%arg13 : memref<128x128xf32, #tpu.memory_space<vmem>>) target(%dma_start3A_170 : memref<10000x128xf32, #tpu.memory_space<vmem_shared>>) offsets(%arg9 : memref<128xi32, #tpu.memory_space<vmem>>) semaphore(%run_scoped3A : memref<!tpu.dma_semaphore, #tpu.memory_space<semaphore_mem>>) {add = true}
        %dma_wait3A_171 = arith.constant 0 : i32
        %dma_wait3A_172 = arith.constant 0 : i32
        %dma_wait3A_173 = tpu.memref_slice %arg19[%dma_wait3A_171, %dma_wait3A_172] : memref<10000x128xf32, #tpu.memory_space<vmem_shared>> -> memref<10000x128xf32, #tpu.memory_space<vmem_shared>>
        tpu.wait_indirect_dma semaphore(%run_scoped3A : memref<!tpu.dma_semaphore, #tpu.memory_space<semaphore_mem>>) src(%arg13 : memref<128x128xf32, #tpu.memory_space<vmem>>) dst(%dma_wait3A_173 : memref<10000x128xf32, #tpu.memory_space<vmem_shared>>)
        tpu.yield
      }) : () -> ()
      %lt3A = arith.constant 38 : i32
      %lt3A_164 = arith.cmpi slt, %scan3A_93, %lt3A : i32
      %convert_element_type3A_165 = arith.extui %lt3A_164 : i1 to i32
      %cond3A_166 = arith.constant 0 : i32
      %cond3A_167 = arith.cmpi ne, %convert_element_type3A_165, %cond3A_166 : i32
      scf.if %cond3A_167 {
        %add3A_168 = arith.constant 2 : i32
        %add3A_169 = arith.addi %mul3A_95, %add3A_168 : i32
        %mul3A_170 = arith.constant 128 : i32
        %mul3A_171 = arith.muli %add3A_169, %mul3A_170 : i32
        %add3A_172 = arith.addi %mul3A_4, %mul3A_171 : i32
        %dma_start3A_173 = tpu.memref_slice %arg3[%add3A_172] : memref<160000xi32, #tpu.memory_space<hbm>> -> memref<128xi32, #tpu.memory_space<hbm>>
        %dma_start3A_174 = tpu.memref_slice %arg3[%add3A_172] : memref<160000xi32, #tpu.memory_space<hbm>> -> memref<128xi32, #tpu.memory_space<hbm>>
        tpu.enqueue_dma source(%dma_start3A_174 : memref<128xi32, #tpu.memory_space<hbm>>) target(%arg7 : memref<128xi32, #tpu.memory_space<vmem>>) target_semaphore(%arg22 : memref<!tpu.dma_semaphore, #tpu.memory_space<semaphore_mem>>)
        %dma_start3A_175 = tpu.memref_slice %arg4[%add3A_172] : memref<160000xi32, #tpu.memory_space<hbm>> -> memref<128xi32, #tpu.memory_space<hbm>>
        %dma_start3A_176 = tpu.memref_slice %arg4[%add3A_172] : memref<160000xi32, #tpu.memory_space<hbm>> -> memref<128xi32, #tpu.memory_space<hbm>>
        tpu.enqueue_dma source(%dma_start3A_176 : memref<128xi32, #tpu.memory_space<hbm>>) target(%arg9 : memref<128xi32, #tpu.memory_space<vmem>>) target_semaphore(%arg22 : memref<!tpu.dma_semaphore, #tpu.memory_space<semaphore_mem>>)
        %dma_wait3A_177 = arith.constant 0 : i32
        %dma_wait3A_178 = tpu.memref_slice %arg3[%dma_wait3A_177] : memref<160000xi32, #tpu.memory_space<hbm>> -> memref<128xi32, #tpu.memory_space<hbm>>
        %dma_wait3A_179 = arith.constant 0 : i32
        %dma_wait3A_180 = tpu.memref_slice %arg3[%dma_wait3A_179] : memref<160000xi32, #tpu.memory_space<hbm>> -> memref<128xi32, #tpu.memory_space<hbm>>
        tpu.wait_dma2 semaphore(%arg22 : memref<!tpu.dma_semaphore, #tpu.memory_space<semaphore_mem>>) src(%dma_wait3A_180 : memref<128xi32, #tpu.memory_space<hbm>>) dst(%arg7 : memref<128xi32, #tpu.memory_space<vmem>>)
        %dma_wait3A_181 = arith.constant 0 : i32
        %dma_wait3A_182 = tpu.memref_slice %arg3[%dma_wait3A_181] : memref<160000xi32, #tpu.memory_space<hbm>> -> memref<128xi32, #tpu.memory_space<hbm>>
        %dma_wait3A_183 = arith.constant 0 : i32
        %dma_wait3A_184 = tpu.memref_slice %arg3[%dma_wait3A_183] : memref<160000xi32, #tpu.memory_space<hbm>> -> memref<128xi32, #tpu.memory_space<hbm>>
        tpu.wait_dma2 semaphore(%arg22 : memref<!tpu.dma_semaphore, #tpu.memory_space<semaphore_mem>>) src(%dma_wait3A_184 : memref<128xi32, #tpu.memory_space<hbm>>) dst(%arg9 : memref<128xi32, #tpu.memory_space<vmem>>)
        %get3A_185 = arith.constant 0 : index
        %get3A_186 = tpu.vector_load %arg7[%get3A_185] {strides = array<i32>} : memref<128xi32, #tpu.memory_space<vmem>>, vector<16xi32>,
        %add3A_187 = vector.broadcast %mul3A_0 : i32 to vector<16xi32>
        %add3A_188 = arith.addi %get3A_186, %add3A_187 : vector<16xi32>
        %swap3A_189 = arith.constant 0 : index
        %swap3A_190 = tpu.vector_load %arg8[%swap3A_189] {strides = array<i32>} : memref<128xi32, #tpu.memory_space<vmem>>, vector<16xi32>,
        tpu.vector_store %arg8[%swap3A_189], %add3A_188 {strides = array<i32>} : memref<128xi32, #tpu.memory_space<vmem>>, vector<16xi32>,
        %get3A_191 = arith.constant 16 : index
        %get3A_192 = tpu.vector_load %arg7[%get3A_191] {strides = array<i32>} : memref<128xi32, #tpu.memory_space<vmem>>, vector<16xi32>,
        %add3A_193 = vector.broadcast %mul3A_0 : i32 to vector<16xi32>
        %add3A_194 = arith.addi %get3A_192, %add3A_193 : vector<16xi32>
        %swap3A_195 = arith.constant 16 : index
        %swap3A_196 = tpu.vector_load %arg8[%swap3A_195] {strides = array<i32>} : memref<128xi32, #tpu.memory_space<vmem>>, vector<16xi32>,
        tpu.vector_store %arg8[%swap3A_195], %add3A_194 {strides = array<i32>} : memref<128xi32, #tpu.memory_space<vmem>>, vector<16xi32>,
        %get3A_197 = arith.constant 32 : index
        %get3A_198 = tpu.vector_load %arg7[%get3A_197] {strides = array<i32>} : memref<128xi32, #tpu.memory_space<vmem>>, vector<16xi32>,
        %add3A_199 = vector.broadcast %mul3A_0 : i32 to vector<16xi32>
        %add3A_200 = arith.addi %get3A_198, %add3A_199 : vector<16xi32>
        %swap3A_201 = arith.constant 32 : index
        %swap3A_202 = tpu.vector_load %arg8[%swap3A_201] {strides = array<i32>} : memref<128xi32, #tpu.memory_space<vmem>>, vector<16xi32>,
        tpu.vector_store %arg8[%swap3A_201], %add3A_200 {strides = array<i32>} : memref<128xi32, #tpu.memory_space<vmem>>, vector<16xi32>,
        %get3A_203 = arith.constant 48 : index
        %get3A_204 = tpu.vector_load %arg7[%get3A_203] {strides = array<i32>} : memref<128xi32, #tpu.memory_space<vmem>>, vector<16xi32>,
        %add3A_205 = vector.broadcast %mul3A_0 : i32 to vector<16xi32>
        %add3A_206 = arith.addi %get3A_204, %add3A_205 : vector<16xi32>
        %swap3A_207 = arith.constant 48 : index
        %swap3A_208 = tpu.vector_load %arg8[%swap3A_207] {strides = array<i32>} : memref<128xi32, #tpu.memory_space<vmem>>, vector<16xi32>,
        tpu.vector_store %arg8[%swap3A_207], %add3A_206 {strides = array<i32>} : memref<128xi32, #tpu.memory_space<vmem>>, vector<16xi32>,
        %get3A_209 = arith.constant 64 : index
        %get3A_210 = tpu.vector_load %arg7[%get3A_209] {strides = array<i32>} : memref<128xi32, #tpu.memory_space<vmem>>, vector<16xi32>,
        %add3A_211 = vector.broadcast %mul3A_0 : i32 to vector<16xi32>
        %add3A_212 = arith.addi %get3A_210, %add3A_211 : vector<16xi32>
        %swap3A_213 = arith.constant 64 : index
        %swap3A_214 = tpu.vector_load %arg8[%swap3A_213] {strides = array<i32>} : memref<128xi32, #tpu.memory_space<vmem>>, vector<16xi32>,
        tpu.vector_store %arg8[%swap3A_213], %add3A_212 {strides = array<i32>} : memref<128xi32, #tpu.memory_space<vmem>>, vector<16xi32>,
        %get3A_215 = arith.constant 80 : index
        %get3A_216 = tpu.vector_load %arg7[%get3A_215] {strides = array<i32>} : memref<128xi32, #tpu.memory_space<vmem>>, vector<16xi32>,
        %add3A_217 = vector.broadcast %mul3A_0 : i32 to vector<16xi32>
        %add3A_218 = arith.addi %get3A_216, %add3A_217 : vector<16xi32>
        %swap3A_219 = arith.constant 80 : index
        %swap3A_220 = tpu.vector_load %arg8[%swap3A_219] {strides = array<i32>} : memref<128xi32, #tpu.memory_space<vmem>>, vector<16xi32>,
        tpu.vector_store %arg8[%swap3A_219], %add3A_218 {strides = array<i32>} : memref<128xi32, #tpu.memory_space<vmem>>, vector<16xi32>,
        %get3A_221 = arith.constant 96 : index
        %get3A_222 = tpu.vector_load %arg7[%get3A_221] {strides = array<i32>} : memref<128xi32, #tpu.memory_space<vmem>>, vector<16xi32>,
        %add3A_223 = vector.broadcast %mul3A_0 : i32 to vector<16xi32>
        %add3A_224 = arith.addi %get3A_222, %add3A_223 : vector<16xi32>
        %swap3A_225 = arith.constant 96 : index
        %swap3A_226 = tpu.vector_load %arg8[%swap3A_225] {strides = array<i32>} : memref<128xi32, #tpu.memory_space<vmem>>, vector<16xi32>,
        tpu.vector_store %arg8[%swap3A_225], %add3A_224 {strides = array<i32>} : memref<128xi32, #tpu.memory_space<vmem>>, vector<16xi32>,
        %get3A_227 = arith.constant 112 : index
        %get3A_228 = tpu.vector_load %arg7[%get3A_227] {strides = array<i32>} : memref<128xi32, #tpu.memory_space<vmem>>, vector<16xi32>,
        %add3A_229 = vector.broadcast %mul3A_0 : i32 to vector<16xi32>
        %add3A_230 = arith.addi %get3A_228, %add3A_229 : vector<16xi32>
        %swap3A_231 = arith.constant 112 : index
        %swap3A_232 = tpu.vector_load %arg8[%swap3A_231] {strides = array<i32>} : memref<128xi32, #tpu.memory_space<vmem>>, vector<16xi32>,
        tpu.vector_store %arg8[%swap3A_231], %add3A_230 {strides = array<i32>} : memref<128xi32, #tpu.memory_space<vmem>>, vector<16xi32>,
        %dma_start3A_233 = arith.constant 0 : i32
        %dma_start3A_234 = arith.constant 0 : i32
        %dma_start3A_235 = tpu.memref_slice %arg2[%dma_start3A_233, %dma_start3A_234] : memref<20000x128xf32, #tpu.memory_space<hbm>> -> memref<20000x128xf32, #tpu.memory_space<hbm>>
        tpu.enqueue_indirect_dma source(%dma_start3A_235 : memref<20000x128xf32, #tpu.memory_space<hbm>>) target(%arg13 : memref<128x128xf32, #tpu.memory_space<vmem>>) offsets(%arg8 : memref<128xi32, #tpu.memory_space<vmem>>) semaphore(%arg20 : memref<!tpu.dma_semaphore, #tpu.memory_space<semaphore_mem>>)
      } else {
      }
      tpu.wait_dma2 semaphore(%arg21 : memref<!tpu.dma_semaphore, #tpu.memory_space<semaphore_mem>>) src(%arg2 : memref<20000x128xf32, #tpu.memory_space<hbm>>) dst(%arg14 : memref<128x128xf32, #tpu.memory_space<vmem>>)
      "tpu.region"() ({
        %run_scoped3A = tpu.sem_alloc : memref<!tpu.dma_semaphore, #tpu.memory_space<semaphore_mem>>
        %dma_start3A_168 = arith.constant 0 : i32
        %dma_start3A_169 = arith.constant 0 : i32
        %dma_start3A_170 = tpu.memref_slice %arg19[%dma_start3A_168, %dma_start3A_169] : memref<10000x128xf32, #tpu.memory_space<vmem_shared>> -> memref<10000x128xf32, #tpu.memory_space<vmem_shared>>
        tpu.enqueue_indirect_dma source(%arg14 : memref<128x128xf32, #tpu.memory_space<vmem>>) target(%dma_start3A_170 : memref<10000x128xf32, #tpu.memory_space<vmem_shared>>) offsets(%arg12 : memref<128xi32, #tpu.memory_space<vmem>>) semaphore(%run_scoped3A : memref<!tpu.dma_semaphore, #tpu.memory_space<semaphore_mem>>) {add = true}
        %dma_wait3A_171 = arith.constant 0 : i32
        %dma_wait3A_172 = arith.constant 0 : i32
        %dma_wait3A_173 = tpu.memref_slice %arg19[%dma_wait3A_171, %dma_wait3A_172] : memref<10000x128xf32, #tpu.memory_space<vmem_shared>> -> memref<10000x128xf32, #tpu.memory_space<vmem_shared>>
        tpu.wait_indirect_dma semaphore(%run_scoped3A : memref<!tpu.dma_semaphore, #tpu.memory_space<semaphore_mem>>) src(%arg14 : memref<128x128xf32, #tpu.memory_space<vmem>>) dst(%dma_wait3A_173 : memref<10000x128xf32, #tpu.memory_space<vmem_shared>>)
        tpu.yield
      }) : () -> ()
    }
    %scan3A_69 = arith.constant 39 : i32
    %add3A_70 = arith.constant 9984 : i32
    %add3A_71 = arith.addi %mul3A_4, %add3A_70 : i32
    "tpu.region"() ({
      %run_scoped3A = tpu.sem_alloc : memref<!tpu.dma_semaphore, #tpu.memory_space<semaphore_mem>>
      %dma_start3A_93 = tpu.memref_slice %arg3[%add3A_71] : memref<160000xi32, #tpu.memory_space<hbm>> -> memref<16xi32, #tpu.memory_space<hbm>>
      %dma_start3A_94 = tpu.memref_slice %arg3[%add3A_71] : memref<160000xi32, #tpu.memory_space<hbm>> -> memref<16xi32, #tpu.memory_space<hbm>>
      tpu.enqueue_dma source(%dma_start3A_94 : memref<16xi32, #tpu.memory_space<hbm>>) target(%arg15 : memref<16xi32, #tpu.memory_space<vmem>>) target_semaphore(%run_scoped3A : memref<!tpu.dma_semaphore, #tpu.memory_space<semaphore_mem>>)
      %dma_wait3A_95 = tpu.memref_slice %arg3[%add3A_71] : memref<160000xi32, #tpu.memory_space<hbm>> -> memref<16xi32, #tpu.memory_space<hbm>>
      %dma_wait3A_96 = tpu.memref_slice %arg3[%add3A_71] : memref<160000xi32, #tpu.memory_space<hbm>> -> memref<16xi32, #tpu.memory_space<hbm>>
      tpu.wait_dma2 semaphore(%run_scoped3A : memref<!tpu.dma_semaphore, #tpu.memory_space<semaphore_mem>>) src(%dma_wait3A_96 : memref<16xi32, #tpu.memory_space<hbm>>) dst(%arg15 : memref<16xi32, #tpu.memory_space<vmem>>)
      tpu.yield
    }) : () -> ()
    %add3A_72 = arith.constant 9984 : i32
    %add3A_73 = arith.addi %mul3A_4, %add3A_72 : i32
    "tpu.region"() ({
      %run_scoped3A = tpu.sem_alloc : memref<!tpu.dma_semaphore, #tpu.memory_space<semaphore_mem>>
      %dma_start3A_93 = tpu.memref_slice %arg4[%add3A_73] : memref<160000xi32, #tpu.memory_space<hbm>> -> memref<16xi32, #tpu.memory_space<hbm>>
      %dma_start3A_94 = tpu.memref_slice %arg4[%add3A_73] : memref<160000xi32, #tpu.memory_space<hbm>> -> memref<16xi32, #tpu.memory_space<hbm>>
      tpu.enqueue_dma source(%dma_start3A_94 : memref<16xi32, #tpu.memory_space<hbm>>) target(%arg17 : memref<16xi32, #tpu.memory_space<vmem>>) target_semaphore(%run_scoped3A : memref<!tpu.dma_semaphore, #tpu.memory_space<semaphore_mem>>)
      %dma_wait3A_95 = tpu.memref_slice %arg4[%add3A_73] : memref<160000xi32, #tpu.memory_space<hbm>> -> memref<16xi32, #tpu.memory_space<hbm>>
      %dma_wait3A_96 = tpu.memref_slice %arg4[%add3A_73] : memref<160000xi32, #tpu.memory_space<hbm>> -> memref<16xi32, #tpu.memory_space<hbm>>
      tpu.wait_dma2 semaphore(%run_scoped3A : memref<!tpu.dma_semaphore, #tpu.memory_space<semaphore_mem>>) src(%dma_wait3A_96 : memref<16xi32, #tpu.memory_space<hbm>>) dst(%arg17 : memref<16xi32, #tpu.memory_space<vmem>>)
      tpu.yield
    }) : () -> ()
    %get3A_74 = arith.constant 0 : index
    %get3A_75 = tpu.vector_load %arg15[%get3A_74] {strides = array<i32>} : memref<16xi32, #tpu.memory_space<vmem>>, vector<16xi32>,
    %add3A_76 = vector.broadcast %mul3A_0 : i32 to vector<16xi32>
    %add3A_77 = arith.addi %get3A_75, %add3A_76 : vector<16xi32>
    %swap3A_78 = arith.constant 0 : index
    %swap3A_79 = tpu.vector_load %arg16[%swap3A_78] {strides = array<i32>} : memref<16xi32, #tpu.memory_space<vmem>>, vector<16xi32>,
    tpu.vector_store %arg16[%swap3A_78], %add3A_77 {strides = array<i32>} : memref<16xi32, #tpu.memory_space<vmem>>, vector<16xi32>,
    %dma_start3A_80 = arith.constant 0 : i32
    %dma_start3A_81 = arith.constant 0 : i32
    %dma_start3A_82 = tpu.memref_slice %arg2[%dma_start3A_80, %dma_start3A_81] : memref<20000x128xf32, #tpu.memory_space<hbm>> -> memref<20000x128xf32, #tpu.memory_space<hbm>>
    tpu.enqueue_indirect_dma source(%dma_start3A_82 : memref<20000x128xf32, #tpu.memory_space<hbm>>) target(%arg18 : memref<16x128xf32, #tpu.memory_space<vmem>>) offsets(%arg16 : memref<16xi32, #tpu.memory_space<vmem>>) semaphore(%arg20 : memref<!tpu.dma_semaphore, #tpu.memory_space<semaphore_mem>>)
    %dma_wait3A_83 = arith.constant 0 : i32
    %dma_wait3A_84 = arith.constant 0 : i32
    %dma_wait3A_85 = tpu.memref_slice %arg2[%dma_wait3A_83, %dma_wait3A_84] : memref<20000x128xf32, #tpu.memory_space<hbm>> -> memref<20000x128xf32, #tpu.memory_space<hbm>>
    tpu.wait_indirect_dma semaphore(%arg20 : memref<!tpu.dma_semaphore, #tpu.memory_space<semaphore_mem>>) src(%dma_wait3A_85 : memref<20000x128xf32, #tpu.memory_space<hbm>>) dst(%arg18 : memref<16x128xf32, #tpu.memory_space<vmem>>)
    "tpu.region"() ({
      %run_scoped3A = tpu.sem_alloc : memref<!tpu.dma_semaphore, #tpu.memory_space<semaphore_mem>>
      %dma_start3A_93 = arith.constant 0 : i32
      %dma_start3A_94 = arith.constant 0 : i32
      %dma_start3A_95 = tpu.memref_slice %arg19[%dma_start3A_93, %dma_start3A_94] : memref<10000x128xf32, #tpu.memory_space<vmem_shared>> -> memref<10000x128xf32, #tpu.memory_space<vmem_shared>>
      tpu.enqueue_indirect_dma source(%arg18 : memref<16x128xf32, #tpu.memory_space<vmem>>) target(%dma_start3A_95 : memref<10000x128xf32, #tpu.memory_space<vmem_shared>>) offsets(%arg17 : memref<16xi32, #tpu.memory_space<vmem>>) semaphore(%run_scoped3A : memref<!tpu.dma_semaphore, #tpu.memory_space<semaphore_mem>>) {add = true}
      %dma_wait3A_96 = arith.constant 0 : i32
      %dma_wait3A_97 = arith.constant 0 : i32
      %dma_wait3A_98 = tpu.memref_slice %arg19[%dma_wait3A_96, %dma_wait3A_97] : memref<10000x128xf32, #tpu.memory_space<vmem_shared>> -> memref<10000x128xf32, #tpu.memory_space<vmem_shared>>
      tpu.wait_indirect_dma semaphore(%run_scoped3A : memref<!tpu.dma_semaphore, #tpu.memory_space<semaphore_mem>>) src(%arg18 : memref<16x128xf32, #tpu.memory_space<vmem>>) dst(%dma_wait3A_98 : memref<10000x128xf32, #tpu.memory_space<vmem_shared>>)
      tpu.yield
    }) : () -> ()
    %barrier3A_86 = arith.constant 0 : index
    tpu.barrier barrier_id(%barrier3A_86)
    %add3A_87 = arith.addi %mul3A_0, %mul3A_2 : i32
    "tpu.region"() ({
      %run_scoped3A = tpu.sem_alloc : memref<!tpu.dma_semaphore, #tpu.memory_space<semaphore_mem>>
      %dma_start3A_93 = arith.constant 0 : i32
      %dma_start3A_94 = tpu.memref_slice %arg6[%add3A_87, %dma_start3A_93] : memref<20000x128xf32, #tpu.memory_space<hbm>> -> memref<624x128xf32, #tpu.memory_space<hbm>>
      %dma_start3A_95 = arith.constant 0 : i32
      %dma_start3A_96 = tpu.memref_slice %arg19[%mul3A_2, %dma_start3A_95] : memref<10000x128xf32, #tpu.memory_space<vmem_shared>> -> memref<624x128xf32, #tpu.memory_space<vmem_shared>>
      tpu.enqueue_dma source(%dma_start3A_96 : memref<624x128xf32, #tpu.memory_space<vmem_shared>>) target(%dma_start3A_94 : memref<624x128xf32, #tpu.memory_space<hbm>>) target_semaphore(%run_scoped3A : memref<!tpu.dma_semaphore, #tpu.memory_space<semaphore_mem>>)
      %dma_wait3A_97 = arith.constant 0 : i32
      %dma_wait3A_98 = tpu.memref_slice %arg6[%add3A_87, %dma_wait3A_97] : memref<20000x128xf32, #tpu.memory_space<hbm>> -> memref<624x128xf32, #tpu.memory_space<hbm>>
      %dma_wait3A_99 = arith.constant 0 : i32
      %dma_wait3A_100 = tpu.memref_slice %arg19[%mul3A_2, %dma_wait3A_99] : memref<10000x128xf32, #tpu.memory_space<vmem_shared>> -> memref<624x128xf32, #tpu.memory_space<vmem_shared>>
      tpu.wait_dma2 semaphore(%run_scoped3A : memref<!tpu.dma_semaphore, #tpu.memory_space<semaphore_mem>>) src(%dma_wait3A_100 : memref<624x128xf32, #tpu.memory_space<vmem_shared>>) dst(%dma_wait3A_98 : memref<624x128xf32, #tpu.memory_space<hbm>>)
      tpu.yield
    }) : () -> ()
    %eq3A_88 = arith.constant 15 : i32
    %eq3A_89 = arith.cmpi eq, %arg1, %eq3A_88 : i32
    %convert_element_type3A_90 = arith.extui %eq3A_89 : i1 to i32
    %cond3A_91 = arith.constant 0 : i32
    %cond3A_92 = arith.cmpi ne, %convert_element_type3A_90, %cond3A_91 : i32
    scf.if %cond3A_92 {
      %add3A_93 = arith.constant 9984 : i32
      %add3A_94 = arith.addi %mul3A_0, %add3A_93 : i32
      "tpu.region"() ({
        %run_scoped3A = tpu.sem_alloc : memref<!tpu.dma_semaphore, #tpu.memory_space<semaphore_mem>>
        %dma_start3A_95 = arith.constant 0 : i32
        %dma_start3A_96 = tpu.memref_slice %arg6[%add3A_94, %dma_start3A_95] : memref<20000x128xf32, #tpu.memory_space<hbm>> -> memref<16x128xf32, #tpu.memory_space<hbm>>
        %dma_start3A_97 = arith.constant 9984 : i32
        %dma_start3A_98 = arith.constant 0 : i32
        %dma_start3A_99 = tpu.memref_slice %arg19[%dma_start3A_97, %dma_start3A_98] : memref<10000x128xf32, #tpu.memory_space<vmem_shared>> -> memref<16x128xf32, #tpu.memory_space<vmem_shared>>
        tpu.enqueue_dma source(%dma_start3A_99 : memref<16x128xf32, #tpu.memory_space<vmem_shared>>) target(%dma_start3A_96 : memref<16x128xf32, #tpu.memory_space<hbm>>) target_semaphore(%run_scoped3A : memref<!tpu.dma_semaphore, #tpu.memory_space<semaphore_mem>>)
        %dma_wait3A_100 = arith.constant 0 : i32
        %dma_wait3A_101 = tpu.memref_slice %arg6[%add3A_94, %dma_wait3A_100] : memref<20000x128xf32, #tpu.memory_space<hbm>> -> memref<16x128xf32, #tpu.memory_space<hbm>>
        %dma_wait3A_102 = arith.constant 9984 : i32
        %dma_wait3A_103 = arith.constant 0 : i32
        %dma_wait3A_104 = tpu.memref_slice %arg19[%dma_wait3A_102, %dma_wait3A_103] : memref<10000x128xf32, #tpu.memory_space<vmem_shared>> -> memref<16x128xf32, #tpu.memory_space<vmem_shared>>
        tpu.wait_dma2 semaphore(%run_scoped3A : memref<!tpu.dma_semaphore, #tpu.memory_space<semaphore_mem>>) src(%dma_wait3A_104 : memref<16x128xf32, #tpu.memory_space<vmem_shared>>) dst(%dma_wait3A_101 : memref<16x128xf32, #tpu.memory_space<hbm>>)
        tpu.yield
      }) : () -> ()
    } else {
    }
    return
  }
}

#map = affine_map<(d0, d1) -> (0, 0)>
#map1 = affine_map<(d0, d1) -> (0)>
module attributes {stable_mosaic.version = 14 : i64} {
  func.func @k(%arg0: i32, %arg1: i32, %arg2: memref<20000x128xf32, #tpu.memory_space<hbm>>, %arg3: memref<160000xi32, #tpu.memory_space<hbm>>, %arg4: memref<160000xi32, #tpu.memory_space<hbm>>, %arg5: memref<624x128xf32, #tpu.memory_space<hbm>>, %arg6: memref<20000x128xf32, #tpu.memory_space<hbm>>, %arg7: memref<128xi32, #tpu.memory_space<vmem>>, %arg8: memref<128xi32, #tpu.memory_space<vmem>>, %arg9: memref<128xi32, #tpu.memory_space<vmem>>, %arg10: memref<128xi32, #tpu.memory_space<vmem>>, %arg11: memref<128xi32, #tpu.memory_space<vmem>>, %arg12: memref<128xi32, #tpu.memory_space<vmem>>, %arg13: memref<128x128xf32, #tpu.memory_space<vmem>>, %arg14: memref<128x128xf32, #tpu.memory_space<vmem>>, %arg15: memref<16xi32, #tpu.memory_space<vmem>>, %arg16: memref<16xi32, #tpu.memory_space<vmem>>, %arg17: memref<16xi32, #tpu.memory_space<vmem>>, %arg18: memref<16x128xf32, #tpu.memory_space<vmem>>, %arg19: memref<10000x128xf32, #tpu.memory_space<vmem_shared>>, %arg20: memref<!tpu.dma_semaphore, #tpu.memory_space<semaphore_mem>>, %arg21: memref<!tpu.dma_semaphore, #tpu.memory_space<semaphore_mem>>, %arg22: memref<!tpu.dma_semaphore, #tpu.memory_space<semaphore_mem>>, %arg23: memref<!tpu.dma_semaphore, #tpu.memory_space<semaphore_mem>>) attributes {dimension_semantics = [#tpu.dimension_semantics<core_parallel>, #tpu.dimension_semantics<subcore_parallel>], iteration_bounds = array<i64: 2, 16>, scalar_prefetch = 0 : i64, scratch_operands = 17 : i64, tpu.core_type = #tpu.core_type<sc_vector_subcore>, window_params = [{transform_indices = #map}, {transform_indices = #map1}, {transform_indices = #map1}, {transform_indices = #map}, {transform_indices = #map}]} {
    %mul3A = arith.constant 10000 : i32
    %mul3A_0 = arith.muli %arg0, %mul3A : i32
    %mul3A_1 = arith.constant 624 : i32
    %mul3A_2 = arith.muli %arg1, %mul3A_1 : i32
    %mul3A_3 = arith.constant 10000 : i32
    %mul3A_4 = arith.muli %arg1, %mul3A_3 : i32
    %dma_start3A = tpu.memref_slice %arg3[%mul3A_4] : memref<160000xi32, #tpu.memory_space<hbm>> -> memref<128xi32, #tpu.memory_space<hbm>>
    %dma_start3A_5 = tpu.memref_slice %arg3[%mul3A_4] : memref<160000xi32, #tpu.memory_space<hbm>> -> memref<128xi32, #tpu.memory_space<hbm>>
    tpu.enqueue_dma source(%dma_start3A_5 : memref<128xi32, #tpu.memory_space<hbm>>) target(%arg7 : memref<128xi32, #tpu.memory_space<vmem>>) target_semaphore(%arg22 : memref<!tpu.dma_semaphore, #tpu.memory_space<semaphore_mem>>)
    %dma_start3A_6 = tpu.memref_slice %arg4[%mul3A_4] : memref<160000xi32, #tpu.memory_space<hbm>> -> memref<128xi32, #tpu.memory_space<hbm>>
    %dma_start3A_7 = tpu.memref_slice %arg4[%mul3A_4] : memref<160000xi32, #tpu.memory_space<hbm>> -> memref<128xi32, #tpu.memory_space<hbm>>
    tpu.enqueue_dma source(%dma_start3A_7 : memref<128xi32, #tpu.memory_space<hbm>>) target(%arg9 : memref<128xi32, #tpu.memory_space<vmem>>) target_semaphore(%arg22 : memref<!tpu.dma_semaphore, #tpu.memory_space<semaphore_mem>>)
    "tpu.region"() ({
      %run_scoped3A = tpu.sem_alloc : memref<!tpu.dma_semaphore, #tpu.memory_space<semaphore_mem>>
      %dma_start3A_93 = arith.constant 0 : i32
      %dma_start3A_94 = tpu.memref_slice %arg19[%mul3A_2, %dma_start3A_93] : memref<10000x128xf32, #tpu.memory_space<vmem_shared>> -> memref<624x128xf32, #tpu.memory_space<vmem_shared>>
      %dma_start3A_95 = arith.constant 0 : i32
      %dma_start3A_96 = arith.constant 0 : i32
      %dma_start3A_97 = tpu.memref_slice %arg5[%dma_start3A_95, %dma_start3A_96] : memref<624x128xf32, #tpu.memory_space<hbm>> -> memref<624x128xf32, #tpu.memory_space<hbm>>
      tpu.enqueue_dma source(%dma_start3A_97 : memref<624x128xf32, #tpu.memory_space<hbm>>) target(%dma_start3A_94 : memref<624x128xf32, #tpu.memory_space<vmem_shared>>) target_semaphore(%run_scoped3A : memref<!tpu.dma_semaphore, #tpu.memory_space<semaphore_mem>>)
      %dma_wait3A_98 = arith.constant 0 : i32
      %dma_wait3A_99 = tpu.memref_slice %arg19[%mul3A_2, %dma_wait3A_98] : memref<10000x128xf32, #tpu.memory_space<vmem_shared>> -> memref<624x128xf32, #tpu.memory_space<vmem_shared>>
      %dma_wait3A_100 = arith.constant 0 : i32
      %dma_wait3A_101 = arith.constant 0 : i32
      %dma_wait3A_102 = tpu.memref_slice %arg5[%dma_wait3A_100, %dma_wait3A_101] : memref<624x128xf32, #tpu.memory_space<hbm>> -> memref<624x128xf32, #tpu.memory_space<hbm>>
      tpu.wait_dma2 semaphore(%run_scoped3A : memref<!tpu.dma_semaphore, #tpu.memory_space<semaphore_mem>>) src(%dma_wait3A_102 : memref<624x128xf32, #tpu.memory_space<hbm>>) dst(%dma_wait3A_99 : memref<624x128xf32, #tpu.memory_space<vmem_shared>>)
      tpu.yield
    }) : () -> ()
    %eq3A = arith.constant 15 : i32
    %eq3A_8 = arith.cmpi eq, %arg1, %eq3A : i32
    %convert_element_type3A = arith.extui %eq3A_8 : i1 to i32
    %cond3A = arith.constant 0 : i32
    %cond3A_9 = arith.cmpi ne, %convert_element_type3A, %cond3A : i32
    scf.if %cond3A_9 {
      "tpu.region"() ({
        %run_scoped3A = tpu.sem_alloc : memref<!tpu.dma_semaphore, #tpu.memory_space<semaphore_mem>>
        %dma_start3A_93 = arith.constant 9984 : i32
        %dma_start3A_94 = arith.constant 0 : i32
        %dma_start3A_95 = tpu.memref_slice %arg19[%dma_start3A_93, %dma_start3A_94] : memref<10000x128xf32, #tpu.memory_space<vmem_shared>> -> memref<16x128xf32, #tpu.memory_space<vmem_shared>>
        %dma_start3A_96 = arith.constant 0 : i32
        %dma_start3A_97 = arith.constant 0 : i32
        %dma_start3A_98 = tpu.memref_slice %arg5[%dma_start3A_96, %dma_start3A_97] : memref<624x128xf32, #tpu.memory_space<hbm>> -> memref<16x128xf32, #tpu.memory_space<hbm>>
        tpu.enqueue_dma source(%dma_start3A_98 : memref<16x128xf32, #tpu.memory_space<hbm>>) target(%dma_start3A_95 : memref<16x128xf32, #tpu.memory_space<vmem_shared>>) target_semaphore(%run_scoped3A : memref<!tpu.dma_semaphore, #tpu.memory_space<semaphore_mem>>)
        %dma_wait3A_99 = arith.constant 9984 : i32
        %dma_wait3A_100 = arith.constant 0 : i32
        %dma_wait3A_101 = tpu.memref_slice %arg19[%dma_wait3A_99, %dma_wait3A_100] : memref<10000x128xf32, #tpu.memory_space<vmem_shared>> -> memref<16x128xf32, #tpu.memory_space<vmem_shared>>
        %dma_wait3A_102 = arith.constant 0 : i32
        %dma_wait3A_103 = arith.constant 0 : i32
        %dma_wait3A_104 = tpu.memref_slice %arg5[%dma_wait3A_102, %dma_wait3A_103] : memref<624x128xf32, #tpu.memory_space<hbm>> -> memref<16x128xf32, #tpu.memory_space<hbm>>
        tpu.wait_dma2 semaphore(%run_scoped3A : memref<!tpu.dma_semaphore, #tpu.memory_space<semaphore_mem>>) src(%dma_wait3A_104 : memref<16x128xf32, #tpu.memory_space<hbm>>) dst(%dma_wait3A_101 : memref<16x128xf32, #tpu.memory_space<vmem_shared>>)
        tpu.yield
      }) : () -> ()
    } else {
    }
    %barrier3A = arith.constant 0 : index
    tpu.barrier barrier_id(%barrier3A)
    %dma_wait3A = arith.constant 0 : i32
    %dma_wait3A_10 = tpu.memref_slice %arg3[%dma_wait3A] : memref<160000xi32, #tpu.memory_space<hbm>> -> memref<128xi32, #tpu.memory_space<hbm>>
    %dma_wait3A_11 = arith.constant 0 : i32
    %dma_wait3A_12 = tpu.memref_slice %arg3[%dma_wait3A_11] : memref<160000xi32, #tpu.memory_space<hbm>> -> memref<128xi32, #tpu.memory_space<hbm>>
    tpu.wait_dma2 semaphore(%arg22 : memref<!tpu.dma_semaphore, #tpu.memory_space<semaphore_mem>>) src(%dma_wait3A_12 : memref<128xi32, #tpu.memory_space<hbm>>) dst(%arg7 : memref<128xi32, #tpu.memory_space<vmem>>)
    %dma_wait3A_13 = arith.constant 0 : i32
    %dma_wait3A_14 = tpu.memref_slice %arg3[%dma_wait3A_13] : memref<160000xi32, #tpu.memory_space<hbm>> -> memref<128xi32, #tpu.memory_space<hbm>>
    %dma_wait3A_15 = arith.constant 0 : i32
    %dma_wait3A_16 = tpu.memref_slice %arg3[%dma_wait3A_15] : memref<160000xi32, #tpu.memory_space<hbm>> -> memref<128xi32, #tpu.memory_space<hbm>>
    tpu.wait_dma2 semaphore(%arg22 : memref<!tpu.dma_semaphore, #tpu.memory_space<semaphore_mem>>) src(%dma_wait3A_16 : memref<128xi32, #tpu.memory_space<hbm>>) dst(%arg9 : memref<128xi32, #tpu.memory_space<vmem>>)
    %get3A = arith.constant 0 : index
    %get3A_17 = tpu.vector_load %arg7[%get3A] {strides = array<i32>} : memref<128xi32, #tpu.memory_space<vmem>>, vector<16xi32>,
    %add3A = vector.broadcast %mul3A_0 : i32 to vector<16xi32>
    %add3A_18 = arith.addi %get3A_17, %add3A : vector<16xi32>
    %swap3A = arith.constant 0 : index
    %swap3A_19 = tpu.vector_load %arg8[%swap3A] {strides = array<i32>} : memref<128xi32, #tpu.memory_space<vmem>>, vector<16xi32>,
    tpu.vector_store %arg8[%swap3A], %add3A_18 {strides = array<i32>} : memref<128xi32, #tpu.memory_space<vmem>>, vector<16xi32>,
    %get3A_20 = arith.constant 16 : index
    %get3A_21 = tpu.vector_load %arg7[%get3A_20] {strides = array<i32>} : memref<128xi32, #tpu.memory_space<vmem>>, vector<16xi32>,
    %add3A_22 = vector.broadcast %mul3A_0 : i32 to vector<16xi32>
    %add3A_23 = arith.addi %get3A_21, %add3A_22 : vector<16xi32>
    %swap3A_24 = arith.constant 16 : index
    %swap3A_25 = tpu.vector_load %arg8[%swap3A_24] {strides = array<i32>} : memref<128xi32, #tpu.memory_space<vmem>>, vector<16xi32>,
    tpu.vector_store %arg8[%swap3A_24], %add3A_23 {strides = array<i32>} : memref<128xi32, #tpu.memory_space<vmem>>, vector<16xi32>,
    %get3A_26 = arith.constant 32 : index
    %get3A_27 = tpu.vector_load %arg7[%get3A_26] {strides = array<i32>} : memref<128xi32, #tpu.memory_space<vmem>>, vector<16xi32>,
    %add3A_28 = vector.broadcast %mul3A_0 : i32 to vector<16xi32>
    %add3A_29 = arith.addi %get3A_27, %add3A_28 : vector<16xi32>
    %swap3A_30 = arith.constant 32 : index
    %swap3A_31 = tpu.vector_load %arg8[%swap3A_30] {strides = array<i32>} : memref<128xi32, #tpu.memory_space<vmem>>, vector<16xi32>,
    tpu.vector_store %arg8[%swap3A_30], %add3A_29 {strides = array<i32>} : memref<128xi32, #tpu.memory_space<vmem>>, vector<16xi32>,
    %get3A_32 = arith.constant 48 : index
    %get3A_33 = tpu.vector_load %arg7[%get3A_32] {strides = array<i32>} : memref<128xi32, #tpu.memory_space<vmem>>, vector<16xi32>,
    %add3A_34 = vector.broadcast %mul3A_0 : i32 to vector<16xi32>
    %add3A_35 = arith.addi %get3A_33, %add3A_34 : vector<16xi32>
    %swap3A_36 = arith.constant 48 : index
    %swap3A_37 = tpu.vector_load %arg8[%swap3A_36] {strides = array<i32>} : memref<128xi32, #tpu.memory_space<vmem>>, vector<16xi32>,
    tpu.vector_store %arg8[%swap3A_36], %add3A_35 {strides = array<i32>} : memref<128xi32, #tpu.memory_space<vmem>>, vector<16xi32>,
    %get3A_38 = arith.constant 64 : index
    %get3A_39 = tpu.vector_load %arg7[%get3A_38] {strides = array<i32>} : memref<128xi32, #tpu.memory_space<vmem>>, vector<16xi32>,
    %add3A_40 = vector.broadcast %mul3A_0 : i32 to vector<16xi32>
    %add3A_41 = arith.addi %get3A_39, %add3A_40 : vector<16xi32>
    %swap3A_42 = arith.constant 64 : index
    %swap3A_43 = tpu.vector_load %arg8[%swap3A_42] {strides = array<i32>} : memref<128xi32, #tpu.memory_space<vmem>>, vector<16xi32>,
    tpu.vector_store %arg8[%swap3A_42], %add3A_41 {strides = array<i32>} : memref<128xi32, #tpu.memory_space<vmem>>, vector<16xi32>,
    %get3A_44 = arith.constant 80 : index
    %get3A_45 = tpu.vector_load %arg7[%get3A_44] {strides = array<i32>} : memref<128xi32, #tpu.memory_space<vmem>>, vector<16xi32>,
    %add3A_46 = vector.broadcast %mul3A_0 : i32 to vector<16xi32>
    %add3A_47 = arith.addi %get3A_45, %add3A_46 : vector<16xi32>
    %swap3A_48 = arith.constant 80 : index
    %swap3A_49 = tpu.vector_load %arg8[%swap3A_48] {strides = array<i32>} : memref<128xi32, #tpu.memory_space<vmem>>, vector<16xi32>,
    tpu.vector_store %arg8[%swap3A_48], %add3A_47 {strides = array<i32>} : memref<128xi32, #tpu.memory_space<vmem>>, vector<16xi32>,
    %get3A_50 = arith.constant 96 : index
    %get3A_51 = tpu.vector_load %arg7[%get3A_50] {strides = array<i32>} : memref<128xi32, #tpu.memory_space<vmem>>, vector<16xi32>,
    %add3A_52 = vector.broadcast %mul3A_0 : i32 to vector<16xi32>
    %add3A_53 = arith.addi %get3A_51, %add3A_52 : vector<16xi32>
    %swap3A_54 = arith.constant 96 : index
    %swap3A_55 = tpu.vector_load %arg8[%swap3A_54] {strides = array<i32>} : memref<128xi32, #tpu.memory_space<vmem>>, vector<16xi32>,
    tpu.vector_store %arg8[%swap3A_54], %add3A_53 {strides = array<i32>} : memref<128xi32, #tpu.memory_space<vmem>>, vector<16xi32>,
    %get3A_56 = arith.constant 112 : index
    %get3A_57 = tpu.vector_load %arg7[%get3A_56] {strides = array<i32>} : memref<128xi32, #tpu.memory_space<vmem>>, vector<16xi32>,
    %add3A_58 = vector.broadcast %mul3A_0 : i32 to vector<16xi32>
    %add3A_59 = arith.addi %get3A_57, %add3A_58 : vector<16xi32>
    %swap3A_60 = arith.constant 112 : index
    %swap3A_61 = tpu.vector_load %arg8[%swap3A_60] {strides = array<i32>} : memref<128xi32, #tpu.memory_space<vmem>>, vector<16xi32>,
    tpu.vector_store %arg8[%swap3A_60], %add3A_59 {strides = array<i32>} : memref<128xi32, #tpu.memory_space<vmem>>, vector<16xi32>,
    %dma_start3A_62 = arith.constant 0 : i32
    %dma_start3A_63 = arith.constant 0 : i32
    %dma_start3A_64 = tpu.memref_slice %arg2[%dma_start3A_62, %dma_start3A_63] : memref<20000x128xf32, #tpu.memory_space<hbm>> -> memref<20000x128xf32, #tpu.memory_space<hbm>>
    tpu.enqueue_indirect_dma source(%dma_start3A_64 : memref<20000x128xf32, #tpu.memory_space<hbm>>) target(%arg13 : memref<128x128xf32, #tpu.memory_space<vmem>>) offsets(%arg8 : memref<128xi32, #tpu.memory_space<vmem>>) semaphore(%arg20 : memref<!tpu.dma_semaphore, #tpu.memory_space<semaphore_mem>>)
    %scan3A = arith.constant 0 : i32
    %scan3A_65 = arith.constant 0 : i32
    %scan3A_66 = arith.constant 39 : i32
    %scan3A_67 = arith.addi %scan3A_65, %scan3A_66 : i32
    %scan3A_68 = arith.constant 1 : i32
    scf.for %scan3A_93 = %scan3A_65 to %scan3A_67 step %scan3A_68  : i32 {
      %mul3A_94 = arith.constant 2 : i32
      %mul3A_95 = arith.muli %mul3A_94, %scan3A_93 : i32
      %add3A_96 = arith.constant 1 : i32
      %add3A_97 = arith.addi %mul3A_95, %add3A_96 : i32
      %mul3A_98 = arith.constant 128 : i32
      %mul3A_99 = arith.muli %add3A_97, %mul3A_98 : i32
      %add3A_100 = arith.addi %mul3A_4, %mul3A_99 : i32
      %dma_start3A_101 = tpu.memref_slice %arg3[%add3A_100] : memref<160000xi32, #tpu.memory_space<hbm>> -> memref<128xi32, #tpu.memory_space<hbm>>
      %dma_start3A_102 = tpu.memref_slice %arg3[%add3A_100] : memref<160000xi32, #tpu.memory_space<hbm>> -> memref<128xi32, #tpu.memory_space<hbm>>
      tpu.enqueue_dma source(%dma_start3A_102 : memref<128xi32, #tpu.memory_space<hbm>>) target(%arg10 : memref<128xi32, #tpu.memory_space<vmem>>) target_semaphore(%arg23 : memref<!tpu.dma_semaphore, #tpu.memory_space<semaphore_mem>>)
      %dma_start3A_103 = tpu.memref_slice %arg4[%add3A_100] : memref<160000xi32, #tpu.memory_space<hbm>> -> memref<128xi32, #tpu.memory_space<hbm>>
      %dma_start3A_104 = tpu.memref_slice %arg4[%add3A_100] : memref<160000xi32, #tpu.memory_space<hbm>> -> memref<128xi32, #tpu.memory_space<hbm>>
      tpu.enqueue_dma source(%dma_start3A_104 : memref<128xi32, #tpu.memory_space<hbm>>) target(%arg12 : memref<128xi32, #tpu.memory_space<vmem>>) target_semaphore(%arg23 : memref<!tpu.dma_semaphore, #tpu.memory_space<semaphore_mem>>)
      %dma_wait3A_105 = arith.constant 0 : i32
      %dma_wait3A_106 = tpu.memref_slice %arg3[%dma_wait3A_105] : memref<160000xi32, #tpu.memory_space<hbm>> -> memref<128xi32, #tpu.memory_space<hbm>>
      %dma_wait3A_107 = arith.constant 0 : i32
      %dma_wait3A_108 = tpu.memref_slice %arg3[%dma_wait3A_107] : memref<160000xi32, #tpu.memory_space<hbm>> -> memref<128xi32, #tpu.memory_space<hbm>>
      tpu.wait_dma2 semaphore(%arg23 : memref<!tpu.dma_semaphore, #tpu.memory_space<semaphore_mem>>) src(%dma_wait3A_108 : memref<128xi32, #tpu.memory_space<hbm>>) dst(%arg10 : memref<128xi32, #tpu.memory_space<vmem>>)
      %dma_wait3A_109 = arith.constant 0 : i32
      %dma_wait3A_110 = tpu.memref_slice %arg3[%dma_wait3A_109] : memref<160000xi32, #tpu.memory_space<hbm>> -> memref<128xi32, #tpu.memory_space<hbm>>
      %dma_wait3A_111 = arith.constant 0 : i32
      %dma_wait3A_112 = tpu.memref_slice %arg3[%dma_wait3A_111] : memref<160000xi32, #tpu.memory_space<hbm>> -> memref<128xi32, #tpu.memory_space<hbm>>
      tpu.wait_dma2 semaphore(%arg23 : memref<!tpu.dma_semaphore, #tpu.memory_space<semaphore_mem>>) src(%dma_wait3A_112 : memref<128xi32, #tpu.memory_space<hbm>>) dst(%arg12 : memref<128xi32, #tpu.memory_space<vmem>>)
      %get3A_113 = arith.constant 0 : index
      %get3A_114 = tpu.vector_load %arg10[%get3A_113] {strides = array<i32>} : memref<128xi32, #tpu.memory_space<vmem>>, vector<16xi32>,
      %add3A_115 = vector.broadcast %mul3A_0 : i32 to vector<16xi32>
      %add3A_116 = arith.addi %get3A_114, %add3A_115 : vector<16xi32>
      %swap3A_117 = arith.constant 0 : index
      %swap3A_118 = tpu.vector_load %arg11[%swap3A_117] {strides = array<i32>} : memref<128xi32, #tpu.memory_space<vmem>>, vector<16xi32>,
      tpu.vector_store %arg11[%swap3A_117], %add3A_116 {strides = array<i32>} : memref<128xi32, #tpu.memory_space<vmem>>, vector<16xi32>,
      %get3A_119 = arith.constant 16 : index
      %get3A_120 = tpu.vector_load %arg10[%get3A_119] {strides = array<i32>} : memref<128xi32, #tpu.memory_space<vmem>>, vector<16xi32>,
      %add3A_121 = vector.broadcast %mul3A_0 : i32 to vector<16xi32>
      %add3A_122 = arith.addi %get3A_120, %add3A_121 : vector<16xi32>
      %swap3A_123 = arith.constant 16 : index
      %swap3A_124 = tpu.vector_load %arg11[%swap3A_123] {strides = array<i32>} : memref<128xi32, #tpu.memory_space<vmem>>, vector<16xi32>,
      tpu.vector_store %arg11[%swap3A_123], %add3A_122 {strides = array<i32>} : memref<128xi32, #tpu.memory_space<vmem>>, vector<16xi32>,
      %get3A_125 = arith.constant 32 : index
      %get3A_126 = tpu.vector_load %arg10[%get3A_125] {strides = array<i32>} : memref<128xi32, #tpu.memory_space<vmem>>, vector<16xi32>,
      %add3A_127 = vector.broadcast %mul3A_0 : i32 to vector<16xi32>
      %add3A_128 = arith.addi %get3A_126, %add3A_127 : vector<16xi32>
      %swap3A_129 = arith.constant 32 : index
      %swap3A_130 = tpu.vector_load %arg11[%swap3A_129] {strides = array<i32>} : memref<128xi32, #tpu.memory_space<vmem>>, vector<16xi32>,
      tpu.vector_store %arg11[%swap3A_129], %add3A_128 {strides = array<i32>} : memref<128xi32, #tpu.memory_space<vmem>>, vector<16xi32>,
      %get3A_131 = arith.constant 48 : index
      %get3A_132 = tpu.vector_load %arg10[%get3A_131] {strides = array<i32>} : memref<128xi32, #tpu.memory_space<vmem>>, vector<16xi32>,
      %add3A_133 = vector.broadcast %mul3A_0 : i32 to vector<16xi32>
      %add3A_134 = arith.addi %get3A_132, %add3A_133 : vector<16xi32>
      %swap3A_135 = arith.constant 48 : index
      %swap3A_136 = tpu.vector_load %arg11[%swap3A_135] {strides = array<i32>} : memref<128xi32, #tpu.memory_space<vmem>>, vector<16xi32>,
      tpu.vector_store %arg11[%swap3A_135], %add3A_134 {strides = array<i32>} : memref<128xi32, #tpu.memory_space<vmem>>, vector<16xi32>,
      %get3A_137 = arith.constant 64 : index
      %get3A_138 = tpu.vector_load %arg10[%get3A_137] {strides = array<i32>} : memref<128xi32, #tpu.memory_space<vmem>>, vector<16xi32>,
      %add3A_139 = vector.broadcast %mul3A_0 : i32 to vector<16xi32>
      %add3A_140 = arith.addi %get3A_138, %add3A_139 : vector<16xi32>
      %swap3A_141 = arith.constant 64 : index
      %swap3A_142 = tpu.vector_load %arg11[%swap3A_141] {strides = array<i32>} : memref<128xi32, #tpu.memory_space<vmem>>, vector<16xi32>,
      tpu.vector_store %arg11[%swap3A_141], %add3A_140 {strides = array<i32>} : memref<128xi32, #tpu.memory_space<vmem>>, vector<16xi32>,
      %get3A_143 = arith.constant 80 : index
      %get3A_144 = tpu.vector_load %arg10[%get3A_143] {strides = array<i32>} : memref<128xi32, #tpu.memory_space<vmem>>, vector<16xi32>,
      %add3A_145 = vector.broadcast %mul3A_0 : i32 to vector<16xi32>
      %add3A_146 = arith.addi %get3A_144, %add3A_145 : vector<16xi32>
      %swap3A_147 = arith.constant 80 : index
      %swap3A_148 = tpu.vector_load %arg11[%swap3A_147] {strides = array<i32>} : memref<128xi32, #tpu.memory_space<vmem>>, vector<16xi32>,
      tpu.vector_store %arg11[%swap3A_147], %add3A_146 {strides = array<i32>} : memref<128xi32, #tpu.memory_space<vmem>>, vector<16xi32>,
      %get3A_149 = arith.constant 96 : index
      %get3A_150 = tpu.vector_load %arg10[%get3A_149] {strides = array<i32>} : memref<128xi32, #tpu.memory_space<vmem>>, vector<16xi32>,
      %add3A_151 = vector.broadcast %mul3A_0 : i32 to vector<16xi32>
      %add3A_152 = arith.addi %get3A_150, %add3A_151 : vector<16xi32>
      %swap3A_153 = arith.constant 96 : index
      %swap3A_154 = tpu.vector_load %arg11[%swap3A_153] {strides = array<i32>} : memref<128xi32, #tpu.memory_space<vmem>>, vector<16xi32>,
      tpu.vector_store %arg11[%swap3A_153], %add3A_152 {strides = array<i32>} : memref<128xi32, #tpu.memory_space<vmem>>, vector<16xi32>,
      %get3A_155 = arith.constant 112 : index
      %get3A_156 = tpu.vector_load %arg10[%get3A_155] {strides = array<i32>} : memref<128xi32, #tpu.memory_space<vmem>>, vector<16xi32>,
      %add3A_157 = vector.broadcast %mul3A_0 : i32 to vector<16xi32>
      %add3A_158 = arith.addi %get3A_156, %add3A_157 : vector<16xi32>
      %swap3A_159 = arith.constant 112 : index
      %swap3A_160 = tpu.vector_load %arg11[%swap3A_159] {strides = array<i32>} : memref<128xi32, #tpu.memory_space<vmem>>, vector<16xi32>,
      tpu.vector_store %arg11[%swap3A_159], %add3A_158 {strides = array<i32>} : memref<128xi32, #tpu.memory_space<vmem>>, vector<16xi32>,
      tpu.wait_dma2 semaphore(%arg20 : memref<!tpu.dma_semaphore, #tpu.memory_space<semaphore_mem>>) src(%arg2 : memref<20000x128xf32, #tpu.memory_space<hbm>>) dst(%arg13 : memref<128x128xf32, #tpu.memory_space<vmem>>)
      %dma_start3A_161 = arith.constant 0 : i32
      %dma_start3A_162 = arith.constant 0 : i32
      %dma_start3A_163 = tpu.memref_slice %arg2[%dma_start3A_161, %dma_start3A_162] : memref<20000x128xf32, #tpu.memory_space<hbm>> -> memref<20000x128xf32, #tpu.memory_space<hbm>>
      tpu.enqueue_indirect_dma source(%dma_start3A_163 : memref<20000x128xf32, #tpu.memory_space<hbm>>) target(%arg14 : memref<128x128xf32, #tpu.memory_space<vmem>>) offsets(%arg11 : memref<128xi32, #tpu.memory_space<vmem>>) semaphore(%arg21 : memref<!tpu.dma_semaphore, #tpu.memory_space<semaphore_mem>>)
      "tpu.region"() ({
        %run_scoped3A = tpu.sem_alloc : memref<!tpu.dma_semaphore, #tpu.memory_space<semaphore_mem>>
        %dma_start3A_168 = arith.constant 0 : i32
        %dma_start3A_169 = arith.constant 0 : i32
        %dma_start3A_170 = tpu.memref_slice %arg19[%dma_start3A_168, %dma_start3A_169] : memref<10000x128xf32, #tpu.memory_space<vmem_shared>> -> memref<10000x128xf32, #tpu.memory_space<vmem_shared>>
        tpu.enqueue_indirect_dma source(%arg13 : memref<128x128xf32, #tpu.memory_space<vmem>>) target(%dma_start3A_170 : memref<10000x128xf32, #tpu.memory_space<vmem_shared>>) offsets(%arg9 : memref<128xi32, #tpu.memory_space<vmem>>) semaphore(%run_scoped3A : memref<!tpu.dma_semaphore, #tpu.memory_space<semaphore_mem>>) {add = true}
        %dma_wait3A_171 = arith.constant 0 : i32
        %dma_wait3A_172 = arith.constant 0 : i32
        %dma_wait3A_173 = tpu.memref_slice %arg19[%dma_wait3A_171, %dma_wait3A_172] : memref<10000x128xf32, #tpu.memory_space<vmem_shared>> -> memref<10000x128xf32, #tpu.memory_space<vmem_shared>>
        tpu.wait_indirect_dma semaphore(%run_scoped3A : memref<!tpu.dma_semaphore, #tpu.memory_space<semaphore_mem>>) src(%arg13 : memref<128x128xf32, #tpu.memory_space<vmem>>) dst(%dma_wait3A_173 : memref<10000x128xf32, #tpu.memory_space<vmem_shared>>)
        tpu.yield
      }) : () -> ()
      %lt3A = arith.constant 38 : i32
      %lt3A_164 = arith.cmpi slt, %scan3A_93, %lt3A : i32
      %convert_element_type3A_165 = arith.extui %lt3A_164 : i1 to i32
      %cond3A_166 = arith.constant 0 : i32
      %cond3A_167 = arith.cmpi ne, %convert_element_type3A_165, %cond3A_166 : i32
      scf.if %cond3A_167 {
        %add3A_168 = arith.constant 2 : i32
        %add3A_169 = arith.addi %mul3A_95, %add3A_168 : i32
        %mul3A_170 = arith.constant 128 : i32
        %mul3A_171 = arith.muli %add3A_169, %mul3A_170 : i32
        %add3A_172 = arith.addi %mul3A_4, %mul3A_171 : i32
        %dma_start3A_173 = tpu.memref_slice %arg3[%add3A_172] : memref<160000xi32, #tpu.memory_space<hbm>> -> memref<128xi32, #tpu.memory_space<hbm>>
        %dma_start3A_174 = tpu.memref_slice %arg3[%add3A_172] : memref<160000xi32, #tpu.memory_space<hbm>> -> memref<128xi32, #tpu.memory_space<hbm>>
        tpu.enqueue_dma source(%dma_start3A_174 : memref<128xi32, #tpu.memory_space<hbm>>) target(%arg7 : memref<128xi32, #tpu.memory_space<vmem>>) target_semaphore(%arg22 : memref<!tpu.dma_semaphore, #tpu.memory_space<semaphore_mem>>)
        %dma_start3A_175 = tpu.memref_slice %arg4[%add3A_172] : memref<160000xi32, #tpu.memory_space<hbm>> -> memref<128xi32, #tpu.memory_space<hbm>>
        %dma_start3A_176 = tpu.memref_slice %arg4[%add3A_172] : memref<160000xi32, #tpu.memory_space<hbm>> -> memref<128xi32, #tpu.memory_space<hbm>>
        tpu.enqueue_dma source(%dma_start3A_176 : memref<128xi32, #tpu.memory_space<hbm>>) target(%arg9 : memref<128xi32, #tpu.memory_space<vmem>>) target_semaphore(%arg22 : memref<!tpu.dma_semaphore, #tpu.memory_space<semaphore_mem>>)
        %dma_wait3A_177 = arith.constant 0 : i32
        %dma_wait3A_178 = tpu.memref_slice %arg3[%dma_wait3A_177] : memref<160000xi32, #tpu.memory_space<hbm>> -> memref<128xi32, #tpu.memory_space<hbm>>
        %dma_wait3A_179 = arith.constant 0 : i32
        %dma_wait3A_180 = tpu.memref_slice %arg3[%dma_wait3A_179] : memref<160000xi32, #tpu.memory_space<hbm>> -> memref<128xi32, #tpu.memory_space<hbm>>
        tpu.wait_dma2 semaphore(%arg22 : memref<!tpu.dma_semaphore, #tpu.memory_space<semaphore_mem>>) src(%dma_wait3A_180 : memref<128xi32, #tpu.memory_space<hbm>>) dst(%arg7 : memref<128xi32, #tpu.memory_space<vmem>>)
        %dma_wait3A_181 = arith.constant 0 : i32
        %dma_wait3A_182 = tpu.memref_slice %arg3[%dma_wait3A_181] : memref<160000xi32, #tpu.memory_space<hbm>> -> memref<128xi32, #tpu.memory_space<hbm>>
        %dma_wait3A_183 = arith.constant 0 : i32
        %dma_wait3A_184 = tpu.memref_slice %arg3[%dma_wait3A_183] : memref<160000xi32, #tpu.memory_space<hbm>> -> memref<128xi32, #tpu.memory_space<hbm>>
        tpu.wait_dma2 semaphore(%arg22 : memref<!tpu.dma_semaphore, #tpu.memory_space<semaphore_mem>>) src(%dma_wait3A_184 : memref<128xi32, #tpu.memory_space<hbm>>) dst(%arg9 : memref<128xi32, #tpu.memory_space<vmem>>)
        %get3A_185 = arith.constant 0 : index
        %get3A_186 = tpu.vector_load %arg7[%get3A_185] {strides = array<i32>} : memref<128xi32, #tpu.memory_space<vmem>>, vector<16xi32>,
        %add3A_187 = vector.broadcast %mul3A_0 : i32 to vector<16xi32>
        %add3A_188 = arith.addi %get3A_186, %add3A_187 : vector<16xi32>
        %swap3A_189 = arith.constant 0 : index
        %swap3A_190 = tpu.vector_load %arg8[%swap3A_189] {strides = array<i32>} : memref<128xi32, #tpu.memory_space<vmem>>, vector<16xi32>,
        tpu.vector_store %arg8[%swap3A_189], %add3A_188 {strides = array<i32>} : memref<128xi32, #tpu.memory_space<vmem>>, vector<16xi32>,
        %get3A_191 = arith.constant 16 : index
        %get3A_192 = tpu.vector_load %arg7[%get3A_191] {strides = array<i32>} : memref<128xi32, #tpu.memory_space<vmem>>, vector<16xi32>,
        %add3A_193 = vector.broadcast %mul3A_0 : i32 to vector<16xi32>
        %add3A_194 = arith.addi %get3A_192, %add3A_193 : vector<16xi32>
        %swap3A_195 = arith.constant 16 : index
        %swap3A_196 = tpu.vector_load %arg8[%swap3A_195] {strides = array<i32>} : memref<128xi32, #tpu.memory_space<vmem>>, vector<16xi32>,
        tpu.vector_store %arg8[%swap3A_195], %add3A_194 {strides = array<i32>} : memref<128xi32, #tpu.memory_space<vmem>>, vector<16xi32>,
        %get3A_197 = arith.constant 32 : index
        %get3A_198 = tpu.vector_load %arg7[%get3A_197] {strides = array<i32>} : memref<128xi32, #tpu.memory_space<vmem>>, vector<16xi32>,
        %add3A_199 = vector.broadcast %mul3A_0 : i32 to vector<16xi32>
        %add3A_200 = arith.addi %get3A_198, %add3A_199 : vector<16xi32>
        %swap3A_201 = arith.constant 32 : index
        %swap3A_202 = tpu.vector_load %arg8[%swap3A_201] {strides = array<i32>} : memref<128xi32, #tpu.memory_space<vmem>>, vector<16xi32>,
        tpu.vector_store %arg8[%swap3A_201], %add3A_200 {strides = array<i32>} : memref<128xi32, #tpu.memory_space<vmem>>, vector<16xi32>,
        %get3A_203 = arith.constant 48 : index
        %get3A_204 = tpu.vector_load %arg7[%get3A_203] {strides = array<i32>} : memref<128xi32, #tpu.memory_space<vmem>>, vector<16xi32>,
        %add3A_205 = vector.broadcast %mul3A_0 : i32 to vector<16xi32>
        %add3A_206 = arith.addi %get3A_204, %add3A_205 : vector<16xi32>
        %swap3A_207 = arith.constant 48 : index
        %swap3A_208 = tpu.vector_load %arg8[%swap3A_207] {strides = array<i32>} : memref<128xi32, #tpu.memory_space<vmem>>, vector<16xi32>,
        tpu.vector_store %arg8[%swap3A_207], %add3A_206 {strides = array<i32>} : memref<128xi32, #tpu.memory_space<vmem>>, vector<16xi32>,
        %get3A_209 = arith.constant 64 : index
        %get3A_210 = tpu.vector_load %arg7[%get3A_209] {strides = array<i32>} : memref<128xi32, #tpu.memory_space<vmem>>, vector<16xi32>,
        %add3A_211 = vector.broadcast %mul3A_0 : i32 to vector<16xi32>
        %add3A_212 = arith.addi %get3A_210, %add3A_211 : vector<16xi32>
        %swap3A_213 = arith.constant 64 : index
        %swap3A_214 = tpu.vector_load %arg8[%swap3A_213] {strides = array<i32>} : memref<128xi32, #tpu.memory_space<vmem>>, vector<16xi32>,
        tpu.vector_store %arg8[%swap3A_213], %add3A_212 {strides = array<i32>} : memref<128xi32, #tpu.memory_space<vmem>>, vector<16xi32>,
        %get3A_215 = arith.constant 80 : index
        %get3A_216 = tpu.vector_load %arg7[%get3A_215] {strides = array<i32>} : memref<128xi32, #tpu.memory_space<vmem>>, vector<16xi32>,
        %add3A_217 = vector.broadcast %mul3A_0 : i32 to vector<16xi32>
        %add3A_218 = arith.addi %get3A_216, %add3A_217 : vector<16xi32>
        %swap3A_219 = arith.constant 80 : index
        %swap3A_220 = tpu.vector_load %arg8[%swap3A_219] {strides = array<i32>} : memref<128xi32, #tpu.memory_space<vmem>>, vector<16xi32>,
        tpu.vector_store %arg8[%swap3A_219], %add3A_218 {strides = array<i32>} : memref<128xi32, #tpu.memory_space<vmem>>, vector<16xi32>,
        %get3A_221 = arith.constant 96 : index
        %get3A_222 = tpu.vector_load %arg7[%get3A_221] {strides = array<i32>} : memref<128xi32, #tpu.memory_space<vmem>>, vector<16xi32>,
        %add3A_223 = vector.broadcast %mul3A_0 : i32 to vector<16xi32>
        %add3A_224 = arith.addi %get3A_222, %add3A_223 : vector<16xi32>
        %swap3A_225 = arith.constant 96 : index
        %swap3A_226 = tpu.vector_load %arg8[%swap3A_225] {strides = array<i32>} : memref<128xi32, #tpu.memory_space<vmem>>, vector<16xi32>,
        tpu.vector_store %arg8[%swap3A_225], %add3A_224 {strides = array<i32>} : memref<128xi32, #tpu.memory_space<vmem>>, vector<16xi32>,
        %get3A_227 = arith.constant 112 : index
        %get3A_228 = tpu.vector_load %arg7[%get3A_227] {strides = array<i32>} : memref<128xi32, #tpu.memory_space<vmem>>, vector<16xi32>,
        %add3A_229 = vector.broadcast %mul3A_0 : i32 to vector<16xi32>
        %add3A_230 = arith.addi %get3A_228, %add3A_229 : vector<16xi32>
        %swap3A_231 = arith.constant 112 : index
        %swap3A_232 = tpu.vector_load %arg8[%swap3A_231] {strides = array<i32>} : memref<128xi32, #tpu.memory_space<vmem>>, vector<16xi32>,
        tpu.vector_store %arg8[%swap3A_231], %add3A_230 {strides = array<i32>} : memref<128xi32, #tpu.memory_space<vmem>>, vector<16xi32>,
        %dma_start3A_233 = arith.constant 0 : i32
        %dma_start3A_234 = arith.constant 0 : i32
        %dma_start3A_235 = tpu.memref_slice %arg2[%dma_start3A_233, %dma_start3A_234] : memref<20000x128xf32, #tpu.memory_space<hbm>> -> memref<20000x128xf32, #tpu.memory_space<hbm>>
        tpu.enqueue_indirect_dma source(%dma_start3A_235 : memref<20000x128xf32, #tpu.memory_space<hbm>>) target(%arg13 : memref<128x128xf32, #tpu.memory_space<vmem>>) offsets(%arg8 : memref<128xi32, #tpu.memory_space<vmem>>) semaphore(%arg20 : memref<!tpu.dma_semaphore, #tpu.memory_space<semaphore_mem>>)
      } else {
      }
      tpu.wait_dma2 semaphore(%arg21 : memref<!tpu.dma_semaphore, #tpu.memory_space<semaphore_mem>>) src(%arg2 : memref<20000x128xf32, #tpu.memory_space<hbm>>) dst(%arg14 : memref<128x128xf32, #tpu.memory_space<vmem>>)
      "tpu.region"() ({
        %run_scoped3A = tpu.sem_alloc : memref<!tpu.dma_semaphore, #tpu.memory_space<semaphore_mem>>
        %dma_start3A_168 = arith.constant 0 : i32
        %dma_start3A_169 = arith.constant 0 : i32
        %dma_start3A_170 = tpu.memref_slice %arg19[%dma_start3A_168, %dma_start3A_169] : memref<10000x128xf32, #tpu.memory_space<vmem_shared>> -> memref<10000x128xf32, #tpu.memory_space<vmem_shared>>
        tpu.enqueue_indirect_dma source(%arg14 : memref<128x128xf32, #tpu.memory_space<vmem>>) target(%dma_start3A_170 : memref<10000x128xf32, #tpu.memory_space<vmem_shared>>) offsets(%arg12 : memref<128xi32, #tpu.memory_space<vmem>>) semaphore(%run_scoped3A : memref<!tpu.dma_semaphore, #tpu.memory_space<semaphore_mem>>) {add = true}
        %dma_wait3A_171 = arith.constant 0 : i32
        %dma_wait3A_172 = arith.constant 0 : i32
        %dma_wait3A_173 = tpu.memref_slice %arg19[%dma_wait3A_171, %dma_wait3A_172] : memref<10000x128xf32, #tpu.memory_space<vmem_shared>> -> memref<10000x128xf32, #tpu.memory_space<vmem_shared>>
        tpu.wait_indirect_dma semaphore(%run_scoped3A : memref<!tpu.dma_semaphore, #tpu.memory_space<semaphore_mem>>) src(%arg14 : memref<128x128xf32, #tpu.memory_space<vmem>>) dst(%dma_wait3A_173 : memref<10000x128xf32, #tpu.memory_space<vmem_shared>>)
        tpu.yield
      }) : () -> ()
    }
    %scan3A_69 = arith.constant 39 : i32
    %add3A_70 = arith.constant 9984 : i32
    %add3A_71 = arith.addi %mul3A_4, %add3A_70 : i32
    "tpu.region"() ({
      %run_scoped3A = tpu.sem_alloc : memref<!tpu.dma_semaphore, #tpu.memory_space<semaphore_mem>>
      %dma_start3A_93 = tpu.memref_slice %arg3[%add3A_71] : memref<160000xi32, #tpu.memory_space<hbm>> -> memref<16xi32, #tpu.memory_space<hbm>>
      %dma_start3A_94 = tpu.memref_slice %arg3[%add3A_71] : memref<160000xi32, #tpu.memory_space<hbm>> -> memref<16xi32, #tpu.memory_space<hbm>>
      tpu.enqueue_dma source(%dma_start3A_94 : memref<16xi32, #tpu.memory_space<hbm>>) target(%arg15 : memref<16xi32, #tpu.memory_space<vmem>>) target_semaphore(%run_scoped3A : memref<!tpu.dma_semaphore, #tpu.memory_space<semaphore_mem>>)
      %dma_wait3A_95 = tpu.memref_slice %arg3[%add3A_71] : memref<160000xi32, #tpu.memory_space<hbm>> -> memref<16xi32, #tpu.memory_space<hbm>>
      %dma_wait3A_96 = tpu.memref_slice %arg3[%add3A_71] : memref<160000xi32, #tpu.memory_space<hbm>> -> memref<16xi32, #tpu.memory_space<hbm>>
      tpu.wait_dma2 semaphore(%run_scoped3A : memref<!tpu.dma_semaphore, #tpu.memory_space<semaphore_mem>>) src(%dma_wait3A_96 : memref<16xi32, #tpu.memory_space<hbm>>) dst(%arg15 : memref<16xi32, #tpu.memory_space<vmem>>)
      tpu.yield
    }) : () -> ()
    %add3A_72 = arith.constant 9984 : i32
    %add3A_73 = arith.addi %mul3A_4, %add3A_72 : i32
    "tpu.region"() ({
      %run_scoped3A = tpu.sem_alloc : memref<!tpu.dma_semaphore, #tpu.memory_space<semaphore_mem>>
      %dma_start3A_93 = tpu.memref_slice %arg4[%add3A_73] : memref<160000xi32, #tpu.memory_space<hbm>> -> memref<16xi32, #tpu.memory_space<hbm>>
      %dma_start3A_94 = tpu.memref_slice %arg4[%add3A_73] : memref<160000xi32, #tpu.memory_space<hbm>> -> memref<16xi32, #tpu.memory_space<hbm>>
      tpu.enqueue_dma source(%dma_start3A_94 : memref<16xi32, #tpu.memory_space<hbm>>) target(%arg17 : memref<16xi32, #tpu.memory_space<vmem>>) target_semaphore(%run_scoped3A : memref<!tpu.dma_semaphore, #tpu.memory_space<semaphore_mem>>)
      %dma_wait3A_95 = tpu.memref_slice %arg4[%add3A_73] : memref<160000xi32, #tpu.memory_space<hbm>> -> memref<16xi32, #tpu.memory_space<hbm>>
      %dma_wait3A_96 = tpu.memref_slice %arg4[%add3A_73] : memref<160000xi32, #tpu.memory_space<hbm>> -> memref<16xi32, #tpu.memory_space<hbm>>
      tpu.wait_dma2 semaphore(%run_scoped3A : memref<!tpu.dma_semaphore, #tpu.memory_space<semaphore_mem>>) src(%dma_wait3A_96 : memref<16xi32, #tpu.memory_space<hbm>>) dst(%arg17 : memref<16xi32, #tpu.memory_space<vmem>>)
      tpu.yield
    }) : () -> ()
    %get3A_74 = arith.constant 0 : index
    %get3A_75 = tpu.vector_load %arg15[%get3A_74] {strides = array<i32>} : memref<16xi32, #tpu.memory_space<vmem>>, vector<16xi32>,
    %add3A_76 = vector.broadcast %mul3A_0 : i32 to vector<16xi32>
    %add3A_77 = arith.addi %get3A_75, %add3A_76 : vector<16xi32>
    %swap3A_78 = arith.constant 0 : index
    %swap3A_79 = tpu.vector_load %arg16[%swap3A_78] {strides = array<i32>} : memref<16xi32, #tpu.memory_space<vmem>>, vector<16xi32>,
    tpu.vector_store %arg16[%swap3A_78], %add3A_77 {strides = array<i32>} : memref<16xi32, #tpu.memory_space<vmem>>, vector<16xi32>,
    %dma_start3A_80 = arith.constant 0 : i32
    %dma_start3A_81 = arith.constant 0 : i32
    %dma_start3A_82 = tpu.memref_slice %arg2[%dma_start3A_80, %dma_start3A_81] : memref<20000x128xf32, #tpu.memory_space<hbm>> -> memref<20000x128xf32, #tpu.memory_space<hbm>>
    tpu.enqueue_indirect_dma source(%dma_start3A_82 : memref<20000x128xf32, #tpu.memory_space<hbm>>) target(%arg18 : memref<16x128xf32, #tpu.memory_space<vmem>>) offsets(%arg16 : memref<16xi32, #tpu.memory_space<vmem>>) semaphore(%arg20 : memref<!tpu.dma_semaphore, #tpu.memory_space<semaphore_mem>>)
    %dma_wait3A_83 = arith.constant 0 : i32
    %dma_wait3A_84 = arith.constant 0 : i32
    %dma_wait3A_85 = tpu.memref_slice %arg2[%dma_wait3A_83, %dma_wait3A_84] : memref<20000x128xf32, #tpu.memory_space<hbm>> -> memref<20000x128xf32, #tpu.memory_space<hbm>>
    tpu.wait_indirect_dma semaphore(%arg20 : memref<!tpu.dma_semaphore, #tpu.memory_space<semaphore_mem>>) src(%dma_wait3A_85 : memref<20000x128xf32, #tpu.memory_space<hbm>>) dst(%arg18 : memref<16x128xf32, #tpu.memory_space<vmem>>)
    "tpu.region"() ({
      %run_scoped3A = tpu.sem_alloc : memref<!tpu.dma_semaphore, #tpu.memory_space<semaphore_mem>>
      %dma_start3A_93 = arith.constant 0 : i32
      %dma_start3A_94 = arith.constant 0 : i32
      %dma_start3A_95 = tpu.memref_slice %arg19[%dma_start3A_93, %dma_start3A_94] : memref<10000x128xf32, #tpu.memory_space<vmem_shared>> -> memref<10000x128xf32, #tpu.memory_space<vmem_shared>>
      tpu.enqueue_indirect_dma source(%arg18 : memref<16x128xf32, #tpu.memory_space<vmem>>) target(%dma_start3A_95 : memref<10000x128xf32, #tpu.memory_space<vmem_shared>>) offsets(%arg17 : memref<16xi32, #tpu.memory_space<vmem>>) semaphore(%run_scoped3A : memref<!tpu.dma_semaphore, #tpu.memory_space<semaphore_mem>>) {add = true}
      %dma_wait3A_96 = arith.constant 0 : i32
      %dma_wait3A_97 = arith.constant 0 : i32
      %dma_wait3A_98 = tpu.memref_slice %arg19[%dma_wait3A_96, %dma_wait3A_97] : memref<10000x128xf32, #tpu.memory_space<vmem_shared>> -> memref<10000x128xf32, #tpu.memory_space<vmem_shared>>
      tpu.wait_indirect_dma semaphore(%run_scoped3A : memref<!tpu.dma_semaphore, #tpu.memory_space<semaphore_mem>>) src(%arg18 : memref<16x128xf32, #tpu.memory_space<vmem>>) dst(%dma_wait3A_98 : memref<10000x128xf32, #tpu.memory_space<vmem_shared>>)
      tpu.yield
    }) : () -> ()
    %barrier3A_86 = arith.constant 0 : index
    tpu.barrier barrier_id(%barrier3A_86)
    %add3A_87 = arith.addi %mul3A_0, %mul3A_2 : i32
    "tpu.region"() ({
      %run_scoped3A = tpu.sem_alloc : memref<!tpu.dma_semaphore, #tpu.memory_space<semaphore_mem>>
      %dma_start3A_93 = arith.constant 0 : i32
      %dma_start3A_94 = tpu.memref_slice %arg6[%add3A_87, %dma_start3A_93] : memref<20000x128xf32, #tpu.memory_space<hbm>> -> memref<624x128xf32, #tpu.memory_space<hbm>>
      %dma_start3A_95 = arith.constant 0 : i32
      %dma_start3A_96 = tpu.memref_slice %arg19[%mul3A_2, %dma_start3A_95] : memref<10000x128xf32, #tpu.memory_space<vmem_shared>> -> memref<624x128xf32, #tpu.memory_space<vmem_shared>>
      tpu.enqueue_dma source(%dma_start3A_96 : memref<624x128xf32, #tpu.memory_space<vmem_shared>>) target(%dma_start3A_94 : memref<624x128xf32, #tpu.memory_space<hbm>>) target_semaphore(%run_scoped3A : memref<!tpu.dma_semaphore, #tpu.memory_space<semaphore_mem>>)
      %dma_wait3A_97 = arith.constant 0 : i32
      %dma_wait3A_98 = tpu.memref_slice %arg6[%add3A_87, %dma_wait3A_97] : memref<20000x128xf32, #tpu.memory_space<hbm>> -> memref<624x128xf32, #tpu.memory_space<hbm>>
      %dma_wait3A_99 = arith.constant 0 : i32
      %dma_wait3A_100 = tpu.memref_slice %arg19[%mul3A_2, %dma_wait3A_99] : memref<10000x128xf32, #tpu.memory_space<vmem_shared>> -> memref<624x128xf32, #tpu.memory_space<vmem_shared>>
      tpu.wait_dma2 semaphore(%run_scoped3A : memref<!tpu.dma_semaphore, #tpu.memory_space<semaphore_mem>>) src(%dma_wait3A_100 : memref<624x128xf32, #tpu.memory_space<vmem_shared>>) dst(%dma_wait3A_98 : memref<624x128xf32, #tpu.memory_space<hbm>>)
      tpu.yield
    }) : () -> ()
    %eq3A_88 = arith.constant 15 : i32
    %eq3A_89 = arith.cmpi eq, %arg1, %eq3A_88 : i32
    %convert_element_type3A_90 = arith.extui %eq3A_89 : i1 to i32
    %cond3A_91 = arith.constant 0 : i32
    %cond3A_92 = arith.cmpi ne, %convert_element_type3A_90, %cond3A_91 : i32
    scf.if %cond3A_92 {
      %add3A_93 = arith.constant 9984 : i32
      %add3A_94 = arith.addi %mul3A_0, %add3A_93 : i32
      "tpu.region"() ({
        %run_scoped3A = tpu.sem_alloc : memref<!tpu.dma_semaphore, #tpu.memory_space<semaphore_mem>>
        %dma_start3A_95 = arith.constant 0 : i32
        %dma_start3A_96 = tpu.memref_slice %arg6[%add3A_94, %dma_start3A_95] : memref<20000x128xf32, #tpu.memory_space<hbm>> -> memref<16x128xf32, #tpu.memory_space<hbm>>
        %dma_start3A_97 = arith.constant 9984 : i32
        %dma_start3A_98 = arith.constant 0 : i32
        %dma_start3A_99 = tpu.memref_slice %arg19[%dma_start3A_97, %dma_start3A_98] : memref<10000x128xf32, #tpu.memory_space<vmem_shared>> -> memref<16x128xf32, #tpu.memory_space<vmem_shared>>
        tpu.enqueue_dma source(%dma_start3A_99 : memref<16x128xf32, #tpu.memory_space<vmem_shared>>) target(%dma_start3A_96 : memref<16x128xf32, #tpu.memory_space<hbm>>) target_semaphore(%run_scoped3A : memref<!tpu.dma_semaphore, #tpu.memory_space<semaphore_mem>>)
        %dma_wait3A_100 = arith.constant 0 : i32
        %dma_wait3A_101 = tpu.memref_slice %arg6[%add3A_94, %dma_wait3A_100] : memref<20000x128xf32, #tpu.memory_space<hbm>> -> memref<16x128xf32, #tpu.memory_space<hbm>>
        %dma_wait3A_102 = arith.constant 9984 : i32
        %dma_wait3A_103 = arith.constant 0 : i32
        %dma_wait3A_104 = tpu.memref_slice %arg19[%dma_wait3A_102, %dma_wait3A_103] : memref<10000x128xf32, #tpu.memory_space<vmem_shared>> -> memref<16x128xf32, #tpu.memory_space<vmem_shared>>
        tpu.wait_dma2 semaphore(%run_scoped3A : memref<!tpu.dma_semaphore, #tpu.memory_space<semaphore_mem>>) src(%dma_wait3A_104 : memref<16x128xf32, #tpu.memory_space<vmem_shared>>) dst(%dma_wait3A_101 : memref<16x128xf32, #tpu.memory_space<hbm>>)
        tpu.yield
      }) : () -> ()
    } else {
    }
    return
  }
}

module attributes {stable_mosaic.version = 14 : i64} {
  func.func @_split_body(%arg0: i32, %arg1: i32, %arg2: memref<1000x128xf32, #tpu.memory_space<vmem>>, %arg3: memref<1000x128xf32, #tpu.memory_space<vmem>>) attributes {dimension_semantics = [#tpu.dimension_semantics<arbitrary>, #tpu.dimension_semantics<arbitrary>], iteration_bounds = array<i64: 2, 10>, scalar_prefetch = 0 : i64, scratch_operands = 0 : i64, tpu.core_type = #tpu.core_type<tc>, window_params = [{transform_indices = @transform_0, window_bounds = array<i64: 1000, 128>}, {transform_indices = @transform_1, window_bounds = array<i64: 1000, 128>}]} {
    %get3A = arith.constant 0 : index
    %get3A_0 = arith.constant 0 : index
    %get3A_1 = vector.load %arg2[%get3A, %get3A_0] : memref<1000x128xf32, #tpu.memory_space<vmem>>, vector<1000x128xf32>
    %swap3A = arith.constant 0 : index
    %swap3A_2 = arith.constant 0 : index
    %swap3A_3 = vector.load %arg3[%swap3A, %swap3A_2] : memref<1000x128xf32, #tpu.memory_space<vmem>>, vector<1000x128xf32>
    tpu.vector_store %arg3[%swap3A, %swap3A_2], %get3A_1 {strides = array<i32>} : memref<1000x128xf32, #tpu.memory_space<vmem>>, vector<1000x128xf32>,
    return
  }
  func.func @transform_0(%arg0: i32, %arg1: i32) -> (i32, i32) {
    %c0_i32 = arith.constant 0 : i32
    return %arg1, %arg0 : i32, i32
  }
  func.func @transform_1(%arg0: i32, %arg1: i32) -> (i32, i32) {
    %mul3A = arith.constant 10 : i32
    %mul3A_0 = arith.muli %arg0, %mul3A : i32
    %add3A = arith.addi %mul3A_0, %arg1 : i32
    %c0_i32 = arith.constant 0 : i32
    %c0_i32_1 = arith.constant 0 : i32
    return %add3A, %c0_i32 : i32, i32
  }
}

module attributes {stable_mosaic.version = 14 : i64} {
  func.func @_score_body(%arg0: i32, %arg1: memref<1000x128xf32, #tpu.memory_space<vmem>>, %arg2: memref<1000x128xf32, #tpu.memory_space<vmem>>, %arg3: memref<1000x128xf32, #tpu.memory_space<vmem>>, %arg4: memref<1000x128xf32, #tpu.memory_space<vmem>>, %arg5: memref<256x256xf32, #tpu.memory_space<vmem>>, %arg6: memref<1x256xf32, #tpu.memory_space<vmem>>, %arg7: memref<256x1xf32, #tpu.memory_space<vmem>>, %arg8: memref<1x1xf32, #tpu.memory_space<vmem>>, %arg9: memref<1000x1xi32, #tpu.memory_space<vmem>>) attributes {dimension_semantics = [#tpu.dimension_semantics<arbitrary>], iteration_bounds = array<i64: 10>, scalar_prefetch = 0 : i64, scratch_operands = 0 : i64, tpu.core_type = #tpu.core_type<tc>, window_params = [{transform_indices = @transform_0, window_bounds = array<i64: 1000, 128>}, {transform_indices = @transform_1, window_bounds = array<i64: 1000, 128>}, {transform_indices = @transform_2, window_bounds = array<i64: 1000, 128>}, {transform_indices = @transform_3, window_bounds = array<i64: 1000, 128>}, {pipeline_mode = #tpu.pipeline_mode<synchronous>, transform_indices = @transform_4, window_bounds = array<i64: 256, 256>}, {pipeline_mode = #tpu.pipeline_mode<synchronous>, transform_indices = @transform_5, window_bounds = array<i64: 1, 256>}, {pipeline_mode = #tpu.pipeline_mode<synchronous>, transform_indices = @transform_6, window_bounds = array<i64: 256, 1>}, {pipeline_mode = #tpu.pipeline_mode<synchronous>, transform_indices = @transform_7, window_bounds = array<i64: 1, 1>}, {transform_indices = @transform_8, window_bounds = array<i64: 1000, 1>}]} {
    %get3A = arith.constant 0 : index
    %get3A_0 = arith.constant 0 : index
    %get3A_1 = vector.load %arg1[%get3A, %get3A_0] : memref<1000x128xf32, #tpu.memory_space<vmem>>, vector<1000x128xf32>
    %get3A_2 = arith.constant 0 : index
    %get3A_3 = arith.constant 0 : index
    %get3A_4 = vector.load %arg3[%get3A_2, %get3A_3] : memref<1000x128xf32, #tpu.memory_space<vmem>>, vector<1000x128xf32>
    %add3A = arith.addf %get3A_1, %get3A_4 : vector<1000x128xf32>
    %get3A_5 = arith.constant 0 : index
    %get3A_6 = arith.constant 0 : index
    %get3A_7 = vector.load %arg2[%get3A_5, %get3A_6] : memref<1000x128xf32, #tpu.memory_space<vmem>>, vector<1000x128xf32>
    %get3A_8 = arith.constant 0 : index
    %get3A_9 = arith.constant 0 : index
    %get3A_10 = vector.load %arg4[%get3A_8, %get3A_9] : memref<1000x128xf32, #tpu.memory_space<vmem>>, vector<1000x128xf32>
    %add3A_11 = arith.addf %get3A_7, %get3A_10 : vector<1000x128xf32>
    %concatenate3A = tpu.concatenate %add3A, %add3A_11 in 1 : vector<1000x128xf32>, vector<1000x128xf32> -> vector<1000x256xf32>
    %get3A_12 = arith.constant 0 : index
    %get3A_13 = arith.constant 0 : index
    %get3A_14 = vector.load %arg5[%get3A_12, %get3A_13] : memref<256x256xf32, #tpu.memory_space<vmem>>, vector<256x256xf32>
    %dot_general3A = arith.constant dense<0.000000e+00> : vector<1000x256xf32>
    %dot_general3A_15 = tpu.matmul %concatenate3A, %get3A_14, %dot_general3A {dimension_numbers = #tpu.dot_dimension_numbers<[1], [0], [0], [1], [0, 0, 1, 1], [], []>, transpose_lhs_hint = false} : vector<1000x256xf32>, vector<256x256xf32>, vector<1000x256xf32> -> vector<1000x256xf32>
    %get3A_16 = arith.constant 0 : index
    %get3A_17 = arith.constant 0 : index
    %get3A_18 = vector.load %arg6[%get3A_16, %get3A_17] : memref<1x256xf32, #tpu.memory_space<vmem>>, vector<1x256xf32>
    %add3A_19 = vector.broadcast %get3A_18 : vector<1x256xf32> to vector<1000x256xf32>
    %add3A_20 = arith.addf %dot_general3A_15, %add3A_19 : vector<1000x256xf32>
    %max3A = arith.constant 0.000000e+00 : f32
    %max3A_21 = vector.broadcast %max3A : f32 to vector<1000x256xf32>
    %max3A_22 = arith.maximumf %add3A_20, %max3A_21 : vector<1000x256xf32>
    %get3A_23 = arith.constant 0 : index
    %get3A_24 = arith.constant 0 : index
    %get3A_25 = vector.load %arg7[%get3A_23, %get3A_24] : memref<256x1xf32, #tpu.memory_space<vmem>>, vector<256x1xf32>
    %dot_general3A_26 = arith.constant dense<0.000000e+00> : vector<1000x1xf32>
    %dot_general3A_27 = tpu.matmul %max3A_22, %get3A_25, %dot_general3A_26 {dimension_numbers = #tpu.dot_dimension_numbers<[1], [0], [0], [1], [0, 0, 1, 1], [], []>, transpose_lhs_hint = false} : vector<1000x256xf32>, vector<256x1xf32>, vector<1000x1xf32> -> vector<1000x1xf32>
    %get3A_28 = arith.constant 0 : index
    %get3A_29 = arith.constant 0 : index
    %get3A_30 = vector.load %arg8[%get3A_28, %get3A_29] : memref<1x1xf32, #tpu.memory_space<vmem>>, vector<1x1xf32>
    %add3A_31 = vector.broadcast %get3A_30 : vector<1x1xf32> to vector<1000x1xf32>
    %add3A_32 = arith.addf %dot_general3A_27, %add3A_31 : vector<1000x1xf32>
    %logistic3A = arith.negf %add3A_32 : vector<1000x1xf32>
    %logistic3A_33 = math.exp %logistic3A : vector<1000x1xf32>
    %logistic3A_34 = arith.constant 1.000000e+00 : f32
    %logistic3A_35 = vector.broadcast %logistic3A_34 : f32 to vector<1000x1xf32>
    %logistic3A_36 = arith.addf %logistic3A_35, %logistic3A_33 : vector<1000x1xf32>
    %logistic3A_37 = arith.divf %logistic3A_35, %logistic3A_36 : vector<1000x1xf32>
    %bitcast_convert_type3A = tpu.bitcast %logistic3A_37 : vector<1000x1xf32> -> vector<1000x1xi32>
    %swap3A = arith.constant 0 : index
    %swap3A_38 = arith.constant 0 : index
    %swap3A_39 = vector.load %arg9[%swap3A, %swap3A_38] : memref<1000x1xi32, #tpu.memory_space<vmem>>, vector<1000x1xi32>
    tpu.vector_store %arg9[%swap3A, %swap3A_38], %bitcast_convert_type3A {strides = array<i32>} : memref<1000x1xi32, #tpu.memory_space<vmem>>, vector<1000x1xi32>,
    return
  }
  func.func @transform_0(%arg0: i32) -> (i32, i32) {
    %c0_i32 = arith.constant 0 : i32
    %c0_i32_0 = arith.constant 0 : i32
    return %arg0, %c0_i32 : i32, i32
  }
  func.func @transform_1(%arg0: i32) -> (i32, i32) {
    %add3A = arith.constant 10 : i32
    %add3A_0 = arith.addi %arg0, %add3A : i32
    %c0_i32 = arith.constant 0 : i32
    %c0_i32_1 = arith.constant 0 : i32
    return %add3A_0, %c0_i32 : i32, i32
  }
  func.func @transform_2(%arg0: i32) -> (i32, i32) {
    %c0_i32 = arith.constant 0 : i32
    %c0_i32_0 = arith.constant 0 : i32
    return %arg0, %c0_i32 : i32, i32
  }
  func.func @transform_3(%arg0: i32) -> (i32, i32) {
    %add3A = arith.constant 10 : i32
    %add3A_0 = arith.addi %arg0, %add3A : i32
    %c0_i32 = arith.constant 0 : i32
    %c0_i32_1 = arith.constant 0 : i32
    return %add3A_0, %c0_i32 : i32, i32
  }
  func.func @transform_4(%arg0: i32) -> (i32, i32) {
    %c0_i32 = arith.constant 0 : i32
    %c0_i32_0 = arith.constant 0 : i32
    %c0_i32_1 = arith.constant 0 : i32
    return %c0_i32, %c0_i32_0 : i32, i32
  }
  func.func @transform_5(%arg0: i32) -> (i32, i32) {
    %c0_i32 = arith.constant 0 : i32
    %c0_i32_0 = arith.constant 0 : i32
    %c0_i32_1 = arith.constant 0 : i32
    return %c0_i32, %c0_i32_0 : i32, i32
  }
  func.func @transform_6(%arg0: i32) -> (i32, i32) {
    %c0_i32 = arith.constant 0 : i32
    %c0_i32_0 = arith.constant 0 : i32
    %c0_i32_1 = arith.constant 0 : i32
    return %c0_i32, %c0_i32_0 : i32, i32
  }
  func.func @transform_7(%arg0: i32) -> (i32, i32) {
    %c0_i32 = arith.constant 0 : i32
    %c0_i32_0 = arith.constant 0 : i32
    %c0_i32_1 = arith.constant 0 : i32
    return %c0_i32, %c0_i32_0 : i32, i32
  }
  func.func @transform_8(%arg0: i32) -> (i32, i32) {
    %c0_i32 = arith.constant 0 : i32
    %c0_i32_0 = arith.constant 0 : i32
    return %arg0, %c0_i32 : i32, i32
  }
}

module attributes {stable_mosaic.version = 14 : i64} {
  func.func @_maskx_body(%arg0: i32, %arg1: i32, %arg2: memref<1000x128xf32, #tpu.memory_space<vmem>>, %arg3: memref<1000x1xf32, #tpu.memory_space<vmem>>, %arg4: memref<1000x1xf32, #tpu.memory_space<vmem>>, %arg5: memref<1x128xf32, #tpu.memory_space<vmem>>, %arg6: memref<1000x128xf32, #tpu.memory_space<vmem>>) attributes {dimension_semantics = [#tpu.dimension_semantics<arbitrary>, #tpu.dimension_semantics<arbitrary>], iteration_bounds = array<i64: 2, 10>, scalar_prefetch = 0 : i64, scratch_operands = 0 : i64, tpu.core_type = #tpu.core_type<tc>, window_params = [{transform_indices = @transform_0, window_bounds = array<i64: 1000, 128>}, {transform_indices = @transform_1, window_bounds = array<i64: 1000, 1>}, {transform_indices = @transform_2, window_bounds = array<i64: 1000, 1>}, {transform_indices = @transform_3, window_bounds = array<i64: 1, 128>}, {transform_indices = @transform_4, window_bounds = array<i64: 1000, 128>}]} {
    %get3A = arith.constant 0 : index
    %get3A_0 = arith.constant 0 : index
    %get3A_1 = vector.load %arg3[%get3A, %get3A_0] : memref<1000x1xf32, #tpu.memory_space<vmem>>, vector<1000x1xf32>
    %get3A_2 = arith.constant 0 : index
    %get3A_3 = arith.constant 0 : index
    %get3A_4 = vector.load %arg2[%get3A_2, %get3A_3] : memref<1000x128xf32, #tpu.memory_space<vmem>>, vector<1000x128xf32>
    %sub3A = arith.constant 1.000000e+00 : f32
    %sub3A_5 = vector.broadcast %sub3A : f32 to vector<1000x1xf32>
    %sub3A_6 = arith.subf %sub3A_5, %get3A_1 : vector<1000x1xf32>
    %mul3A = vector.broadcast %sub3A_6 : vector<1000x1xf32> to vector<1000x128xf32>
    %mul3A_7 = arith.mulf %get3A_4, %mul3A : vector<1000x128xf32>
    %get3A_8 = arith.constant 0 : index
    %get3A_9 = arith.constant 0 : index
    %get3A_10 = vector.load %arg4[%get3A_8, %get3A_9] : memref<1000x1xf32, #tpu.memory_space<vmem>>, vector<1000x1xf32>
    %sub3A_11 = arith.subf %get3A_1, %get3A_10 : vector<1000x1xf32>
    %get3A_12 = arith.constant 0 : index
    %get3A_13 = arith.constant 0 : index
    %get3A_14 = vector.load %arg5[%get3A_12, %get3A_13] : memref<1x128xf32, #tpu.memory_space<vmem>>, vector<1x128xf32>
    %mul3A_15 = vector.broadcast %sub3A_11 : vector<1000x1xf32> to vector<1000x128xf32>
    %mul3A_16 = vector.broadcast %get3A_14 : vector<1x128xf32> to vector<1000x128xf32>
    %mul3A_17 = arith.mulf %mul3A_15, %mul3A_16 : vector<1000x128xf32>
    %add3A = arith.addf %mul3A_7, %mul3A_17 : vector<1000x128xf32>
    %swap3A = arith.constant 0 : index
    %swap3A_18 = arith.constant 0 : index
    %swap3A_19 = vector.load %arg6[%swap3A, %swap3A_18] : memref<1000x128xf32, #tpu.memory_space<vmem>>, vector<1000x128xf32>
    tpu.vector_store %arg6[%swap3A, %swap3A_18], %add3A {strides = array<i32>} : memref<1000x128xf32, #tpu.memory_space<vmem>>, vector<1000x128xf32>,
    return
  }
  func.func @transform_0(%arg0: i32, %arg1: i32) -> (i32, i32) {
    %mul3A = arith.constant 10 : i32
    %mul3A_0 = arith.muli %arg0, %mul3A : i32
    %add3A = arith.addi %mul3A_0, %arg1 : i32
    %c0_i32 = arith.constant 0 : i32
    %c0_i32_1 = arith.constant 0 : i32
    return %add3A, %c0_i32 : i32, i32
  }
  func.func @transform_1(%arg0: i32, %arg1: i32) -> (i32, i32) {
    %c0_i32 = arith.constant 0 : i32
    %c0_i32_0 = arith.constant 0 : i32
    return %arg1, %c0_i32 : i32, i32
  }
  func.func @transform_2(%arg0: i32, %arg1: i32) -> (i32, i32) {
    %c0_i32 = arith.constant 0 : i32
    %c0_i32_0 = arith.constant 0 : i32
    return %arg1, %c0_i32 : i32, i32
  }
  func.func @transform_3(%arg0: i32, %arg1: i32) -> (i32, i32) {
    %c0_i32 = arith.constant 0 : i32
    %c0_i32_0 = arith.constant 0 : i32
    return %c0_i32, %arg0 : i32, i32
  }
  func.func @transform_4(%arg0: i32, %arg1: i32) -> (i32, i32) {
    %mul3A = arith.constant 10 : i32
    %mul3A_0 = arith.muli %arg0, %mul3A : i32
    %add3A = arith.addi %mul3A_0, %arg1 : i32
    %c0_i32 = arith.constant 0 : i32
    %c0_i32_1 = arith.constant 0 : i32
    return %add3A, %c0_i32 : i32, i32
  }
}

module attributes {stable_mosaic.version = 14 : i64} {
  func.func @_z1_body(%arg0: i32, %arg1: memref<1000x128xf32, #tpu.memory_space<vmem>>, %arg2: memref<1000x128xf32, #tpu.memory_space<vmem>>, %arg3: memref<1000x128xf32, #tpu.memory_space<vmem>>, %arg4: memref<1000x128xf32, #tpu.memory_space<vmem>>, %arg5: memref<256x256xf32, #tpu.memory_space<vmem>>, %arg6: memref<1x256xf32, #tpu.memory_space<vmem>>, %arg7: memref<1000x256xf32, #tpu.memory_space<vmem>>) attributes {dimension_semantics = [#tpu.dimension_semantics<arbitrary>], iteration_bounds = array<i64: 10>, scalar_prefetch = 0 : i64, scratch_operands = 0 : i64, tpu.core_type = #tpu.core_type<tc>, window_params = [{transform_indices = @transform_0, window_bounds = array<i64: 1000, 128>}, {transform_indices = @transform_1, window_bounds = array<i64: 1000, 128>}, {transform_indices = @transform_2, window_bounds = array<i64: 1000, 128>}, {transform_indices = @transform_3, window_bounds = array<i64: 1000, 128>}, {pipeline_mode = #tpu.pipeline_mode<synchronous>, transform_indices = @transform_4, window_bounds = array<i64: 256, 256>}, {pipeline_mode = #tpu.pipeline_mode<synchronous>, transform_indices = @transform_5, window_bounds = array<i64: 1, 256>}, {transform_indices = @transform_6, window_bounds = array<i64: 1000, 256>}]} {
    %get3A = arith.constant 0 : index
    %get3A_0 = arith.constant 0 : index
    %get3A_1 = vector.load %arg1[%get3A, %get3A_0] : memref<1000x128xf32, #tpu.memory_space<vmem>>, vector<1000x128xf32>
    %get3A_2 = arith.constant 0 : index
    %get3A_3 = arith.constant 0 : index
    %get3A_4 = vector.load %arg3[%get3A_2, %get3A_3] : memref<1000x128xf32, #tpu.memory_space<vmem>>, vector<1000x128xf32>
    %add3A = arith.addf %get3A_1, %get3A_4 : vector<1000x128xf32>
    %get3A_5 = arith.constant 0 : index
    %get3A_6 = arith.constant 0 : index
    %get3A_7 = vector.load %arg2[%get3A_5, %get3A_6] : memref<1000x128xf32, #tpu.memory_space<vmem>>, vector<1000x128xf32>
    %get3A_8 = arith.constant 0 : index
    %get3A_9 = arith.constant 0 : index
    %get3A_10 = vector.load %arg4[%get3A_8, %get3A_9] : memref<1000x128xf32, #tpu.memory_space<vmem>>, vector<1000x128xf32>
    %add3A_11 = arith.addf %get3A_7, %get3A_10 : vector<1000x128xf32>
    %concatenate3A = tpu.concatenate %add3A, %add3A_11 in 1 : vector<1000x128xf32>, vector<1000x128xf32> -> vector<1000x256xf32>
    %get3A_12 = arith.constant 0 : index
    %get3A_13 = arith.constant 0 : index
    %get3A_14 = vector.load %arg5[%get3A_12, %get3A_13] : memref<256x256xf32, #tpu.memory_space<vmem>>, vector<256x256xf32>
    %dot_general3A = arith.constant dense<0.000000e+00> : vector<1000x256xf32>
    %dot_general3A_15 = tpu.matmul %concatenate3A, %get3A_14, %dot_general3A {dimension_numbers = #tpu.dot_dimension_numbers<[1], [0], [0], [1], [0, 0, 1, 1], [], []>, transpose_lhs_hint = false} : vector<1000x256xf32>, vector<256x256xf32>, vector<1000x256xf32> -> vector<1000x256xf32>
    %get3A_16 = arith.constant 0 : index
    %get3A_17 = arith.constant 0 : index
    %get3A_18 = vector.load %arg6[%get3A_16, %get3A_17] : memref<1x256xf32, #tpu.memory_space<vmem>>, vector<1x256xf32>
    %add3A_19 = vector.broadcast %get3A_18 : vector<1x256xf32> to vector<1000x256xf32>
    %add3A_20 = arith.addf %dot_general3A_15, %add3A_19 : vector<1000x256xf32>
    %max3A = arith.constant 0.000000e+00 : f32
    %max3A_21 = vector.broadcast %max3A : f32 to vector<1000x256xf32>
    %max3A_22 = arith.maximumf %add3A_20, %max3A_21 : vector<1000x256xf32>
    %swap3A = arith.constant 0 : index
    %swap3A_23 = arith.constant 0 : index
    %swap3A_24 = vector.load %arg7[%swap3A, %swap3A_23] : memref<1000x256xf32, #tpu.memory_space<vmem>>, vector<1000x256xf32>
    tpu.vector_store %arg7[%swap3A, %swap3A_23], %max3A_22 {strides = array<i32>} : memref<1000x256xf32, #tpu.memory_space<vmem>>, vector<1000x256xf32>,
    return
  }
  func.func @transform_0(%arg0: i32) -> (i32, i32) {
    %c0_i32 = arith.constant 0 : i32
    %c0_i32_0 = arith.constant 0 : i32
    return %arg0, %c0_i32 : i32, i32
  }
  func.func @transform_1(%arg0: i32) -> (i32, i32) {
    %add3A = arith.constant 10 : i32
    %add3A_0 = arith.addi %arg0, %add3A : i32
    %c0_i32 = arith.constant 0 : i32
    %c0_i32_1 = arith.constant 0 : i32
    return %add3A_0, %c0_i32 : i32, i32
  }
  func.func @transform_2(%arg0: i32) -> (i32, i32) {
    %c0_i32 = arith.constant 0 : i32
    %c0_i32_0 = arith.constant 0 : i32
    return %arg0, %c0_i32 : i32, i32
  }
  func.func @transform_3(%arg0: i32) -> (i32, i32) {
    %add3A = arith.constant 10 : i32
    %add3A_0 = arith.addi %arg0, %add3A : i32
    %c0_i32 = arith.constant 0 : i32
    %c0_i32_1 = arith.constant 0 : i32
    return %add3A_0, %c0_i32 : i32, i32
  }
  func.func @transform_4(%arg0: i32) -> (i32, i32) {
    %c0_i32 = arith.constant 0 : i32
    %c0_i32_0 = arith.constant 0 : i32
    %c0_i32_1 = arith.constant 0 : i32
    return %c0_i32, %c0_i32_0 : i32, i32
  }
  func.func @transform_5(%arg0: i32) -> (i32, i32) {
    %c0_i32 = arith.constant 0 : i32
    %c0_i32_0 = arith.constant 0 : i32
    %c0_i32_1 = arith.constant 0 : i32
    return %c0_i32, %c0_i32_0 : i32, i32
  }
  func.func @transform_6(%arg0: i32) -> (i32, i32) {
    %c0_i32 = arith.constant 0 : i32
    %c0_i32_0 = arith.constant 0 : i32
    return %arg0, %c0_i32 : i32, i32
  }
}

module attributes {stable_mosaic.version = 14 : i64} {
  func.func @_z2_body(%arg0: i32, %arg1: i32, %arg2: memref<1000x256xf32, #tpu.memory_space<vmem>>, %arg3: memref<256x128xf32, #tpu.memory_space<vmem>>, %arg4: memref<1x128xf32, #tpu.memory_space<vmem>>, %arg5: memref<1000x128xf32, #tpu.memory_space<vmem>>) attributes {dimension_semantics = [#tpu.dimension_semantics<arbitrary>, #tpu.dimension_semantics<arbitrary>], iteration_bounds = array<i64: 2, 10>, scalar_prefetch = 0 : i64, scratch_operands = 0 : i64, tpu.core_type = #tpu.core_type<tc>, window_params = [{transform_indices = @transform_0, window_bounds = array<i64: 1000, 256>}, {transform_indices = @transform_1, window_bounds = array<i64: 256, 128>}, {transform_indices = @transform_2, window_bounds = array<i64: 1, 128>}, {transform_indices = @transform_3, window_bounds = array<i64: 1000, 128>}]} {
    %get3A = arith.constant 0 : index
    %get3A_0 = arith.constant 0 : index
    %get3A_1 = vector.load %arg2[%get3A, %get3A_0] : memref<1000x256xf32, #tpu.memory_space<vmem>>, vector<1000x256xf32>
    %get3A_2 = arith.constant 0 : index
    %get3A_3 = arith.constant 0 : index
    %get3A_4 = vector.load %arg3[%get3A_2, %get3A_3] : memref<256x128xf32, #tpu.memory_space<vmem>>, vector<256x128xf32>
    %dot_general3A = arith.constant dense<0.000000e+00> : vector<1000x128xf32>
    %dot_general3A_5 = tpu.matmul %get3A_1, %get3A_4, %dot_general3A {dimension_numbers = #tpu.dot_dimension_numbers<[1], [0], [0], [1], [0, 0, 1, 1], [], []>, transpose_lhs_hint = false} : vector<1000x256xf32>, vector<256x128xf32>, vector<1000x128xf32> -> vector<1000x128xf32>
    %get3A_6 = arith.constant 0 : index
    %get3A_7 = arith.constant 0 : index
    %get3A_8 = vector.load %arg4[%get3A_6, %get3A_7] : memref<1x128xf32, #tpu.memory_space<vmem>>, vector<1x128xf32>
    %add3A = vector.broadcast %get3A_8 : vector<1x128xf32> to vector<1000x128xf32>
    %add3A_9 = arith.addf %dot_general3A_5, %add3A : vector<1000x128xf32>
    %max3A = arith.constant 0.000000e+00 : f32
    %max3A_10 = vector.broadcast %max3A : f32 to vector<1000x128xf32>
    %max3A_11 = arith.maximumf %add3A_9, %max3A_10 : vector<1000x128xf32>
    %swap3A = arith.constant 0 : index
    %swap3A_12 = arith.constant 0 : index
    %swap3A_13 = vector.load %arg5[%swap3A, %swap3A_12] : memref<1000x128xf32, #tpu.memory_space<vmem>>, vector<1000x128xf32>
    tpu.vector_store %arg5[%swap3A, %swap3A_12], %max3A_11 {strides = array<i32>} : memref<1000x128xf32, #tpu.memory_space<vmem>>, vector<1000x128xf32>,
    return
  }
  func.func @transform_0(%arg0: i32, %arg1: i32) -> (i32, i32) {
    %c0_i32 = arith.constant 0 : i32
    %c0_i32_0 = arith.constant 0 : i32
    return %arg1, %c0_i32 : i32, i32
  }
  func.func @transform_1(%arg0: i32, %arg1: i32) -> (i32, i32) {
    %c0_i32 = arith.constant 0 : i32
    %c0_i32_0 = arith.constant 0 : i32
    return %c0_i32, %arg0 : i32, i32
  }
  func.func @transform_2(%arg0: i32, %arg1: i32) -> (i32, i32) {
    %c0_i32 = arith.constant 0 : i32
    %c0_i32_0 = arith.constant 0 : i32
    return %c0_i32, %arg0 : i32, i32
  }
  func.func @transform_3(%arg0: i32, %arg1: i32) -> (i32, i32) {
    %mul3A = arith.constant 10 : i32
    %mul3A_0 = arith.muli %arg0, %mul3A : i32
    %add3A = arith.addi %mul3A_0, %arg1 : i32
    %c0_i32 = arith.constant 0 : i32
    %c0_i32_1 = arith.constant 0 : i32
    return %add3A, %c0_i32 : i32, i32
  }
}

module attributes {stable_mosaic.version = 14 : i64} {
  func.func @_rep_body(%arg0: i32, %arg1: i32, %arg2: memref<1000x128xf32, #tpu.memory_space<vmem>>, %arg3: memref<1000x128xf32, #tpu.memory_space<vmem>>, %arg4: memref<256x128xf32, #tpu.memory_space<vmem>>, %arg5: memref<1000x1xf32, #tpu.memory_space<vmem>>, %arg6: memref<1000x128xf32, #tpu.memory_space<vmem>>) attributes {dimension_semantics = [#tpu.dimension_semantics<arbitrary>, #tpu.dimension_semantics<arbitrary>], iteration_bounds = array<i64: 2, 10>, scalar_prefetch = 0 : i64, scratch_operands = 0 : i64, tpu.core_type = #tpu.core_type<tc>, window_params = [{transform_indices = @transform_0, window_bounds = array<i64: 1000, 128>}, {transform_indices = @transform_1, window_bounds = array<i64: 1000, 128>}, {transform_indices = @transform_2, window_bounds = array<i64: 256, 128>}, {transform_indices = @transform_3, window_bounds = array<i64: 1000, 1>}, {transform_indices = @transform_4, window_bounds = array<i64: 1000, 128>}]} {
    %get3A = arith.constant 0 : index
    %get3A_0 = arith.constant 0 : index
    %get3A_1 = vector.load %arg2[%get3A, %get3A_0] : memref<1000x128xf32, #tpu.memory_space<vmem>>, vector<1000x128xf32>
    %get3A_2 = arith.constant 0 : index
    %get3A_3 = arith.constant 0 : index
    %get3A_4 = vector.load %arg3[%get3A_2, %get3A_3] : memref<1000x128xf32, #tpu.memory_space<vmem>>, vector<1000x128xf32>
    %concatenate3A = tpu.concatenate %get3A_1, %get3A_4 in 1 : vector<1000x128xf32>, vector<1000x128xf32> -> vector<1000x256xf32>
    %get3A_5 = arith.constant 0 : index
    %get3A_6 = arith.constant 0 : index
    %get3A_7 = vector.load %arg4[%get3A_5, %get3A_6] : memref<256x128xf32, #tpu.memory_space<vmem>>, vector<256x128xf32>
    %dot_general3A = arith.constant dense<0.000000e+00> : vector<1000x128xf32>
    %dot_general3A_8 = tpu.matmul %concatenate3A, %get3A_7, %dot_general3A {dimension_numbers = #tpu.dot_dimension_numbers<[1], [0], [0], [1], [0, 0, 1, 1], [], []>, transpose_lhs_hint = false} : vector<1000x256xf32>, vector<256x128xf32>, vector<1000x128xf32> -> vector<1000x128xf32>
    %get3A_9 = arith.constant 0 : index
    %get3A_10 = arith.constant 0 : index
    %get3A_11 = vector.load %arg5[%get3A_9, %get3A_10] : memref<1000x1xf32, #tpu.memory_space<vmem>>, vector<1000x1xf32>
    %sub3A = arith.constant 1.000000e+00 : f32
    %sub3A_12 = vector.broadcast %sub3A : f32 to vector<1000x1xf32>
    %sub3A_13 = arith.subf %sub3A_12, %get3A_11 : vector<1000x1xf32>
    %mul3A = vector.broadcast %sub3A_13 : vector<1000x1xf32> to vector<1000x128xf32>
    %mul3A_14 = arith.mulf %dot_general3A_8, %mul3A : vector<1000x128xf32>
    %swap3A = arith.constant 0 : index
    %swap3A_15 = arith.constant 0 : index
    %swap3A_16 = vector.load %arg6[%swap3A, %swap3A_15] : memref<1000x128xf32, #tpu.memory_space<vmem>>, vector<1000x128xf32>
    tpu.vector_store %arg6[%swap3A, %swap3A_15], %mul3A_14 {strides = array<i32>} : memref<1000x128xf32, #tpu.memory_space<vmem>>, vector<1000x128xf32>,
    return
  }
  func.func @transform_0(%arg0: i32, %arg1: i32) -> (i32, i32) {
    %c0_i32 = arith.constant 0 : i32
    %c0_i32_0 = arith.constant 0 : i32
    return %arg1, %c0_i32 : i32, i32
  }
  func.func @transform_1(%arg0: i32, %arg1: i32) -> (i32, i32) {
    %add3A = arith.constant 10 : i32
    %add3A_0 = arith.addi %arg1, %add3A : i32
    %c0_i32 = arith.constant 0 : i32
    %c0_i32_1 = arith.constant 0 : i32
    return %add3A_0, %c0_i32 : i32, i32
  }
  func.func @transform_2(%arg0: i32, %arg1: i32) -> (i32, i32) {
    %c0_i32 = arith.constant 0 : i32
    %c0_i32_0 = arith.constant 0 : i32
    return %c0_i32, %arg0 : i32, i32
  }
  func.func @transform_3(%arg0: i32, %arg1: i32) -> (i32, i32) {
    %c0_i32 = arith.constant 0 : i32
    %c0_i32_0 = arith.constant 0 : i32
    return %arg1, %c0_i32 : i32, i32
  }
  func.func @transform_4(%arg0: i32, %arg1: i32) -> (i32, i32) {
    %mul3A = arith.constant 10 : i32
    %mul3A_0 = arith.muli %arg0, %mul3A : i32
    %add3A = arith.addi %mul3A_0, %arg1 : i32
    %c0_i32 = arith.constant 0 : i32
    %c0_i32_1 = arith.constant 0 : i32
    return %add3A, %c0_i32 : i32, i32
  }
}

module attributes {stable_mosaic.version = 14 : i64} {
  func.func @_z2_body(%arg0: i32, %arg1: i32, %arg2: memref<1000x256xf32, #tpu.memory_space<vmem>>, %arg3: memref<256x128xf32, #tpu.memory_space<vmem>>, %arg4: memref<1x128xf32, #tpu.memory_space<vmem>>, %arg5: memref<1000x128xf32, #tpu.memory_space<vmem>>) attributes {dimension_semantics = [#tpu.dimension_semantics<arbitrary>, #tpu.dimension_semantics<arbitrary>], iteration_bounds = array<i64: 2, 10>, scalar_prefetch = 0 : i64, scratch_operands = 0 : i64, tpu.core_type = #tpu.core_type<tc>, window_params = [{transform_indices = @transform_0, window_bounds = array<i64: 1000, 256>}, {transform_indices = @transform_1, window_bounds = array<i64: 256, 128>}, {transform_indices = @transform_2, window_bounds = array<i64: 1, 128>}, {transform_indices = @transform_3, window_bounds = array<i64: 1000, 128>}]} {
    %get3A = arith.constant 0 : index
    %get3A_0 = arith.constant 0 : index
    %get3A_1 = vector.load %arg2[%get3A, %get3A_0] : memref<1000x256xf32, #tpu.memory_space<vmem>>, vector<1000x256xf32>
    %get3A_2 = arith.constant 0 : index
    %get3A_3 = arith.constant 0 : index
    %get3A_4 = vector.load %arg3[%get3A_2, %get3A_3] : memref<256x128xf32, #tpu.memory_space<vmem>>, vector<256x128xf32>
    %dot_general3A = arith.constant dense<0.000000e+00> : vector<1000x128xf32>
    %dot_general3A_5 = tpu.matmul %get3A_1, %get3A_4, %dot_general3A {dimension_numbers = #tpu.dot_dimension_numbers<[1], [0], [0], [1], [0, 0, 1, 1], [], []>, transpose_lhs_hint = false} : vector<1000x256xf32>, vector<256x128xf32>, vector<1000x128xf32> -> vector<1000x128xf32>
    %get3A_6 = arith.constant 0 : index
    %get3A_7 = arith.constant 0 : index
    %get3A_8 = vector.load %arg4[%get3A_6, %get3A_7] : memref<1x128xf32, #tpu.memory_space<vmem>>, vector<1x128xf32>
    %add3A = vector.broadcast %get3A_8 : vector<1x128xf32> to vector<1000x128xf32>
    %add3A_9 = arith.addf %dot_general3A_5, %add3A : vector<1000x128xf32>
    %swap3A = arith.constant 0 : index
    %swap3A_10 = arith.constant 0 : index
    %swap3A_11 = vector.load %arg5[%swap3A, %swap3A_10] : memref<1000x128xf32, #tpu.memory_space<vmem>>, vector<1000x128xf32>
    tpu.vector_store %arg5[%swap3A, %swap3A_10], %add3A_9 {strides = array<i32>} : memref<1000x128xf32, #tpu.memory_space<vmem>>, vector<1000x128xf32>,
    return
  }
  func.func @transform_0(%arg0: i32, %arg1: i32) -> (i32, i32) {
    %c0_i32 = arith.constant 0 : i32
    %c0_i32_0 = arith.constant 0 : i32
    return %arg1, %c0_i32 : i32, i32
  }
  func.func @transform_1(%arg0: i32, %arg1: i32) -> (i32, i32) {
    %c0_i32 = arith.constant 0 : i32
    %c0_i32_0 = arith.constant 0 : i32
    return %c0_i32, %arg0 : i32, i32
  }
  func.func @transform_2(%arg0: i32, %arg1: i32) -> (i32, i32) {
    %c0_i32 = arith.constant 0 : i32
    %c0_i32_0 = arith.constant 0 : i32
    return %c0_i32, %arg0 : i32, i32
  }
  func.func @transform_3(%arg0: i32, %arg1: i32) -> (i32, i32) {
    %mul3A = arith.constant 10 : i32
    %mul3A_0 = arith.muli %arg0, %mul3A : i32
    %add3A = arith.addi %mul3A_0, %arg1 : i32
    %c0_i32 = arith.constant 0 : i32
    %c0_i32_1 = arith.constant 0 : i32
    return %add3A, %c0_i32 : i32, i32
  }
}

module attributes {stable_mosaic.version = 14 : i64} {
  func.func @_loss_body(%arg0: i32, %arg1: memref<1000x128xf32, #tpu.memory_space<vmem>>, %arg2: memref<1000x128xf32, #tpu.memory_space<vmem>>, %arg3: memref<1000x256xf32, #tpu.memory_space<vmem>>, %arg4: memref<1000x1xf32, #tpu.memory_space<vmem>>, %arg5: memref<1x1xf32, #tpu.memory_space<vmem>>) attributes {dimension_semantics = [#tpu.dimension_semantics<arbitrary>], iteration_bounds = array<i64: 10>, scalar_prefetch = 0 : i64, scratch_operands = 0 : i64, tpu.core_type = #tpu.core_type<tc>, window_params = [{transform_indices = @transform_0, window_bounds = array<i64: 1000, 128>}, {transform_indices = @transform_1, window_bounds = array<i64: 1000, 128>}, {transform_indices = @transform_2, window_bounds = array<i64: 1000, 256>}, {transform_indices = @transform_3, window_bounds = array<i64: 1000, 1>}, {pipeline_mode = #tpu.pipeline_mode<synchronous>, transform_indices = @transform_4, window_bounds = array<i64: 1, 1>}]} {
    %get3A = arith.constant 0 : index
    %get3A_0 = arith.constant 0 : index
    %get3A_1 = vector.load %arg1[%get3A, %get3A_0] : memref<1000x128xf32, #tpu.memory_space<vmem>>, vector<1000x128xf32>
    %get3A_2 = arith.constant 0 : index
    %get3A_3 = arith.constant 0 : index
    %get3A_4 = vector.load %arg2[%get3A_2, %get3A_3] : memref<1000x128xf32, #tpu.memory_space<vmem>>, vector<1000x128xf32>
    %concatenate3A = tpu.concatenate %get3A_1, %get3A_4 in 1 : vector<1000x128xf32>, vector<1000x128xf32> -> vector<1000x256xf32>
    %get3A_5 = arith.constant 0 : index
    %get3A_6 = arith.constant 0 : index
    %get3A_7 = vector.load %arg3[%get3A_5, %get3A_6] : memref<1000x256xf32, #tpu.memory_space<vmem>>, vector<1000x256xf32>
    %mul3A = arith.mulf %concatenate3A, %concatenate3A : vector<1000x256xf32>
    %reduce_sum3A = arith.constant dense<0.000000e+00> : vector<1000xf32>
    %reduce_sum3A_8 = vector.multi_reduction <add>, %mul3A, %reduce_sum3A [1] : vector<1000x256xf32> to vector<1000xf32>
    %broadcast_in_dim3A = vector.shape_cast %reduce_sum3A_8 : vector<1000xf32> to vector<1000x1xf32>
    %mul3A_9 = arith.mulf %get3A_7, %get3A_7 : vector<1000x256xf32>
    %reduce_sum3A_10 = arith.constant dense<0.000000e+00> : vector<1000xf32>
    %reduce_sum3A_11 = vector.multi_reduction <add>, %mul3A_9, %reduce_sum3A_10 [1] : vector<1000x256xf32> to vector<1000xf32>
    %broadcast_in_dim3A_12 = vector.shape_cast %reduce_sum3A_11 : vector<1000xf32> to vector<1000x1xf32>
    %mul3A_13 = arith.mulf %concatenate3A, %get3A_7 : vector<1000x256xf32>
    %reduce_sum3A_14 = arith.constant dense<0.000000e+00> : vector<1000xf32>
    %reduce_sum3A_15 = vector.multi_reduction <add>, %mul3A_13, %reduce_sum3A_14 [1] : vector<1000x256xf32> to vector<1000xf32>
    %broadcast_in_dim3A_16 = vector.shape_cast %reduce_sum3A_15 : vector<1000xf32> to vector<1000x1xf32>
    %sqrt3A = math.sqrt %broadcast_in_dim3A : vector<1000x1xf32>
    %add3A = arith.constant 9.99999993E-9 : f32
    %add3A_17 = vector.broadcast %add3A : f32 to vector<1000x1xf32>
    %add3A_18 = arith.addf %sqrt3A, %add3A_17 : vector<1000x1xf32>
    %sqrt3A_19 = math.sqrt %broadcast_in_dim3A_12 : vector<1000x1xf32>
    %add3A_20 = arith.constant 9.99999993E-9 : f32
    %add3A_21 = vector.broadcast %add3A_20 : f32 to vector<1000x1xf32>
    %add3A_22 = arith.addf %sqrt3A_19, %add3A_21 : vector<1000x1xf32>
    %mul3A_23 = arith.mulf %add3A_18, %add3A_22 : vector<1000x1xf32>
    %div3A = arith.divf %broadcast_in_dim3A_16, %mul3A_23 : vector<1000x1xf32>
    %sub3A = arith.constant 1.000000e+00 : f32
    %sub3A_24 = vector.broadcast %sub3A : f32 to vector<1000x1xf32>
    %sub3A_25 = arith.subf %sub3A_24, %div3A : vector<1000x1xf32>
    %mul3A_26 = arith.mulf %sub3A_25, %sub3A_25 : vector<1000x1xf32>
    %get3A_27 = arith.constant 0 : index
    %get3A_28 = arith.constant 0 : index
    %get3A_29 = vector.load %arg4[%get3A_27, %get3A_28] : memref<1000x1xf32, #tpu.memory_space<vmem>>, vector<1000x1xf32>
    %mul3A_30 = arith.mulf %mul3A_26, %get3A_29 : vector<1000x1xf32>
    %reduce_sum3A_31 = vector.shape_cast %mul3A_30 : vector<1000x1xf32> to vector<1x1000x1xf32>
    %reduce_sum3A_32 = arith.constant dense<0.000000e+00> : vector<1xf32>
    %reduce_sum3A_33 = vector.multi_reduction <add>, %reduce_sum3A_31, %reduce_sum3A_32 [1, 2] : vector<1x1000x1xf32> to vector<1xf32>
    %reduce_sum3A_34 = vector.shape_cast %reduce_sum3A_33 : vector<1xf32> to vector<1x1x1xf32>
    %reduce_sum3A_35 = vector.extract %reduce_sum3A_34[0, 0, 0] : f32 from vector<1x1x1xf32>
    %mul3A_36 = arith.constant 6.66666659E-4 : f32
    %mul3A_37 = arith.mulf %reduce_sum3A_35, %mul3A_36 : f32
    %eq3A = arith.constant 0 : i32
    %eq3A_38 = arith.cmpi eq, %arg0, %eq3A : i32
    %convert_element_type3A = arith.extui %eq3A_38 : i1 to i32
    %cond3A = arith.constant 0 : i32
    %cond3A_39 = arith.cmpi ne, %convert_element_type3A, %cond3A : i32
    scf.if %cond3A_39 {
      %broadcast_in_dim3A_46 = arith.constant 0.000000e+00 : f32
      %broadcast_in_dim3A_47 = vector.broadcast %broadcast_in_dim3A_46 : f32 to vector<1x1xf32>
      %swap3A_48 = arith.constant 0 : index
      %swap3A_49 = arith.constant 0 : index
      %swap3A_50 = vector.load %arg5[%swap3A_48, %swap3A_49] : memref<1x1xf32, #tpu.memory_space<vmem>>, vector<1x1xf32>
      tpu.vector_store %arg5[%swap3A_48, %swap3A_49], %broadcast_in_dim3A_47 {strides = array<i32>} : memref<1x1xf32, #tpu.memory_space<vmem>>, vector<1x1xf32>,
    } else {
    }
    %get3A_40 = arith.constant 0 : index
    %get3A_41 = arith.constant 0 : index
    %get3A_42 = vector.load %arg5[%get3A_40, %get3A_41] : memref<1x1xf32, #tpu.memory_space<vmem>>, vector<1x1xf32>
    %reshape3A = vector.broadcast %mul3A_37 : f32 to vector<1x1xf32>
    %add3A_43 = arith.addf %get3A_42, %reshape3A : vector<1x1xf32>
    %swap3A = arith.constant 0 : index
    %swap3A_44 = arith.constant 0 : index
    %swap3A_45 = vector.load %arg5[%swap3A, %swap3A_44] : memref<1x1xf32, #tpu.memory_space<vmem>>, vector<1x1xf32>
    tpu.vector_store %arg5[%swap3A, %swap3A_44], %add3A_43 {strides = array<i32>} : memref<1x1xf32, #tpu.memory_space<vmem>>, vector<1x1xf32>,
    return
  }
  func.func @transform_0(%arg0: i32) -> (i32, i32) {
    %c0_i32 = arith.constant 0 : i32
    %c0_i32_0 = arith.constant 0 : i32
    return %arg0, %c0_i32 : i32, i32
  }
  func.func @transform_1(%arg0: i32) -> (i32, i32) {
    %add3A = arith.constant 10 : i32
    %add3A_0 = arith.addi %arg0, %add3A : i32
    %c0_i32 = arith.constant 0 : i32
    %c0_i32_1 = arith.constant 0 : i32
    return %add3A_0, %c0_i32 : i32, i32
  }
  func.func @transform_2(%arg0: i32) -> (i32, i32) {
    %c0_i32 = arith.constant 0 : i32
    %c0_i32_0 = arith.constant 0 : i32
    return %arg0, %c0_i32 : i32, i32
  }
  func.func @transform_3(%arg0: i32) -> (i32, i32) {
    %c0_i32 = arith.constant 0 : i32
    %c0_i32_0 = arith.constant 0 : i32
    return %arg0, %c0_i32 : i32, i32
  }
  func.func @transform_4(%arg0: i32) -> (i32, i32) {
    %c0_i32 = arith.constant 0 : i32
    %c0_i32_0 = arith.constant 0 : i32
    %c0_i32_1 = arith.constant 0 : i32
    return %c0_i32, %c0_i32_0 : i32, i32
  }
}

</mosaic_0001>

<sc_bundles>
// kernel: kernel.19.cloned.1.call-start
scs
__scs_entry_jumppad:
0x0: {  	(pc) =	sbr.rel $0x88, $3  }
0x1: {  	(tag) =	ssettag $0x0;
	lr =	simm.s32 $0x1  }
0x2: {  	[smem:$0x3F8B] =	sst lr;
	_ =	strace $0xD0000000  }
0x3: {  	_ = 	snop  }
0x4: {  	_ = 	snop  }
0x5: {  	_ = 	snop  }
0x6: {  	_ = 	snop  }
0x7: {  	_ = 	snop  }
__scs_overlays_trampoline_lowered:
0x8: {  	[smem:$0x3F9A] =	sst s0  }
0x9: {  	[smem:$0x3F9B] =	sst s1  }
0xa: {  	[smem:$0x3F9C] =	sst s2  }
0xb: {  	[smem:$0x3F9D] =	sst s3  }
0xc: {  	[smem:$0x3F9E] =	sst s4  }
0xd: {  	[smem:$0x3F9F] =	sst s5  }
0xe: {  	[smem:$0x3FA0] =	sst s6  }
0xf: {  	[smem:$0x3FA1] =	sst s7  }
0x10: {  	[smem:$0x3FA2] =	sst s8  }
0x11: {  	[smem:$0x3FA3] =	sst s9;
	s0 =	simm.s32 @!p0 $0x0  }
0x12: {  	s1 =	sld [smem:$0x3F89];
	s0 =	simm.s32 @p0 $0x1  }
0x13: {  	[smem:$0x3FA4] =	sst s0;
	s0 =	simm.s32 @!p1 $0x0  }
0x14: {  	s2 =	sld [smem:$0x3F88];
	s0 =	simm.s32 @p1 $0x1  }
0x15: {  	[smem:$0x3FA5] =	sst s0;
	s0 =	simm.s32 @!p2 $0x0  }
0x16: {  	s3 =	sld [smem:$0x3FDB];
	s0 =	simm.s32 @p2 $0x1  }
0x17: {  	s4 =	simm.s32 $0x1BF5;
	[smem:$0x3FA7] =	sst s0  }
0x18: {  	s0 =	sld [smem:$0x3F8A];
	_ =	swait.ge [sflag:s4], $0x0  }
0x19: {  	s7 =	sld [smem:$0x3F8B]  }
0x1a: {  	s8 =	sadd.s32 $0xFFFFE003, lr  }
0x1b: {  	s9 =	sadd.s32 $0xFFFFFEF7, lr;
	s5 =	simm.s32 $0xFFFFFFFF;
	p2 =	slt.u32 s8, $0xFFFFF086  }
0x1c: {  	p1 =	slt.u32 s9, $0xF7A;
	s5 =	simm.s32 @!p2 $0x0  }
0x1d: {  	s5 =	simm.s32 @p1 $0x1;
	p0 =	seq.s32 s7, s2  }
0x1e: {  	s7 =	smul.u32 @!p0 $0xF7A, s2;
	p2 =	seq.s32 @!p0 s5, $0x0  }
0x1f: {  	s9 =	smul.u32 $0xF7A, s1;
	s8 =	simm.s32 @!p0 $0x1BF5;
	p2 =	por !p2, p0  }
0x20: {  	[sflag:s8] =	ssyncset.s32 @!p0 $0xFFFFF086;
	s6 =	sadd.s32 @!p0 s3, s7;
	s7 =	simm.s32 @!p0 $0x108  }
0x21: {  	s3 =	sadd.s32 s3, s9;
	s6 =	sadd.s32 @!p0 $0x88, s6;
	s7 =	simm.s32 @p2 $0x1082  }
0x22: {  	[simem:s7], [sflag:s8] =	dma.local @!p0 [hbm:s6], $0xF7A  }
0x23: {  	s9 =	sor.u32 $0xD0000000, s2;
	s6 =	simm.s32 $0x108;
	_ =	swait.ge @!p0 [sflag:s8], $0x0  }
0x24: {  	s3 =	sadd.s32 $0x88, s3;
	s6 =	simm.s32 @!p1 $0x1082;
	[sflag:s4] =	ssyncset.s32 $0xFFFFF086  }
0x25: {  	[simem:s6], [sflag:s4] =	dma.local [hbm:s3], $0xF7A  }
0x26: {  	[smem:$0x3F8B] =	sst s1;
	(tag) =	ssettag s2;
	_ =	strace s9  }
0x27: {  	s1 =	sld [smem:$0x3F9B]  }
0x28: {  	s2 =	sld [smem:$0x3F9C]  }
0x29: {  	s4 =	sld [smem:$0x3F9E]  }
0x2a: {  	p0 =	seq.s32 s5, $0x0;
	s5 =	sld [smem:$0x3F9F]  }
0x2b: {  	s6 =	sld [smem:$0x3FA0]  }
0x2c: {  	s7 =	sld [smem:$0x3FA1]  }
0x2d: {  	s3 =	simm.s32 $0x108;
	s8 =	sld [smem:$0x3FA2]  }
0x2e: {  	s3 =	simm.s32 @!p0 $0x1082;
	s9 =	sld [smem:$0x3FA3]  }
0x2f: {  	lr =	sadd.s32 s0, s3;
	s0 =	sld [smem:$0x3F9A]  }
0x30: {  	s3 =	sld [smem:$0x3F9D]  }
0x31: {  	[smem:$0x3FA6] =	sst s10  }
0x32: {  	s10 =	sld [smem:$0x3FA4];
	_ =	sdelay $0x3  }
0x33: {  	p0 =	seq.s32 s10, $0x1;
	s10 =	sld [smem:$0x3FA6];
	_ =	sdelay $0x3  }
0x34: {  	[smem:$0x3FA6] =	sst s10  }
0x35: {  	s10 =	sld [smem:$0x3FA5];
	_ =	sdelay $0x3  }
0x36: {  	p1 =	seq.s32 s10, $0x1;
	s10 =	sld [smem:$0x3FA6];
	_ =	sdelay $0x3  }
0x37: {  	[smem:$0x3FA6] =	sst s10  }
0x38: {  	s10 =	sld [smem:$0x3FA7]  }
0x39: {  	_ = 	snop;
	(pc) =	sbr.ind lr, $3  }
0x3a: {  	_ = 	snop  }
0x3b: {  	_ = 	snop  }
0x3c: {  	p2 =	seq.s32 s10, $0x1;
	s10 =	sld [smem:$0x3FA6]  }
0x3d: {  	_ =	shalt  }
0x3e: {  	_ =	shalt  }
0x3f: {  	_ =	shalt  }
0x40: {  	_ =	shalt  }
0x41: {  	_ =	shalt  }
0x42: {  	_ =	shalt  }
0x43: {  	_ =	shalt  }
0x44: {  	_ =	shalt  }
0x45: {  	_ =	shalt  }
0x46: {  	_ =	shalt  }
0x47: {  	_ =	shalt  }
0x48: {  	_ =	shalt  }
0x49: {  	_ =	shalt  }
0x4a: {  	_ =	shalt  }
0x4b: {  	_ =	shalt  }
0x4c: {  	_ =	shalt  }
0x4d: {  	_ =	shalt  }
0x4e: {  	_ =	shalt  }
0x4f: {  	_ =	shalt  }
0x50: {  	_ =	shalt  }
0x51: {  	_ =	shalt  }
0x52: {  	_ =	shalt  }
0x53: {  	_ =	shalt  }
0x54: {  	_ =	shalt  }
0x55: {  	_ =	shalt  }
0x56: {  	_ =	shalt  }
0x57: {  	_ =	shalt  }
0x58: {  	_ =	shalt  }
0x59: {  	_ =	shalt  }
0x5a: {  	_ =	shalt  }
0x5b: {  	_ =	shalt  }
0x5c: {  	_ =	shalt  }
0x5d: {  	_ =	shalt  }
0x5e: {  	_ =	shalt  }
0x5f: {  	_ =	shalt  }
0x60: {  	_ =	shalt  }
0x61: {  	_ =	shalt  }
0x62: {  	_ =	shalt  }
0x63: {  	_ =	shalt  }
0x64: {  	_ =	shalt  }
0x65: {  	_ =	shalt  }
0x66: {  	_ =	shalt  }
0x67: {  	_ =	shalt  }
0x68: {  	_ =	shalt  }
0x69: {  	_ =	shalt  }
0x6a: {  	_ =	shalt  }
0x6b: {  	_ =	shalt  }
0x6c: {  	_ =	shalt  }
0x6d: {  	_ =	shalt  }
0x6e: {  	_ =	shalt  }
0x6f: {  	_ =	shalt  }
0x70: {  	_ =	shalt  }
0x71: {  	_ =	shalt  }
0x72: {  	_ =	shalt  }
0x73: {  	_ =	shalt  }
0x74: {  	_ =	shalt  }
0x75: {  	_ =	shalt  }
0x76: {  	_ =	shalt  }
0x77: {  	_ =	shalt  }
0x78: {  	_ =	shalt  }
0x79: {  	_ =	shalt  }
0x7a: {  	_ =	shalt  }
0x7b: {  	_ =	shalt  }
0x7c: {  	_ =	shalt  }
0x7d: {  	_ =	shalt  }
0x7e: {  	_ =	shalt  }
0x7f: {  	_ =	shalt  }
0x80: {  	_ =	shalt  }
0x81: {  	_ =	shalt  }
0x82: {  	_ =	shalt  }
0x83: {  	_ =	shalt  }
0x84: {  	_ =	shalt  }
0x85: {  	_ =	shalt  }
0x86: {  	_ =	shalt  }
0x87: {  	_ =	shalt  }
.Lfunc_end0:
.L_simem_size_0:
called_computation_lowered:
.L_overlay_start_0:
0x88: {  	s2 =	sld [smem:$0x3FD9]  }
0x89: {  	s3 =	sld [smem:$0x3FFE];
	_ =	sdelay $0x1  }
0x8a: {  	s1 =	srdreg.scid  }
0x8b: {  	s0 =	sand.u32 $0x1, s1  }
0x8c: {  	s16 =	sshll.u32 s0, $0xA;
	s2 =	sadd.s32 s3, s2  }
0x8d: {  	s2 =	sadd.s32 s2, s16  }
0x8e: {  	[smem:$0x3FB2] =	sst s2  }
0x8f: {  	_ = 	snop  }
0x90: {  	(tm) =	ssettm $0x1  }
0x91: {  	s17 =	sld [smem:$0x3FFB];
	_ =	sdelay $0x3  }
0x92: {  	_ =	strace s17  }
0x93: {  	s2 =	sld [smem:$0x3FFC];
	_ =	sdelay $0x3  }
0x94: {  	_ =	strace s2  }
0x95: {  	s2 =	sld [smem:$0x3FFD];
	_ =	sdelay $0x3  }
0x96: {  	_ =	strace s2  }
0x97: {  	_ =	strace $0x8FFFFFFF  }
0x98: {  	s18 =	sld [smem:$0x3FDB];
	_ =	sdelay $0x1  }
0x99: {  	s19 =	simm.s32 $_scs_section_size  }
0x9a: {  	s4 =	simm.s32 $_size__tile_overlayer_lowered;
	s5 =	simm.s32 $_tile_overlayer_lowered  }
0x9b: {  	s22 =	simm.s32 $0x1BFF;
	s21 =	sshll.u32 s5, $0x1;
	s2 =	sadd.s32 s19, s18  }
0x9c: {  	s6 =	simm.s32 $0x0;
	s20 =	sshll.u32 s4, $0x1;
	s4 =	sadd.s32 s21, s2  }
0x9d: {  	[timem:s6], [sflag:s22] =	dma.local [hbm:s4], s20  }
0x9e: {  	_ =	swait.ge [sflag:s22], s20  }
0x9f: {  	s3 =	ssub.s32 $0x0, s20;
	[sflag:s22] =	ssyncset.done $0x0  }
0xa0: {  	[sflag:s22] =	ssyncadd.s32 s3;
	_ =	sdelay $0x1  }
0xa1: {  	s23 =	simm.s32 $0x1B8B  }
0xa2: {  	_ =	swait.ge [sflag:s23], $0x1  }
0xa3: {  	[sflag:s23] =	ssyncset.done $0x0  }
0xa4: {  	s25 =	simm.s32 $0x1B8E;
	s24 =	sld [smem:$0x3FFE];
	[sflag:s23] =	ssyncadd.s32 $0xFFFFFFFF  }
0xa5: {  	s26 =	simm.s32 $execute0_lowered;
	[smem:$0x3FD2] =	sst s25  }
0xa6: {  	s4 =	sshll.u32 s26, $0x1;
	_ =	strace $0x80000046;
	[dreg:$0x1] =	wrdreg $0xFFFFFFFF  }
0xa7: {  	s28 =	simm.s32 $_size_execute0_lowered;
	s2 =	sadd.s32 s2, s4;
	[dreg:$0x0] =	wrdreg $0x0  }
0xa8: {  	s4 =	sshll.u32 s28, $0x1;
	[dreg:$0x2] =	wrdreg s2  }
0xa9: {  	[dreg:$0x3] =	wrdreg s4  }
0xaa: {  	[dreg:$0x4] =	wrdreg $0xC0  }
0xab: {  	_ =	task [dreg:s6], $0x5FFFF  }
0xac: {  	[dreg:$0x1] =	wrdreg $0xFFFFFFFF  }
0xad: {  	[dreg:$0x0] =	wrdreg $0x60  }
0xae: {  	[dreg:$0x2] =	wrdreg s24  }
0xaf: {  	[dreg:$0x3] =	wrdreg $0x8C800  }
0xb0: {  	[dreg:$0x4] =	wrdreg $0x9  }
0xb1: {  	_ =	task.clear_ibuf [dreg:s6], $0x5FFFF;
	_ =	strace $0x90000046  }
0xb2: {  	s29 =	simm.s32 $0x9;
	_ =	strace $0x80000048  }
0xb3: {  	_ =	swait.ge [sflag:s29], $0x1  }
0xb4: {  	[sflag:s29] =	ssyncadd.s32 $0xFFFFFFFF  }
0xb5: {  	_ =	strace $0x90000048  }
0xb6: {  	_ =	sfence  }
0xb7: {  	s30 =	sld [smem:$0x0];
	_ =	sdelay $0x2  }
0xb8: {  	s31 =	sshll.u32 s1, $0xD;
	s1 =	sshrl.u32 s1, $0x2  }
0xb9: {  	s3 =	sand.u32 $0x4000, s31;
	s1 =	sadd.s32 s1, s30  }
0xba: {  	s0 =	sor.u32 s3, s0;
	s1 =	sshll.u32 s1, $0x11  }
0xbb: {  	s0 =	sor.u32 s1, s0  }
0xbc: {  	s0 =	sadd.s32 $0x8F2B, s0  }
0xbd: {  	[sflag:s0] =	ssyncadd.remote.s32 $0x1  }
0xbe: {  	_ =	sfence.sel $0xFFFF  }
0xbf: {  	[dreg:$0x0] =	wrdreg $0xFFFFFFFF;
	(pc) =	sbr.abs _section_cstart, $3  }
0xc0: {  	[dreg:$0x1] =	wrdreg $0xFFFFFFFF  }
0xc1: {  	_ =	task.clear_ibuf [dreg:s6], $0x2FFFF;
	_ =	strace $0x9FFFFFFF  }
0xc2: {  	(tm) =	ssettm $0x7FFFFFFF  }
0xc3: {  	_ =	shalt  }
tec
execute0_lowered:
.L_overlay_start_1:
0x0: {  	(tag) =	ssettag $0x1  }
0x1: {  	s0 =	rddreg [dreg:$0x0]  }
0x2: {  	s1 =	rddreg [dreg:$0x1]  }
0x3: {  	s2 =	simm.s32 $0x0;
	s5 =	srdreg.scid;
	s13 =	stileid.u32  }
0x4: {  	s17 =	simm.s32 $0x100;
	s28 =	simm.s32 $0x200;
	s29 =	simm.s32 $0x4300  }
0x5: {  	s30 =	simm.s32 $0x2;
	[smem:$0x7FF] =	sst s2;
	s4 =	sadd.s32 $0xF600, s0  }
0x6: {  	s3 =	sadd.s32 $0xA600, s0;
	s6 =	sadd.s32 $0x5600, s0;
	s9 =	smul.u32 $0x2710, s13  }
0x7: {  	s7 =	sand.u32 $0x1, s5;
	s5 =	sadd.s32 $0x5D800, s0;
	s11 =	smul.u32 $0x4E000, s13  }
0x8: {  	s0 =	sadd.s32 $0x60000, s0;
	s12 =	smul.u32 $0x270, s13;
	s23 =	sshll.u32 s13, $0x6  }
0x9: {  	s14 =	sadd.s32 $0x138000, s1;
	s16 =	smul.u32 $0x4E2, s13;
	p0 =	sne.s32 s13, $0xF  }
0xa: {  	_ =	strace $0x80000047;
	s8 =	ssub.s32 $0x2, s7;
	s31 =	smul.u32 $0x2710, s7  }
0xb: {  	s7 =	smul.u32 $0x138800, s7;
	[dreg:$0x5] =	wrdreg s14;
	s10 =	sshrl.u32 s8, $0x1  }
0xc: {  	s9 =	sshrl.u32 s9, $0x3;
	s20 =	sshrl.u32 s11, $0x2;
	s15 =	sadd.s32 s16, s6  }
0xd: {  	s16 =	sadd.s32 s16, s3;
	s10 =	ssub.s32 s8, s10;
	s19 =	sadd.s32 s3, s9  }
0xe: {  	s21 =	sadd.s32 s6, s9;
	s22 =	sadd.s32 s20, s1;
	s8 =	sor.u32 $0x1C05, s23  }
0xf: {  	s9 =	sadd.s32 $0x4E0, s9;
	s12 =	sadd.s32 s12, s31;
	s7 =	sshrl.u32 s7, $0x3  }
0x10: {  	s20 =	simm.s32 $0x3;
	s23 =	simm.s32 $0x180;
	[dreg:$0x3] =	wrdreg s19  }
0x11: {  	v0 =	vmov s31;
	s31 =	simm.s32 $0x8480;
	[dreg:$0x4] =	wrdreg s21;
	s24 =	sadd.s32 s3, s9  }
0x12: {  	s12 =	sshll.u32 s12, $0x4;
	s9 =	sadd.s32 s6, s9;
	s26 =	smax.u32 s10, $0x1  }
0x13: {  	s18 =	sshrl.u32 s22, $0x3;
	s19 =	simm.s32 $0x5;
	s21 =	simm.s32 $0x80  }
0x14: {  	s22 =	simm.s32 $0x300;
	s3 =	simm.s32 $0x10;
	[dreg:$0x6] =	wrdreg s24  }
0x15: {  	s6 =	simm.s32 $0x0;
	[dreg:$0x7] =	wrdreg s9;
	s25 =	sadd.s32 s0, s12  }
0x16: {  	s0 =	sadd.s32 s0, s7;
	[dreg:$0xa] =	wrdreg s26;
	s24 =	simm.s32 $0x280  }
0x17: {  	s26 =	simm.s32 $0x1;
	[dreg:$0x8] =	wrdreg s25;
	s0 =	sadd.s32 $0x27000, s0  }
0x18: {  	s25 =	simm.s32 $0x4;
	[dreg:$0x9] =	wrdreg s0;
	s0 =	simm.s32 $0x8400  }
.LBB2_1:
0x19: {  	s7 =	rddreg [dreg:$0x3]  }
0x1a: {  	[tilespmem:s2], [sflag:$0x3] =	stream.linear.gather [hbm4b:s7+s2], $0x80, $0x38;
	[tilespmem:$0x1C500] =	vst v63  }
0x1b: {  	s12 =	rddreg [dreg:$0x4]  }
0x1c: {  	[tilespmem:s17], [sflag:$0x3] =	stream.linear.gather [hbm4b:s12+s2], $0x80, $0x38;
	[tilespmem:$0x1C500] =	vst v63  }
0x1d: {  	[spmem:s18], [sflag:s8] =	dma.local [hbm:s5], $0x2700  }
0x1e: {  	_ =	swait.ge [sflag:s19], $0x2700  }
0x1f: {  	[sflag:s19] =	ssyncset.done $0x0;
	s7 =	rddreg [dreg:$0x5]  }
0x20: {  	s9 =	simm.s32 @!p0 $0x5;
	[sflag:s19] =	ssyncadd.s32 $0xFFFFD900;
	s7 =	sshrl.u32 @!p0 s7, $0x3  }
0x21: {  	[spmem:s7], [sflag:s8] =	dma.local @!p0 [hbm:s5], $0x100  }
0x22: {  	_ =	swait.ge @!p0 [sflag:s9], $0x100  }
0x23: {  	[sflag:s9] =	ssyncset.done @!p0 $0x0  }
0x24: {  	[sflag:s9] =	ssyncadd.s32 @!p0 $0xFFFFFF00  }
0x25: {  	[bflag:$0x0] =	sbarrier.arrive $0xFFFF  }
0x26: {  	_ =	swait.ge [sflag:s20], $0x80  }
0x27: {  	[sflag:s20] =	ssyncset.done $0x0  }
0x28: {  	[sflag:s20] =	ssyncadd.s32 $0xFFFFFF80  }
0x29: {  	_ =	swait.ge [sflag:s20], $0x80  }
0x2a: {  	[sflag:s20] =	ssyncset.done $0x0  }
0x2b: {  	[sflag:s20] =	ssyncadd.s32 $0xFFFFFF80  }
0x2c: {  	v1 =	vld [tilespmem:$0x0]  }
0x2d: {  	v2 =	vld [tilespmem:$0x10]  }
0x2e: {  	v3 =	vld [tilespmem:$0x20]  }
0x2f: {  	v4 =	vld [tilespmem:$0x30]  }
0x30: {  	v5 =	vld [tilespmem:$0x40]  }
0x31: {  	v6 =	vld [tilespmem:$0x50];
	v1 =	vadd.s32 v0, v1  }
0x32: {  	[tilespmem:$0x80] =	vst v1;
	v1 =	vadd.s32 v0, v2;
	v2 =	vld [tilespmem:$0x60]  }
0x33: {  	[tilespmem:$0x90] =	vst v1;
	v1 =	vadd.s32 v0, v3;
	v3 =	vld [tilespmem:$0x70]  }
0x34: {  	[tilespmem:$0xA0] =	vst v1;
	v1 =	vadd.s32 v0, v4  }
0x35: {  	[tilespmem:$0xB0] =	vst v1;
	v1 =	vadd.s32 v0, v5  }
0x36: {  	[tilespmem:$0xC0] =	vst v1;
	v1 =	vadd.s32 v0, v6  }
0x37: {  	[tilespmem:$0xD0] =	vst v1;
	v1 =	vadd.s32 v0, v2  }
0x38: {  	[tilespmem:$0xE0] =	vst v1;
	v1 =	vadd.s32 v0, v3  }
0x39: {  	s13 =	sadd.s32 $0x0, s16;
	[tilespmem:$0xF0] =	vst v1  }
0x3a: {  	[tilespmem:s22], [sflag:$0x1] =	stream.indirect.gather [hbm4b:s4+s21], $0x80, s21, s21, $0xb8;
	[tilespmem:$0x1C500] =	vst v63  }
0x3b: {  	s10 =	sadd.s32 $0x0, s15;
	s9 =	sadd.s32 $0x10, s13  }
0x3c: {  	[tilespmem:s23], [sflag:$0x4] =	stream.linear.gather [hbm4b:s9+s2], $0x80, $0x38;
	[tilespmem:$0x1C500] =	vst v63  }
0x3d: {  	s14 =	sadd.s32 $0x10, s10  }
0x3e: {  	[tilespmem:s24], [sflag:$0x4] =	stream.linear.gather [hbm4b:s14+s2], $0x80, $0x38;
	[tilespmem:$0x1C500] =	vst v63  }
0x3f: {  	_ =	swait.ge [sflag:s25], $0x80  }
0x40: {  	[sflag:s25] =	ssyncset.done $0x0  }
0x41: {  	[sflag:s25] =	ssyncadd.s32 $0xFFFFFF80  }
0x42: {  	_ =	swait.ge [sflag:s25], $0x80  }
0x43: {  	[sflag:s25] =	ssyncset.done $0x0  }
0x44: {  	[sflag:s25] =	ssyncadd.s32 $0xFFFFFF80  }
0x45: {  	v4 =	vld [tilespmem:$0x180]  }
0x46: {  	v3 =	vld [tilespmem:$0x190]  }
0x47: {  	v2 =	vld [tilespmem:$0x1A0]  }
0x48: {  	s10 =	simm.s32 $0x20;
	s9 =	simm.s32 $0x0;
	v1 =	vld [tilespmem:$0x1B0]  }
.LBB2_2:
0x49: {  	v5 =	vld [tilespmem:$0x1C0];
	s11 =	smov.u32 s10;
	s10 =	sadd.s32 $0x20, s10  }
0x4a: {  	p1 =	sne.s32 s10, $0x4E0;
	v4 =	vadd.s32 v0, v4;
	v6 =	vld [tilespmem:$0x1D0]  }
0x4b: {  	[tilespmem:$0x200] =	vst v4;
	v3 =	vadd.s32 v0, v3;
	v4 =	vld [tilespmem:$0x1E0]  }
0x4c: {  	[tilespmem:$0x210] =	vst v3;
	v2 =	vadd.s32 v0, v2;
	v3 =	vld [tilespmem:$0x1F0]  }
0x4d: {  	[tilespmem:$0x220] =	vst v2;
	v1 =	vadd.s32 v0, v1  }
0x4e: {  	[tilespmem:$0x230] =	vst v1;
	v1 =	vadd.s32 v0, v5  }
0x4f: {  	[tilespmem:$0x240] =	vst v1;
	v1 =	vadd.s32 v0, v6  }
0x50: {  	[tilespmem:$0x250] =	vst v1;
	v1 =	vadd.s32 v0, v4  }
0x51: {  	[tilespmem:$0x260] =	vst v1;
	v1 =	vadd.s32 v0, v3  }
0x52: {  	[tilespmem:$0x270] =	vst v1;
	_ =	sdelay $0x1  }
0x53: {  	_ =	swait.ge [sflag:s26], $0x4000  }
0x54: {  	[sflag:s26] =	ssyncset.done $0x0  }
0x55: {  	[sflag:s26] =	ssyncadd.s32 $0xFFFFC000  }
0x56: {  	[tilespmem:s29], [sflag:$0x2] =	stream.indirect.gather [hbm4b:s4+s21], $0x80, s28, s21, $0xb8;
	[tilespmem:$0x1C500] =	vst v63  }
0x57: {  	_ = 	snop  }
0x58: {  	[spmem:s1] =	stream.indirect.scatter.add.f32 [tilespmem:s22], [sflag:$0x5], $0x80, s17, s21, $0xb8;
	[tilespmem:$0x1C500] =	vst v63  }
0x59: {  	p2 =	seq.s32 s9, $0x4C0;
	_ =	swait.ge [sflag:s19], $0x4000  }
0x5a: {  	s12 =	sadd.s32 @!p2 s9, s16;
	s9 =	sadd.s32 @!p2 s9, s15;
	[sflag:s19] =	ssyncset.done $0x0  }
0x5b: {  	s13 =	simm.s32 @!p2 $0x0;
	s12 =	sadd.s32 @!p2 $0x20, s12;
	[sflag:s19] =	ssyncadd.s32 $0xFFFFC000  }
0x5c: {  	[tilespmem:s13], [sflag:$0x3] =	stream.linear.gather @!p2 [hbm4b:s12+s13], $0x80, $0x38;
	[tilespmem:$0x1C500] =	vst v63  }
0x5d: {  	s14 =	simm.s32 @!p2 $0x3;
	s9 =	sadd.s32 @!p2 $0x20, s9;
	s12 =	simm.s32 @!p2 $0x100  }
0x5e: {  	[tilespmem:s12], [sflag:$0x3] =	stream.linear.gather @!p2 [hbm4b:s9+s13], $0x80, $0x38;
	[tilespmem:$0x1C500] =	vst v63  }
0x5f: {  	s9 =	smov.u32 s11;
	_ =	swait.ge @!p2 [sflag:s14], $0x80  }
0x60: {  	[sflag:s14] =	ssyncset.done @!p2 $0x0  }
0x61: {  	[sflag:s14] =	ssyncadd.s32 @!p2 $0xFFFFFF80  }
0x62: {  	_ =	swait.ge @!p2 [sflag:s14], $0x80  }
0x63: {  	[sflag:s14] =	ssyncset.done @!p2 $0x0  }
0x64: {  	[sflag:s14] =	ssyncadd.s32 @!p2 $0xFFFFFF80  }
0x65: {  	v1 =	vld @!p2 [tilespmem:$0x70]  }
0x66: {  	v2 =	vld @!p2 [tilespmem:$0x30]  }
0x67: {  	v3 =	vld @!p2 [tilespmem:$0x50]  }
0x68: {  	v4 =	vld @!p2 [tilespmem:$0x60]  }
0x69: {  	v5 =	vld @!p2 [tilespmem:$0x20]  }
0x6a: {  	v6 =	vld @!p2 [tilespmem:$0x10];
	v1 =	vadd.s32 @!p2 v0, v1  }
0x6b: {  	v2 =	vadd.s32 @!p2 v0, v2;
	v7 =	vld @!p2 [tilespmem:$0x40];
	[tilespmem:$0xF0] =	vst @!p2 v1  }
0x6c: {  	v1 =	vld @!p2 [tilespmem:$0x0];
	[tilespmem:$0xB0] =	vst @!p2 v2;
	v2 =	vadd.s32 @!p2 v0, v3  }
0x6d: {  	[tilespmem:$0xD0] =	vst @!p2 v2;
	v2 =	vadd.s32 @!p2 v0, v4  }
0x6e: {  	v3 =	vadd.s32 @!p2 v0, v5;
	[tilespmem:$0xE0] =	vst @!p2 v2  }
0x6f: {  	v2 =	vadd.s32 @!p2 v0, v6;
	[tilespmem:$0xA0] =	vst @!p2 v3  }
0x70: {  	[tilespmem:$0x90] =	vst @!p2 v2;
	v2 =	vadd.s32 @!p2 v0, v7  }
0x71: {  	v1 =	vadd.s32 @!p2 v0, v1;
	[tilespmem:$0xC0] =	vst @!p2 v2  }
0x72: {  	s11 =	simm.s32 @!p2 $0x80;
	s12 =	simm.s32 @!p2 $0x300;
	[tilespmem:$0x80] =	vst @!p2 v1  }
0x73: {  	[tilespmem:s12], [sflag:$0x1] =	stream.indirect.gather @!p2 [hbm4b:s4+s11], $0x80, s11, s11, $0xb8;
	[tilespmem:$0x1C500] =	vst v63  }
0x74: {  	_ =	swait.ge [sflag:s30], $0x4000  }
0x75: {  	[sflag:s30] =	ssyncset.done $0x0  }
0x76: {  	[sflag:s30] =	ssyncadd.s32 $0xFFFFC000  }
0x77: {  	[spmem:s1] =	stream.indirect.scatter.add.f32 [tilespmem:s29], [sflag:$0x5], $0x80, s24, s21, $0xb8;
	[tilespmem:$0x1C500] =	vst v63  }
0x78: {  	_ =	swait.ge [sflag:s19], $0x4000  }
0x79: {  	s11 =	sadd.s32 s9, s16;
	[sflag:s19] =	ssyncset.done $0x0  }
0x7a: {  	s12 =	sadd.s32 s9, s15;
	s11 =	sadd.s32 $0x10, s11;
	[sflag:s19] =	ssyncadd.s32 $0xFFFFC000  }
0x7b: {  	[tilespmem:s23], [sflag:$0x4] =	stream.linear.gather [hbm4b:s11+s2], $0x80, $0x38;
	[tilespmem:$0x1C500] =	vst v63  }
0x7c: {  	s11 =	sadd.s32 $0x10, s12  }
0x7d: {  	[tilespmem:s24], [sflag:$0x4] =	stream.linear.gather [hbm4b:s11+s2], $0x80, $0x38;
	[tilespmem:$0x1C500] =	vst v63  }
0x7e: {  	_ =	swait.ge [sflag:s25], $0x80  }
0x7f: {  	[sflag:s25] =	ssyncset.done $0x0  }
0x80: {  	[sflag:s25] =	ssyncadd.s32 $0xFFFFFF80  }
0x81: {  	_ =	swait.ge [sflag:s25], $0x80  }
0x82: {  	[sflag:s25] =	ssyncset.done $0x0  }
.Ltmp0:
0x83: {  	[sflag:s25] =	ssyncadd.s32 $0xFFFFFF80;
	(pc) =	sbr.rel @p1 .LBB2_2-.Ltmp0, $4  }
0x84: {  	v4 =	vld [tilespmem:$0x180]  }
0x85: {  	v3 =	vld [tilespmem:$0x190]  }
0x86: {  	v2 =	vld [tilespmem:$0x1A0]  }
0x87: {  	v1 =	vld [tilespmem:$0x1B0]  }
0x88: {  	v5 =	vld [tilespmem:$0x1C0]  }
0x89: {  	v6 =	vld [tilespmem:$0x1D0];
	v4 =	vadd.s32 v0, v4  }
0x8a: {  	v63 =	vld [tilespmem:$0x1E0];
	[tilespmem:$0x200] =	vst v4;
	v3 =	vadd.s32 v0, v3  }
0x8b: {  	[tilespmem:$0x210] =	vst v3;
	v2 =	vadd.s32 v0, v2;
	v3 =	vld [tilespmem:$0x1F0]  }
0x8c: {  	[tilespmem:$0x220] =	vst v2;
	v1 =	vadd.s32 v0, v1  }
0x8d: {  	[tilespmem:$0x230] =	vst v1;
	v1 =	vadd.s32 v0, v5  }
0x8e: {  	[tilespmem:$0x240] =	vst v1;
	v1 =	vadd.s32 v0, v6  }
0x8f: {  	[tilespmem:$0x250] =	vst v1;
	v1 =	vadd.s32 v0, v63  }
0x90: {  	[tilespmem:$0x260] =	vst v1;
	v1 =	vadd.s32 v0, v3  }
0x91: {  	[tilespmem:$0x270] =	vst v1  }
0x92: {  	_ =	swait.ge [sflag:s26], $0x4000  }
0x93: {  	[sflag:s26] =	ssyncset.done $0x0  }
0x94: {  	[sflag:s26] =	ssyncadd.s32 $0xFFFFC000  }
0x95: {  	[tilespmem:s29], [sflag:$0x2] =	stream.indirect.gather [hbm4b:s4+s21], $0x80, s28, s21, $0xb8;
	[tilespmem:$0x1C500] =	vst v63  }
0x96: {  	_ = 	snop  }
0x97: {  	[spmem:s1] =	stream.indirect.scatter.add.f32 [tilespmem:s22], [sflag:$0x5], $0x80, s17, s21, $0xb8;
	[tilespmem:$0x1C500] =	vst v63  }
0x98: {  	p1 =	seq.s32 s9, $0x4C0;
	_ =	swait.ge [sflag:s19], $0x4000  }
0x99: {  	s10 =	sadd.s32 @!p1 s9, s16;
	s9 =	sadd.s32 @!p1 s9, s15;
	[sflag:s19] =	ssyncset.done $0x0  }
0x9a: {  	s11 =	simm.s32 @!p1 $0x0;
	s10 =	sadd.s32 @!p1 $0x20, s10;
	[sflag:s19] =	ssyncadd.s32 $0xFFFFC000  }
0x9b: {  	[tilespmem:s11], [sflag:$0x3] =	stream.linear.gather @!p1 [hbm4b:s10+s11], $0x80, $0x38;
	[tilespmem:$0x1C500] =	vst v63  }
0x9c: {  	s9 =	sadd.s32 @!p1 $0x20, s9;
	s10 =	simm.s32 @!p1 $0x100  }
0x9d: {  	[tilespmem:s10], [sflag:$0x3] =	stream.linear.gather @!p1 [hbm4b:s9+s11], $0x80, $0x38;
	[tilespmem:$0x1C500] =	vst v63  }
0x9e: {  	s9 =	simm.s32 @!p1 $0x3  }
0x9f: {  	_ =	swait.ge @!p1 [sflag:s9], $0x80  }
0xa0: {  	[sflag:s9] =	ssyncset.done @!p1 $0x0  }
0xa1: {  	[sflag:s9] =	ssyncadd.s32 @!p1 $0xFFFFFF80  }
0xa2: {  	_ =	swait.ge @!p1 [sflag:s9], $0x80  }
0xa3: {  	[sflag:s9] =	ssyncset.done @!p1 $0x0  }
0xa4: {  	[sflag:s9] =	ssyncadd.s32 @!p1 $0xFFFFFF80  }
0xa5: {  	v1 =	vld @!p1 [tilespmem:$0x70]  }
0xa6: {  	v2 =	vld @!p1 [tilespmem:$0x30]  }
0xa7: {  	v3 =	vld @!p1 [tilespmem:$0x50]  }
0xa8: {  	v5 =	vld @!p1 [tilespmem:$0x20]  }
0xa9: {  	v4 =	vld @!p1 [tilespmem:$0x60]  }
0xaa: {  	v6 =	vld @!p1 [tilespmem:$0x10];
	v1 =	vadd.s32 @!p1 v0, v1  }
0xab: {  	v7 =	vld @!p1 [tilespmem:$0x40];
	v2 =	vadd.s32 @!p1 v0, v2;
	[tilespmem:$0xF0] =	vst @!p1 v1  }
0xac: {  	v1 =	vld @!p1 [tilespmem:$0x0];
	[tilespmem:$0xB0] =	vst @!p1 v2;
	v2 =	vadd.s32 @!p1 v0, v3  }
0xad: {  	v3 =	vadd.s32 @!p1 v0, v5;
	[tilespmem:$0xD0] =	vst @!p1 v2  }
0xae: {  	v2 =	vadd.s32 @!p1 v0, v4;
	[tilespmem:$0xA0] =	vst @!p1 v3  }
0xaf: {  	[tilespmem:$0xE0] =	vst @!p1 v2;
	v2 =	vadd.s32 @!p1 v0, v6  }
0xb0: {  	[tilespmem:$0x90] =	vst @!p1 v2;
	v2 =	vadd.s32 @!p1 v0, v7  }
0xb1: {  	[tilespmem:$0xC0] =	vst @!p1 v2;
	v1 =	vadd.s32 @!p1 v0, v1  }
0xb2: {  	s10 =	simm.s32 @!p1 $0x300;
	s9 =	simm.s32 @!p1 $0x80;
	[tilespmem:$0x80] =	vst @!p1 v1  }
0xb3: {  	[tilespmem:s10], [sflag:$0x1] =	stream.indirect.gather @!p1 [hbm4b:s4+s9], $0x80, s9, s9, $0xb8;
	[tilespmem:$0x1C500] =	vst v63  }
0xb4: {  	_ =	swait.ge [sflag:s30], $0x4000  }
0xb5: {  	[sflag:s30] =	ssyncset.done $0x0  }
0xb6: {  	[sflag:s30] =	ssyncadd.s32 $0xFFFFC000  }
0xb7: {  	[spmem:s1] =	stream.indirect.scatter.add.f32 [tilespmem:s29], [sflag:$0x5], $0x80, s24, s21, $0xb8;
	[tilespmem:$0x1C500] =	vst v63  }
0xb8: {  	_ =	swait.ge [sflag:s19], $0x4000  }
0xb9: {  	[sflag:s19] =	ssyncset.done $0x0  }
0xba: {  	s14 =	simm.s32 $0x8300;
	s13 =	rddreg [dreg:$0x6];
	[sflag:s19] =	ssyncadd.s32 $0xFFFFC000  }
0xbb: {  	[tilespmem:s14], [sflag:$0x5] =	stream.linear.gather [hbm4b:s13+s2], $0x10, $0x38;
	[tilespmem:$0x1C500] =	vst v63  }
0xbc: {  	_ =	swait.ge [sflag:s19], $0x10  }
0xbd: {  	[sflag:s19] =	ssyncset.done $0x0  }
0xbe: {  	s11 =	rddreg [dreg:$0x7];
	[sflag:s19] =	ssyncadd.s32 $0xFFFFFFF0  }
0xbf: {  	[tilespmem:s0], [sflag:$0x5] =	stream.linear.gather [hbm4b:s11+s2], $0x10, $0x38;
	[tilespmem:$0x1C500] =	vst v63  }
0xc0: {  	_ =	swait.ge [sflag:s19], $0x10  }
0xc1: {  	[sflag:s19] =	ssyncset.done $0x0  }
0xc2: {  	[sflag:s19] =	ssyncadd.s32 $0xFFFFFFF0  }
0xc3: {  	v1 =	vld [tilespmem:$0x8300];
	_ =	sdelay $0x4  }
0xc4: {  	v1 =	vadd.s32 v0, v1  }
0xc5: {  	s12 =	simm.s32 $0x8380;
	[tilespmem:$0x8380] =	vst v1  }
0xc6: {  	[tilespmem:s31], [sflag:$0x1] =	stream.indirect.gather [hbm4b:s4+s3], $0x80, s12, s3, $0xb8;
	[tilespmem:$0x1C500] =	vst v63  }
0xc7: {  	_ =	swait.ge [sflag:s26], $0x800  }
0xc8: {  	[sflag:s26] =	ssyncset.done $0x0  }
0xc9: {  	[sflag:s26] =	ssyncadd.s32 $0xFFFFF800  }
0xca: {  	[spmem:s1] =	stream.indirect.scatter.add.f32 [tilespmem:s31], [sflag:$0x5], $0x80, s0, s3, $0xb8;
	[tilespmem:$0x1C500] =	vst v63  }
0xcb: {  	_ =	swait.ge [sflag:s19], $0x800  }
0xcc: {  	[sflag:s19] =	ssyncset.done $0x0  }
0xcd: {  	[sflag:s19] =	ssyncadd.s32 $0xFFFFF800  }
0xce: {  	[bflag:$0x0] =	sbarrier.arrive $0xFFFF  }
0xcf: {  	s13 =	rddreg [dreg:$0x8]  }
0xd0: {  	[hbm:s13], [sflag:s8] =	dma.local [spmem:s18], $0x2700  }
0xd1: {  	_ =	swait.ge [sflag:s19], $0x2700  }
0xd2: {  	[sflag:s19] =	ssyncset.done $0x0  }
0xd3: {  	s9 =	rddreg [dreg:$0x9];
	[sflag:s19] =	ssyncadd.s32 $0xFFFFD900  }
0xd4: {  	[hbm:s9], [sflag:s8] =	dma.local @!p0 [spmem:s7], $0x100  }
0xd5: {  	s7 =	simm.s32 @!p0 $0x5  }
0xd6: {  	_ =	swait.ge @!p0 [sflag:s7], $0x100  }
0xd7: {  	s6 =	sadd.s32 $0x1, s6;
	s14 =	rddreg [dreg:$0xa]  }
0xd8: {  	p1 =	sne.s32 s6, s14  }
.Ltmp1:
0xd9: {  	_ = 	snop;
	(pc) =	sbr.rel @p1 .LBB2_1-.Ltmp1, $3  }
0xda: {  	_ =	sdelay $0x1  }
0xdb: {  	[sflag:s7] =	ssyncset.done @!p0 $0x0  }
0xdc: {  	[sflag:s7] =	ssyncadd.s32 @!p0 $0xFFFFFF00  }
0xdd: {  	_ =	sfence.sel $0x180000  }
0xde: {  	[bflag:$0x0] =	sbarrier.arrive $0xFFFF  }
0xdf: {  	_ =	strace $0x90000047  }
0xe0: {  	s0 =	stileid.u32;
	[bflag:$0x2] =	sbarrier.arrive $0xFFFF  }
0xe1: {  	p0 =	sne.s32 s0, $0x0;
	s0 =	rddreg [dreg:$0x2]  }
0xe2: {  	s0 =	sadd.s32 @!p0 $0x100000, s0  }
0xe3: {  	[sflag:s0] =	ssyncadd.tile.s32 @!p0 $0x1;
	_ =	shalt  }
.Lfunc_end2:
_tile_overlayer_lowered:
.L_overlay_start_2:
0xe4: {  	(tag) =	ssettag $0x2  }
0xe5: {  	s0 =	rddreg [dreg:$0x0];
	s2 =	stileid.u32  }
0xe6: {  	s1 =	rddreg [dreg:$0x1];
	p0 =	sne.s32 s2, $0x0  }
0xe7: {  	s3 =	rddreg [dreg:$0x2];
	[bflag:$0x3] =	sbarrier.arrive $0xFFFF;
	s2 =	simm.s32 @!p0 $0x1C05  }
0xe8: {  	[timem:s3], [sflag:s2] =	dma.local @!p0 [hbm:s0], s1  }
0xe9: {  	s0 =	simm.s32 @!p0 $0x5  }
0xea: {  	_ =	swait.ge @!p0 [sflag:s0], s1  }
0xeb: {  	s1 =	ssub.s32 @!p0 $0x0, s1;
	[sflag:s0] =	ssyncset.done @!p0 $0x0  }
0xec: {  	[sflag:s0] =	ssyncadd.s32 @!p0 s1  }
0xed: {  	[bflag:$0x3] =	sbarrier.arrive $0xFFFF  }
0xee: {  	_ =	shalt  }

// kernel: kernel.22.cloned.1.call-start
scs
__scs_entry_jumppad:
0x0: {  	(pc) =	sbr.rel $0x88, $3  }
0x1: {  	(tag) =	ssettag $0x0;
	lr =	simm.s32 $0x1  }
0x2: {  	[smem:$0x3F8B] =	sst lr;
	_ =	strace $0xD0000000  }
0x3: {  	_ = 	snop  }
0x4: {  	_ = 	snop  }
0x5: {  	_ = 	snop  }
0x6: {  	_ = 	snop  }
0x7: {  	_ = 	snop  }
__scs_overlays_trampoline_lowered:
0x8: {  	[smem:$0x3F9A] =	sst s0  }
0x9: {  	[smem:$0x3F9B] =	sst s1  }
0xa: {  	[smem:$0x3F9C] =	sst s2  }
0xb: {  	[smem:$0x3F9D] =	sst s3  }
0xc: {  	[smem:$0x3F9E] =	sst s4  }
0xd: {  	[smem:$0x3F9F] =	sst s5  }
0xe: {  	[smem:$0x3FA0] =	sst s6  }
0xf: {  	[smem:$0x3FA1] =	sst s7  }
0x10: {  	[smem:$0x3FA2] =	sst s8  }
0x11: {  	[smem:$0x3FA3] =	sst s9;
	s0 =	simm.s32 @!p0 $0x0  }
0x12: {  	s1 =	sld [smem:$0x3F89];
	s0 =	simm.s32 @p0 $0x1  }
0x13: {  	[smem:$0x3FA4] =	sst s0;
	s0 =	simm.s32 @!p1 $0x0  }
0x14: {  	s2 =	sld [smem:$0x3F88];
	s0 =	simm.s32 @p1 $0x1  }
0x15: {  	[smem:$0x3FA5] =	sst s0;
	s0 =	simm.s32 @!p2 $0x0  }
0x16: {  	s3 =	sld [smem:$0x3FDB];
	s0 =	simm.s32 @p2 $0x1  }
0x17: {  	s4 =	simm.s32 $0x1BF5;
	[smem:$0x3FA7] =	sst s0  }
0x18: {  	s0 =	sld [smem:$0x3F8A];
	_ =	swait.ge [sflag:s4], $0x0  }
0x19: {  	s7 =	sld [smem:$0x3F8B]  }
0x1a: {  	s8 =	sadd.s32 $0xFFFFE003, lr  }
0x1b: {  	s9 =	sadd.s32 $0xFFFFFEF7, lr;
	s5 =	simm.s32 $0xFFFFFFFF;
	p2 =	slt.u32 s8, $0xFFFFF086  }
0x1c: {  	p1 =	slt.u32 s9, $0xF7A;
	s5 =	simm.s32 @!p2 $0x0  }
0x1d: {  	s5 =	simm.s32 @p1 $0x1;
	p0 =	seq.s32 s7, s2  }
0x1e: {  	s7 =	smul.u32 @!p0 $0xF7A, s2;
	p2 =	seq.s32 @!p0 s5, $0x0  }
0x1f: {  	s9 =	smul.u32 $0xF7A, s1;
	s8 =	simm.s32 @!p0 $0x1BF5;
	p2 =	por !p2, p0  }
0x20: {  	[sflag:s8] =	ssyncset.s32 @!p0 $0xFFFFF086;
	s6 =	sadd.s32 @!p0 s3, s7;
	s7 =	simm.s32 @!p0 $0x108  }
0x21: {  	s3 =	sadd.s32 s3, s9;
	s6 =	sadd.s32 @!p0 $0x88, s6;
	s7 =	simm.s32 @p2 $0x1082  }
0x22: {  	[simem:s7], [sflag:s8] =	dma.local @!p0 [hbm:s6], $0xF7A  }
0x23: {  	s9 =	sor.u32 $0xD0000000, s2;
	s6 =	simm.s32 $0x108;
	_ =	swait.ge @!p0 [sflag:s8], $0x0  }
0x24: {  	s3 =	sadd.s32 $0x88, s3;
	s6 =	simm.s32 @!p1 $0x1082;
	[sflag:s4] =	ssyncset.s32 $0xFFFFF086  }
0x25: {  	[simem:s6], [sflag:s4] =	dma.local [hbm:s3], $0xF7A  }
0x26: {  	[smem:$0x3F8B] =	sst s1;
	(tag) =	ssettag s2;
	_ =	strace s9  }
0x27: {  	s1 =	sld [smem:$0x3F9B]  }
0x28: {  	s2 =	sld [smem:$0x3F9C]  }
0x29: {  	s4 =	sld [smem:$0x3F9E]  }
0x2a: {  	p0 =	seq.s32 s5, $0x0;
	s5 =	sld [smem:$0x3F9F]  }
0x2b: {  	s6 =	sld [smem:$0x3FA0]  }
0x2c: {  	s7 =	sld [smem:$0x3FA1]  }
0x2d: {  	s3 =	simm.s32 $0x108;
	s8 =	sld [smem:$0x3FA2]  }
0x2e: {  	s3 =	simm.s32 @!p0 $0x1082;
	s9 =	sld [smem:$0x3FA3]  }
0x2f: {  	lr =	sadd.s32 s0, s3;
	s0 =	sld [smem:$0x3F9A]  }
0x30: {  	s3 =	sld [smem:$0x3F9D]  }
0x31: {  	[smem:$0x3FA6] =	sst s10  }
0x32: {  	s10 =	sld [smem:$0x3FA4];
	_ =	sdelay $0x3  }
0x33: {  	p0 =	seq.s32 s10, $0x1;
	s10 =	sld [smem:$0x3FA6];
	_ =	sdelay $0x3  }
0x34: {  	[smem:$0x3FA6] =	sst s10  }
0x35: {  	s10 =	sld [smem:$0x3FA5];
	_ =	sdelay $0x3  }
0x36: {  	p1 =	seq.s32 s10, $0x1;
	s10 =	sld [smem:$0x3FA6];
	_ =	sdelay $0x3  }
0x37: {  	[smem:$0x3FA6] =	sst s10  }
0x38: {  	s10 =	sld [smem:$0x3FA7]  }
0x39: {  	_ = 	snop;
	(pc) =	sbr.ind lr, $3  }
0x3a: {  	_ = 	snop  }
0x3b: {  	_ = 	snop  }
0x3c: {  	p2 =	seq.s32 s10, $0x1;
	s10 =	sld [smem:$0x3FA6]  }
0x3d: {  	_ =	shalt  }
0x3e: {  	_ =	shalt  }
0x3f: {  	_ =	shalt  }
0x40: {  	_ =	shalt  }
0x41: {  	_ =	shalt  }
0x42: {  	_ =	shalt  }
0x43: {  	_ =	shalt  }
0x44: {  	_ =	shalt  }
0x45: {  	_ =	shalt  }
0x46: {  	_ =	shalt  }
0x47: {  	_ =	shalt  }
0x48: {  	_ =	shalt  }
0x49: {  	_ =	shalt  }
0x4a: {  	_ =	shalt  }
0x4b: {  	_ =	shalt  }
0x4c: {  	_ =	shalt  }
0x4d: {  	_ =	shalt  }
0x4e: {  	_ =	shalt  }
0x4f: {  	_ =	shalt  }
0x50: {  	_ =	shalt  }
0x51: {  	_ =	shalt  }
0x52: {  	_ =	shalt  }
0x53: {  	_ =	shalt  }
0x54: {  	_ =	shalt  }
0x55: {  	_ =	shalt  }
0x56: {  	_ =	shalt  }
0x57: {  	_ =	shalt  }
0x58: {  	_ =	shalt  }
0x59: {  	_ =	shalt  }
0x5a: {  	_ =	shalt  }
0x5b: {  	_ =	shalt  }
0x5c: {  	_ =	shalt  }
0x5d: {  	_ =	shalt  }
0x5e: {  	_ =	shalt  }
0x5f: {  	_ =	shalt  }
0x60: {  	_ =	shalt  }
0x61: {  	_ =	shalt  }
0x62: {  	_ =	shalt  }
0x63: {  	_ =	shalt  }
0x64: {  	_ =	shalt  }
0x65: {  	_ =	shalt  }
0x66: {  	_ =	shalt  }
0x67: {  	_ =	shalt  }
0x68: {  	_ =	shalt  }
0x69: {  	_ =	shalt  }
0x6a: {  	_ =	shalt  }
0x6b: {  	_ =	shalt  }
0x6c: {  	_ =	shalt  }
0x6d: {  	_ =	shalt  }
0x6e: {  	_ =	shalt  }
0x6f: {  	_ =	shalt  }
0x70: {  	_ =	shalt  }
0x71: {  	_ =	shalt  }
0x72: {  	_ =	shalt  }
0x73: {  	_ =	shalt  }
0x74: {  	_ =	shalt  }
0x75: {  	_ =	shalt  }
0x76: {  	_ =	shalt  }
0x77: {  	_ =	shalt  }
0x78: {  	_ =	shalt  }
0x79: {  	_ =	shalt  }
0x7a: {  	_ =	shalt  }
0x7b: {  	_ =	shalt  }
0x7c: {  	_ =	shalt  }
0x7d: {  	_ =	shalt  }
0x7e: {  	_ =	shalt  }
0x7f: {  	_ =	shalt  }
0x80: {  	_ =	shalt  }
0x81: {  	_ =	shalt  }
0x82: {  	_ =	shalt  }
0x83: {  	_ =	shalt  }
0x84: {  	_ =	shalt  }
0x85: {  	_ =	shalt  }
0x86: {  	_ =	shalt  }
0x87: {  	_ =	shalt  }
.Lfunc_end0:
.L_simem_size_0:
called_computation.1_lowered:
.L_overlay_start_0:
0x88: {  	s2 =	sld [smem:$0x3FD9]  }
0x89: {  	s3 =	sld [smem:$0x3FFE];
	_ =	sdelay $0x1  }
0x8a: {  	s1 =	srdreg.scid  }
0x8b: {  	s0 =	sand.u32 $0x1, s1  }
0x8c: {  	s16 =	sshll.u32 s0, $0xA;
	s2 =	sadd.s32 s3, s2  }
0x8d: {  	s2 =	sadd.s32 s2, s16  }
0x8e: {  	[smem:$0x3FB2] =	sst s2  }
0x8f: {  	_ = 	snop  }
0x90: {  	(tm) =	ssettm $0x1  }
0x91: {  	s17 =	sld [smem:$0x3FFB];
	_ =	sdelay $0x3  }
0x92: {  	_ =	strace s17  }
0x93: {  	s2 =	sld [smem:$0x3FFC];
	_ =	sdelay $0x3  }
0x94: {  	_ =	strace s2  }
0x95: {  	s2 =	sld [smem:$0x3FFD];
	_ =	sdelay $0x3  }
0x96: {  	_ =	strace s2  }
0x97: {  	_ =	strace $0x8FFFFFFF  }
0x98: {  	s18 =	sld [smem:$0x3FDB];
	_ =	sdelay $0x1  }
0x99: {  	s19 =	simm.s32 $_scs_section_size  }
0x9a: {  	s4 =	simm.s32 $_size__tile_overlayer_lowered;
	s5 =	simm.s32 $_tile_overlayer_lowered  }
0x9b: {  	s22 =	simm.s32 $0x1BFF;
	s21 =	sshll.u32 s5, $0x1;
	s2 =	sadd.s32 s19, s18  }
0x9c: {  	s6 =	simm.s32 $0x0;
	s20 =	sshll.u32 s4, $0x1;
	s4 =	sadd.s32 s21, s2  }
0x9d: {  	[timem:s6], [sflag:s22] =	dma.local [hbm:s4], s20  }
0x9e: {  	_ =	swait.ge [sflag:s22], s20  }
0x9f: {  	s3 =	ssub.s32 $0x0, s20;
	[sflag:s22] =	ssyncset.done $0x0  }
0xa0: {  	[sflag:s22] =	ssyncadd.s32 s3;
	_ =	sdelay $0x1  }
0xa1: {  	s23 =	simm.s32 $0x1B8B  }
0xa2: {  	_ =	swait.ge [sflag:s23], $0x1  }
0xa3: {  	[sflag:s23] =	ssyncset.done $0x0  }
0xa4: {  	s25 =	simm.s32 $0x1B8E;
	s24 =	sld [smem:$0x3FFE];
	[sflag:s23] =	ssyncadd.s32 $0xFFFFFFFF  }
0xa5: {  	s26 =	simm.s32 $execute0_lowered;
	[smem:$0x3FD2] =	sst s25  }
0xa6: {  	s4 =	sshll.u32 s26, $0x1;
	_ =	strace $0x80000049;
	[dreg:$0x1] =	wrdreg $0xFFFFFFFF  }
0xa7: {  	s28 =	simm.s32 $_size_execute0_lowered;
	s2 =	sadd.s32 s2, s4;
	[dreg:$0x0] =	wrdreg $0x0  }
0xa8: {  	s4 =	sshll.u32 s28, $0x1;
	[dreg:$0x2] =	wrdreg s2  }
0xa9: {  	[dreg:$0x3] =	wrdreg s4  }
0xaa: {  	[dreg:$0x4] =	wrdreg $0xC0  }
0xab: {  	_ =	task [dreg:s6], $0x5FFFF  }
0xac: {  	[dreg:$0x1] =	wrdreg $0xFFFFFFFF  }
0xad: {  	[dreg:$0x0] =	wrdreg $0x60  }
0xae: {  	[dreg:$0x2] =	wrdreg s24  }
0xaf: {  	[dreg:$0x3] =	wrdreg $0x9  }
0xb0: {  	_ =	task.clear_ibuf [dreg:s6], $0x4FFFF;
	_ =	strace $0x90000049  }
0xb1: {  	s29 =	simm.s32 $0x9;
	_ =	strace $0x8000004B  }
0xb2: {  	_ =	swait.ge [sflag:s29], $0x1  }
0xb3: {  	[sflag:s29] =	ssyncadd.s32 $0xFFFFFFFF  }
0xb4: {  	_ =	strace $0x9000004B  }
0xb5: {  	_ =	sfence  }
0xb6: {  	s30 =	sld [smem:$0x0];
	_ =	sdelay $0x2  }
0xb7: {  	s31 =	sshll.u32 s1, $0xD;
	s1 =	sshrl.u32 s1, $0x2  }
0xb8: {  	s3 =	sand.u32 $0x4000, s31;
	s1 =	sadd.s32 s1, s30  }
0xb9: {  	s0 =	sor.u32 s3, s0;
	s1 =	sshll.u32 s1, $0x11  }
0xba: {  	s0 =	sor.u32 s1, s0  }
0xbb: {  	s0 =	sadd.s32 $0x8F2B, s0  }
0xbc: {  	[sflag:s0] =	ssyncadd.remote.s32 $0x1  }
0xbd: {  	_ =	sfence.sel $0xFFFF  }
0xbe: {  	[dreg:$0x0] =	wrdreg $0xFFFFFFFF;
	(pc) =	sbr.abs _section_cstart, $3  }
0xbf: {  	[dreg:$0x1] =	wrdreg $0xFFFFFFFF  }
0xc0: {  	_ =	task.clear_ibuf [dreg:s6], $0x2FFFF;
	_ =	strace $0x9FFFFFFF  }
0xc1: {  	(tm) =	ssettm $0x7FFFFFFF  }
tec
execute0_lowered:
.L_overlay_start_1:
0x0: {  	(tag) =	ssettag $0x1  }
0x1: {  	s0 =	srdreg.scid  }
0x2: {  	s2 =	sand.u32 $0x1, s0;
	s0 =	stileid.u32  }
0x3: {  	s3 =	sor.u32 s0, s2  }
0x4: {  	p0 =	sne.s32 s3, $0x0  }
.Ltmp0:
0x5: {  	_ = 	snop;
	(pc) =	sbr.rel @p0 .LBB2_19-.Ltmp0, $3  }
0x6: {  	_ =	sdelay $0x1  }
0x7: {  	s5 =	rddreg [dreg:$0x0]  }
0x8: {  	s1 =	rddreg [dreg:$0x1];
	_ =	strace $0x8000004A  }
0x9: {  	s6 =	ssub.s32 $0x2, s2  }
0xa: {  	s2 =	sadd.s32 $0x60000, s5;
	s3 =	sadd.s32 $0x60600, s5;
	s4 =	sadd.s32 $0x60C00, s5  }
0xb: {  	s5 =	sadd.s32 $0x61200, s5;
	s8 =	simm.s32 $0x1;
	s9 =	simm.s32 $0x7980  }
0xc: {  	s10 =	simm.s32 $0x7680;
	s11 =	simm.s32 $0x7780;
	s12 =	simm.s32 $0x7880  }
0xd: {  	v0 =	vimm.s32 $0x0;
	v1 =	vlaneseq.u32;
	s13 =	simm.s32 $0x2780;
	s14 =	simm.s32 $0x4F00;
	s7 =	sshrl.u32 s6, $0x1  }
0xe: {  	v2 =	vimm.f32 $1.000000000e+00;
	v3 =	vimm.f32 $0.0e+00;
	s15 =	simm.s32 $0x0;
	v4 =	vadd.s32 $0x96, v1;
	s6 =	ssub.s32 s6, s7;
	s7 =	simm.s32 $0x0  }
.LBB2_2:
0xf: {  	[tilespmem:s7], [sflag:$0x1] =	stream.linear.gather [hbm4b:s2+s7], $0x2780, $0x38;
	[tilespmem:$0x7F80] =	vst v63  }
0x10: {  	_ =	swait.ge [sflag:s8], $0x2780  }
0x11: {  	s17 =	simm.s32 $0x7FFFFFFF;
	[sflag:s8] =	ssyncset.done $0x0  }
0x12: {  	s16 =	simm.s32 $0x0;
	s18 =	simm.s32 $0x0;
	[sflag:s8] =	ssyncadd.s32 $0xFFFFD880  }
.LBB2_3:
0x13: {  	s19 =	ssub.s32 s17, s16  }
0x14: {  	s21 =	simm.s32 $0x0;
	s19 =	sshra.s32 s19, $0x1  }
0x15: {  	v7 =	vld [tilespmem:s21+$0x0];
	s19 =	sadd.s32 s16, s19  }
0x16: {  	v5 =	vimm.s32 $0x0;
	s20 =	simm.s32 $0x40;
	v6 =	vmov s19  }
.LBB2_4:
0x17: {  	p0 =	sne.s32 s20, $0x9C00  }
.Ltmp1:
0x18: {  	_ = 	snop;
	(pc) =	sbr.rel @p0 .LBB2_4-.Ltmp1, $4  }
0x19: {  	_ = 	snop  }
0x1a: {  	s21 =	sshra.s32 s20, $0x2;
	s20 =	sadd.s32 $0x40, s20;
	vm0 =	vge.s32 v7, v6  }
0x1b: {  	v7 =	vld [tilespmem:s21+$0x0];
	v8 =	vsel vm0, $0x1, v0  }
0x1c: {  	v5 =	vadd.s32 v8, v5  }
0x1d: {  	_ =	sdelay $0x2  }
0x1e: {  	vm0 =	vge.s32 v7, v6  }
0x1f: {  	v6 =	vsel vm0, $0x1, v0  }
0x20: {  	v5 =	vadd.s32 v6, v5  }
0x21: {  	(xrf0) =	vadd.scan.msk.s32 $0xffff, v5;
	_ =	sdelay $0x5  }
0x22: {  	v5, _, _ =	vpop (xrf0)  }
0x23: {  	(v2sf) =	vpush v5, $0xF;
	_ =	sdelay $0xe  }
0x24: {  	s20 =	spop (v2sf)  }
0x25: {  	s18 =	sadd.s32 $0x1, s18;
	p0 =	sgt.s32 s20, $0x5DB  }
0x26: {  	s16 =	smov.u32 @p0 s19;
	s19 =	smov.u32 @p0 s17;
	p0 =	seq.s32 s18, $0x20  }
.Ltmp2:
0x27: {  	_ = 	snop;
	(pc) =	sbr.rel @!p0 .LBB2_3-.Ltmp2, $2  }
0x28: {  	_ =	sdelay $0x2  }
0x29: {  	s17 =	smov.u32 s19  }
0x2a: {  	s17 =	simm.s32 $0x40;
	s18 =	simm.s32 $0x0  }
.LBB2_7:
0x2b: {  	p0 =	seq.s32 s17, $0x1740;
	[tilespmem:s18+$0x7980] =	vst v0;
	s18 =	smov.u32 s17;
	s17 =	sadd.s32 $0x40, s17  }
.Ltmp3:
0x2c: {  	(pc) =	sbr.rel @!p0 .LBB2_7-.Ltmp3, $2  }
0x2d: {  	_ =	sdelay $0x2  }
0x2e: {  	s18 =	sshra.s32 s18, $0x2  }
0x2f: {  	[tilespmem:s18+$0x7980] =	vst v0;
	s17 =	simm.s32 $0x0  }
0x30: {  	v6 =	vld [tilespmem:s17+$0x0];
	_ =	sdelay $0x3  }
0x31: {  	v5 =	vmov s16  }
0x32: {  	vm0 =	vge.s32 v6, v5  }
0x33: {  	v7 =	vsel vm0, $0x1, v0  }
0x34: {  	(xrf0) =	vadd.scan.msk.s32 $0xffff, v7;
	_ =	sdelay $0x5  }
0x35: {  	v7, _, _ =	vpop (xrf0)  }
0x36: {  	s16 =	simm.s32 $0x0;
	v9 =	vxor.u32 $0x80000000, v7  }
0x37: {  	v8 =	vmov s16;
	(xrf0) =	vmax.scan.msk.u32 $0xffff, v9  }
0x38: {  	v8 =	vadd.s32 $0xFFFFFFFF, v8  }
0x39: {  	v8 =	vbroadcast v8, $0x0;
	_ =	sdelay $0x1  }
0x3a: {  	v7 =	vadd.s32 v7, v8;
	_ =	sdelay $0x1  }
0x3b: {  	v63, _, _ =	vpop (xrf0)  }
0x3c: {  	(v2sf) =	vpush v63, $0xF;
	_ =	sdelay $0x1  }
0x3d: {  	s19 =	simm.s32 $0x10;
	s18 =	simm.s32 $0x80;
	s17 =	simm.s32 $0x0;
	[tilespmem:v7+s9+$0x0] =	vst.idx.msk vm0, v6  }
.LBB2_9:
0x3e: {  	p0 =	sne.s32 s18, $0x9C00;
	v6 =	vld [tilespmem:s19+$0x0];
	_ =	sdelay $0x4  }
0x3f: {  	vm0 =	vge.s32 v6, v5  }
0x40: {  	v7 =	vsel vm0, $0x1, v0  }
0x41: {  	(xrf0) =	vadd.scan.msk.s32 $0xffff, v7;
	_ =	sdelay $0x4  }
0x42: {  	s19 =	spop (v2sf)  }
0x43: {  	v7, _, _ =	vpop (xrf0);
	s17 =	sadd.s32 s19, s17  }
0x44: {  	v8 =	vxor.u32 $0x80000000, v7;
	s17 =	sadd.s32 $0x80000000, s17  }
0x45: {  	v9 =	vmov s17;
	(xrf0) =	vmax.scan.msk.u32 $0xffff, v8  }
0x46: {  	v8 =	vadd.s32 $0xFFFFFFFF, v9  }
0x47: {  	v8 =	vbroadcast v8, $0x0;
	_ =	sdelay $0x1  }
0x48: {  	v7 =	vadd.s32 v7, v8  }
.Ltmp4:
0x49: {  	(pc) =	sbr.rel @p0 .LBB2_9-.Ltmp4, $3  }
0x4a: {  	v8, _, _ =	vpop (xrf0)  }
0x4b: {  	(v2sf) =	vpush v8, $0xF;
	_ =	sdelay $0x1  }
0x4c: {  	s19 =	sshra.s32 s18, $0x2;
	s18 =	sadd.s32 $0x40, s18;
	[tilespmem:v7+s9+$0x0] =	vst.idx.msk vm0, v6  }
0x4d: {  	v6 =	vld [tilespmem:s19+$0x0];
	_ =	sdelay $0x4  }
0x4e: {  	vm0 =	vge.s32 v6, v5  }
0x4f: {  	v7 =	vsel vm0, $0x1, v0  }
0x50: {  	(xrf0) =	vadd.scan.msk.s32 $0xffff, v7;
	_ =	sdelay $0x5  }
0x51: {  	v7, _, _ =	vpop (xrf0)  }
0x52: {  	v8 =	vxor.u32 $0x80000000, v7  }
0x53: {  	(xrf0) =	vmax.scan.msk.u32 $0xffff, v8;
	_ =	sdelay $0x5  }
0x54: {  	v8, _, _ =	vpop (xrf0)  }
0x55: {  	(v2sf) =	vpush v8, $0xF;
	_ =	sdelay $0x2  }
0x56: {  	s18 =	spop (v2sf)  }
0x57: {  	s17 =	sadd.s32 s18, s17  }
0x58: {  	s17 =	sadd.s32 $0x80000000, s17  }
0x59: {  	v63 =	vmov s17  }
0x5a: {  	v8 =	vadd.s32 $0xFFFFFFFF, v63  }
0x5b: {  	v8 =	vbroadcast v8, $0x0;
	_ =	sdelay $0x1  }
0x5c: {  	v7 =	vadd.s32 v7, v8;
	_ =	sdelay $0x4  }
0x5d: {  	s18 =	simm.s32 $0x7FFFFFFF;
	s17 =	simm.s32 $0x0;
	[tilespmem:v7+s9+$0x0] =	vst.idx.msk vm0, v6;
	s31 =	spop (v2sf)  }
.LBB2_11:
0x5e: {  	s19 =	ssub.s32 s18, s16  }
0x5f: {  	s21 =	simm.s32 $0x0;
	s19 =	sshra.s32 s19, $0x1  }
0x60: {  	v8 =	vld [tilespmem:s21+$0x7980];
	s19 =	sadd.s32 s16, s19  }
0x61: {  	v6 =	vimm.s32 $0x0;
	s20 =	simm.s32 $0x40;
	v7 =	vmov s19  }
.LBB2_12:
0x62: {  	p0 =	sne.s32 s20, $0x1740  }
.Ltmp5:
0x63: {  	_ = 	snop;
	(pc) =	sbr.rel @p0 .LBB2_12-.Ltmp5, $4  }
0x64: {  	_ = 	snop  }
0x65: {  	s21 =	sshra.s32 s20, $0x2;
	s20 =	sadd.s32 $0x40, s20;
	vm0 =	vge.s32 v8, v7  }
0x66: {  	v8 =	vld [tilespmem:s21+$0x7980];
	v9 =	vsel vm0, $0x1, v0  }
0x67: {  	v6 =	vadd.s32 v9, v6  }
0x68: {  	_ =	sdelay $0x2  }
0x69: {  	vm0 =	vge.s32 v8, v7  }
0x6a: {  	v7 =	vsel vm0, $0x1, v0  }
0x6b: {  	v6 =	vadd.s32 v7, v6  }
0x6c: {  	(xrf0) =	vadd.scan.msk.s32 $0xffff, v6;
	_ =	sdelay $0x5  }
0x6d: {  	v6, _, _ =	vpop (xrf0)  }
0x6e: {  	(v2sf) =	vpush v6, $0xF;
	_ =	sdelay $0xe  }
0x6f: {  	s20 =	spop (v2sf)  }
0x70: {  	s17 =	sadd.s32 $0x1, s17;
	p0 =	sgt.s32 s20, $0x95  }
0x71: {  	s16 =	smov.u32 @p0 s19;
	s19 =	smov.u32 @p0 s18;
	p0 =	sne.s32 s17, $0x20  }
.Ltmp6:
0x72: {  	_ = 	snop;
	(pc) =	sbr.rel @p0 .LBB2_11-.Ltmp6, $2  }
0x73: {  	_ =	sdelay $0x2  }
0x74: {  	s18 =	smov.u32 s19  }
0x75: {  	[tilespmem:$0x7680] =	vst v0  }
0x76: {  	[tilespmem:$0x7690] =	vst v0  }
0x77: {  	[tilespmem:$0x76A0] =	vst v0  }
0x78: {  	[tilespmem:$0x76B0] =	vst v0  }
0x79: {  	[tilespmem:$0x76C0] =	vst v0  }
0x7a: {  	[tilespmem:$0x76D0] =	vst v0  }
0x7b: {  	[tilespmem:$0x76E0] =	vst v0  }
0x7c: {  	[tilespmem:$0x76F0] =	vst v0  }
0x7d: {  	[tilespmem:$0x7700] =	vst v0  }
0x7e: {  	[tilespmem:$0x7710] =	vst v0  }
0x7f: {  	[tilespmem:$0x7720] =	vst v0;
	s18 =	simm.s32 $0x0  }
0x80: {  	v8 =	vld [tilespmem:s18+$0x0];
	_ =	sdelay $0x3  }
0x81: {  	v7 =	vmov s16  }
0x82: {  	vm0 =	vge.s32 v8, v7  }
0x83: {  	v6 =	vsel vm0, $0x1, v0  }
0x84: {  	(xrf0) =	vadd.scan.msk.s32 $0xffff, v6;
	_ =	sdelay $0x5  }
0x85: {  	v9, _, _ =	vpop (xrf0)  }
0x86: {  	v6 =	vxor.u32 $0x80000000, v9  }
0x87: {  	(xrf0) =	vmax.scan.msk.u32 $0xffff, v6;
	v6 =	vmov s18  }
0x88: {  	v10 =	vadd.s32 $0xFFFFFFFF, v6  }
0x89: {  	v10 =	vbroadcast v10, $0x0;
	_ =	sdelay $0x1  }
0x8a: {  	v9 =	vadd.s32 v9, v10  }
0x8b: {  	vm1 =	vlt.s32 v8, v5  }
0x8c: {  	s16 =	simm.s32 $0x2780;
	v10 =	vsel vm1, $0x0, v2;
	v11, _, _ =	vpop (xrf0)  }
0x8d: {  	s17 =	simm.s32 $0x4F00;
	[tilespmem:s16+$0x0] =	vst v10;
	v10 =	vsel vm0, $0x3F800000, v3;
	(v2sf) =	vpush v11, $0xF  }
0x8e: {  	[tilespmem:s17+$0x0] =	vst v10  }
0x8f: {  	v10 =	vor.u32 s18, v1;
	[tilespmem:v9+s10+$0x0] =	vst.idx.msk vm0, v8  }
0x90: {  	s18 =	simm.s32 $0x10;
	[tilespmem:v9+s11+$0x0] =	vst.idx.msk vm0, v10  }
0x91: {  	v8 =	vld [tilespmem:s18+$0x0];
	_ =	sdelay $0x4  }
0x92: {  	vm0 =	vge.s32 v8, v7  }
0x93: {  	v10 =	vsel vm0, $0x1, v0  }
0x94: {  	(xrf0) =	vadd.scan.msk.s32 $0xffff, v10;
	_ =	sdelay $0x3  }
0x95: {  	vm1 =	vlt.s32 v8, v5;
	s20 =	spop (v2sf)  }
0x96: {  	s19 =	simm.s32 $0x20;
	v9 =	vsel vm1, $0x0, v2;
	s21 =	sadd.s32 $0x0, s20;
	s20 =	simm.s32 $0x10  }
.LBB2_15:
0x97: {  	v10, _, _ =	vpop (xrf0);
	s21 =	sadd.s32 $0x80000000, s21;
	s16 =	sadd.s32 $0x10, s16;
	s17 =	sadd.s32 $0x10, s17  }
0x98: {  	p0 =	sne.s32 s19, $0x2700;
	s22 =	smov.u32 s19;
	s19 =	sadd.s32 $0x10, s19;
	v11 =	vmov s21;
	v12 =	vxor.u32 $0x80000000, v10  }
0x99: {  	v11 =	vadd.s32 $0xFFFFFFFF, v11;
	(xrf0) =	vmax.scan.msk.u32 $0xffff, v12  }
0x9a: {  	v11 =	vbroadcast v11, $0x0;
	_ =	sdelay $0x1  }
0x9b: {  	v10 =	vadd.s32 v10, v11;
	_ =	sdelay $0x2  }
0x9c: {  	[tilespmem:s16+$0x0] =	vst v9;
	v9 =	vsel vm0, $0x3F800000, v3;
	v11, _, _ =	vpop (xrf0)  }
0x9d: {  	[tilespmem:s17+$0x0] =	vst v9;
	(v2sf) =	vpush v11, $0xF  }
0x9e: {  	v9 =	vor.u32 s18, v1;
	s18 =	smov.u32 s22;
	[tilespmem:v10+s10+$0x0] =	vst.idx.msk vm0, v8  }
0x9f: {  	[tilespmem:v10+s11+$0x0] =	vst.idx.msk vm0, v9  }
0xa0: {  	s20 =	sadd.s32 $0x10, s20  }
0xa1: {  	v8 =	vld [tilespmem:s20+$0x0];
	_ =	sdelay $0x4  }
0xa2: {  	vm1 =	vlt.s32 v8, v5;
	vm0 =	vge.s32 v8, v7  }
0xa3: {  	v9 =	vsel vm1, $0x0, v2;
	v10 =	vsel vm0, $0x1, v0  }
0xa4: {  	(xrf0) =	vadd.scan.msk.s32 $0xffff, v10  }
.Ltmp7:
0xa5: {  	(pc) =	sbr.rel @p0 .LBB2_15-.Ltmp7, $3  }
0xa6: {  	_ =	sdelay $0x1  }
0xa7: {  	s22 =	spop (v2sf)  }
0xa8: {  	s21 =	sadd.s32 s22, s21  }
0xa9: {  	s19 =	sadd.s32 $0x80000000, s21  }
0xaa: {  	v5 =	vmov s19  }
0xab: {  	v5 =	vadd.s32 $0xFFFFFFFF, v5  }
0xac: {  	v5 =	vbroadcast v5, $0x0  }
0xad: {  	v7, _, _ =	vpop (xrf0)  }
0xae: {  	v5 =	vadd.s32 v7, v5;
	_ =	sdelay $0x1  }
0xaf: {  	s16 =	sadd.s32 $0x10, s16  }
0xb0: {  	s17 =	sadd.s32 $0x10, s17;
	v54 =	vsel vm0, $0x3F800000, v3;
	[tilespmem:s16+$0x0] =	vst v9  }
0xb1: {  	[tilespmem:s17+$0x0] =	vst v54  }
0xb2: {  	v55 =	vor.u32 s18, v1;
	[tilespmem:v5+s10+$0x0] =	vst.idx.msk vm0, v8  }
0xb3: {  	v7 =	vxor.u32 $0x80000000, v7;
	[tilespmem:v5+s11+$0x0] =	vst.idx.msk vm0, v55  }
0xb4: {  	(xrf0) =	vmax.scan.msk.u32 $0xffff, v7;
	v5 =	vld [tilespmem:$0x7680]  }
0xb5: {  	v7 =	vld.idx.msk [tilespmem:v6+s10+$0x0], $0xffff  }
0xb6: {  	v8 =	vld [tilespmem:$0x7690]  }
0xb7: {  	v9 =	vld [tilespmem:$0x76A0]  }
0xb8: {  	v10 =	vld [tilespmem:$0x76B0]  }
0xb9: {  	v11 =	vld [tilespmem:$0x76C0]  }
0xba: {  	v12, _, _ =	vpop (xrf0);
	v13 =	vld [tilespmem:$0x76D0]  }
0xbb: {  	(v2sf) =	vpush v12, $0xF;
	vm7 =	vgt.s32 v5, v7;
	vm1 =	vgt.s32 v8, v7;
	v5 =	vld [tilespmem:$0x76E0]  }
0xbc: {  	v57 =	vld [tilespmem:$0x76F0];
	vm8 =	vgt.s32 v9, v7;
	v8 =	vsel vm7, $0x1, v0;
	v56 =	vsel vm1, $0x1, v0  }
0xbd: {  	v59 =	vld [tilespmem:$0x7700];
	vm9 =	vgt.s32 v10, v7;
	v58 =	vsel vm8, $0x1, v0;
	v8 =	vadd.s32 v56, v8  }
0xbe: {  	v61 =	vld [tilespmem:$0x7710];
	vm10 =	vgt.s32 v11, v7;
	v60 =	vsel vm9, $0x1, v0;
	v8 =	vadd.s32 v58, v8  }
0xbf: {  	vm11 =	vgt.s32 v13, v7;
	v62 =	vsel vm10, $0x1, v0;
	v8 =	vadd.s32 v60, v8  }
0xc0: {  	v63 =	vsel vm11, $0x1, v0;
	v8 =	vadd.s32 v62, v8;
	vm12 =	vgt.s32 v5, v7  }
0xc1: {  	vm13 =	vgt.s32 v57, v7;
	v5 =	vadd.s32 v63, v8;
	v8 =	vsel vm12, $0x1, v0  }
0xc2: {  	vm14 =	vgt.s32 v59, v7;
	v5 =	vadd.s32 v8, v5;
	v8 =	vsel vm13, $0x1, v0  }
0xc3: {  	vm15 =	vgt.s32 v61, v7;
	v5 =	vadd.s32 v8, v5;
	v8 =	vsel vm14, $0x1, v0  }
0xc4: {  	v7 =	vsel vm15, $0x1, v0;
	v5 =	vadd.s32 v8, v5  }
0xc5: {  	v5 =	vadd.s32 v7, v5  }
0xc6: {  	(xrf0) =	vadd.scan.msk.s32 $0xffff, v5;
	_ =	sdelay $0x5  }
0xc7: {  	v5, _, _ =	vpop (xrf0)  }
0xc8: {  	v7 =	vbroadcast v5, $0xF  }
0xc9: {  	v6 =	vld.idx.msk [tilespmem:v6+s11+$0x0], $0xffff  }
0xca: {  	s30 =	simm.s32 $0x1  }
0xcb: {  	s16 =	simm.s32 $0x2;
	s31 =	spop (v2sf);
	v5 =	vmov s30  }
.LBB2_17:
0xcc: {  	p0 =	sne.s32 s16, $0x95;
	_ =	sdelay $0x1  }
0xcd: {  	[tilespmem:v7+s12+$0x0] =	vst.idx.msk $0x1, v6  }
0xce: {  	v6 =	vld [tilespmem:$0x7680]  }
0xcf: {  	v7 =	vld.idx.msk [tilespmem:v5+s10+$0x0], $0xffff  }
0xd0: {  	v8 =	vld [tilespmem:$0x7690]  }
0xd1: {  	v9 =	vld [tilespmem:$0x76A0]  }
0xd2: {  	v10 =	vld [tilespmem:$0x76B0]  }
0xd3: {  	v11 =	vld [tilespmem:$0x76C0]  }
0xd4: {  	v12 =	vld [tilespmem:$0x76D0]  }
0xd5: {  	vm0 =	vgt.s32 v6, v7;
	vm1 =	vgt.s32 v8, v7;
	v6 =	vld [tilespmem:$0x76E0]  }
0xd6: {  	v8 =	vsel vm0, $0x1, v0;
	v13 =	vsel vm1, $0x1, v0;
	vm0 =	vgt.s32 v9, v7;
	v9 =	vld [tilespmem:$0x76F0]  }
0xd7: {  	v8 =	vadd.s32 v13, v8;
	v13 =	vsel vm0, $0x1, v0;
	vm0 =	vgt.s32 v10, v7;
	v10 =	vld [tilespmem:$0x7700]  }
0xd8: {  	v8 =	vadd.s32 v13, v8;
	v13 =	vsel vm0, $0x1, v0;
	vm0 =	vgt.s32 v11, v7;
	v11 =	vld [tilespmem:$0x7710]  }
0xd9: {  	v8 =	vadd.s32 v13, v8;
	v13 =	vsel vm0, $0x1, v0;
	vm0 =	vgt.s32 v12, v7  }
0xda: {  	v8 =	vadd.s32 v13, v8;
	v12 =	vsel vm0, $0x1, v0;
	vm0 =	vgt.s32 v6, v7  }
0xdb: {  	v6 =	vadd.s32 v12, v8;
	v8 =	vsel vm0, $0x1, v0;
	vm0 =	vgt.s32 v9, v7  }
0xdc: {  	v6 =	vadd.s32 v8, v6;
	v8 =	vsel vm0, $0x1, v0;
	vm0 =	vgt.s32 v10, v7  }
0xdd: {  	v6 =	vadd.s32 v8, v6;
	v8 =	vsel vm0, $0x1, v0;
	vm0 =	vgt.s32 v11, v7  }
0xde: {  	v6 =	vadd.s32 v8, v6;
	v7 =	vsel vm0, $0x1, v0  }
0xdf: {  	v6 =	vadd.s32 v7, v6  }
0xe0: {  	(xrf0) =	vadd.scan.msk.s32 $0xffff, v6;
	_ =	sdelay $0x5  }
.Ltmp8:
0xe1: {  	v6, _, _ =	vpop (xrf0);
	(pc) =	sbr.rel @p0 .LBB2_17-.Ltmp8, $2  }
0xe2: {  	v7 =	vbroadcast v6, $0xF;
	v6 =	vld.idx.msk [tilespmem:v5+s11+$0x0], $0xffff;
	_ =	sdelay $0x2  }
0xe3: {  	v5 =	vmov s16;
	s16 =	sadd.s32 $0x1, s16  }
0xe4: {  	_ =	sdelay $0x3  }
0xe5: {  	[tilespmem:v7+s12+$0x0] =	vst.idx.msk $0x1, v6  }
0xe6: {  	v6 =	vld [tilespmem:$0x7680]  }
0xe7: {  	v7 =	vld.idx.msk [tilespmem:v5+s10+$0x0], $0xffff  }
0xe8: {  	v8 =	vld [tilespmem:$0x7690]  }
0xe9: {  	v9 =	vld [tilespmem:$0x76A0]  }
0xea: {  	v10 =	vld [tilespmem:$0x76B0]  }
0xeb: {  	v11 =	vld [tilespmem:$0x76C0]  }
0xec: {  	v12 =	vld [tilespmem:$0x76D0]  }
0xed: {  	vm0 =	vgt.s32 v6, v7;
	vm1 =	vgt.s32 v8, v7;
	v6 =	vld [tilespmem:$0x76E0]  }
0xee: {  	v55 =	vld [tilespmem:$0x76F0];
	vm8 =	vgt.s32 v9, v7;
	v54 =	vsel vm0, $0x1, v0;
	v13 =	vsel vm1, $0x1, v0  }
0xef: {  	v57 =	vld [tilespmem:$0x7700];
	vm9 =	vgt.s32 v10, v7;
	v56 =	vsel vm8, $0x1, v0;
	v8 =	vadd.s32 v13, v54  }
0xf0: {  	v59 =	vld [tilespmem:$0x7710];
	vm10 =	vgt.s32 v11, v7;
	v58 =	vsel vm9, $0x1, v0;
	v8 =	vadd.s32 v56, v8  }
0xf1: {  	vm11 =	vgt.s32 v12, v7;
	v60 =	vsel vm10, $0x1, v0;
	v8 =	vadd.s32 v58, v8  }
0xf2: {  	v12 =	vsel vm11, $0x1, v0;
	v8 =	vadd.s32 v60, v8;
	vm12 =	vgt.s32 v6, v7  }
0xf3: {  	vm13 =	vgt.s32 v55, v7;
	v6 =	vadd.s32 v12, v8;
	v61 =	vsel vm12, $0x1, v0  }
0xf4: {  	vm14 =	vgt.s32 v57, v7;
	v62 =	vsel vm13, $0x1, v0;
	v6 =	vadd.s32 v61, v6  }
0xf5: {  	vm15 =	vgt.s32 v59, v7;
	v63 =	vsel vm14, $0x1, v0;
	v6 =	vadd.s32 v62, v6  }
0xf6: {  	v7 =	vsel vm15, $0x1, v0;
	v6 =	vadd.s32 v63, v6  }
0xf7: {  	v6 =	vadd.s32 v7, v6  }
0xf8: {  	(xrf0) =	vadd.scan.msk.s32 $0xffff, v6;
	_ =	sdelay $0x5  }
0xf9: {  	v6, _, _ =	vpop (xrf0)  }
0xfa: {  	v6 =	vbroadcast v6, $0xF  }
0xfb: {  	v5 =	vld.idx.msk [tilespmem:v5+s11+$0x0], $0xffff;
	_ =	sdelay $0x4  }
0xfc: {  	[tilespmem:v6+s12+$0x0] =	vst.idx.msk $0x1, v5  }
0xfd: {  	v5 =	vld.msk [tilespmem:s12+$0x0], $0xffff;
	_ =	sdelay $0x4  }
0xfe: {  	[tilespmem:v4+s12+$0x0] =	vst.idx.msk $0x3ff, v5  }
0xff: {  	[hbm4b:s3+s7] =	stream.linear.scatter [tilespmem:s13], [sflag:$0x1], $0x2780, $0x38;
	[tilespmem:$0x7F80] =	vst v63  }
0x100: {  	_ =	swait.ge [sflag:s8], $0x2780  }
0x101: {  	[sflag:s8] =	ssyncset.done $0x0  }
0x102: {  	[sflag:s8] =	ssyncadd.s32 $0xFFFFD880  }
0x103: {  	[hbm4b:s4+s7] =	stream.linear.scatter [tilespmem:s14], [sflag:$0x1], $0x2780, $0x38;
	[tilespmem:$0x7F80] =	vst v63  }
0x104: {  	s15 =	sadd.s32 $0x1, s15;
	_ =	swait.ge [sflag:s8], $0x2780  }
0x105: {  	p0 =	sne.s32 s15, s6;
	[sflag:s8] =	ssyncset.done $0x0  }
.Ltmp9:
0x106: {  	[sflag:s8] =	ssyncadd.s32 $0xFFFFD880;
	(pc) =	sbr.rel @p0 .LBB2_2-.Ltmp9, $4  }
0x107: {  	[hbm4b:s5+s7] =	stream.linear.scatter [tilespmem:s12], [sflag:$0x1], $0x100, $0x38;
	[tilespmem:$0x7F80] =	vst v63  }
0x108: {  	_ =	swait.ge [sflag:s8], $0x100  }
0x109: {  	[sflag:s8] =	ssyncset.done $0x0  }
0x10a: {  	[sflag:s8] =	ssyncadd.s32 $0xFFFFFF00  }
.LBB2_19:
0x10b: {  	_ =	sfence.sel $0x180000  }
0x10c: {  	[bflag:$0x0] =	sbarrier.arrive $0xFFFF  }
0x10d: {  	p0 =	sne.s32 s0, $0x0;
	_ =	strace $0x9000004A  }
0x10e: {  	s0 =	sadd.s32 @!p0 $0x100000, s1;
	[bflag:$0x2] =	sbarrier.arrive $0xFFFF  }
0x10f: {  	[sflag:s0] =	ssyncadd.tile.s32 @!p0 $0x1;
	_ =	shalt  }
.Lfunc_end2:
_tile_overlayer_lowered:
.L_overlay_start_2:
0x110: {  	(tag) =	ssettag $0x2  }
0x111: {  	s0 =	rddreg [dreg:$0x0];
	s2 =	stileid.u32  }
0x112: {  	s1 =	rddreg [dreg:$0x1];
	p0 =	sne.s32 s2, $0x0  }
0x113: {  	s3 =	rddreg [dreg:$0x2];
	[bflag:$0x3] =	sbarrier.arrive $0xFFFF;
	s2 =	simm.s32 @!p0 $0x1C01  }
0x114: {  	[timem:s3], [sflag:s2] =	dma.local @!p0 [hbm:s0], s1  }
0x115: {  	s0 =	simm.s32 @!p0 $0x1  }
0x116: {  	_ =	swait.ge @!p0 [sflag:s0], s1  }
0x117: {  	s1 =	ssub.s32 @!p0 $0x0, s1;
	[sflag:s0] =	ssyncset.done @!p0 $0x0  }
0x118: {  	[sflag:s0] =	ssyncadd.s32 @!p0 s1  }
0x119: {  	[bflag:$0x3] =	sbarrier.arrive $0xFFFF  }
0x11a: {  	_ =	shalt  }

// kernel: kernel.25.cloned.1.call-start
scs
__scs_entry_jumppad:
0x0: {  	(pc) =	sbr.rel $0x88, $3  }
0x1: {  	(tag) =	ssettag $0x0;
	lr =	simm.s32 $0x1  }
0x2: {  	[smem:$0x3F8B] =	sst lr;
	_ =	strace $0xD0000000  }
0x3: {  	_ = 	snop  }
0x4: {  	_ = 	snop  }
0x5: {  	_ = 	snop  }
0x6: {  	_ = 	snop  }
0x7: {  	_ = 	snop  }
__scs_overlays_trampoline_lowered:
0x8: {  	[smem:$0x3F9A] =	sst s0  }
0x9: {  	[smem:$0x3F9B] =	sst s1  }
0xa: {  	[smem:$0x3F9C] =	sst s2  }
0xb: {  	[smem:$0x3F9D] =	sst s3  }
0xc: {  	[smem:$0x3F9E] =	sst s4  }
0xd: {  	[smem:$0x3F9F] =	sst s5  }
0xe: {  	[smem:$0x3FA0] =	sst s6  }
0xf: {  	[smem:$0x3FA1] =	sst s7  }
0x10: {  	[smem:$0x3FA2] =	sst s8  }
0x11: {  	[smem:$0x3FA3] =	sst s9;
	s0 =	simm.s32 @!p0 $0x0  }
0x12: {  	s1 =	sld [smem:$0x3F89];
	s0 =	simm.s32 @p0 $0x1  }
0x13: {  	[smem:$0x3FA4] =	sst s0;
	s0 =	simm.s32 @!p1 $0x0  }
0x14: {  	s2 =	sld [smem:$0x3F88];
	s0 =	simm.s32 @p1 $0x1  }
0x15: {  	[smem:$0x3FA5] =	sst s0;
	s0 =	simm.s32 @!p2 $0x0  }
0x16: {  	s3 =	sld [smem:$0x3FDB];
	s0 =	simm.s32 @p2 $0x1  }
0x17: {  	s4 =	simm.s32 $0x1BF5;
	[smem:$0x3FA7] =	sst s0  }
0x18: {  	s0 =	sld [smem:$0x3F8A];
	_ =	swait.ge [sflag:s4], $0x0  }
0x19: {  	s7 =	sld [smem:$0x3F8B]  }
0x1a: {  	s8 =	sadd.s32 $0xFFFFE003, lr  }
0x1b: {  	s9 =	sadd.s32 $0xFFFFFEF7, lr;
	s5 =	simm.s32 $0xFFFFFFFF;
	p2 =	slt.u32 s8, $0xFFFFF086  }
0x1c: {  	p1 =	slt.u32 s9, $0xF7A;
	s5 =	simm.s32 @!p2 $0x0  }
0x1d: {  	s5 =	simm.s32 @p1 $0x1;
	p0 =	seq.s32 s7, s2  }
0x1e: {  	s7 =	smul.u32 @!p0 $0xF7A, s2;
	p2 =	seq.s32 @!p0 s5, $0x0  }
0x1f: {  	s9 =	smul.u32 $0xF7A, s1;
	s8 =	simm.s32 @!p0 $0x1BF5;
	p2 =	por !p2, p0  }
0x20: {  	[sflag:s8] =	ssyncset.s32 @!p0 $0xFFFFF086;
	s6 =	sadd.s32 @!p0 s3, s7;
	s7 =	simm.s32 @!p0 $0x108  }
0x21: {  	s3 =	sadd.s32 s3, s9;
	s6 =	sadd.s32 @!p0 $0x88, s6;
	s7 =	simm.s32 @p2 $0x1082  }
0x22: {  	[simem:s7], [sflag:s8] =	dma.local @!p0 [hbm:s6], $0xF7A  }
0x23: {  	s9 =	sor.u32 $0xD0000000, s2;
	s6 =	simm.s32 $0x108;
	_ =	swait.ge @!p0 [sflag:s8], $0x0  }
0x24: {  	s3 =	sadd.s32 $0x88, s3;
	s6 =	simm.s32 @!p1 $0x1082;
	[sflag:s4] =	ssyncset.s32 $0xFFFFF086  }
0x25: {  	[simem:s6], [sflag:s4] =	dma.local [hbm:s3], $0xF7A  }
0x26: {  	[smem:$0x3F8B] =	sst s1;
	(tag) =	ssettag s2;
	_ =	strace s9  }
0x27: {  	s1 =	sld [smem:$0x3F9B]  }
0x28: {  	s2 =	sld [smem:$0x3F9C]  }
0x29: {  	s4 =	sld [smem:$0x3F9E]  }
0x2a: {  	p0 =	seq.s32 s5, $0x0;
	s5 =	sld [smem:$0x3F9F]  }
0x2b: {  	s6 =	sld [smem:$0x3FA0]  }
0x2c: {  	s7 =	sld [smem:$0x3FA1]  }
0x2d: {  	s3 =	simm.s32 $0x108;
	s8 =	sld [smem:$0x3FA2]  }
0x2e: {  	s3 =	simm.s32 @!p0 $0x1082;
	s9 =	sld [smem:$0x3FA3]  }
0x2f: {  	lr =	sadd.s32 s0, s3;
	s0 =	sld [smem:$0x3F9A]  }
0x30: {  	s3 =	sld [smem:$0x3F9D]  }
0x31: {  	[smem:$0x3FA6] =	sst s10  }
0x32: {  	s10 =	sld [smem:$0x3FA4];
	_ =	sdelay $0x3  }
0x33: {  	p0 =	seq.s32 s10, $0x1;
	s10 =	sld [smem:$0x3FA6];
	_ =	sdelay $0x3  }
0x34: {  	[smem:$0x3FA6] =	sst s10  }
0x35: {  	s10 =	sld [smem:$0x3FA5];
	_ =	sdelay $0x3  }
0x36: {  	p1 =	seq.s32 s10, $0x1;
	s10 =	sld [smem:$0x3FA6];
	_ =	sdelay $0x3  }
0x37: {  	[smem:$0x3FA6] =	sst s10  }
0x38: {  	s10 =	sld [smem:$0x3FA7]  }
0x39: {  	_ = 	snop;
	(pc) =	sbr.ind lr, $3  }
0x3a: {  	_ = 	snop  }
0x3b: {  	_ = 	snop  }
0x3c: {  	p2 =	seq.s32 s10, $0x1;
	s10 =	sld [smem:$0x3FA6]  }
0x3d: {  	_ =	shalt  }
0x3e: {  	_ =	shalt  }
0x3f: {  	_ =	shalt  }
0x40: {  	_ =	shalt  }
0x41: {  	_ =	shalt  }
0x42: {  	_ =	shalt  }
0x43: {  	_ =	shalt  }
0x44: {  	_ =	shalt  }
0x45: {  	_ =	shalt  }
0x46: {  	_ =	shalt  }
0x47: {  	_ =	shalt  }
0x48: {  	_ =	shalt  }
0x49: {  	_ =	shalt  }
0x4a: {  	_ =	shalt  }
0x4b: {  	_ =	shalt  }
0x4c: {  	_ =	shalt  }
0x4d: {  	_ =	shalt  }
0x4e: {  	_ =	shalt  }
0x4f: {  	_ =	shalt  }
0x50: {  	_ =	shalt  }
0x51: {  	_ =	shalt  }
0x52: {  	_ =	shalt  }
0x53: {  	_ =	shalt  }
0x54: {  	_ =	shalt  }
0x55: {  	_ =	shalt  }
0x56: {  	_ =	shalt  }
0x57: {  	_ =	shalt  }
0x58: {  	_ =	shalt  }
0x59: {  	_ =	shalt  }
0x5a: {  	_ =	shalt  }
0x5b: {  	_ =	shalt  }
0x5c: {  	_ =	shalt  }
0x5d: {  	_ =	shalt  }
0x5e: {  	_ =	shalt  }
0x5f: {  	_ =	shalt  }
0x60: {  	_ =	shalt  }
0x61: {  	_ =	shalt  }
0x62: {  	_ =	shalt  }
0x63: {  	_ =	shalt  }
0x64: {  	_ =	shalt  }
0x65: {  	_ =	shalt  }
0x66: {  	_ =	shalt  }
0x67: {  	_ =	shalt  }
0x68: {  	_ =	shalt  }
0x69: {  	_ =	shalt  }
0x6a: {  	_ =	shalt  }
0x6b: {  	_ =	shalt  }
0x6c: {  	_ =	shalt  }
0x6d: {  	_ =	shalt  }
0x6e: {  	_ =	shalt  }
0x6f: {  	_ =	shalt  }
0x70: {  	_ =	shalt  }
0x71: {  	_ =	shalt  }
0x72: {  	_ =	shalt  }
0x73: {  	_ =	shalt  }
0x74: {  	_ =	shalt  }
0x75: {  	_ =	shalt  }
0x76: {  	_ =	shalt  }
0x77: {  	_ =	shalt  }
0x78: {  	_ =	shalt  }
0x79: {  	_ =	shalt  }
0x7a: {  	_ =	shalt  }
0x7b: {  	_ =	shalt  }
0x7c: {  	_ =	shalt  }
0x7d: {  	_ =	shalt  }
0x7e: {  	_ =	shalt  }
0x7f: {  	_ =	shalt  }
0x80: {  	_ =	shalt  }
0x81: {  	_ =	shalt  }
0x82: {  	_ =	shalt  }
0x83: {  	_ =	shalt  }
0x84: {  	_ =	shalt  }
0x85: {  	_ =	shalt  }
0x86: {  	_ =	shalt  }
0x87: {  	_ =	shalt  }
.Lfunc_end0:
.L_simem_size_0:
called_computation.2_lowered:
.L_overlay_start_0:
0x88: {  	s2 =	sld [smem:$0x3FD9]  }
0x89: {  	s3 =	sld [smem:$0x3FFE];
	_ =	sdelay $0x1  }
0x8a: {  	s1 =	srdreg.scid  }
0x8b: {  	s0 =	sand.u32 $0x1, s1  }
0x8c: {  	s16 =	sshll.u32 s0, $0xA;
	s2 =	sadd.s32 s3, s2  }
0x8d: {  	s2 =	sadd.s32 s2, s16  }
0x8e: {  	[smem:$0x3FB2] =	sst s2  }
0x8f: {  	_ = 	snop  }
0x90: {  	(tm) =	ssettm $0x1  }
0x91: {  	s17 =	sld [smem:$0x3FFB];
	_ =	sdelay $0x3  }
0x92: {  	_ =	strace s17  }
0x93: {  	s2 =	sld [smem:$0x3FFC];
	_ =	sdelay $0x3  }
0x94: {  	_ =	strace s2  }
0x95: {  	s2 =	sld [smem:$0x3FFD];
	_ =	sdelay $0x3  }
0x96: {  	_ =	strace s2  }
0x97: {  	_ =	strace $0x8FFFFFFF  }
0x98: {  	s18 =	sld [smem:$0x3FDB];
	_ =	sdelay $0x1  }
0x99: {  	s19 =	simm.s32 $_scs_section_size  }
0x9a: {  	s4 =	simm.s32 $_size__tile_overlayer_lowered;
	s5 =	simm.s32 $_tile_overlayer_lowered  }
0x9b: {  	s22 =	simm.s32 $0x1BFF;
	s21 =	sshll.u32 s5, $0x1;
	s2 =	sadd.s32 s19, s18  }
0x9c: {  	s6 =	simm.s32 $0x0;
	s20 =	sshll.u32 s4, $0x1;
	s4 =	sadd.s32 s21, s2  }
0x9d: {  	[timem:s6], [sflag:s22] =	dma.local [hbm:s4], s20  }
0x9e: {  	_ =	swait.ge [sflag:s22], s20  }
0x9f: {  	s3 =	ssub.s32 $0x0, s20;
	[sflag:s22] =	ssyncset.done $0x0  }
0xa0: {  	[sflag:s22] =	ssyncadd.s32 s3;
	_ =	sdelay $0x1  }
0xa1: {  	s23 =	simm.s32 $0x1B8B  }
0xa2: {  	_ =	swait.ge [sflag:s23], $0x1  }
0xa3: {  	[sflag:s23] =	ssyncset.done $0x0  }
0xa4: {  	s25 =	simm.s32 $0x1B8E;
	s24 =	sld [smem:$0x3FFE];
	[sflag:s23] =	ssyncadd.s32 $0xFFFFFFFF  }
0xa5: {  	s26 =	simm.s32 $execute0_lowered;
	[smem:$0x3FD2] =	sst s25  }
0xa6: {  	s4 =	sshll.u32 s26, $0x1;
	_ =	strace $0x8000004C;
	[dreg:$0x1] =	wrdreg $0xFFFFFFFF  }
0xa7: {  	s28 =	simm.s32 $_size_execute0_lowered;
	s2 =	sadd.s32 s2, s4;
	[dreg:$0x0] =	wrdreg $0x0  }
0xa8: {  	s4 =	sshll.u32 s28, $0x1;
	[dreg:$0x2] =	wrdreg s2  }
0xa9: {  	[dreg:$0x3] =	wrdreg s4  }
0xaa: {  	[dreg:$0x4] =	wrdreg $0xC0  }
0xab: {  	_ =	task [dreg:s6], $0x5FFFF  }
0xac: {  	[dreg:$0x1] =	wrdreg $0xFFFFFFFF  }
0xad: {  	[dreg:$0x0] =	wrdreg $0x60  }
0xae: {  	[dreg:$0x2] =	wrdreg s24  }
0xaf: {  	[dreg:$0x3] =	wrdreg $0x9  }
0xb0: {  	_ =	task.clear_ibuf [dreg:s6], $0x4FFFF;
	_ =	strace $0x9000004C  }
0xb1: {  	s29 =	simm.s32 $0x9;
	_ =	strace $0x8000004E  }
0xb2: {  	_ =	swait.ge [sflag:s29], $0x1  }
0xb3: {  	[sflag:s29] =	ssyncadd.s32 $0xFFFFFFFF  }
0xb4: {  	_ =	strace $0x9000004E  }
0xb5: {  	_ =	sfence  }
0xb6: {  	s30 =	sld [smem:$0x0];
	_ =	sdelay $0x2  }
0xb7: {  	s31 =	sshll.u32 s1, $0xD;
	s1 =	sshrl.u32 s1, $0x2  }
0xb8: {  	s3 =	sand.u32 $0x4000, s31;
	s1 =	sadd.s32 s1, s30  }
0xb9: {  	s0 =	sor.u32 s3, s0;
	s1 =	sshll.u32 s1, $0x11  }
0xba: {  	s0 =	sor.u32 s1, s0  }
0xbb: {  	s0 =	sadd.s32 $0x8F2B, s0  }
0xbc: {  	[sflag:s0] =	ssyncadd.remote.s32 $0x1  }
0xbd: {  	_ =	sfence.sel $0xFFFF  }
0xbe: {  	[dreg:$0x0] =	wrdreg $0xFFFFFFFF;
	(pc) =	sbr.abs _section_cstart, $3  }
0xbf: {  	[dreg:$0x1] =	wrdreg $0xFFFFFFFF  }
0xc0: {  	_ =	task.clear_ibuf [dreg:s6], $0x2FFFF;
	_ =	strace $0x9FFFFFFF  }
0xc1: {  	(tm) =	ssettm $0x7FFFFFFF  }
tec
execute0_lowered:
.L_overlay_start_1:
0x0: {  	(tag) =	ssettag $0x1  }
0x1: {  	s0 =	srdreg.scid  }
0x2: {  	s12 =	stileid.u32;
	s9 =	rddreg [dreg:$0x0];
	s1 =	simm.s32 $0x0  }
0x3: {  	s15 =	simm.s32 $0x14A00;
	s16 =	simm.s32 $0x1;
	s10 =	sand.u32 $0x1, s0  }
0x4: {  	[smem:$0x7FF] =	sst s1;
	s2 =	sadd.s32 $0xF600, s9;
	s3 =	sadd.s32 $0x61400, s9  }
0x5: {  	s4 =	sadd.s32 $0x61200, s9;
	s5 =	sadd.s32 $0xAF800, s9;
	p0 =	sne.s32 s12, $0x0  }
0x6: {  	s0 =	sshll.u32 s10, $0x4;
	s8 =	ssub.s32 $0x2, s10;
	s14 =	smul.u32 $0x2710, s10  }
0x7: {  	s11 =	sor.u32 s12, s0;
	s0 =	rddreg [dreg:$0x1];
	_ =	strace $0x8000004D  }
.Ltmp0:
0x8: {  	s13 =	sshrl.u32 s8, $0x1;
	s12 =	simm.s32 $0x14800;
	(pc) =	sbr.rel .LBB2_1-.Ltmp0, $4  }
0x9: {  	s7 =	smul.u32 $0x2700, s11;
	s13 =	ssub.s32 s8, s13;
	s8 =	sadd.s32 $0xAF600, s9  }
0xa: {  	p1 =	sne.s32 s11, $0x1F;
	s11 =	simm.s32 $0x2;
	v0 =	vmov s14;
	s14 =	simm.s32 $0xA0  }
0xb: {  	s10 =	smax.u32 s13, $0x1;
	s13 =	simm.s32 $0x14900;
	s6 =	sadd.s32 s7, s9  }
0xc: {  	s7 =	sadd.s32 s5, s7;
	s9 =	sadd.s32 $0xFD800, s9;
	s6 =	sadd.s32 $0x61600, s6  }
.LBB2_3:
0xd: {  	s10 =	sadd.s32 $0xFFFFFFFF, s10  }
0xe: {  	p2 =	sne.s32 s10, $0x0  }
.Ltmp1:
0xf: {  	_ = 	snop;
	(pc) =	sbr.rel @!p2 .LBB2_4-.Ltmp1, $1  }
0x10: {  	_ =	sdelay $0x3  }
.LBB2_1:
0x11: {  	[tilespmem:s1], [sflag:$0x2] =	stream.linear.gather [hbm4b:s6+s1], $0x13800, $0x38;
	[tilespmem:$0x19A00] =	vst v63  }
0x12: {  	_ =	swait.ge [sflag:s11], $0x13800  }
0x13: {  	[sflag:s11] =	ssyncset.done $0x0  }
0x14: {  	[sflag:s11] =	ssyncadd.s32 $0xFFFEC800  }
0x15: {  	[hbm4b:s7+s1] =	stream.linear.scatter [tilespmem:s1], [sflag:$0x2], $0x13800, $0x38;
	[tilespmem:$0x19A00] =	vst v63  }
0x16: {  	_ =	swait.ge [sflag:s11], $0x13800  }
0x17: {  	s17 =	simm.s32 @!p1 $0x0;
	[sflag:s11] =	ssyncset.done $0x0  }
0x18: {  	s18 =	simm.s32 @!p1 $0x13800;
	s19 =	simm.s32 @!p1 $0x2;
	[sflag:s11] =	ssyncadd.s32 $0xFFFEC800  }
0x19: {  	[tilespmem:s18], [sflag:$0x2] =	stream.linear.gather @!p1 [hbm4b:s8+s17], $0x1000, $0x38;
	[tilespmem:$0x19A00] =	vst v63  }
0x1a: {  	_ =	swait.ge @!p1 [sflag:s19], $0x1000  }
0x1b: {  	[sflag:s19] =	ssyncset.done @!p1 $0x0  }
0x1c: {  	[sflag:s19] =	ssyncadd.s32 @!p1 $0xFFFFF000  }
0x1d: {  	[hbm4b:s9+s17] =	stream.linear.scatter @!p1 [tilespmem:s18], [sflag:$0x2], $0x1000, $0x38;
	[tilespmem:$0x19A00] =	vst v63  }
.Ltmp2:
0x1e: {  	_ =	swait.ge @!p1 [sflag:s19], $0x1000;
	(pc) =	sbr.rel @p0 .LBB2_3-.Ltmp2, $3  }
0x1f: {  	[sflag:s19] =	ssyncset.done @!p1 $0x0  }
0x20: {  	[sflag:s19] =	ssyncadd.s32 @!p1 $0xFFFFF000  }
0x21: {  	[bflag:$0x0] =	sbarrier.arrive $0xFFFF;
	_ =	sdelay $0x1  }
0x22: {  	[tilespmem:s12], [sflag:$0x2] =	stream.linear.gather [hbm4b:s3+s1], $0x100, $0x38;
	[tilespmem:$0x19A00] =	vst v63  }
0x23: {  	_ =	swait.ge [sflag:s11], $0x100  }
0x24: {  	[sflag:s11] =	ssyncset.done $0x0  }
0x25: {  	[sflag:s11] =	ssyncadd.s32 $0xFFFFFF00  }
0x26: {  	[tilespmem:s13], [sflag:$0x2] =	stream.linear.gather [hbm4b:s4+s1], $0x100, $0x38;
	[tilespmem:$0x19A00] =	vst v63  }
0x27: {  	_ =	swait.ge [sflag:s11], $0x100  }
0x28: {  	[sflag:s11] =	ssyncset.done $0x0  }
0x29: {  	[sflag:s11] =	ssyncadd.s32 $0xFFFFFF00  }
0x2a: {  	v1 =	vld [tilespmem:$0x14800]  }
0x2b: {  	v2 =	vld [tilespmem:$0x14900]  }
0x2c: {  	v3 =	vld [tilespmem:$0x14810]  }
0x2d: {  	v4 =	vld [tilespmem:$0x14910]  }
0x2e: {  	v5 =	vld [tilespmem:$0x14820]  }
0x2f: {  	v6 =	vld [tilespmem:$0x14920];
	v1 =	vadd.s32 v0, v1  }
0x30: {  	[tilespmem:$0x14800] =	vst v1;
	v1 =	vadd.s32 v0, v2;
	v2 =	vld [tilespmem:$0x14830]  }
0x31: {  	[tilespmem:$0x14900] =	vst v1;
	v1 =	vadd.s32 v0, v3;
	v3 =	vld [tilespmem:$0x14930]  }
0x32: {  	v56 =	vld [tilespmem:$0x14840];
	[tilespmem:$0x14810] =	vst v1;
	v1 =	vadd.s32 v0, v4  }
0x33: {  	v57 =	vld [tilespmem:$0x14940];
	[tilespmem:$0x14910] =	vst v1;
	v1 =	vadd.s32 v0, v5  }
0x34: {  	v58 =	vld [tilespmem:$0x14850];
	[tilespmem:$0x14820] =	vst v1;
	v1 =	vadd.s32 v0, v6  }
0x35: {  	[tilespmem:$0x14920] =	vst v1;
	v1 =	vadd.s32 v0, v2;
	v2 =	vld [tilespmem:$0x14950]  }
0x36: {  	[tilespmem:$0x14830] =	vst v1;
	v1 =	vadd.s32 v0, v3;
	v3 =	vld [tilespmem:$0x14860]  }
0x37: {  	v59 =	vld [tilespmem:$0x14960];
	[tilespmem:$0x14930] =	vst v1;
	v1 =	vadd.s32 v0, v56  }
0x38: {  	v60 =	vld [tilespmem:$0x14870];
	[tilespmem:$0x14840] =	vst v1;
	v1 =	vadd.s32 v0, v57  }
0x39: {  	v61 =	vld [tilespmem:$0x14970];
	[tilespmem:$0x14940] =	vst v1;
	v1 =	vadd.s32 v0, v58  }
0x3a: {  	[tilespmem:$0x14850] =	vst v1;
	v1 =	vadd.s32 v0, v2;
	v2 =	vld [tilespmem:$0x14880]  }
0x3b: {  	[tilespmem:$0x14950] =	vst v1;
	v1 =	vadd.s32 v0, v3;
	v3 =	vld [tilespmem:$0x14980]  }
0x3c: {  	v62 =	vld [tilespmem:$0x14890];
	[tilespmem:$0x14860] =	vst v1;
	v1 =	vadd.s32 v0, v59  }
0x3d: {  	v63 =	vld [tilespmem:$0x14990];
	[tilespmem:$0x14960] =	vst v1;
	v1 =	vadd.s32 v0, v60  }
0x3e: {  	[tilespmem:$0x14870] =	vst v1;
	v1 =	vadd.s32 v0, v61  }
0x3f: {  	[tilespmem:$0x14970] =	vst v1;
	v1 =	vadd.s32 v0, v2  }
0x40: {  	[tilespmem:$0x14880] =	vst v1;
	v1 =	vadd.s32 v0, v3  }
0x41: {  	[tilespmem:$0x14980] =	vst v1;
	v1 =	vadd.s32 v0, v62  }
0x42: {  	[tilespmem:$0x14890] =	vst v1;
	v1 =	vadd.s32 v0, v63  }
0x43: {  	[tilespmem:$0x14990] =	vst v1  }
0x44: {  	[tilespmem:s15], [sflag:$0x1] =	stream.indirect.gather [hbm4b:s2+s14], $0x80, s12, s14, $0xb8;
	[tilespmem:$0x19A00] =	vst v63  }
0x45: {  	_ =	swait.ge [sflag:s16], $0x5000  }
0x46: {  	[sflag:s16] =	ssyncset.done $0x0  }
.Ltmp3:
0x47: {  	[sflag:s16] =	ssyncadd.s32 $0xFFFFB000;
	(pc) =	sbr.rel .LBB2_3-.Ltmp3, $4  }
0x48: {  	[hbm4b:s5+s14] =	stream.indirect.scatter [tilespmem:s15], [sflag:$0x2], $0x80, s13, s14, $0xb8;
	[tilespmem:$0x19A00] =	vst v63  }
0x49: {  	_ =	swait.ge [sflag:s11], $0x5000  }
0x4a: {  	[sflag:s11] =	ssyncset.done $0x0  }
0x4b: {  	[sflag:s11] =	ssyncadd.s32 $0xFFFFB000  }
.LBB2_4:
0x4c: {  	_ =	sfence.sel $0x180000  }
0x4d: {  	[bflag:$0x0] =	sbarrier.arrive $0xFFFF  }
0x4e: {  	_ =	strace $0x9000004D  }
0x4f: {  	s0 =	sadd.s32 @!p0 $0x100000, s0;
	[bflag:$0x2] =	sbarrier.arrive $0xFFFF  }
0x50: {  	[sflag:s0] =	ssyncadd.tile.s32 @!p0 $0x1;
	_ =	shalt  }
.Lfunc_end2:
_tile_overlayer_lowered:
.L_overlay_start_2:
0x51: {  	(tag) =	ssettag $0x2  }
0x52: {  	s0 =	rddreg [dreg:$0x0];
	s2 =	stileid.u32  }
0x53: {  	s1 =	rddreg [dreg:$0x1];
	p0 =	sne.s32 s2, $0x0  }
0x54: {  	s3 =	rddreg [dreg:$0x2];
	[bflag:$0x3] =	sbarrier.arrive $0xFFFF;
	s2 =	simm.s32 @!p0 $0x1C02  }
0x55: {  	[timem:s3], [sflag:s2] =	dma.local @!p0 [hbm:s0], s1  }
0x56: {  	s0 =	simm.s32 @!p0 $0x2  }
0x57: {  	_ =	swait.ge @!p0 [sflag:s0], s1  }
0x58: {  	s1 =	ssub.s32 @!p0 $0x0, s1;
	[sflag:s0] =	ssyncset.done @!p0 $0x0  }
0x59: {  	[sflag:s0] =	ssyncadd.s32 @!p0 s1  }
0x5a: {  	[bflag:$0x3] =	sbarrier.arrive $0xFFFF  }
0x5b: {  	_ =	shalt  }

// kernel: kernel.28.cloned.1.call-start
scs
__scs_entry_jumppad:
0x0: {  	(pc) =	sbr.rel $0x88, $3  }
0x1: {  	(tag) =	ssettag $0x0;
	lr =	simm.s32 $0x1  }
0x2: {  	[smem:$0x3F8B] =	sst lr;
	_ =	strace $0xD0000000  }
0x3: {  	_ = 	snop  }
0x4: {  	_ = 	snop  }
0x5: {  	_ = 	snop  }
0x6: {  	_ = 	snop  }
0x7: {  	_ = 	snop  }
__scs_overlays_trampoline_lowered:
0x8: {  	[smem:$0x3F9A] =	sst s0  }
0x9: {  	[smem:$0x3F9B] =	sst s1  }
0xa: {  	[smem:$0x3F9C] =	sst s2  }
0xb: {  	[smem:$0x3F9D] =	sst s3  }
0xc: {  	[smem:$0x3F9E] =	sst s4  }
0xd: {  	[smem:$0x3F9F] =	sst s5  }
0xe: {  	[smem:$0x3FA0] =	sst s6  }
0xf: {  	[smem:$0x3FA1] =	sst s7  }
0x10: {  	[smem:$0x3FA2] =	sst s8  }
0x11: {  	[smem:$0x3FA3] =	sst s9;
	s0 =	simm.s32 @!p0 $0x0  }
0x12: {  	s1 =	sld [smem:$0x3F89];
	s0 =	simm.s32 @p0 $0x1  }
0x13: {  	[smem:$0x3FA4] =	sst s0;
	s0 =	simm.s32 @!p1 $0x0  }
0x14: {  	s2 =	sld [smem:$0x3F88];
	s0 =	simm.s32 @p1 $0x1  }
0x15: {  	[smem:$0x3FA5] =	sst s0;
	s0 =	simm.s32 @!p2 $0x0  }
0x16: {  	s3 =	sld [smem:$0x3FDB];
	s0 =	simm.s32 @p2 $0x1  }
0x17: {  	s4 =	simm.s32 $0x1BF5;
	[smem:$0x3FA7] =	sst s0  }
0x18: {  	s0 =	sld [smem:$0x3F8A];
	_ =	swait.ge [sflag:s4], $0x0  }
0x19: {  	s7 =	sld [smem:$0x3F8B]  }
0x1a: {  	s8 =	sadd.s32 $0xFFFFE003, lr  }
0x1b: {  	s9 =	sadd.s32 $0xFFFFFEF7, lr;
	s5 =	simm.s32 $0xFFFFFFFF;
	p2 =	slt.u32 s8, $0xFFFFF086  }
0x1c: {  	p1 =	slt.u32 s9, $0xF7A;
	s5 =	simm.s32 @!p2 $0x0  }
0x1d: {  	s5 =	simm.s32 @p1 $0x1;
	p0 =	seq.s32 s7, s2  }
0x1e: {  	s7 =	smul.u32 @!p0 $0xF7A, s2;
	p2 =	seq.s32 @!p0 s5, $0x0  }
0x1f: {  	s9 =	smul.u32 $0xF7A, s1;
	s8 =	simm.s32 @!p0 $0x1BF5;
	p2 =	por !p2, p0  }
0x20: {  	[sflag:s8] =	ssyncset.s32 @!p0 $0xFFFFF086;
	s6 =	sadd.s32 @!p0 s3, s7;
	s7 =	simm.s32 @!p0 $0x108  }
0x21: {  	s3 =	sadd.s32 s3, s9;
	s6 =	sadd.s32 @!p0 $0x88, s6;
	s7 =	simm.s32 @p2 $0x1082  }
0x22: {  	[simem:s7], [sflag:s8] =	dma.local @!p0 [hbm:s6], $0xF7A  }
0x23: {  	s9 =	sor.u32 $0xD0000000, s2;
	s6 =	simm.s32 $0x108;
	_ =	swait.ge @!p0 [sflag:s8], $0x0  }
0x24: {  	s3 =	sadd.s32 $0x88, s3;
	s6 =	simm.s32 @!p1 $0x1082;
	[sflag:s4] =	ssyncset.s32 $0xFFFFF086  }
0x25: {  	[simem:s6], [sflag:s4] =	dma.local [hbm:s3], $0xF7A  }
0x26: {  	[smem:$0x3F8B] =	sst s1;
	(tag) =	ssettag s2;
	_ =	strace s9  }
0x27: {  	s1 =	sld [smem:$0x3F9B]  }
0x28: {  	s2 =	sld [smem:$0x3F9C]  }
0x29: {  	s4 =	sld [smem:$0x3F9E]  }
0x2a: {  	p0 =	seq.s32 s5, $0x0;
	s5 =	sld [smem:$0x3F9F]  }
0x2b: {  	s6 =	sld [smem:$0x3FA0]  }
0x2c: {  	s7 =	sld [smem:$0x3FA1]  }
0x2d: {  	s3 =	simm.s32 $0x108;
	s8 =	sld [smem:$0x3FA2]  }
0x2e: {  	s3 =	simm.s32 @!p0 $0x1082;
	s9 =	sld [smem:$0x3FA3]  }
0x2f: {  	lr =	sadd.s32 s0, s3;
	s0 =	sld [smem:$0x3F9A]  }
0x30: {  	s3 =	sld [smem:$0x3F9D]  }
0x31: {  	[smem:$0x3FA6] =	sst s10  }
0x32: {  	s10 =	sld [smem:$0x3FA4];
	_ =	sdelay $0x3  }
0x33: {  	p0 =	seq.s32 s10, $0x1;
	s10 =	sld [smem:$0x3FA6];
	_ =	sdelay $0x3  }
0x34: {  	[smem:$0x3FA6] =	sst s10  }
0x35: {  	s10 =	sld [smem:$0x3FA5];
	_ =	sdelay $0x3  }
0x36: {  	p1 =	seq.s32 s10, $0x1;
	s10 =	sld [smem:$0x3FA6];
	_ =	sdelay $0x3  }
0x37: {  	[smem:$0x3FA6] =	sst s10  }
0x38: {  	s10 =	sld [smem:$0x3FA7]  }
0x39: {  	_ = 	snop;
	(pc) =	sbr.ind lr, $3  }
0x3a: {  	_ = 	snop  }
0x3b: {  	_ = 	snop  }
0x3c: {  	p2 =	seq.s32 s10, $0x1;
	s10 =	sld [smem:$0x3FA6]  }
0x3d: {  	_ =	shalt  }
0x3e: {  	_ =	shalt  }
0x3f: {  	_ =	shalt  }
0x40: {  	_ =	shalt  }
0x41: {  	_ =	shalt  }
0x42: {  	_ =	shalt  }
0x43: {  	_ =	shalt  }
0x44: {  	_ =	shalt  }
0x45: {  	_ =	shalt  }
0x46: {  	_ =	shalt  }
0x47: {  	_ =	shalt  }
0x48: {  	_ =	shalt  }
0x49: {  	_ =	shalt  }
0x4a: {  	_ =	shalt  }
0x4b: {  	_ =	shalt  }
0x4c: {  	_ =	shalt  }
0x4d: {  	_ =	shalt  }
0x4e: {  	_ =	shalt  }
0x4f: {  	_ =	shalt  }
0x50: {  	_ =	shalt  }
0x51: {  	_ =	shalt  }
0x52: {  	_ =	shalt  }
0x53: {  	_ =	shalt  }
0x54: {  	_ =	shalt  }
0x55: {  	_ =	shalt  }
0x56: {  	_ =	shalt  }
0x57: {  	_ =	shalt  }
0x58: {  	_ =	shalt  }
0x59: {  	_ =	shalt  }
0x5a: {  	_ =	shalt  }
0x5b: {  	_ =	shalt  }
0x5c: {  	_ =	shalt  }
0x5d: {  	_ =	shalt  }
0x5e: {  	_ =	shalt  }
0x5f: {  	_ =	shalt  }
0x60: {  	_ =	shalt  }
0x61: {  	_ =	shalt  }
0x62: {  	_ =	shalt  }
0x63: {  	_ =	shalt  }
0x64: {  	_ =	shalt  }
0x65: {  	_ =	shalt  }
0x66: {  	_ =	shalt  }
0x67: {  	_ =	shalt  }
0x68: {  	_ =	shalt  }
0x69: {  	_ =	shalt  }
0x6a: {  	_ =	shalt  }
0x6b: {  	_ =	shalt  }
0x6c: {  	_ =	shalt  }
0x6d: {  	_ =	shalt  }
0x6e: {  	_ =	shalt  }
0x6f: {  	_ =	shalt  }
0x70: {  	_ =	shalt  }
0x71: {  	_ =	shalt  }
0x72: {  	_ =	shalt  }
0x73: {  	_ =	shalt  }
0x74: {  	_ =	shalt  }
0x75: {  	_ =	shalt  }
0x76: {  	_ =	shalt  }
0x77: {  	_ =	shalt  }
0x78: {  	_ =	shalt  }
0x79: {  	_ =	shalt  }
0x7a: {  	_ =	shalt  }
0x7b: {  	_ =	shalt  }
0x7c: {  	_ =	shalt  }
0x7d: {  	_ =	shalt  }
0x7e: {  	_ =	shalt  }
0x7f: {  	_ =	shalt  }
0x80: {  	_ =	shalt  }
0x81: {  	_ =	shalt  }
0x82: {  	_ =	shalt  }
0x83: {  	_ =	shalt  }
0x84: {  	_ =	shalt  }
0x85: {  	_ =	shalt  }
0x86: {  	_ =	shalt  }
0x87: {  	_ =	shalt  }
.Lfunc_end0:
.L_simem_size_0:
called_computation.3_lowered:
.L_overlay_start_0:
0x88: {  	s2 =	sld [smem:$0x3FD9]  }
0x89: {  	s3 =	sld [smem:$0x3FFE];
	_ =	sdelay $0x1  }
0x8a: {  	s1 =	srdreg.scid  }
0x8b: {  	s0 =	sand.u32 $0x1, s1  }
0x8c: {  	s16 =	sshll.u32 s0, $0xA;
	s2 =	sadd.s32 s3, s2  }
0x8d: {  	s2 =	sadd.s32 s2, s16  }
0x8e: {  	[smem:$0x3FB2] =	sst s2  }
0x8f: {  	_ = 	snop  }
0x90: {  	(tm) =	ssettm $0x1  }
0x91: {  	s17 =	sld [smem:$0x3FFB];
	_ =	sdelay $0x3  }
0x92: {  	_ =	strace s17  }
0x93: {  	s2 =	sld [smem:$0x3FFC];
	_ =	sdelay $0x3  }
0x94: {  	_ =	strace s2  }
0x95: {  	s2 =	sld [smem:$0x3FFD];
	_ =	sdelay $0x3  }
0x96: {  	_ =	strace s2  }
0x97: {  	_ =	strace $0x8FFFFFFF  }
0x98: {  	s18 =	sld [smem:$0x3FDB];
	_ =	sdelay $0x1  }
0x99: {  	s19 =	simm.s32 $_scs_section_size  }
0x9a: {  	s4 =	simm.s32 $_size__tile_overlayer_lowered;
	s5 =	simm.s32 $_tile_overlayer_lowered  }
0x9b: {  	s22 =	simm.s32 $0x1BFF;
	s21 =	sshll.u32 s5, $0x1;
	s2 =	sadd.s32 s19, s18  }
0x9c: {  	s6 =	simm.s32 $0x0;
	s20 =	sshll.u32 s4, $0x1;
	s4 =	sadd.s32 s21, s2  }
0x9d: {  	[timem:s6], [sflag:s22] =	dma.local [hbm:s4], s20  }
0x9e: {  	_ =	swait.ge [sflag:s22], s20  }
0x9f: {  	s3 =	ssub.s32 $0x0, s20;
	[sflag:s22] =	ssyncset.done $0x0  }
0xa0: {  	[sflag:s22] =	ssyncadd.s32 s3;
	_ =	sdelay $0x1  }
0xa1: {  	s23 =	simm.s32 $0x1B8B  }
0xa2: {  	_ =	swait.ge [sflag:s23], $0x1  }
0xa3: {  	[sflag:s23] =	ssyncset.done $0x0  }
0xa4: {  	s25 =	simm.s32 $0x1B8E;
	s24 =	sld [smem:$0x3FFE];
	[sflag:s23] =	ssyncadd.s32 $0xFFFFFFFF  }
0xa5: {  	s26 =	simm.s32 $execute0_lowered;
	[smem:$0x3FD2] =	sst s25  }
0xa6: {  	s4 =	sshll.u32 s26, $0x1;
	_ =	strace $0x8000004F;
	[dreg:$0x1] =	wrdreg $0xFFFFFFFF  }
0xa7: {  	s28 =	simm.s32 $_size_execute0_lowered;
	s2 =	sadd.s32 s2, s4;
	[dreg:$0x0] =	wrdreg $0x0  }
0xa8: {  	s4 =	sshll.u32 s28, $0x1;
	[dreg:$0x2] =	wrdreg s2  }
0xa9: {  	[dreg:$0x3] =	wrdreg s4  }
0xaa: {  	[dreg:$0x4] =	wrdreg $0xC0  }
0xab: {  	_ =	task [dreg:s6], $0x5FFFF  }
0xac: {  	[dreg:$0x1] =	wrdreg $0xFFFFFFFF  }
0xad: {  	[dreg:$0x0] =	wrdreg $0x60  }
0xae: {  	[dreg:$0x2] =	wrdreg s24  }
0xaf: {  	[dreg:$0x3] =	wrdreg $0x8C800  }
0xb0: {  	[dreg:$0x4] =	wrdreg $0x9  }
0xb1: {  	_ =	task.clear_ibuf [dreg:s6], $0x5FFFF;
	_ =	strace $0x9000004F  }
0xb2: {  	s29 =	simm.s32 $0x9;
	_ =	strace $0x80000051  }
0xb3: {  	_ =	swait.ge [sflag:s29], $0x1  }
0xb4: {  	[sflag:s29] =	ssyncadd.s32 $0xFFFFFFFF  }
0xb5: {  	_ =	strace $0x90000051  }
0xb6: {  	_ =	sfence  }
0xb7: {  	s30 =	sld [smem:$0x0];
	_ =	sdelay $0x2  }
0xb8: {  	s31 =	sshll.u32 s1, $0xD;
	s1 =	sshrl.u32 s1, $0x2  }
0xb9: {  	s3 =	sand.u32 $0x4000, s31;
	s1 =	sadd.s32 s1, s30  }
0xba: {  	s0 =	sor.u32 s3, s0;
	s1 =	sshll.u32 s1, $0x11  }
0xbb: {  	s0 =	sor.u32 s1, s0  }
0xbc: {  	s0 =	sadd.s32 $0x8F2B, s0  }
0xbd: {  	[sflag:s0] =	ssyncadd.remote.s32 $0x1  }
0xbe: {  	_ =	sfence.sel $0xFFFF  }
0xbf: {  	[dreg:$0x0] =	wrdreg $0xFFFFFFFF;
	(pc) =	sbr.abs _section_cstart, $3  }
0xc0: {  	[dreg:$0x1] =	wrdreg $0xFFFFFFFF  }
0xc1: {  	_ =	task.clear_ibuf [dreg:s6], $0x2FFFF;
	_ =	strace $0x9FFFFFFF  }
0xc2: {  	(tm) =	ssettm $0x7FFFFFFF  }
0xc3: {  	_ =	shalt  }
tec
execute0_lowered:
.L_overlay_start_1:
0x0: {  	(tag) =	ssettag $0x1  }
0x1: {  	s0 =	rddreg [dreg:$0x0]  }
0x2: {  	s1 =	rddreg [dreg:$0x1]  }
0x3: {  	s2 =	simm.s32 $0x0;
	s5 =	srdreg.scid;
	s13 =	stileid.u32  }
0x4: {  	s17 =	simm.s32 $0x100;
	s28 =	simm.s32 $0x200;
	s29 =	simm.s32 $0x4300  }
0x5: {  	s30 =	simm.s32 $0x2;
	[smem:$0x7FF] =	sst s2;
	s4 =	sadd.s32 $0xAF800, s0  }
0x6: {  	s3 =	sadd.s32 $0xA600, s0;
	s6 =	sadd.s32 $0x5600, s0;
	s9 =	smul.u32 $0x2710, s13  }
0x7: {  	s7 =	sand.u32 $0x1, s5;
	s5 =	sadd.s32 $0x5D800, s0;
	s11 =	smul.u32 $0x4E000, s13  }
0x8: {  	s0 =	sadd.s32 $0xF600, s0;
	s12 =	smul.u32 $0x270, s13;
	s23 =	sshll.u32 s13, $0x6  }
0x9: {  	s14 =	sadd.s32 $0x138000, s1;
	s16 =	smul.u32 $0x4E2, s13;
	p0 =	sne.s32 s13, $0xF  }
0xa: {  	_ =	strace $0x80000050;
	s8 =	ssub.s32 $0x2, s7;
	s31 =	smul.u32 $0x2710, s7  }
0xb: {  	s7 =	smul.u32 $0x138800, s7;
	[dreg:$0x5] =	wrdreg s14;
	s10 =	sshrl.u32 s8, $0x1  }
0xc: {  	s9 =	sshrl.u32 s9, $0x3;
	s20 =	sshrl.u32 s11, $0x2;
	s15 =	sadd.s32 s16, s6  }
0xd: {  	s16 =	sadd.s32 s16, s3;
	s10 =	ssub.s32 s8, s10;
	s19 =	sadd.s32 s3, s9  }
0xe: {  	s21 =	sadd.s32 s6, s9;
	s22 =	sadd.s32 s20, s1;
	s8 =	sor.u32 $0x1C05, s23  }
0xf: {  	s9 =	sadd.s32 $0x4E0, s9;
	s12 =	sadd.s32 s12, s31;
	s7 =	sshrl.u32 s7, $0x3  }
0x10: {  	s20 =	simm.s32 $0x3;
	s23 =	simm.s32 $0x180;
	[dreg:$0x3] =	wrdreg s19  }
0x11: {  	v0 =	vmov s31;
	s31 =	simm.s32 $0x8480;
	[dreg:$0x4] =	wrdreg s21;
	s24 =	sadd.s32 s3, s9  }
0x12: {  	s12 =	sshll.u32 s12, $0x4;
	s9 =	sadd.s32 s6, s9;
	s26 =	smax.u32 s10, $0x1  }
0x13: {  	s18 =	sshrl.u32 s22, $0x3;
	s19 =	simm.s32 $0x5;
	s21 =	simm.s32 $0x80  }
0x14: {  	s22 =	simm.s32 $0x300;
	s3 =	simm.s32 $0x10;
	[dreg:$0x6] =	wrdreg s24  }
0x15: {  	s6 =	simm.s32 $0x0;
	[dreg:$0x7] =	wrdreg s9;
	s25 =	sadd.s32 s0, s12  }
0x16: {  	s0 =	sadd.s32 s0, s7;
	[dreg:$0xa] =	wrdreg s26;
	s24 =	simm.s32 $0x280  }
0x17: {  	s26 =	simm.s32 $0x1;
	[dreg:$0x8] =	wrdreg s25;
	s0 =	sadd.s32 $0x27000, s0  }
0x18: {  	s25 =	simm.s32 $0x4;
	[dreg:$0x9] =	wrdreg s0;
	s0 =	simm.s32 $0x8400  }
.LBB2_1:
0x19: {  	s7 =	rddreg [dreg:$0x3]  }
0x1a: {  	[tilespmem:s2], [sflag:$0x3] =	stream.linear.gather [hbm4b:s7+s2], $0x80, $0x38;
	[tilespmem:$0x1C500] =	vst v63  }
0x1b: {  	s12 =	rddreg [dreg:$0x4]  }
0x1c: {  	[tilespmem:s17], [sflag:$0x3] =	stream.linear.gather [hbm4b:s12+s2], $0x80, $0x38;
	[tilespmem:$0x1C500] =	vst v63  }
0x1d: {  	[spmem:s18], [sflag:s8] =	dma.local [hbm:s5], $0x2700  }
0x1e: {  	_ =	swait.ge [sflag:s19], $0x2700  }
0x1f: {  	[sflag:s19] =	ssyncset.done $0x0;
	s7 =	rddreg [dreg:$0x5]  }
0x20: {  	s9 =	simm.s32 @!p0 $0x5;
	[sflag:s19] =	ssyncadd.s32 $0xFFFFD900;
	s7 =	sshrl.u32 @!p0 s7, $0x3  }
0x21: {  	[spmem:s7], [sflag:s8] =	dma.local @!p0 [hbm:s5], $0x100  }
0x22: {  	_ =	swait.ge @!p0 [sflag:s9], $0x100  }
0x23: {  	[sflag:s9] =	ssyncset.done @!p0 $0x0  }
0x24: {  	[sflag:s9] =	ssyncadd.s32 @!p0 $0xFFFFFF00  }
0x25: {  	[bflag:$0x0] =	sbarrier.arrive $0xFFFF  }
0x26: {  	_ =	swait.ge [sflag:s20], $0x80  }
0x27: {  	[sflag:s20] =	ssyncset.done $0x0  }
0x28: {  	[sflag:s20] =	ssyncadd.s32 $0xFFFFFF80  }
0x29: {  	_ =	swait.ge [sflag:s20], $0x80  }
0x2a: {  	[sflag:s20] =	ssyncset.done $0x0  }
0x2b: {  	[sflag:s20] =	ssyncadd.s32 $0xFFFFFF80  }
0x2c: {  	v1 =	vld [tilespmem:$0x0]  }
0x2d: {  	v2 =	vld [tilespmem:$0x10]  }
0x2e: {  	v3 =	vld [tilespmem:$0x20]  }
0x2f: {  	v4 =	vld [tilespmem:$0x30]  }
0x30: {  	v5 =	vld [tilespmem:$0x40]  }
0x31: {  	v6 =	vld [tilespmem:$0x50];
	v1 =	vadd.s32 v0, v1  }
0x32: {  	[tilespmem:$0x80] =	vst v1;
	v1 =	vadd.s32 v0, v2;
	v2 =	vld [tilespmem:$0x60]  }
0x33: {  	[tilespmem:$0x90] =	vst v1;
	v1 =	vadd.s32 v0, v3;
	v3 =	vld [tilespmem:$0x70]  }
0x34: {  	[tilespmem:$0xA0] =	vst v1;
	v1 =	vadd.s32 v0, v4  }
0x35: {  	[tilespmem:$0xB0] =	vst v1;
	v1 =	vadd.s32 v0, v5  }
0x36: {  	[tilespmem:$0xC0] =	vst v1;
	v1 =	vadd.s32 v0, v6  }
0x37: {  	[tilespmem:$0xD0] =	vst v1;
	v1 =	vadd.s32 v0, v2  }
0x38: {  	[tilespmem:$0xE0] =	vst v1;
	v1 =	vadd.s32 v0, v3  }
0x39: {  	s13 =	sadd.s32 $0x0, s16;
	[tilespmem:$0xF0] =	vst v1  }
0x3a: {  	[tilespmem:s22], [sflag:$0x1] =	stream.indirect.gather [hbm4b:s4+s21], $0x80, s21, s21, $0xb8;
	[tilespmem:$0x1C500] =	vst v63  }
0x3b: {  	s10 =	sadd.s32 $0x0, s15;
	s9 =	sadd.s32 $0x10, s13  }
0x3c: {  	[tilespmem:s23], [sflag:$0x4] =	stream.linear.gather [hbm4b:s9+s2], $0x80, $0x38;
	[tilespmem:$0x1C500] =	vst v63  }
0x3d: {  	s14 =	sadd.s32 $0x10, s10  }
0x3e: {  	[tilespmem:s24], [sflag:$0x4] =	stream.linear.gather [hbm4b:s14+s2], $0x80, $0x38;
	[tilespmem:$0x1C500] =	vst v63  }
0x3f: {  	_ =	swait.ge [sflag:s25], $0x80  }
0x40: {  	[sflag:s25] =	ssyncset.done $0x0  }
0x41: {  	[sflag:s25] =	ssyncadd.s32 $0xFFFFFF80  }
0x42: {  	_ =	swait.ge [sflag:s25], $0x80  }
0x43: {  	[sflag:s25] =	ssyncset.done $0x0  }
0x44: {  	[sflag:s25] =	ssyncadd.s32 $0xFFFFFF80  }
0x45: {  	v4 =	vld [tilespmem:$0x180]  }
0x46: {  	v3 =	vld [tilespmem:$0x190]  }
0x47: {  	v2 =	vld [tilespmem:$0x1A0]  }
0x48: {  	s10 =	simm.s32 $0x20;
	s9 =	simm.s32 $0x0;
	v1 =	vld [tilespmem:$0x1B0]  }
.LBB2_2:
0x49: {  	v5 =	vld [tilespmem:$0x1C0];
	s11 =	smov.u32 s10;
	s10 =	sadd.s32 $0x20, s10  }
0x4a: {  	p1 =	sne.s32 s10, $0x4E0;
	v4 =	vadd.s32 v0, v4;
	v6 =	vld [tilespmem:$0x1D0]  }
0x4b: {  	[tilespmem:$0x200] =	vst v4;
	v3 =	vadd.s32 v0, v3;
	v4 =	vld [tilespmem:$0x1E0]  }
0x4c: {  	[tilespmem:$0x210] =	vst v3;
	v2 =	vadd.s32 v0, v2;
	v3 =	vld [tilespmem:$0x1F0]  }
0x4d: {  	[tilespmem:$0x220] =	vst v2;
	v1 =	vadd.s32 v0, v1  }
0x4e: {  	[tilespmem:$0x230] =	vst v1;
	v1 =	vadd.s32 v0, v5  }
0x4f: {  	[tilespmem:$0x240] =	vst v1;
	v1 =	vadd.s32 v0, v6  }
0x50: {  	[tilespmem:$0x250] =	vst v1;
	v1 =	vadd.s32 v0, v4  }
0x51: {  	[tilespmem:$0x260] =	vst v1;
	v1 =	vadd.s32 v0, v3  }
0x52: {  	[tilespmem:$0x270] =	vst v1;
	_ =	sdelay $0x1  }
0x53: {  	_ =	swait.ge [sflag:s26], $0x4000  }
0x54: {  	[sflag:s26] =	ssyncset.done $0x0  }
0x55: {  	[sflag:s26] =	ssyncadd.s32 $0xFFFFC000  }
0x56: {  	[tilespmem:s29], [sflag:$0x2] =	stream.indirect.gather [hbm4b:s4+s21], $0x80, s28, s21, $0xb8;
	[tilespmem:$0x1C500] =	vst v63  }
0x57: {  	_ = 	snop  }
0x58: {  	[spmem:s1] =	stream.indirect.scatter.add.f32 [tilespmem:s22], [sflag:$0x5], $0x80, s17, s21, $0xb8;
	[tilespmem:$0x1C500] =	vst v63  }
0x59: {  	p2 =	seq.s32 s9, $0x4C0;
	_ =	swait.ge [sflag:s19], $0x4000  }
0x5a: {  	s12 =	sadd.s32 @!p2 s9, s16;
	s9 =	sadd.s32 @!p2 s9, s15;
	[sflag:s19] =	ssyncset.done $0x0  }
0x5b: {  	s13 =	simm.s32 @!p2 $0x0;
	s12 =	sadd.s32 @!p2 $0x20, s12;
	[sflag:s19] =	ssyncadd.s32 $0xFFFFC000  }
0x5c: {  	[tilespmem:s13], [sflag:$0x3] =	stream.linear.gather @!p2 [hbm4b:s12+s13], $0x80, $0x38;
	[tilespmem:$0x1C500] =	vst v63  }
0x5d: {  	s14 =	simm.s32 @!p2 $0x3;
	s9 =	sadd.s32 @!p2 $0x20, s9;
	s12 =	simm.s32 @!p2 $0x100  }
0x5e: {  	[tilespmem:s12], [sflag:$0x3] =	stream.linear.gather @!p2 [hbm4b:s9+s13], $0x80, $0x38;
	[tilespmem:$0x1C500] =	vst v63  }
0x5f: {  	s9 =	smov.u32 s11;
	_ =	swait.ge @!p2 [sflag:s14], $0x80  }
0x60: {  	[sflag:s14] =	ssyncset.done @!p2 $0x0  }
0x61: {  	[sflag:s14] =	ssyncadd.s32 @!p2 $0xFFFFFF80  }
0x62: {  	_ =	swait.ge @!p2 [sflag:s14], $0x80  }
0x63: {  	[sflag:s14] =	ssyncset.done @!p2 $0x0  }
0x64: {  	[sflag:s14] =	ssyncadd.s32 @!p2 $0xFFFFFF80  }
0x65: {  	v1 =	vld @!p2 [tilespmem:$0x70]  }
0x66: {  	v2 =	vld @!p2 [tilespmem:$0x30]  }
0x67: {  	v3 =	vld @!p2 [tilespmem:$0x50]  }
0x68: {  	v4 =	vld @!p2 [tilespmem:$0x60]  }
0x69: {  	v5 =	vld @!p2 [tilespmem:$0x20]  }
0x6a: {  	v6 =	vld @!p2 [tilespmem:$0x10];
	v1 =	vadd.s32 @!p2 v0, v1  }
0x6b: {  	v2 =	vadd.s32 @!p2 v0, v2;
	v7 =	vld @!p2 [tilespmem:$0x40];
	[tilespmem:$0xF0] =	vst @!p2 v1  }
0x6c: {  	v1 =	vld @!p2 [tilespmem:$0x0];
	[tilespmem:$0xB0] =	vst @!p2 v2;
	v2 =	vadd.s32 @!p2 v0, v3  }
0x6d: {  	[tilespmem:$0xD0] =	vst @!p2 v2;
	v2 =	vadd.s32 @!p2 v0, v4  }
0x6e: {  	v3 =	vadd.s32 @!p2 v0, v5;
	[tilespmem:$0xE0] =	vst @!p2 v2  }
0x6f: {  	v2 =	vadd.s32 @!p2 v0, v6;
	[tilespmem:$0xA0] =	vst @!p2 v3  }
0x70: {  	[tilespmem:$0x90] =	vst @!p2 v2;
	v2 =	vadd.s32 @!p2 v0, v7  }
0x71: {  	v1 =	vadd.s32 @!p2 v0, v1;
	[tilespmem:$0xC0] =	vst @!p2 v2  }
0x72: {  	s11 =	simm.s32 @!p2 $0x80;
	s12 =	simm.s32 @!p2 $0x300;
	[tilespmem:$0x80] =	vst @!p2 v1  }
0x73: {  	[tilespmem:s12], [sflag:$0x1] =	stream.indirect.gather @!p2 [hbm4b:s4+s11], $0x80, s11, s11, $0xb8;
	[tilespmem:$0x1C500] =	vst v63  }
0x74: {  	_ =	swait.ge [sflag:s30], $0x4000  }
0x75: {  	[sflag:s30] =	ssyncset.done $0x0  }
0x76: {  	[sflag:s30] =	ssyncadd.s32 $0xFFFFC000  }
0x77: {  	[spmem:s1] =	stream.indirect.scatter.add.f32 [tilespmem:s29], [sflag:$0x5], $0x80, s24, s21, $0xb8;
	[tilespmem:$0x1C500] =	vst v63  }
0x78: {  	_ =	swait.ge [sflag:s19], $0x4000  }
0x79: {  	s11 =	sadd.s32 s9, s16;
	[sflag:s19] =	ssyncset.done $0x0  }
0x7a: {  	s12 =	sadd.s32 s9, s15;
	s11 =	sadd.s32 $0x10, s11;
	[sflag:s19] =	ssyncadd.s32 $0xFFFFC000  }
0x7b: {  	[tilespmem:s23], [sflag:$0x4] =	stream.linear.gather [hbm4b:s11+s2], $0x80, $0x38;
	[tilespmem:$0x1C500] =	vst v63  }
0x7c: {  	s11 =	sadd.s32 $0x10, s12  }
0x7d: {  	[tilespmem:s24], [sflag:$0x4] =	stream.linear.gather [hbm4b:s11+s2], $0x80, $0x38;
	[tilespmem:$0x1C500] =	vst v63  }
0x7e: {  	_ =	swait.ge [sflag:s25], $0x80  }
0x7f: {  	[sflag:s25] =	ssyncset.done $0x0  }
0x80: {  	[sflag:s25] =	ssyncadd.s32 $0xFFFFFF80  }
0x81: {  	_ =	swait.ge [sflag:s25], $0x80  }
0x82: {  	[sflag:s25] =	ssyncset.done $0x0  }
.Ltmp0:
0x83: {  	[sflag:s25] =	ssyncadd.s32 $0xFFFFFF80;
	(pc) =	sbr.rel @p1 .LBB2_2-.Ltmp0, $4  }
0x84: {  	v4 =	vld [tilespmem:$0x180]  }
0x85: {  	v3 =	vld [tilespmem:$0x190]  }
0x86: {  	v2 =	vld [tilespmem:$0x1A0]  }
0x87: {  	v1 =	vld [tilespmem:$0x1B0]  }
0x88: {  	v5 =	vld [tilespmem:$0x1C0]  }
0x89: {  	v6 =	vld [tilespmem:$0x1D0];
	v4 =	vadd.s32 v0, v4  }
0x8a: {  	v63 =	vld [tilespmem:$0x1E0];
	[tilespmem:$0x200] =	vst v4;
	v3 =	vadd.s32 v0, v3  }
0x8b: {  	[tilespmem:$0x210] =	vst v3;
	v2 =	vadd.s32 v0, v2;
	v3 =	vld [tilespmem:$0x1F0]  }
0x8c: {  	[tilespmem:$0x220] =	vst v2;
	v1 =	vadd.s32 v0, v1  }
0x8d: {  	[tilespmem:$0x230] =	vst v1;
	v1 =	vadd.s32 v0, v5  }
0x8e: {  	[tilespmem:$0x240] =	vst v1;
	v1 =	vadd.s32 v0, v6  }
0x8f: {  	[tilespmem:$0x250] =	vst v1;
	v1 =	vadd.s32 v0, v63  }
0x90: {  	[tilespmem:$0x260] =	vst v1;
	v1 =	vadd.s32 v0, v3  }
0x91: {  	[tilespmem:$0x270] =	vst v1  }
0x92: {  	_ =	swait.ge [sflag:s26], $0x4000  }
0x93: {  	[sflag:s26] =	ssyncset.done $0x0  }
0x94: {  	[sflag:s26] =	ssyncadd.s32 $0xFFFFC000  }
0x95: {  	[tilespmem:s29], [sflag:$0x2] =	stream.indirect.gather [hbm4b:s4+s21], $0x80, s28, s21, $0xb8;
	[tilespmem:$0x1C500] =	vst v63  }
0x96: {  	_ = 	snop  }
0x97: {  	[spmem:s1] =	stream.indirect.scatter.add.f32 [tilespmem:s22], [sflag:$0x5], $0x80, s17, s21, $0xb8;
	[tilespmem:$0x1C500] =	vst v63  }
0x98: {  	p1 =	seq.s32 s9, $0x4C0;
	_ =	swait.ge [sflag:s19], $0x4000  }
0x99: {  	s10 =	sadd.s32 @!p1 s9, s16;
	s9 =	sadd.s32 @!p1 s9, s15;
	[sflag:s19] =	ssyncset.done $0x0  }
0x9a: {  	s11 =	simm.s32 @!p1 $0x0;
	s10 =	sadd.s32 @!p1 $0x20, s10;
	[sflag:s19] =	ssyncadd.s32 $0xFFFFC000  }
0x9b: {  	[tilespmem:s11], [sflag:$0x3] =	stream.linear.gather @!p1 [hbm4b:s10+s11], $0x80, $0x38;
	[tilespmem:$0x1C500] =	vst v63  }
0x9c: {  	s9 =	sadd.s32 @!p1 $0x20, s9;
	s10 =	simm.s32 @!p1 $0x100  }
0x9d: {  	[tilespmem:s10], [sflag:$0x3] =	stream.linear.gather @!p1 [hbm4b:s9+s11], $0x80, $0x38;
	[tilespmem:$0x1C500] =	vst v63  }
0x9e: {  	s9 =	simm.s32 @!p1 $0x3  }
0x9f: {  	_ =	swait.ge @!p1 [sflag:s9], $0x80  }
0xa0: {  	[sflag:s9] =	ssyncset.done @!p1 $0x0  }
0xa1: {  	[sflag:s9] =	ssyncadd.s32 @!p1 $0xFFFFFF80  }
0xa2: {  	_ =	swait.ge @!p1 [sflag:s9], $0x80  }
0xa3: {  	[sflag:s9] =	ssyncset.done @!p1 $0x0  }
0xa4: {  	[sflag:s9] =	ssyncadd.s32 @!p1 $0xFFFFFF80  }
0xa5: {  	v1 =	vld @!p1 [tilespmem:$0x70]  }
0xa6: {  	v2 =	vld @!p1 [tilespmem:$0x30]  }
0xa7: {  	v3 =	vld @!p1 [tilespmem:$0x50]  }
0xa8: {  	v5 =	vld @!p1 [tilespmem:$0x20]  }
0xa9: {  	v4 =	vld @!p1 [tilespmem:$0x60]  }
0xaa: {  	v6 =	vld @!p1 [tilespmem:$0x10];
	v1 =	vadd.s32 @!p1 v0, v1  }
0xab: {  	v7 =	vld @!p1 [tilespmem:$0x40];
	v2 =	vadd.s32 @!p1 v0, v2;
	[tilespmem:$0xF0] =	vst @!p1 v1  }
0xac: {  	v1 =	vld @!p1 [tilespmem:$0x0];
	[tilespmem:$0xB0] =	vst @!p1 v2;
	v2 =	vadd.s32 @!p1 v0, v3  }
0xad: {  	v3 =	vadd.s32 @!p1 v0, v5;
	[tilespmem:$0xD0] =	vst @!p1 v2  }
0xae: {  	v2 =	vadd.s32 @!p1 v0, v4;
	[tilespmem:$0xA0] =	vst @!p1 v3  }
0xaf: {  	[tilespmem:$0xE0] =	vst @!p1 v2;
	v2 =	vadd.s32 @!p1 v0, v6  }
0xb0: {  	[tilespmem:$0x90] =	vst @!p1 v2;
	v2 =	vadd.s32 @!p1 v0, v7  }
0xb1: {  	[tilespmem:$0xC0] =	vst @!p1 v2;
	v1 =	vadd.s32 @!p1 v0, v1  }
0xb2: {  	s10 =	simm.s32 @!p1 $0x300;
	s9 =	simm.s32 @!p1 $0x80;
	[tilespmem:$0x80] =	vst @!p1 v1  }
0xb3: {  	[tilespmem:s10], [sflag:$0x1] =	stream.indirect.gather @!p1 [hbm4b:s4+s9], $0x80, s9, s9, $0xb8;
	[tilespmem:$0x1C500] =	vst v63  }
0xb4: {  	_ =	swait.ge [sflag:s30], $0x4000  }
0xb5: {  	[sflag:s30] =	ssyncset.done $0x0  }
0xb6: {  	[sflag:s30] =	ssyncadd.s32 $0xFFFFC000  }
0xb7: {  	[spmem:s1] =	stream.indirect.scatter.add.f32 [tilespmem:s29], [sflag:$0x5], $0x80, s24, s21, $0xb8;
	[tilespmem:$0x1C500] =	vst v63  }
0xb8: {  	_ =	swait.ge [sflag:s19], $0x4000  }
0xb9: {  	[sflag:s19] =	ssyncset.done $0x0  }
0xba: {  	s14 =	simm.s32 $0x8300;
	s13 =	rddreg [dreg:$0x6];
	[sflag:s19] =	ssyncadd.s32 $0xFFFFC000  }
0xbb: {  	[tilespmem:s14], [sflag:$0x5] =	stream.linear.gather [hbm4b:s13+s2], $0x10, $0x38;
	[tilespmem:$0x1C500] =	vst v63  }
0xbc: {  	_ =	swait.ge [sflag:s19], $0x10  }
0xbd: {  	[sflag:s19] =	ssyncset.done $0x0  }
0xbe: {  	s11 =	rddreg [dreg:$0x7];
	[sflag:s19] =	ssyncadd.s32 $0xFFFFFFF0  }
0xbf: {  	[tilespmem:s0], [sflag:$0x5] =	stream.linear.gather [hbm4b:s11+s2], $0x10, $0x38;
	[tilespmem:$0x1C500] =	vst v63  }
0xc0: {  	_ =	swait.ge [sflag:s19], $0x10  }
0xc1: {  	[sflag:s19] =	ssyncset.done $0x0  }
0xc2: {  	[sflag:s19] =	ssyncadd.s32 $0xFFFFFFF0  }
0xc3: {  	v1 =	vld [tilespmem:$0x8300];
	_ =	sdelay $0x4  }
0xc4: {  	v1 =	vadd.s32 v0, v1  }
0xc5: {  	s12 =	simm.s32 $0x8380;
	[tilespmem:$0x8380] =	vst v1  }
0xc6: {  	[tilespmem:s31], [sflag:$0x1] =	stream.indirect.gather [hbm4b:s4+s3], $0x80, s12, s3, $0xb8;
	[tilespmem:$0x1C500] =	vst v63  }
0xc7: {  	_ =	swait.ge [sflag:s26], $0x800  }
0xc8: {  	[sflag:s26] =	ssyncset.done $0x0  }
0xc9: {  	[sflag:s26] =	ssyncadd.s32 $0xFFFFF800  }
0xca: {  	[spmem:s1] =	stream.indirect.scatter.add.f32 [tilespmem:s31], [sflag:$0x5], $0x80, s0, s3, $0xb8;
	[tilespmem:$0x1C500] =	vst v63  }
0xcb: {  	_ =	swait.ge [sflag:s19], $0x800  }
0xcc: {  	[sflag:s19] =	ssyncset.done $0x0  }
0xcd: {  	[sflag:s19] =	ssyncadd.s32 $0xFFFFF800  }
0xce: {  	[bflag:$0x0] =	sbarrier.arrive $0xFFFF  }
0xcf: {  	s13 =	rddreg [dreg:$0x8]  }
0xd0: {  	[hbm:s13], [sflag:s8] =	dma.local [spmem:s18], $0x2700  }
0xd1: {  	_ =	swait.ge [sflag:s19], $0x2700  }
0xd2: {  	[sflag:s19] =	ssyncset.done $0x0  }
0xd3: {  	s9 =	rddreg [dreg:$0x9];
	[sflag:s19] =	ssyncadd.s32 $0xFFFFD900  }
0xd4: {  	[hbm:s9], [sflag:s8] =	dma.local @!p0 [spmem:s7], $0x100  }
0xd5: {  	s7 =	simm.s32 @!p0 $0x5  }
0xd6: {  	_ =	swait.ge @!p0 [sflag:s7], $0x100  }
0xd7: {  	s6 =	sadd.s32 $0x1, s6;
	s14 =	rddreg [dreg:$0xa]  }
0xd8: {  	p1 =	sne.s32 s6, s14  }
.Ltmp1:
0xd9: {  	_ = 	snop;
	(pc) =	sbr.rel @p1 .LBB2_1-.Ltmp1, $3  }
0xda: {  	_ =	sdelay $0x1  }
0xdb: {  	[sflag:s7] =	ssyncset.done @!p0 $0x0  }
0xdc: {  	[sflag:s7] =	ssyncadd.s32 @!p0 $0xFFFFFF00  }
0xdd: {  	_ =	sfence.sel $0x180000  }
0xde: {  	[bflag:$0x0] =	sbarrier.arrive $0xFFFF  }
0xdf: {  	_ =	strace $0x90000050  }
0xe0: {  	s0 =	stileid.u32;
	[bflag:$0x2] =	sbarrier.arrive $0xFFFF  }
0xe1: {  	p0 =	sne.s32 s0, $0x0;
	s0 =	rddreg [dreg:$0x2]  }
0xe2: {  	s0 =	sadd.s32 @!p0 $0x100000, s0  }
0xe3: {  	[sflag:s0] =	ssyncadd.tile.s32 @!p0 $0x1;
	_ =	shalt  }
.Lfunc_end2:
_tile_overlayer_lowered:
.L_overlay_start_2:
0xe4: {  	(tag) =	ssettag $0x2  }
0xe5: {  	s0 =	rddreg [dreg:$0x0];
	s2 =	stileid.u32  }
0xe6: {  	s1 =	rddreg [dreg:$0x1];
	p0 =	sne.s32 s2, $0x0  }
0xe7: {  	s3 =	rddreg [dreg:$0x2];
	[bflag:$0x3] =	sbarrier.arrive $0xFFFF;
	s2 =	simm.s32 @!p0 $0x1C05  }
0xe8: {  	[timem:s3], [sflag:s2] =	dma.local @!p0 [hbm:s0], s1  }
0xe9: {  	s0 =	simm.s32 @!p0 $0x5  }
0xea: {  	_ =	swait.ge @!p0 [sflag:s0], s1  }
0xeb: {  	s1 =	ssub.s32 @!p0 $0x0, s1;
	[sflag:s0] =	ssyncset.done @!p0 $0x0  }
0xec: {  	[sflag:s0] =	ssyncadd.s32 @!p0 s1  }
0xed: {  	[bflag:$0x3] =	sbarrier.arrive $0xFFFF  }
0xee: {  	_ =	shalt  }

// kernel: kernel.31.cloned.1.call-start
scs
__scs_entry_jumppad:
0x0: {  	(pc) =	sbr.rel $0x88, $3  }
0x1: {  	(tag) =	ssettag $0x0;
	lr =	simm.s32 $0x1  }
0x2: {  	[smem:$0x3F8B] =	sst lr;
	_ =	strace $0xD0000000  }
0x3: {  	_ = 	snop  }
0x4: {  	_ = 	snop  }
0x5: {  	_ = 	snop  }
0x6: {  	_ = 	snop  }
0x7: {  	_ = 	snop  }
__scs_overlays_trampoline_lowered:
0x8: {  	[smem:$0x3F9A] =	sst s0  }
0x9: {  	[smem:$0x3F9B] =	sst s1  }
0xa: {  	[smem:$0x3F9C] =	sst s2  }
0xb: {  	[smem:$0x3F9D] =	sst s3  }
0xc: {  	[smem:$0x3F9E] =	sst s4  }
0xd: {  	[smem:$0x3F9F] =	sst s5  }
0xe: {  	[smem:$0x3FA0] =	sst s6  }
0xf: {  	[smem:$0x3FA1] =	sst s7  }
0x10: {  	[smem:$0x3FA2] =	sst s8  }
0x11: {  	[smem:$0x3FA3] =	sst s9;
	s0 =	simm.s32 @!p0 $0x0  }
0x12: {  	s1 =	sld [smem:$0x3F89];
	s0 =	simm.s32 @p0 $0x1  }
0x13: {  	[smem:$0x3FA4] =	sst s0;
	s0 =	simm.s32 @!p1 $0x0  }
0x14: {  	s2 =	sld [smem:$0x3F88];
	s0 =	simm.s32 @p1 $0x1  }
0x15: {  	[smem:$0x3FA5] =	sst s0;
	s0 =	simm.s32 @!p2 $0x0  }
0x16: {  	s3 =	sld [smem:$0x3FDB];
	s0 =	simm.s32 @p2 $0x1  }
0x17: {  	s4 =	simm.s32 $0x1BF5;
	[smem:$0x3FA7] =	sst s0  }
0x18: {  	s0 =	sld [smem:$0x3F8A];
	_ =	swait.ge [sflag:s4], $0x0  }
0x19: {  	s7 =	sld [smem:$0x3F8B]  }
0x1a: {  	s8 =	sadd.s32 $0xFFFFE003, lr  }
0x1b: {  	s9 =	sadd.s32 $0xFFFFFEF7, lr;
	s5 =	simm.s32 $0xFFFFFFFF;
	p2 =	slt.u32 s8, $0xFFFFF086  }
0x1c: {  	p1 =	slt.u32 s9, $0xF7A;
	s5 =	simm.s32 @!p2 $0x0  }
0x1d: {  	s5 =	simm.s32 @p1 $0x1;
	p0 =	seq.s32 s7, s2  }
0x1e: {  	s7 =	smul.u32 @!p0 $0xF7A, s2;
	p2 =	seq.s32 @!p0 s5, $0x0  }
0x1f: {  	s9 =	smul.u32 $0xF7A, s1;
	s8 =	simm.s32 @!p0 $0x1BF5;
	p2 =	por !p2, p0  }
0x20: {  	[sflag:s8] =	ssyncset.s32 @!p0 $0xFFFFF086;
	s6 =	sadd.s32 @!p0 s3, s7;
	s7 =	simm.s32 @!p0 $0x108  }
0x21: {  	s3 =	sadd.s32 s3, s9;
	s6 =	sadd.s32 @!p0 $0x88, s6;
	s7 =	simm.s32 @p2 $0x1082  }
0x22: {  	[simem:s7], [sflag:s8] =	dma.local @!p0 [hbm:s6], $0xF7A  }
0x23: {  	s9 =	sor.u32 $0xD0000000, s2;
	s6 =	simm.s32 $0x108;
	_ =	swait.ge @!p0 [sflag:s8], $0x0  }
0x24: {  	s3 =	sadd.s32 $0x88, s3;
	s6 =	simm.s32 @!p1 $0x1082;
	[sflag:s4] =	ssyncset.s32 $0xFFFFF086  }
0x25: {  	[simem:s6], [sflag:s4] =	dma.local [hbm:s3], $0xF7A  }
0x26: {  	[smem:$0x3F8B] =	sst s1;
	(tag) =	ssettag s2;
	_ =	strace s9  }
0x27: {  	s1 =	sld [smem:$0x3F9B]  }
0x28: {  	s2 =	sld [smem:$0x3F9C]  }
0x29: {  	s4 =	sld [smem:$0x3F9E]  }
0x2a: {  	p0 =	seq.s32 s5, $0x0;
	s5 =	sld [smem:$0x3F9F]  }
0x2b: {  	s6 =	sld [smem:$0x3FA0]  }
0x2c: {  	s7 =	sld [smem:$0x3FA1]  }
0x2d: {  	s3 =	simm.s32 $0x108;
	s8 =	sld [smem:$0x3FA2]  }
0x2e: {  	s3 =	simm.s32 @!p0 $0x1082;
	s9 =	sld [smem:$0x3FA3]  }
0x2f: {  	lr =	sadd.s32 s0, s3;
	s0 =	sld [smem:$0x3F9A]  }
0x30: {  	s3 =	sld [smem:$0x3F9D]  }
0x31: {  	[smem:$0x3FA6] =	sst s10  }
0x32: {  	s10 =	sld [smem:$0x3FA4];
	_ =	sdelay $0x3  }
0x33: {  	p0 =	seq.s32 s10, $0x1;
	s10 =	sld [smem:$0x3FA6];
	_ =	sdelay $0x3  }
0x34: {  	[smem:$0x3FA6] =	sst s10  }
0x35: {  	s10 =	sld [smem:$0x3FA5];
	_ =	sdelay $0x3  }
0x36: {  	p1 =	seq.s32 s10, $0x1;
	s10 =	sld [smem:$0x3FA6];
	_ =	sdelay $0x3  }
0x37: {  	[smem:$0x3FA6] =	sst s10  }
0x38: {  	s10 =	sld [smem:$0x3FA7]  }
0x39: {  	_ = 	snop;
	(pc) =	sbr.ind lr, $3  }
0x3a: {  	_ = 	snop  }
0x3b: {  	_ = 	snop  }
0x3c: {  	p2 =	seq.s32 s10, $0x1;
	s10 =	sld [smem:$0x3FA6]  }
0x3d: {  	_ =	shalt  }
0x3e: {  	_ =	shalt  }
0x3f: {  	_ =	shalt  }
0x40: {  	_ =	shalt  }
0x41: {  	_ =	shalt  }
0x42: {  	_ =	shalt  }
0x43: {  	_ =	shalt  }
0x44: {  	_ =	shalt  }
0x45: {  	_ =	shalt  }
0x46: {  	_ =	shalt  }
0x47: {  	_ =	shalt  }
0x48: {  	_ =	shalt  }
0x49: {  	_ =	shalt  }
0x4a: {  	_ =	shalt  }
0x4b: {  	_ =	shalt  }
0x4c: {  	_ =	shalt  }
0x4d: {  	_ =	shalt  }
0x4e: {  	_ =	shalt  }
0x4f: {  	_ =	shalt  }
0x50: {  	_ =	shalt  }
0x51: {  	_ =	shalt  }
0x52: {  	_ =	shalt  }
0x53: {  	_ =	shalt  }
0x54: {  	_ =	shalt  }
0x55: {  	_ =	shalt  }
0x56: {  	_ =	shalt  }
0x57: {  	_ =	shalt  }
0x58: {  	_ =	shalt  }
0x59: {  	_ =	shalt  }
0x5a: {  	_ =	shalt  }
0x5b: {  	_ =	shalt  }
0x5c: {  	_ =	shalt  }
0x5d: {  	_ =	shalt  }
0x5e: {  	_ =	shalt  }
0x5f: {  	_ =	shalt  }
0x60: {  	_ =	shalt  }
0x61: {  	_ =	shalt  }
0x62: {  	_ =	shalt  }
0x63: {  	_ =	shalt  }
0x64: {  	_ =	shalt  }
0x65: {  	_ =	shalt  }
0x66: {  	_ =	shalt  }
0x67: {  	_ =	shalt  }
0x68: {  	_ =	shalt  }
0x69: {  	_ =	shalt  }
0x6a: {  	_ =	shalt  }
0x6b: {  	_ =	shalt  }
0x6c: {  	_ =	shalt  }
0x6d: {  	_ =	shalt  }
0x6e: {  	_ =	shalt  }
0x6f: {  	_ =	shalt  }
0x70: {  	_ =	shalt  }
0x71: {  	_ =	shalt  }
0x72: {  	_ =	shalt  }
0x73: {  	_ =	shalt  }
0x74: {  	_ =	shalt  }
0x75: {  	_ =	shalt  }
0x76: {  	_ =	shalt  }
0x77: {  	_ =	shalt  }
0x78: {  	_ =	shalt  }
0x79: {  	_ =	shalt  }
0x7a: {  	_ =	shalt  }
0x7b: {  	_ =	shalt  }
0x7c: {  	_ =	shalt  }
0x7d: {  	_ =	shalt  }
0x7e: {  	_ =	shalt  }
0x7f: {  	_ =	shalt  }
0x80: {  	_ =	shalt  }
0x81: {  	_ =	shalt  }
0x82: {  	_ =	shalt  }
0x83: {  	_ =	shalt  }
0x84: {  	_ =	shalt  }
0x85: {  	_ =	shalt  }
0x86: {  	_ =	shalt  }
0x87: {  	_ =	shalt  }
.Lfunc_end0:
.L_simem_size_0:
called_computation.4_lowered:
.L_overlay_start_0:
0x88: {  	s2 =	sld [smem:$0x3FD9]  }
0x89: {  	s3 =	sld [smem:$0x3FFE];
	_ =	sdelay $0x1  }
0x8a: {  	s1 =	srdreg.scid  }
0x8b: {  	s0 =	sand.u32 $0x1, s1  }
0x8c: {  	s16 =	sshll.u32 s0, $0xA;
	s2 =	sadd.s32 s3, s2  }
0x8d: {  	s2 =	sadd.s32 s2, s16  }
0x8e: {  	[smem:$0x3FB2] =	sst s2  }
0x8f: {  	_ = 	snop  }
0x90: {  	(tm) =	ssettm $0x1  }
0x91: {  	s17 =	sld [smem:$0x3FFB];
	_ =	sdelay $0x3  }
0x92: {  	_ =	strace s17  }
0x93: {  	s2 =	sld [smem:$0x3FFC];
	_ =	sdelay $0x3  }
0x94: {  	_ =	strace s2  }
0x95: {  	s2 =	sld [smem:$0x3FFD];
	_ =	sdelay $0x3  }
0x96: {  	_ =	strace s2  }
0x97: {  	_ =	strace $0x8FFFFFFF  }
0x98: {  	s18 =	sld [smem:$0x3FDB];
	_ =	sdelay $0x1  }
0x99: {  	s19 =	simm.s32 $_scs_section_size  }
0x9a: {  	s4 =	simm.s32 $_size__tile_overlayer_lowered;
	s5 =	simm.s32 $_tile_overlayer_lowered  }
0x9b: {  	s22 =	simm.s32 $0x1BFF;
	s21 =	sshll.u32 s5, $0x1;
	s2 =	sadd.s32 s19, s18  }
0x9c: {  	s6 =	simm.s32 $0x0;
	s20 =	sshll.u32 s4, $0x1;
	s4 =	sadd.s32 s21, s2  }
0x9d: {  	[timem:s6], [sflag:s22] =	dma.local [hbm:s4], s20  }
0x9e: {  	_ =	swait.ge [sflag:s22], s20  }
0x9f: {  	s3 =	ssub.s32 $0x0, s20;
	[sflag:s22] =	ssyncset.done $0x0  }
0xa0: {  	[sflag:s22] =	ssyncadd.s32 s3;
	_ =	sdelay $0x1  }
0xa1: {  	s23 =	simm.s32 $0x1B8B  }
0xa2: {  	_ =	swait.ge [sflag:s23], $0x1  }
0xa3: {  	[sflag:s23] =	ssyncset.done $0x0  }
0xa4: {  	s25 =	simm.s32 $0x1B8E;
	s24 =	sld [smem:$0x3FFE];
	[sflag:s23] =	ssyncadd.s32 $0xFFFFFFFF  }
0xa5: {  	s26 =	simm.s32 $execute0_lowered;
	[smem:$0x3FD2] =	sst s25  }
0xa6: {  	s4 =	sshll.u32 s26, $0x1;
	_ =	strace $0x80000052;
	[dreg:$0x1] =	wrdreg $0xFFFFFFFF  }
0xa7: {  	s28 =	simm.s32 $_size_execute0_lowered;
	s2 =	sadd.s32 s2, s4;
	[dreg:$0x0] =	wrdreg $0x0  }
0xa8: {  	s4 =	sshll.u32 s28, $0x1;
	[dreg:$0x2] =	wrdreg s2  }
0xa9: {  	[dreg:$0x3] =	wrdreg s4  }
0xaa: {  	[dreg:$0x4] =	wrdreg $0xC0  }
0xab: {  	_ =	task [dreg:s6], $0x5FFFF  }
0xac: {  	[dreg:$0x1] =	wrdreg $0xFFFFFFFF  }
0xad: {  	[dreg:$0x0] =	wrdreg $0x60  }
0xae: {  	[dreg:$0x2] =	wrdreg s24  }
0xaf: {  	[dreg:$0x3] =	wrdreg $0x8C800  }
0xb0: {  	[dreg:$0x4] =	wrdreg $0x9  }
0xb1: {  	_ =	task.clear_ibuf [dreg:s6], $0x5FFFF;
	_ =	strace $0x90000052  }
0xb2: {  	s29 =	simm.s32 $0x9;
	_ =	strace $0x80000054  }
0xb3: {  	_ =	swait.ge [sflag:s29], $0x1  }
0xb4: {  	[sflag:s29] =	ssyncadd.s32 $0xFFFFFFFF  }
0xb5: {  	_ =	strace $0x90000054  }
0xb6: {  	_ =	sfence  }
0xb7: {  	s30 =	sld [smem:$0x0];
	_ =	sdelay $0x2  }
0xb8: {  	s31 =	sshll.u32 s1, $0xD;
	s1 =	sshrl.u32 s1, $0x2  }
0xb9: {  	s3 =	sand.u32 $0x4000, s31;
	s1 =	sadd.s32 s1, s30  }
0xba: {  	s0 =	sor.u32 s3, s0;
	s1 =	sshll.u32 s1, $0x11  }
0xbb: {  	s0 =	sor.u32 s1, s0  }
0xbc: {  	s0 =	sadd.s32 $0x8F2B, s0  }
0xbd: {  	[sflag:s0] =	ssyncadd.remote.s32 $0x1  }
0xbe: {  	_ =	sfence.sel $0xFFFF  }
0xbf: {  	[dreg:$0x0] =	wrdreg $0xFFFFFFFF;
	(pc) =	sbr.abs _section_cstart, $3  }
0xc0: {  	[dreg:$0x1] =	wrdreg $0xFFFFFFFF  }
0xc1: {  	_ =	task.clear_ibuf [dreg:s6], $0x2FFFF;
	_ =	strace $0x9FFFFFFF  }
0xc2: {  	(tm) =	ssettm $0x7FFFFFFF  }
0xc3: {  	_ =	shalt  }
tec
execute0_lowered:
.L_overlay_start_1:
0x0: {  	(tag) =	ssettag $0x1  }
0x1: {  	s0 =	rddreg [dreg:$0x0]  }
0x2: {  	s1 =	rddreg [dreg:$0x1]  }
0x3: {  	s2 =	simm.s32 $0x0;
	s5 =	srdreg.scid;
	s13 =	stileid.u32  }
0x4: {  	s17 =	simm.s32 $0x100;
	s28 =	simm.s32 $0x200;
	s29 =	simm.s32 $0x4300  }
0x5: {  	s30 =	simm.s32 $0x2;
	[smem:$0x7FF] =	sst s2;
	s4 =	sadd.s32 $0xF600, s0  }
0x6: {  	s3 =	sadd.s32 $0xA600, s0;
	s6 =	sadd.s32 $0x5600, s0;
	s9 =	smul.u32 $0x2710, s13  }
0x7: {  	s7 =	sand.u32 $0x1, s5;
	s5 =	sadd.s32 $0x5D800, s0;
	s11 =	smul.u32 $0x4E000, s13  }
0x8: {  	s0 =	sadd.s32 $0x60000, s0;
	s12 =	smul.u32 $0x270, s13;
	s23 =	sshll.u32 s13, $0x6  }
0x9: {  	s14 =	sadd.s32 $0x138000, s1;
	s16 =	smul.u32 $0x4E2, s13;
	p0 =	sne.s32 s13, $0xF  }
0xa: {  	_ =	strace $0x80000053;
	s8 =	ssub.s32 $0x2, s7;
	s31 =	smul.u32 $0x2710, s7  }
0xb: {  	s7 =	smul.u32 $0x138800, s7;
	[dreg:$0x5] =	wrdreg s14;
	s10 =	sshrl.u32 s8, $0x1  }
0xc: {  	s9 =	sshrl.u32 s9, $0x3;
	s20 =	sshrl.u32 s11, $0x2;
	s15 =	sadd.s32 s16, s6  }
0xd: {  	s16 =	sadd.s32 s16, s3;
	s10 =	ssub.s32 s8, s10;
	s19 =	sadd.s32 s3, s9  }
0xe: {  	s21 =	sadd.s32 s6, s9;
	s22 =	sadd.s32 s20, s1;
	s8 =	sor.u32 $0x1C05, s23  }
0xf: {  	s9 =	sadd.s32 $0x4E0, s9;
	s12 =	sadd.s32 s12, s31;
	s7 =	sshrl.u32 s7, $0x3  }
0x10: {  	s20 =	simm.s32 $0x3;
	s23 =	simm.s32 $0x180;
	[dreg:$0x3] =	wrdreg s19  }
0x11: {  	v0 =	vmov s31;
	s31 =	simm.s32 $0x8480;
	[dreg:$0x4] =	wrdreg s21;
	s24 =	sadd.s32 s3, s9  }
0x12: {  	s12 =	sshll.u32 s12, $0x4;
	s9 =	sadd.s32 s6, s9;
	s26 =	smax.u32 s10, $0x1  }
0x13: {  	s18 =	sshrl.u32 s22, $0x3;
	s19 =	simm.s32 $0x5;
	s21 =	simm.s32 $0x80  }
0x14: {  	s22 =	simm.s32 $0x300;
	s3 =	simm.s32 $0x10;
	[dreg:$0x6] =	wrdreg s24  }
0x15: {  	s6 =	simm.s32 $0x0;
	[dreg:$0x7] =	wrdreg s9;
	s25 =	sadd.s32 s0, s12  }
0x16: {  	s0 =	sadd.s32 s0, s7;
	[dreg:$0xa] =	wrdreg s26;
	s24 =	simm.s32 $0x280  }
0x17: {  	s26 =	simm.s32 $0x1;
	[dreg:$0x8] =	wrdreg s25;
	s0 =	sadd.s32 $0x27000, s0  }
0x18: {  	s25 =	simm.s32 $0x4;
	[dreg:$0x9] =	wrdreg s0;
	s0 =	simm.s32 $0x8400  }
.LBB2_1:
0x19: {  	s7 =	rddreg [dreg:$0x3]  }
0x1a: {  	[tilespmem:s2], [sflag:$0x3] =	stream.linear.gather [hbm4b:s7+s2], $0x80, $0x38;
	[tilespmem:$0x1C500] =	vst v63  }
0x1b: {  	s12 =	rddreg [dreg:$0x4]  }
0x1c: {  	[tilespmem:s17], [sflag:$0x3] =	stream.linear.gather [hbm4b:s12+s2], $0x80, $0x38;
	[tilespmem:$0x1C500] =	vst v63  }
0x1d: {  	[spmem:s18], [sflag:s8] =	dma.local [hbm:s5], $0x2700  }
0x1e: {  	_ =	swait.ge [sflag:s19], $0x2700  }
0x1f: {  	[sflag:s19] =	ssyncset.done $0x0;
	s7 =	rddreg [dreg:$0x5]  }
0x20: {  	s9 =	simm.s32 @!p0 $0x5;
	[sflag:s19] =	ssyncadd.s32 $0xFFFFD900;
	s7 =	sshrl.u32 @!p0 s7, $0x3  }
0x21: {  	[spmem:s7], [sflag:s8] =	dma.local @!p0 [hbm:s5], $0x100  }
0x22: {  	_ =	swait.ge @!p0 [sflag:s9], $0x100  }
0x23: {  	[sflag:s9] =	ssyncset.done @!p0 $0x0  }
0x24: {  	[sflag:s9] =	ssyncadd.s32 @!p0 $0xFFFFFF00  }
0x25: {  	[bflag:$0x0] =	sbarrier.arrive $0xFFFF  }
0x26: {  	_ =	swait.ge [sflag:s20], $0x80  }
0x27: {  	[sflag:s20] =	ssyncset.done $0x0  }
0x28: {  	[sflag:s20] =	ssyncadd.s32 $0xFFFFFF80  }
0x29: {  	_ =	swait.ge [sflag:s20], $0x80  }
0x2a: {  	[sflag:s20] =	ssyncset.done $0x0  }
0x2b: {  	[sflag:s20] =	ssyncadd.s32 $0xFFFFFF80  }
0x2c: {  	v1 =	vld [tilespmem:$0x0]  }
0x2d: {  	v2 =	vld [tilespmem:$0x10]  }
0x2e: {  	v3 =	vld [tilespmem:$0x20]  }
0x2f: {  	v4 =	vld [tilespmem:$0x30]  }
0x30: {  	v5 =	vld [tilespmem:$0x40]  }
0x31: {  	v6 =	vld [tilespmem:$0x50];
	v1 =	vadd.s32 v0, v1  }
0x32: {  	[tilespmem:$0x80] =	vst v1;
	v1 =	vadd.s32 v0, v2;
	v2 =	vld [tilespmem:$0x60]  }
0x33: {  	[tilespmem:$0x90] =	vst v1;
	v1 =	vadd.s32 v0, v3;
	v3 =	vld [tilespmem:$0x70]  }
0x34: {  	[tilespmem:$0xA0] =	vst v1;
	v1 =	vadd.s32 v0, v4  }
0x35: {  	[tilespmem:$0xB0] =	vst v1;
	v1 =	vadd.s32 v0, v5  }
0x36: {  	[tilespmem:$0xC0] =	vst v1;
	v1 =	vadd.s32 v0, v6  }
0x37: {  	[tilespmem:$0xD0] =	vst v1;
	v1 =	vadd.s32 v0, v2  }
0x38: {  	[tilespmem:$0xE0] =	vst v1;
	v1 =	vadd.s32 v0, v3  }
0x39: {  	s13 =	sadd.s32 $0x0, s16;
	[tilespmem:$0xF0] =	vst v1  }
0x3a: {  	[tilespmem:s22], [sflag:$0x1] =	stream.indirect.gather [hbm4b:s4+s21], $0x80, s21, s21, $0xb8;
	[tilespmem:$0x1C500] =	vst v63  }
0x3b: {  	s10 =	sadd.s32 $0x0, s15;
	s9 =	sadd.s32 $0x10, s13  }
0x3c: {  	[tilespmem:s23], [sflag:$0x4] =	stream.linear.gather [hbm4b:s9+s2], $0x80, $0x38;
	[tilespmem:$0x1C500] =	vst v63  }
0x3d: {  	s14 =	sadd.s32 $0x10, s10  }
0x3e: {  	[tilespmem:s24], [sflag:$0x4] =	stream.linear.gather [hbm4b:s14+s2], $0x80, $0x38;
	[tilespmem:$0x1C500] =	vst v63  }
0x3f: {  	_ =	swait.ge [sflag:s25], $0x80  }
0x40: {  	[sflag:s25] =	ssyncset.done $0x0  }
0x41: {  	[sflag:s25] =	ssyncadd.s32 $0xFFFFFF80  }
0x42: {  	_ =	swait.ge [sflag:s25], $0x80  }
0x43: {  	[sflag:s25] =	ssyncset.done $0x0  }
0x44: {  	[sflag:s25] =	ssyncadd.s32 $0xFFFFFF80  }
0x45: {  	v4 =	vld [tilespmem:$0x180]  }
0x46: {  	v3 =	vld [tilespmem:$0x190]  }
0x47: {  	v2 =	vld [tilespmem:$0x1A0]  }
0x48: {  	s10 =	simm.s32 $0x20;
	s9 =	simm.s32 $0x0;
	v1 =	vld [tilespmem:$0x1B0]  }
.LBB2_2:
0x49: {  	v5 =	vld [tilespmem:$0x1C0];
	s11 =	smov.u32 s10;
	s10 =	sadd.s32 $0x20, s10  }
0x4a: {  	p1 =	sne.s32 s10, $0x4E0;
	v4 =	vadd.s32 v0, v4;
	v6 =	vld [tilespmem:$0x1D0]  }
0x4b: {  	[tilespmem:$0x200] =	vst v4;
	v3 =	vadd.s32 v0, v3;
	v4 =	vld [tilespmem:$0x1E0]  }
0x4c: {  	[tilespmem:$0x210] =	vst v3;
	v2 =	vadd.s32 v0, v2;
	v3 =	vld [tilespmem:$0x1F0]  }
0x4d: {  	[tilespmem:$0x220] =	vst v2;
	v1 =	vadd.s32 v0, v1  }
0x4e: {  	[tilespmem:$0x230] =	vst v1;
	v1 =	vadd.s32 v0, v5  }
0x4f: {  	[tilespmem:$0x240] =	vst v1;
	v1 =	vadd.s32 v0, v6  }
0x50: {  	[tilespmem:$0x250] =	vst v1;
	v1 =	vadd.s32 v0, v4  }
0x51: {  	[tilespmem:$0x260] =	vst v1;
	v1 =	vadd.s32 v0, v3  }
0x52: {  	[tilespmem:$0x270] =	vst v1;
	_ =	sdelay $0x1  }
0x53: {  	_ =	swait.ge [sflag:s26], $0x4000  }
0x54: {  	[sflag:s26] =	ssyncset.done $0x0  }
0x55: {  	[sflag:s26] =	ssyncadd.s32 $0xFFFFC000  }
0x56: {  	[tilespmem:s29], [sflag:$0x2] =	stream.indirect.gather [hbm4b:s4+s21], $0x80, s28, s21, $0xb8;
	[tilespmem:$0x1C500] =	vst v63  }
0x57: {  	_ = 	snop  }
0x58: {  	[spmem:s1] =	stream.indirect.scatter.add.f32 [tilespmem:s22], [sflag:$0x5], $0x80, s17, s21, $0xb8;
	[tilespmem:$0x1C500] =	vst v63  }
0x59: {  	p2 =	seq.s32 s9, $0x4C0;
	_ =	swait.ge [sflag:s19], $0x4000  }
0x5a: {  	s12 =	sadd.s32 @!p2 s9, s16;
	s9 =	sadd.s32 @!p2 s9, s15;
	[sflag:s19] =	ssyncset.done $0x0  }
0x5b: {  	s13 =	simm.s32 @!p2 $0x0;
	s12 =	sadd.s32 @!p2 $0x20, s12;
	[sflag:s19] =	ssyncadd.s32 $0xFFFFC000  }
0x5c: {  	[tilespmem:s13], [sflag:$0x3] =	stream.linear.gather @!p2 [hbm4b:s12+s13], $0x80, $0x38;
	[tilespmem:$0x1C500] =	vst v63  }
0x5d: {  	s14 =	simm.s32 @!p2 $0x3;
	s9 =	sadd.s32 @!p2 $0x20, s9;
	s12 =	simm.s32 @!p2 $0x100  }
0x5e: {  	[tilespmem:s12], [sflag:$0x3] =	stream.linear.gather @!p2 [hbm4b:s9+s13], $0x80, $0x38;
	[tilespmem:$0x1C500] =	vst v63  }
0x5f: {  	s9 =	smov.u32 s11;
	_ =	swait.ge @!p2 [sflag:s14], $0x80  }
0x60: {  	[sflag:s14] =	ssyncset.done @!p2 $0x0  }
0x61: {  	[sflag:s14] =	ssyncadd.s32 @!p2 $0xFFFFFF80  }
0x62: {  	_ =	swait.ge @!p2 [sflag:s14], $0x80  }
0x63: {  	[sflag:s14] =	ssyncset.done @!p2 $0x0  }
0x64: {  	[sflag:s14] =	ssyncadd.s32 @!p2 $0xFFFFFF80  }
0x65: {  	v1 =	vld @!p2 [tilespmem:$0x70]  }
0x66: {  	v2 =	vld @!p2 [tilespmem:$0x30]  }
0x67: {  	v3 =	vld @!p2 [tilespmem:$0x50]  }
0x68: {  	v4 =	vld @!p2 [tilespmem:$0x60]  }
0x69: {  	v5 =	vld @!p2 [tilespmem:$0x20]  }
0x6a: {  	v6 =	vld @!p2 [tilespmem:$0x10];
	v1 =	vadd.s32 @!p2 v0, v1  }
0x6b: {  	v2 =	vadd.s32 @!p2 v0, v2;
	v7 =	vld @!p2 [tilespmem:$0x40];
	[tilespmem:$0xF0] =	vst @!p2 v1  }
0x6c: {  	v1 =	vld @!p2 [tilespmem:$0x0];
	[tilespmem:$0xB0] =	vst @!p2 v2;
	v2 =	vadd.s32 @!p2 v0, v3  }
0x6d: {  	[tilespmem:$0xD0] =	vst @!p2 v2;
	v2 =	vadd.s32 @!p2 v0, v4  }
0x6e: {  	v3 =	vadd.s32 @!p2 v0, v5;
	[tilespmem:$0xE0] =	vst @!p2 v2  }
0x6f: {  	v2 =	vadd.s32 @!p2 v0, v6;
	[tilespmem:$0xA0] =	vst @!p2 v3  }
0x70: {  	[tilespmem:$0x90] =	vst @!p2 v2;
	v2 =	vadd.s32 @!p2 v0, v7  }
0x71: {  	v1 =	vadd.s32 @!p2 v0, v1;
	[tilespmem:$0xC0] =	vst @!p2 v2  }
0x72: {  	s11 =	simm.s32 @!p2 $0x80;
	s12 =	simm.s32 @!p2 $0x300;
	[tilespmem:$0x80] =	vst @!p2 v1  }
0x73: {  	[tilespmem:s12], [sflag:$0x1] =	stream.indirect.gather @!p2 [hbm4b:s4+s11], $0x80, s11, s11, $0xb8;
	[tilespmem:$0x1C500] =	vst v63  }
0x74: {  	_ =	swait.ge [sflag:s30], $0x4000  }
0x75: {  	[sflag:s30] =	ssyncset.done $0x0  }
0x76: {  	[sflag:s30] =	ssyncadd.s32 $0xFFFFC000  }
0x77: {  	[spmem:s1] =	stream.indirect.scatter.add.f32 [tilespmem:s29], [sflag:$0x5], $0x80, s24, s21, $0xb8;
	[tilespmem:$0x1C500] =	vst v63  }
0x78: {  	_ =	swait.ge [sflag:s19], $0x4000  }
0x79: {  	s11 =	sadd.s32 s9, s16;
	[sflag:s19] =	ssyncset.done $0x0  }
0x7a: {  	s12 =	sadd.s32 s9, s15;
	s11 =	sadd.s32 $0x10, s11;
	[sflag:s19] =	ssyncadd.s32 $0xFFFFC000  }
0x7b: {  	[tilespmem:s23], [sflag:$0x4] =	stream.linear.gather [hbm4b:s11+s2], $0x80, $0x38;
	[tilespmem:$0x1C500] =	vst v63  }
0x7c: {  	s11 =	sadd.s32 $0x10, s12  }
0x7d: {  	[tilespmem:s24], [sflag:$0x4] =	stream.linear.gather [hbm4b:s11+s2], $0x80, $0x38;
	[tilespmem:$0x1C500] =	vst v63  }
0x7e: {  	_ =	swait.ge [sflag:s25], $0x80  }
0x7f: {  	[sflag:s25] =	ssyncset.done $0x0  }
0x80: {  	[sflag:s25] =	ssyncadd.s32 $0xFFFFFF80  }
0x81: {  	_ =	swait.ge [sflag:s25], $0x80  }
0x82: {  	[sflag:s25] =	ssyncset.done $0x0  }
.Ltmp0:
0x83: {  	[sflag:s25] =	ssyncadd.s32 $0xFFFFFF80;
	(pc) =	sbr.rel @p1 .LBB2_2-.Ltmp0, $4  }
0x84: {  	v4 =	vld [tilespmem:$0x180]  }
0x85: {  	v3 =	vld [tilespmem:$0x190]  }
0x86: {  	v2 =	vld [tilespmem:$0x1A0]  }
0x87: {  	v1 =	vld [tilespmem:$0x1B0]  }
0x88: {  	v5 =	vld [tilespmem:$0x1C0]  }
0x89: {  	v6 =	vld [tilespmem:$0x1D0];
	v4 =	vadd.s32 v0, v4  }
0x8a: {  	v63 =	vld [tilespmem:$0x1E0];
	[tilespmem:$0x200] =	vst v4;
	v3 =	vadd.s32 v0, v3  }
0x8b: {  	[tilespmem:$0x210] =	vst v3;
	v2 =	vadd.s32 v0, v2;
	v3 =	vld [tilespmem:$0x1F0]  }
0x8c: {  	[tilespmem:$0x220] =	vst v2;
	v1 =	vadd.s32 v0, v1  }
0x8d: {  	[tilespmem:$0x230] =	vst v1;
	v1 =	vadd.s32 v0, v5  }
0x8e: {  	[tilespmem:$0x240] =	vst v1;
	v1 =	vadd.s32 v0, v6  }
0x8f: {  	[tilespmem:$0x250] =	vst v1;
	v1 =	vadd.s32 v0, v63  }
0x90: {  	[tilespmem:$0x260] =	vst v1;
	v1 =	vadd.s32 v0, v3  }
0x91: {  	[tilespmem:$0x270] =	vst v1  }
0x92: {  	_ =	swait.ge [sflag:s26], $0x4000  }
0x93: {  	[sflag:s26] =	ssyncset.done $0x0  }
0x94: {  	[sflag:s26] =	ssyncadd.s32 $0xFFFFC000  }
0x95: {  	[tilespmem:s29], [sflag:$0x2] =	stream.indirect.gather [hbm4b:s4+s21], $0x80, s28, s21, $0xb8;
	[tilespmem:$0x1C500] =	vst v63  }
0x96: {  	_ = 	snop  }
0x97: {  	[spmem:s1] =	stream.indirect.scatter.add.f32 [tilespmem:s22], [sflag:$0x5], $0x80, s17, s21, $0xb8;
	[tilespmem:$0x1C500] =	vst v63  }
0x98: {  	p1 =	seq.s32 s9, $0x4C0;
	_ =	swait.ge [sflag:s19], $0x4000  }
0x99: {  	s10 =	sadd.s32 @!p1 s9, s16;
	s9 =	sadd.s32 @!p1 s9, s15;
	[sflag:s19] =	ssyncset.done $0x0  }
0x9a: {  	s11 =	simm.s32 @!p1 $0x0;
	s10 =	sadd.s32 @!p1 $0x20, s10;
	[sflag:s19] =	ssyncadd.s32 $0xFFFFC000  }
0x9b: {  	[tilespmem:s11], [sflag:$0x3] =	stream.linear.gather @!p1 [hbm4b:s10+s11], $0x80, $0x38;
	[tilespmem:$0x1C500] =	vst v63  }
0x9c: {  	s9 =	sadd.s32 @!p1 $0x20, s9;
	s10 =	simm.s32 @!p1 $0x100  }
0x9d: {  	[tilespmem:s10], [sflag:$0x3] =	stream.linear.gather @!p1 [hbm4b:s9+s11], $0x80, $0x38;
	[tilespmem:$0x1C500] =	vst v63  }
0x9e: {  	s9 =	simm.s32 @!p1 $0x3  }
0x9f: {  	_ =	swait.ge @!p1 [sflag:s9], $0x80  }
0xa0: {  	[sflag:s9] =	ssyncset.done @!p1 $0x0  }
0xa1: {  	[sflag:s9] =	ssyncadd.s32 @!p1 $0xFFFFFF80  }
0xa2: {  	_ =	swait.ge @!p1 [sflag:s9], $0x80  }
0xa3: {  	[sflag:s9] =	ssyncset.done @!p1 $0x0  }
0xa4: {  	[sflag:s9] =	ssyncadd.s32 @!p1 $0xFFFFFF80  }
0xa5: {  	v1 =	vld @!p1 [tilespmem:$0x70]  }
0xa6: {  	v2 =	vld @!p1 [tilespmem:$0x30]  }
0xa7: {  	v3 =	vld @!p1 [tilespmem:$0x50]  }
0xa8: {  	v5 =	vld @!p1 [tilespmem:$0x20]  }
0xa9: {  	v4 =	vld @!p1 [tilespmem:$0x60]  }
0xaa: {  	v6 =	vld @!p1 [tilespmem:$0x10];
	v1 =	vadd.s32 @!p1 v0, v1  }
0xab: {  	v7 =	vld @!p1 [tilespmem:$0x40];
	v2 =	vadd.s32 @!p1 v0, v2;
	[tilespmem:$0xF0] =	vst @!p1 v1  }
0xac: {  	v1 =	vld @!p1 [tilespmem:$0x0];
	[tilespmem:$0xB0] =	vst @!p1 v2;
	v2 =	vadd.s32 @!p1 v0, v3  }
0xad: {  	v3 =	vadd.s32 @!p1 v0, v5;
	[tilespmem:$0xD0] =	vst @!p1 v2  }
0xae: {  	v2 =	vadd.s32 @!p1 v0, v4;
	[tilespmem:$0xA0] =	vst @!p1 v3  }
0xaf: {  	[tilespmem:$0xE0] =	vst @!p1 v2;
	v2 =	vadd.s32 @!p1 v0, v6  }
0xb0: {  	[tilespmem:$0x90] =	vst @!p1 v2;
	v2 =	vadd.s32 @!p1 v0, v7  }
0xb1: {  	[tilespmem:$0xC0] =	vst @!p1 v2;
	v1 =	vadd.s32 @!p1 v0, v1  }
0xb2: {  	s10 =	simm.s32 @!p1 $0x300;
	s9 =	simm.s32 @!p1 $0x80;
	[tilespmem:$0x80] =	vst @!p1 v1  }
0xb3: {  	[tilespmem:s10], [sflag:$0x1] =	stream.indirect.gather @!p1 [hbm4b:s4+s9], $0x80, s9, s9, $0xb8;
	[tilespmem:$0x1C500] =	vst v63  }
0xb4: {  	_ =	swait.ge [sflag:s30], $0x4000  }
0xb5: {  	[sflag:s30] =	ssyncset.done $0x0  }
0xb6: {  	[sflag:s30] =	ssyncadd.s32 $0xFFFFC000  }
0xb7: {  	[spmem:s1] =	stream.indirect.scatter.add.f32 [tilespmem:s29], [sflag:$0x5], $0x80, s24, s21, $0xb8;
	[tilespmem:$0x1C500] =	vst v63  }
0xb8: {  	_ =	swait.ge [sflag:s19], $0x4000  }
0xb9: {  	[sflag:s19] =	ssyncset.done $0x0  }
0xba: {  	s14 =	simm.s32 $0x8300;
	s13 =	rddreg [dreg:$0x6];
	[sflag:s19] =	ssyncadd.s32 $0xFFFFC000  }
0xbb: {  	[tilespmem:s14], [sflag:$0x5] =	stream.linear.gather [hbm4b:s13+s2], $0x10, $0x38;
	[tilespmem:$0x1C500] =	vst v63  }
0xbc: {  	_ =	swait.ge [sflag:s19], $0x10  }
0xbd: {  	[sflag:s19] =	ssyncset.done $0x0  }
0xbe: {  	s11 =	rddreg [dreg:$0x7];
	[sflag:s19] =	ssyncadd.s32 $0xFFFFFFF0  }
0xbf: {  	[tilespmem:s0], [sflag:$0x5] =	stream.linear.gather [hbm4b:s11+s2], $0x10, $0x38;
	[tilespmem:$0x1C500] =	vst v63  }
0xc0: {  	_ =	swait.ge [sflag:s19], $0x10  }
0xc1: {  	[sflag:s19] =	ssyncset.done $0x0  }
0xc2: {  	[sflag:s19] =	ssyncadd.s32 $0xFFFFFFF0  }
0xc3: {  	v1 =	vld [tilespmem:$0x8300];
	_ =	sdelay $0x4  }
0xc4: {  	v1 =	vadd.s32 v0, v1  }
0xc5: {  	s12 =	simm.s32 $0x8380;
	[tilespmem:$0x8380] =	vst v1  }
0xc6: {  	[tilespmem:s31], [sflag:$0x1] =	stream.indirect.gather [hbm4b:s4+s3], $0x80, s12, s3, $0xb8;
	[tilespmem:$0x1C500] =	vst v63  }
0xc7: {  	_ =	swait.ge [sflag:s26], $0x800  }
0xc8: {  	[sflag:s26] =	ssyncset.done $0x0  }
0xc9: {  	[sflag:s26] =	ssyncadd.s32 $0xFFFFF800  }
0xca: {  	[spmem:s1] =	stream.indirect.scatter.add.f32 [tilespmem:s31], [sflag:$0x5], $0x80, s0, s3, $0xb8;
	[tilespmem:$0x1C500] =	vst v63  }
0xcb: {  	_ =	swait.ge [sflag:s19], $0x800  }
0xcc: {  	[sflag:s19] =	ssyncset.done $0x0  }
0xcd: {  	[sflag:s19] =	ssyncadd.s32 $0xFFFFF800  }
0xce: {  	[bflag:$0x0] =	sbarrier.arrive $0xFFFF  }
0xcf: {  	s13 =	rddreg [dreg:$0x8]  }
0xd0: {  	[hbm:s13], [sflag:s8] =	dma.local [spmem:s18], $0x2700  }
0xd1: {  	_ =	swait.ge [sflag:s19], $0x2700  }
0xd2: {  	[sflag:s19] =	ssyncset.done $0x0  }
0xd3: {  	s9 =	rddreg [dreg:$0x9];
	[sflag:s19] =	ssyncadd.s32 $0xFFFFD900  }
0xd4: {  	[hbm:s9], [sflag:s8] =	dma.local @!p0 [spmem:s7], $0x100  }
0xd5: {  	s7 =	simm.s32 @!p0 $0x5  }
0xd6: {  	_ =	swait.ge @!p0 [sflag:s7], $0x100  }
0xd7: {  	s6 =	sadd.s32 $0x1, s6;
	s14 =	rddreg [dreg:$0xa]  }
0xd8: {  	p1 =	sne.s32 s6, s14  }
.Ltmp1:
0xd9: {  	_ = 	snop;
	(pc) =	sbr.rel @p1 .LBB2_1-.Ltmp1, $3  }
0xda: {  	_ =	sdelay $0x1  }
0xdb: {  	[sflag:s7] =	ssyncset.done @!p0 $0x0  }
0xdc: {  	[sflag:s7] =	ssyncadd.s32 @!p0 $0xFFFFFF00  }
0xdd: {  	_ =	sfence.sel $0x180000  }
0xde: {  	[bflag:$0x0] =	sbarrier.arrive $0xFFFF  }
0xdf: {  	_ =	strace $0x90000053  }
0xe0: {  	s0 =	stileid.u32;
	[bflag:$0x2] =	sbarrier.arrive $0xFFFF  }
0xe1: {  	p0 =	sne.s32 s0, $0x0;
	s0 =	rddreg [dreg:$0x2]  }
0xe2: {  	s0 =	sadd.s32 @!p0 $0x100000, s0  }
0xe3: {  	[sflag:s0] =	ssyncadd.tile.s32 @!p0 $0x1;
	_ =	shalt  }
.Lfunc_end2:
_tile_overlayer_lowered:
.L_overlay_start_2:
0xe4: {  	(tag) =	ssettag $0x2  }
0xe5: {  	s0 =	rddreg [dreg:$0x0];
	s2 =	stileid.u32  }
0xe6: {  	s1 =	rddreg [dreg:$0x1];
	p0 =	sne.s32 s2, $0x0  }
0xe7: {  	s3 =	rddreg [dreg:$0x2];
	[bflag:$0x3] =	sbarrier.arrive $0xFFFF;
	s2 =	simm.s32 @!p0 $0x1C05  }
0xe8: {  	[timem:s3], [sflag:s2] =	dma.local @!p0 [hbm:s0], s1  }
0xe9: {  	s0 =	simm.s32 @!p0 $0x5  }
0xea: {  	_ =	swait.ge @!p0 [sflag:s0], s1  }
0xeb: {  	s1 =	ssub.s32 @!p0 $0x0, s1;
	[sflag:s0] =	ssyncset.done @!p0 $0x0  }
0xec: {  	[sflag:s0] =	ssyncadd.s32 @!p0 s1  }
0xed: {  	[bflag:$0x3] =	sbarrier.arrive $0xFFFF  }
0xee: {  	_ =	shalt  }

// kernel: kernel.34.cloned.1.call-start
scs
__scs_entry_jumppad:
0x0: {  	(pc) =	sbr.rel $0x88, $3  }
0x1: {  	(tag) =	ssettag $0x0;
	lr =	simm.s32 $0x1  }
0x2: {  	[smem:$0x3F8B] =	sst lr;
	_ =	strace $0xD0000000  }
0x3: {  	_ = 	snop  }
0x4: {  	_ = 	snop  }
0x5: {  	_ = 	snop  }
0x6: {  	_ = 	snop  }
0x7: {  	_ = 	snop  }
__scs_overlays_trampoline_lowered:
0x8: {  	[smem:$0x3F9A] =	sst s0  }
0x9: {  	[smem:$0x3F9B] =	sst s1  }
0xa: {  	[smem:$0x3F9C] =	sst s2  }
0xb: {  	[smem:$0x3F9D] =	sst s3  }
0xc: {  	[smem:$0x3F9E] =	sst s4  }
0xd: {  	[smem:$0x3F9F] =	sst s5  }
0xe: {  	[smem:$0x3FA0] =	sst s6  }
0xf: {  	[smem:$0x3FA1] =	sst s7  }
0x10: {  	[smem:$0x3FA2] =	sst s8  }
0x11: {  	[smem:$0x3FA3] =	sst s9;
	s0 =	simm.s32 @!p0 $0x0  }
0x12: {  	s1 =	sld [smem:$0x3F89];
	s0 =	simm.s32 @p0 $0x1  }
0x13: {  	[smem:$0x3FA4] =	sst s0;
	s0 =	simm.s32 @!p1 $0x0  }
0x14: {  	s2 =	sld [smem:$0x3F88];
	s0 =	simm.s32 @p1 $0x1  }
0x15: {  	[smem:$0x3FA5] =	sst s0;
	s0 =	simm.s32 @!p2 $0x0  }
0x16: {  	s3 =	sld [smem:$0x3FDB];
	s0 =	simm.s32 @p2 $0x1  }
0x17: {  	s4 =	simm.s32 $0x1BF5;
	[smem:$0x3FA7] =	sst s0  }
0x18: {  	s0 =	sld [smem:$0x3F8A];
	_ =	swait.ge [sflag:s4], $0x0  }
0x19: {  	s7 =	sld [smem:$0x3F8B]  }
0x1a: {  	s8 =	sadd.s32 $0xFFFFE003, lr  }
0x1b: {  	s9 =	sadd.s32 $0xFFFFFEF7, lr;
	s5 =	simm.s32 $0xFFFFFFFF;
	p2 =	slt.u32 s8, $0xFFFFF086  }
0x1c: {  	p1 =	slt.u32 s9, $0xF7A;
	s5 =	simm.s32 @!p2 $0x0  }
0x1d: {  	s5 =	simm.s32 @p1 $0x1;
	p0 =	seq.s32 s7, s2  }
0x1e: {  	s7 =	smul.u32 @!p0 $0xF7A, s2;
	p2 =	seq.s32 @!p0 s5, $0x0  }
0x1f: {  	s9 =	smul.u32 $0xF7A, s1;
	s8 =	simm.s32 @!p0 $0x1BF5;
	p2 =	por !p2, p0  }
0x20: {  	[sflag:s8] =	ssyncset.s32 @!p0 $0xFFFFF086;
	s6 =	sadd.s32 @!p0 s3, s7;
	s7 =	simm.s32 @!p0 $0x108  }
0x21: {  	s3 =	sadd.s32 s3, s9;
	s6 =	sadd.s32 @!p0 $0x88, s6;
	s7 =	simm.s32 @p2 $0x1082  }
0x22: {  	[simem:s7], [sflag:s8] =	dma.local @!p0 [hbm:s6], $0xF7A  }
0x23: {  	s9 =	sor.u32 $0xD0000000, s2;
	s6 =	simm.s32 $0x108;
	_ =	swait.ge @!p0 [sflag:s8], $0x0  }
0x24: {  	s3 =	sadd.s32 $0x88, s3;
	s6 =	simm.s32 @!p1 $0x1082;
	[sflag:s4] =	ssyncset.s32 $0xFFFFF086  }
0x25: {  	[simem:s6], [sflag:s4] =	dma.local [hbm:s3], $0xF7A  }
0x26: {  	[smem:$0x3F8B] =	sst s1;
	(tag) =	ssettag s2;
	_ =	strace s9  }
0x27: {  	s1 =	sld [smem:$0x3F9B]  }
0x28: {  	s2 =	sld [smem:$0x3F9C]  }
0x29: {  	s4 =	sld [smem:$0x3F9E]  }
0x2a: {  	p0 =	seq.s32 s5, $0x0;
	s5 =	sld [smem:$0x3F9F]  }
0x2b: {  	s6 =	sld [smem:$0x3FA0]  }
0x2c: {  	s7 =	sld [smem:$0x3FA1]  }
0x2d: {  	s3 =	simm.s32 $0x108;
	s8 =	sld [smem:$0x3FA2]  }
0x2e: {  	s3 =	simm.s32 @!p0 $0x1082;
	s9 =	sld [smem:$0x3FA3]  }
0x2f: {  	lr =	sadd.s32 s0, s3;
	s0 =	sld [smem:$0x3F9A]  }
0x30: {  	s3 =	sld [smem:$0x3F9D]  }
0x31: {  	[smem:$0x3FA6] =	sst s10  }
0x32: {  	s10 =	sld [smem:$0x3FA4];
	_ =	sdelay $0x3  }
0x33: {  	p0 =	seq.s32 s10, $0x1;
	s10 =	sld [smem:$0x3FA6];
	_ =	sdelay $0x3  }
0x34: {  	[smem:$0x3FA6] =	sst s10  }
0x35: {  	s10 =	sld [smem:$0x3FA5];
	_ =	sdelay $0x3  }
0x36: {  	p1 =	seq.s32 s10, $0x1;
	s10 =	sld [smem:$0x3FA6];
	_ =	sdelay $0x3  }
0x37: {  	[smem:$0x3FA6] =	sst s10  }
0x38: {  	s10 =	sld [smem:$0x3FA7]  }
0x39: {  	_ = 	snop;
	(pc) =	sbr.ind lr, $3  }
0x3a: {  	_ = 	snop  }
0x3b: {  	_ = 	snop  }
0x3c: {  	p2 =	seq.s32 s10, $0x1;
	s10 =	sld [smem:$0x3FA6]  }
0x3d: {  	_ =	shalt  }
0x3e: {  	_ =	shalt  }
0x3f: {  	_ =	shalt  }
0x40: {  	_ =	shalt  }
0x41: {  	_ =	shalt  }
0x42: {  	_ =	shalt  }
0x43: {  	_ =	shalt  }
0x44: {  	_ =	shalt  }
0x45: {  	_ =	shalt  }
0x46: {  	_ =	shalt  }
0x47: {  	_ =	shalt  }
0x48: {  	_ =	shalt  }
0x49: {  	_ =	shalt  }
0x4a: {  	_ =	shalt  }
0x4b: {  	_ =	shalt  }
0x4c: {  	_ =	shalt  }
0x4d: {  	_ =	shalt  }
0x4e: {  	_ =	shalt  }
0x4f: {  	_ =	shalt  }
0x50: {  	_ =	shalt  }
0x51: {  	_ =	shalt  }
0x52: {  	_ =	shalt  }
0x53: {  	_ =	shalt  }
0x54: {  	_ =	shalt  }
0x55: {  	_ =	shalt  }
0x56: {  	_ =	shalt  }
0x57: {  	_ =	shalt  }
0x58: {  	_ =	shalt  }
0x59: {  	_ =	shalt  }
0x5a: {  	_ =	shalt  }
0x5b: {  	_ =	shalt  }
0x5c: {  	_ =	shalt  }
0x5d: {  	_ =	shalt  }
0x5e: {  	_ =	shalt  }
0x5f: {  	_ =	shalt  }
0x60: {  	_ =	shalt  }
0x61: {  	_ =	shalt  }
0x62: {  	_ =	shalt  }
0x63: {  	_ =	shalt  }
0x64: {  	_ =	shalt  }
0x65: {  	_ =	shalt  }
0x66: {  	_ =	shalt  }
0x67: {  	_ =	shalt  }
0x68: {  	_ =	shalt  }
0x69: {  	_ =	shalt  }
0x6a: {  	_ =	shalt  }
0x6b: {  	_ =	shalt  }
0x6c: {  	_ =	shalt  }
0x6d: {  	_ =	shalt  }
0x6e: {  	_ =	shalt  }
0x6f: {  	_ =	shalt  }
0x70: {  	_ =	shalt  }
0x71: {  	_ =	shalt  }
0x72: {  	_ =	shalt  }
0x73: {  	_ =	shalt  }
0x74: {  	_ =	shalt  }
0x75: {  	_ =	shalt  }
0x76: {  	_ =	shalt  }
0x77: {  	_ =	shalt  }
0x78: {  	_ =	shalt  }
0x79: {  	_ =	shalt  }
0x7a: {  	_ =	shalt  }
0x7b: {  	_ =	shalt  }
0x7c: {  	_ =	shalt  }
0x7d: {  	_ =	shalt  }
0x7e: {  	_ =	shalt  }
0x7f: {  	_ =	shalt  }
0x80: {  	_ =	shalt  }
0x81: {  	_ =	shalt  }
0x82: {  	_ =	shalt  }
0x83: {  	_ =	shalt  }
0x84: {  	_ =	shalt  }
0x85: {  	_ =	shalt  }
0x86: {  	_ =	shalt  }
0x87: {  	_ =	shalt  }
.Lfunc_end0:
.L_simem_size_0:
called_computation.5_lowered:
.L_overlay_start_0:
0x88: {  	s2 =	sld [smem:$0x3FD9]  }
0x89: {  	s3 =	sld [smem:$0x3FFE];
	_ =	sdelay $0x1  }
0x8a: {  	s1 =	srdreg.scid  }
0x8b: {  	s0 =	sand.u32 $0x1, s1  }
0x8c: {  	s16 =	sshll.u32 s0, $0xA;
	s2 =	sadd.s32 s3, s2  }
0x8d: {  	s2 =	sadd.s32 s2, s16  }
0x8e: {  	[smem:$0x3FB2] =	sst s2  }
0x8f: {  	_ = 	snop  }
0x90: {  	(tm) =	ssettm $0x1  }
0x91: {  	s17 =	sld [smem:$0x3FFB];
	_ =	sdelay $0x3  }
0x92: {  	_ =	strace s17  }
0x93: {  	s2 =	sld [smem:$0x3FFC];
	_ =	sdelay $0x3  }
0x94: {  	_ =	strace s2  }
0x95: {  	s2 =	sld [smem:$0x3FFD];
	_ =	sdelay $0x3  }
0x96: {  	_ =	strace s2  }
0x97: {  	_ =	strace $0x8FFFFFFF  }
0x98: {  	s18 =	sld [smem:$0x3FDB];
	_ =	sdelay $0x1  }
0x99: {  	s19 =	simm.s32 $_scs_section_size  }
0x9a: {  	s4 =	simm.s32 $_size__tile_overlayer_lowered;
	s5 =	simm.s32 $_tile_overlayer_lowered  }
0x9b: {  	s22 =	simm.s32 $0x1BFF;
	s21 =	sshll.u32 s5, $0x1;
	s2 =	sadd.s32 s19, s18  }
0x9c: {  	s6 =	simm.s32 $0x0;
	s20 =	sshll.u32 s4, $0x1;
	s4 =	sadd.s32 s21, s2  }
0x9d: {  	[timem:s6], [sflag:s22] =	dma.local [hbm:s4], s20  }
0x9e: {  	_ =	swait.ge [sflag:s22], s20  }
0x9f: {  	s3 =	ssub.s32 $0x0, s20;
	[sflag:s22] =	ssyncset.done $0x0  }
0xa0: {  	[sflag:s22] =	ssyncadd.s32 s3;
	_ =	sdelay $0x1  }
0xa1: {  	s23 =	simm.s32 $0x1B8B  }
0xa2: {  	_ =	swait.ge [sflag:s23], $0x1  }
0xa3: {  	[sflag:s23] =	ssyncset.done $0x0  }
0xa4: {  	s25 =	simm.s32 $0x1B8E;
	s24 =	sld [smem:$0x3FFE];
	[sflag:s23] =	ssyncadd.s32 $0xFFFFFFFF  }
0xa5: {  	s26 =	simm.s32 $execute0_lowered;
	[smem:$0x3FD2] =	sst s25  }
0xa6: {  	s4 =	sshll.u32 s26, $0x1;
	_ =	strace $0x80000055;
	[dreg:$0x1] =	wrdreg $0xFFFFFFFF  }
0xa7: {  	s28 =	simm.s32 $_size_execute0_lowered;
	s2 =	sadd.s32 s2, s4;
	[dreg:$0x0] =	wrdreg $0x0  }
0xa8: {  	s4 =	sshll.u32 s28, $0x1;
	[dreg:$0x2] =	wrdreg s2  }
0xa9: {  	[dreg:$0x3] =	wrdreg s4  }
0xaa: {  	[dreg:$0x4] =	wrdreg $0xC0  }
0xab: {  	_ =	task [dreg:s6], $0x5FFFF  }
0xac: {  	[dreg:$0x1] =	wrdreg $0xFFFFFFFF  }
0xad: {  	[dreg:$0x0] =	wrdreg $0x60  }
0xae: {  	[dreg:$0x2] =	wrdreg s24  }
0xaf: {  	[dreg:$0x3] =	wrdreg $0x8C800  }
0xb0: {  	[dreg:$0x4] =	wrdreg $0x9  }
0xb1: {  	_ =	task.clear_ibuf [dreg:s6], $0x5FFFF;
	_ =	strace $0x90000055  }
0xb2: {  	s29 =	simm.s32 $0x9;
	_ =	strace $0x80000057  }
0xb3: {  	_ =	swait.ge [sflag:s29], $0x1  }
0xb4: {  	[sflag:s29] =	ssyncadd.s32 $0xFFFFFFFF  }
0xb5: {  	_ =	strace $0x90000057  }
0xb6: {  	_ =	sfence  }
0xb7: {  	s30 =	sld [smem:$0x0];
	_ =	sdelay $0x2  }
0xb8: {  	s31 =	sshll.u32 s1, $0xD;
	s1 =	sshrl.u32 s1, $0x2  }
0xb9: {  	s3 =	sand.u32 $0x4000, s31;
	s1 =	sadd.s32 s1, s30  }
0xba: {  	s0 =	sor.u32 s3, s0;
	s1 =	sshll.u32 s1, $0x11  }
0xbb: {  	s0 =	sor.u32 s1, s0  }
0xbc: {  	s0 =	sadd.s32 $0x8F2B, s0  }
0xbd: {  	[sflag:s0] =	ssyncadd.remote.s32 $0x1  }
0xbe: {  	_ =	sfence.sel $0xFFFF  }
0xbf: {  	[dreg:$0x0] =	wrdreg $0xFFFFFFFF;
	(pc) =	sbr.abs _section_cstart, $3  }
0xc0: {  	[dreg:$0x1] =	wrdreg $0xFFFFFFFF  }
0xc1: {  	_ =	task.clear_ibuf [dreg:s6], $0x2FFFF;
	_ =	strace $0x9FFFFFFF  }
0xc2: {  	(tm) =	ssettm $0x7FFFFFFF  }
0xc3: {  	_ =	shalt  }
tec
execute0_lowered:
.L_overlay_start_1:
0x0: {  	(tag) =	ssettag $0x1  }
0x1: {  	s0 =	rddreg [dreg:$0x0]  }
0x2: {  	s1 =	rddreg [dreg:$0x1]  }
0x3: {  	s2 =	simm.s32 $0x0;
	s5 =	srdreg.scid;
	s13 =	stileid.u32  }
0x4: {  	s17 =	simm.s32 $0x100;
	s28 =	simm.s32 $0x200;
	s29 =	simm.s32 $0x4300  }
0x5: {  	s30 =	simm.s32 $0x2;
	[smem:$0x7FF] =	sst s2;
	s4 =	sadd.s32 $0xF600, s0  }
0x6: {  	s3 =	sadd.s32 $0xA600, s0;
	s6 =	sadd.s32 $0x5600, s0;
	s9 =	smul.u32 $0x2710, s13  }
0x7: {  	s7 =	sand.u32 $0x1, s5;
	s5 =	sadd.s32 $0x5D800, s0;
	s11 =	smul.u32 $0x4E000, s13  }
0x8: {  	s0 =	sadd.s32 $0x60000, s0;
	s12 =	smul.u32 $0x270, s13;
	s23 =	sshll.u32 s13, $0x6  }
0x9: {  	s14 =	sadd.s32 $0x138000, s1;
	s16 =	smul.u32 $0x4E2, s13;
	p0 =	sne.s32 s13, $0xF  }
0xa: {  	_ =	strace $0x80000056;
	s8 =	ssub.s32 $0x2, s7;
	s31 =	smul.u32 $0x2710, s7  }
0xb: {  	s7 =	smul.u32 $0x138800, s7;
	[dreg:$0x5] =	wrdreg s14;
	s10 =	sshrl.u32 s8, $0x1  }
0xc: {  	s9 =	sshrl.u32 s9, $0x3;
	s20 =	sshrl.u32 s11, $0x2;
	s15 =	sadd.s32 s16, s6  }
0xd: {  	s16 =	sadd.s32 s16, s3;
	s10 =	ssub.s32 s8, s10;
	s19 =	sadd.s32 s3, s9  }
0xe: {  	s21 =	sadd.s32 s6, s9;
	s22 =	sadd.s32 s20, s1;
	s8 =	sor.u32 $0x1C05, s23  }
0xf: {  	s9 =	sadd.s32 $0x4E0, s9;
	s12 =	sadd.s32 s12, s31;
	s7 =	sshrl.u32 s7, $0x3  }
0x10: {  	s20 =	simm.s32 $0x3;
	s23 =	simm.s32 $0x180;
	[dreg:$0x3] =	wrdreg s19  }
0x11: {  	v0 =	vmov s31;
	s31 =	simm.s32 $0x8480;
	[dreg:$0x4] =	wrdreg s21;
	s24 =	sadd.s32 s3, s9  }
0x12: {  	s12 =	sshll.u32 s12, $0x4;
	s9 =	sadd.s32 s6, s9;
	s26 =	smax.u32 s10, $0x1  }
0x13: {  	s18 =	sshrl.u32 s22, $0x3;
	s19 =	simm.s32 $0x5;
	s21 =	simm.s32 $0x80  }
0x14: {  	s22 =	simm.s32 $0x300;
	s3 =	simm.s32 $0x10;
	[dreg:$0x6] =	wrdreg s24  }
0x15: {  	s6 =	simm.s32 $0x0;
	[dreg:$0x7] =	wrdreg s9;
	s25 =	sadd.s32 s0, s12  }
0x16: {  	s0 =	sadd.s32 s0, s7;
	[dreg:$0xa] =	wrdreg s26;
	s24 =	simm.s32 $0x280  }
0x17: {  	s26 =	simm.s32 $0x1;
	[dreg:$0x8] =	wrdreg s25;
	s0 =	sadd.s32 $0x27000, s0  }
0x18: {  	s25 =	simm.s32 $0x4;
	[dreg:$0x9] =	wrdreg s0;
	s0 =	simm.s32 $0x8400  }
.LBB2_1:
0x19: {  	s7 =	rddreg [dreg:$0x3]  }
0x1a: {  	[tilespmem:s2], [sflag:$0x3] =	stream.linear.gather [hbm4b:s7+s2], $0x80, $0x38;
	[tilespmem:$0x1C500] =	vst v63  }
0x1b: {  	s12 =	rddreg [dreg:$0x4]  }
0x1c: {  	[tilespmem:s17], [sflag:$0x3] =	stream.linear.gather [hbm4b:s12+s2], $0x80, $0x38;
	[tilespmem:$0x1C500] =	vst v63  }
0x1d: {  	[spmem:s18], [sflag:s8] =	dma.local [hbm:s5], $0x2700  }
0x1e: {  	_ =	swait.ge [sflag:s19], $0x2700  }
0x1f: {  	[sflag:s19] =	ssyncset.done $0x0;
	s7 =	rddreg [dreg:$0x5]  }
0x20: {  	s9 =	simm.s32 @!p0 $0x5;
	[sflag:s19] =	ssyncadd.s32 $0xFFFFD900;
	s7 =	sshrl.u32 @!p0 s7, $0x3  }
0x21: {  	[spmem:s7], [sflag:s8] =	dma.local @!p0 [hbm:s5], $0x100  }
0x22: {  	_ =	swait.ge @!p0 [sflag:s9], $0x100  }
0x23: {  	[sflag:s9] =	ssyncset.done @!p0 $0x0  }
0x24: {  	[sflag:s9] =	ssyncadd.s32 @!p0 $0xFFFFFF00  }
0x25: {  	[bflag:$0x0] =	sbarrier.arrive $0xFFFF  }
0x26: {  	_ =	swait.ge [sflag:s20], $0x80  }
0x27: {  	[sflag:s20] =	ssyncset.done $0x0  }
0x28: {  	[sflag:s20] =	ssyncadd.s32 $0xFFFFFF80  }
0x29: {  	_ =	swait.ge [sflag:s20], $0x80  }
0x2a: {  	[sflag:s20] =	ssyncset.done $0x0  }
0x2b: {  	[sflag:s20] =	ssyncadd.s32 $0xFFFFFF80  }
0x2c: {  	v1 =	vld [tilespmem:$0x0]  }
0x2d: {  	v2 =	vld [tilespmem:$0x10]  }
0x2e: {  	v3 =	vld [tilespmem:$0x20]  }
0x2f: {  	v4 =	vld [tilespmem:$0x30]  }
0x30: {  	v5 =	vld [tilespmem:$0x40]  }
0x31: {  	v6 =	vld [tilespmem:$0x50];
	v1 =	vadd.s32 v0, v1  }
0x32: {  	[tilespmem:$0x80] =	vst v1;
	v1 =	vadd.s32 v0, v2;
	v2 =	vld [tilespmem:$0x60]  }
0x33: {  	[tilespmem:$0x90] =	vst v1;
	v1 =	vadd.s32 v0, v3;
	v3 =	vld [tilespmem:$0x70]  }
0x34: {  	[tilespmem:$0xA0] =	vst v1;
	v1 =	vadd.s32 v0, v4  }
0x35: {  	[tilespmem:$0xB0] =	vst v1;
	v1 =	vadd.s32 v0, v5  }
0x36: {  	[tilespmem:$0xC0] =	vst v1;
	v1 =	vadd.s32 v0, v6  }
0x37: {  	[tilespmem:$0xD0] =	vst v1;
	v1 =	vadd.s32 v0, v2  }
0x38: {  	[tilespmem:$0xE0] =	vst v1;
	v1 =	vadd.s32 v0, v3  }
0x39: {  	s13 =	sadd.s32 $0x0, s16;
	[tilespmem:$0xF0] =	vst v1  }
0x3a: {  	[tilespmem:s22], [sflag:$0x1] =	stream.indirect.gather [hbm4b:s4+s21], $0x80, s21, s21, $0xb8;
	[tilespmem:$0x1C500] =	vst v63  }
0x3b: {  	s10 =	sadd.s32 $0x0, s15;
	s9 =	sadd.s32 $0x10, s13  }
0x3c: {  	[tilespmem:s23], [sflag:$0x4] =	stream.linear.gather [hbm4b:s9+s2], $0x80, $0x38;
	[tilespmem:$0x1C500] =	vst v63  }
0x3d: {  	s14 =	sadd.s32 $0x10, s10  }
0x3e: {  	[tilespmem:s24], [sflag:$0x4] =	stream.linear.gather [hbm4b:s14+s2], $0x80, $0x38;
	[tilespmem:$0x1C500] =	vst v63  }
0x3f: {  	_ =	swait.ge [sflag:s25], $0x80  }
0x40: {  	[sflag:s25] =	ssyncset.done $0x0  }
0x41: {  	[sflag:s25] =	ssyncadd.s32 $0xFFFFFF80  }
0x42: {  	_ =	swait.ge [sflag:s25], $0x80  }
0x43: {  	[sflag:s25] =	ssyncset.done $0x0  }
0x44: {  	[sflag:s25] =	ssyncadd.s32 $0xFFFFFF80  }
0x45: {  	v4 =	vld [tilespmem:$0x180]  }
0x46: {  	v3 =	vld [tilespmem:$0x190]  }
0x47: {  	v2 =	vld [tilespmem:$0x1A0]  }
0x48: {  	s10 =	simm.s32 $0x20;
	s9 =	simm.s32 $0x0;
	v1 =	vld [tilespmem:$0x1B0]  }
.LBB2_2:
0x49: {  	v5 =	vld [tilespmem:$0x1C0];
	s11 =	smov.u32 s10;
	s10 =	sadd.s32 $0x20, s10  }
0x4a: {  	p1 =	sne.s32 s10, $0x4E0;
	v4 =	vadd.s32 v0, v4;
	v6 =	vld [tilespmem:$0x1D0]  }
0x4b: {  	[tilespmem:$0x200] =	vst v4;
	v3 =	vadd.s32 v0, v3;
	v4 =	vld [tilespmem:$0x1E0]  }
0x4c: {  	[tilespmem:$0x210] =	vst v3;
	v2 =	vadd.s32 v0, v2;
	v3 =	vld [tilespmem:$0x1F0]  }
0x4d: {  	[tilespmem:$0x220] =	vst v2;
	v1 =	vadd.s32 v0, v1  }
0x4e: {  	[tilespmem:$0x230] =	vst v1;
	v1 =	vadd.s32 v0, v5  }
0x4f: {  	[tilespmem:$0x240] =	vst v1;
	v1 =	vadd.s32 v0, v6  }
0x50: {  	[tilespmem:$0x250] =	vst v1;
	v1 =	vadd.s32 v0, v4  }
0x51: {  	[tilespmem:$0x260] =	vst v1;
	v1 =	vadd.s32 v0, v3  }
0x52: {  	[tilespmem:$0x270] =	vst v1;
	_ =	sdelay $0x1  }
0x53: {  	_ =	swait.ge [sflag:s26], $0x4000  }
0x54: {  	[sflag:s26] =	ssyncset.done $0x0  }
0x55: {  	[sflag:s26] =	ssyncadd.s32 $0xFFFFC000  }
0x56: {  	[tilespmem:s29], [sflag:$0x2] =	stream.indirect.gather [hbm4b:s4+s21], $0x80, s28, s21, $0xb8;
	[tilespmem:$0x1C500] =	vst v63  }
0x57: {  	_ = 	snop  }
0x58: {  	[spmem:s1] =	stream.indirect.scatter.add.f32 [tilespmem:s22], [sflag:$0x5], $0x80, s17, s21, $0xb8;
	[tilespmem:$0x1C500] =	vst v63  }
0x59: {  	p2 =	seq.s32 s9, $0x4C0;
	_ =	swait.ge [sflag:s19], $0x4000  }
0x5a: {  	s12 =	sadd.s32 @!p2 s9, s16;
	s9 =	sadd.s32 @!p2 s9, s15;
	[sflag:s19] =	ssyncset.done $0x0  }
0x5b: {  	s13 =	simm.s32 @!p2 $0x0;
	s12 =	sadd.s32 @!p2 $0x20, s12;
	[sflag:s19] =	ssyncadd.s32 $0xFFFFC000  }
0x5c: {  	[tilespmem:s13], [sflag:$0x3] =	stream.linear.gather @!p2 [hbm4b:s12+s13], $0x80, $0x38;
	[tilespmem:$0x1C500] =	vst v63  }
0x5d: {  	s14 =	simm.s32 @!p2 $0x3;
	s9 =	sadd.s32 @!p2 $0x20, s9;
	s12 =	simm.s32 @!p2 $0x100  }
0x5e: {  	[tilespmem:s12], [sflag:$0x3] =	stream.linear.gather @!p2 [hbm4b:s9+s13], $0x80, $0x38;
	[tilespmem:$0x1C500] =	vst v63  }
0x5f: {  	s9 =	smov.u32 s11;
	_ =	swait.ge @!p2 [sflag:s14], $0x80  }
0x60: {  	[sflag:s14] =	ssyncset.done @!p2 $0x0  }
0x61: {  	[sflag:s14] =	ssyncadd.s32 @!p2 $0xFFFFFF80  }
0x62: {  	_ =	swait.ge @!p2 [sflag:s14], $0x80  }
0x63: {  	[sflag:s14] =	ssyncset.done @!p2 $0x0  }
0x64: {  	[sflag:s14] =	ssyncadd.s32 @!p2 $0xFFFFFF80  }
0x65: {  	v1 =	vld @!p2 [tilespmem:$0x70]  }
0x66: {  	v2 =	vld @!p2 [tilespmem:$0x30]  }
0x67: {  	v3 =	vld @!p2 [tilespmem:$0x50]  }
0x68: {  	v4 =	vld @!p2 [tilespmem:$0x60]  }
0x69: {  	v5 =	vld @!p2 [tilespmem:$0x20]  }
0x6a: {  	v6 =	vld @!p2 [tilespmem:$0x10];
	v1 =	vadd.s32 @!p2 v0, v1  }
0x6b: {  	v2 =	vadd.s32 @!p2 v0, v2;
	v7 =	vld @!p2 [tilespmem:$0x40];
	[tilespmem:$0xF0] =	vst @!p2 v1  }
0x6c: {  	v1 =	vld @!p2 [tilespmem:$0x0];
	[tilespmem:$0xB0] =	vst @!p2 v2;
	v2 =	vadd.s32 @!p2 v0, v3  }
0x6d: {  	[tilespmem:$0xD0] =	vst @!p2 v2;
	v2 =	vadd.s32 @!p2 v0, v4  }
0x6e: {  	v3 =	vadd.s32 @!p2 v0, v5;
	[tilespmem:$0xE0] =	vst @!p2 v2  }
0x6f: {  	v2 =	vadd.s32 @!p2 v0, v6;
	[tilespmem:$0xA0] =	vst @!p2 v3  }
0x70: {  	[tilespmem:$0x90] =	vst @!p2 v2;
	v2 =	vadd.s32 @!p2 v0, v7  }
0x71: {  	v1 =	vadd.s32 @!p2 v0, v1;
	[tilespmem:$0xC0] =	vst @!p2 v2  }
0x72: {  	s11 =	simm.s32 @!p2 $0x80;
	s12 =	simm.s32 @!p2 $0x300;
	[tilespmem:$0x80] =	vst @!p2 v1  }
0x73: {  	[tilespmem:s12], [sflag:$0x1] =	stream.indirect.gather @!p2 [hbm4b:s4+s11], $0x80, s11, s11, $0xb8;
	[tilespmem:$0x1C500] =	vst v63  }
0x74: {  	_ =	swait.ge [sflag:s30], $0x4000  }
0x75: {  	[sflag:s30] =	ssyncset.done $0x0  }
0x76: {  	[sflag:s30] =	ssyncadd.s32 $0xFFFFC000  }
0x77: {  	[spmem:s1] =	stream.indirect.scatter.add.f32 [tilespmem:s29], [sflag:$0x5], $0x80, s24, s21, $0xb8;
	[tilespmem:$0x1C500] =	vst v63  }
0x78: {  	_ =	swait.ge [sflag:s19], $0x4000  }
0x79: {  	s11 =	sadd.s32 s9, s16;
	[sflag:s19] =	ssyncset.done $0x0  }
0x7a: {  	s12 =	sadd.s32 s9, s15;
	s11 =	sadd.s32 $0x10, s11;
	[sflag:s19] =	ssyncadd.s32 $0xFFFFC000  }
0x7b: {  	[tilespmem:s23], [sflag:$0x4] =	stream.linear.gather [hbm4b:s11+s2], $0x80, $0x38;
	[tilespmem:$0x1C500] =	vst v63  }
0x7c: {  	s11 =	sadd.s32 $0x10, s12  }
0x7d: {  	[tilespmem:s24], [sflag:$0x4] =	stream.linear.gather [hbm4b:s11+s2], $0x80, $0x38;
	[tilespmem:$0x1C500] =	vst v63  }
0x7e: {  	_ =	swait.ge [sflag:s25], $0x80  }
0x7f: {  	[sflag:s25] =	ssyncset.done $0x0  }
0x80: {  	[sflag:s25] =	ssyncadd.s32 $0xFFFFFF80  }
0x81: {  	_ =	swait.ge [sflag:s25], $0x80  }
0x82: {  	[sflag:s25] =	ssyncset.done $0x0  }
.Ltmp0:
0x83: {  	[sflag:s25] =	ssyncadd.s32 $0xFFFFFF80;
	(pc) =	sbr.rel @p1 .LBB2_2-.Ltmp0, $4  }
0x84: {  	v4 =	vld [tilespmem:$0x180]  }
0x85: {  	v3 =	vld [tilespmem:$0x190]  }
0x86: {  	v2 =	vld [tilespmem:$0x1A0]  }
0x87: {  	v1 =	vld [tilespmem:$0x1B0]  }
0x88: {  	v5 =	vld [tilespmem:$0x1C0]  }
0x89: {  	v6 =	vld [tilespmem:$0x1D0];
	v4 =	vadd.s32 v0, v4  }
0x8a: {  	v63 =	vld [tilespmem:$0x1E0];
	[tilespmem:$0x200] =	vst v4;
	v3 =	vadd.s32 v0, v3  }
0x8b: {  	[tilespmem:$0x210] =	vst v3;
	v2 =	vadd.s32 v0, v2;
	v3 =	vld [tilespmem:$0x1F0]  }
0x8c: {  	[tilespmem:$0x220] =	vst v2;
	v1 =	vadd.s32 v0, v1  }
0x8d: {  	[tilespmem:$0x230] =	vst v1;
	v1 =	vadd.s32 v0, v5  }
0x8e: {  	[tilespmem:$0x240] =	vst v1;
	v1 =	vadd.s32 v0, v6  }
0x8f: {  	[tilespmem:$0x250] =	vst v1;
	v1 =	vadd.s32 v0, v63  }
0x90: {  	[tilespmem:$0x260] =	vst v1;
	v1 =	vadd.s32 v0, v3  }
0x91: {  	[tilespmem:$0x270] =	vst v1  }
0x92: {  	_ =	swait.ge [sflag:s26], $0x4000  }
0x93: {  	[sflag:s26] =	ssyncset.done $0x0  }
0x94: {  	[sflag:s26] =	ssyncadd.s32 $0xFFFFC000  }
0x95: {  	[tilespmem:s29], [sflag:$0x2] =	stream.indirect.gather [hbm4b:s4+s21], $0x80, s28, s21, $0xb8;
	[tilespmem:$0x1C500] =	vst v63  }
0x96: {  	_ = 	snop  }
0x97: {  	[spmem:s1] =	stream.indirect.scatter.add.f32 [tilespmem:s22], [sflag:$0x5], $0x80, s17, s21, $0xb8;
	[tilespmem:$0x1C500] =	vst v63  }
0x98: {  	p1 =	seq.s32 s9, $0x4C0;
	_ =	swait.ge [sflag:s19], $0x4000  }
0x99: {  	s10 =	sadd.s32 @!p1 s9, s16;
	s9 =	sadd.s32 @!p1 s9, s15;
	[sflag:s19] =	ssyncset.done $0x0  }
0x9a: {  	s11 =	simm.s32 @!p1 $0x0;
	s10 =	sadd.s32 @!p1 $0x20, s10;
	[sflag:s19] =	ssyncadd.s32 $0xFFFFC000  }
0x9b: {  	[tilespmem:s11], [sflag:$0x3] =	stream.linear.gather @!p1 [hbm4b:s10+s11], $0x80, $0x38;
	[tilespmem:$0x1C500] =	vst v63  }
0x9c: {  	s9 =	sadd.s32 @!p1 $0x20, s9;
	s10 =	simm.s32 @!p1 $0x100  }
0x9d: {  	[tilespmem:s10], [sflag:$0x3] =	stream.linear.gather @!p1 [hbm4b:s9+s11], $0x80, $0x38;
	[tilespmem:$0x1C500] =	vst v63  }
0x9e: {  	s9 =	simm.s32 @!p1 $0x3  }
0x9f: {  	_ =	swait.ge @!p1 [sflag:s9], $0x80  }
0xa0: {  	[sflag:s9] =	ssyncset.done @!p1 $0x0  }
0xa1: {  	[sflag:s9] =	ssyncadd.s32 @!p1 $0xFFFFFF80  }
0xa2: {  	_ =	swait.ge @!p1 [sflag:s9], $0x80  }
0xa3: {  	[sflag:s9] =	ssyncset.done @!p1 $0x0  }
0xa4: {  	[sflag:s9] =	ssyncadd.s32 @!p1 $0xFFFFFF80  }
0xa5: {  	v1 =	vld @!p1 [tilespmem:$0x70]  }
0xa6: {  	v2 =	vld @!p1 [tilespmem:$0x30]  }
0xa7: {  	v3 =	vld @!p1 [tilespmem:$0x50]  }
0xa8: {  	v5 =	vld @!p1 [tilespmem:$0x20]  }
0xa9: {  	v4 =	vld @!p1 [tilespmem:$0x60]  }
0xaa: {  	v6 =	vld @!p1 [tilespmem:$0x10];
	v1 =	vadd.s32 @!p1 v0, v1  }
0xab: {  	v7 =	vld @!p1 [tilespmem:$0x40];
	v2 =	vadd.s32 @!p1 v0, v2;
	[tilespmem:$0xF0] =	vst @!p1 v1  }
0xac: {  	v1 =	vld @!p1 [tilespmem:$0x0];
	[tilespmem:$0xB0] =	vst @!p1 v2;
	v2 =	vadd.s32 @!p1 v0, v3  }
0xad: {  	v3 =	vadd.s32 @!p1 v0, v5;
	[tilespmem:$0xD0] =	vst @!p1 v2  }
0xae: {  	v2 =	vadd.s32 @!p1 v0, v4;
	[tilespmem:$0xA0] =	vst @!p1 v3  }
0xaf: {  	[tilespmem:$0xE0] =	vst @!p1 v2;
	v2 =	vadd.s32 @!p1 v0, v6  }
0xb0: {  	[tilespmem:$0x90] =	vst @!p1 v2;
	v2 =	vadd.s32 @!p1 v0, v7  }
0xb1: {  	[tilespmem:$0xC0] =	vst @!p1 v2;
	v1 =	vadd.s32 @!p1 v0, v1  }
0xb2: {  	s10 =	simm.s32 @!p1 $0x300;
	s9 =	simm.s32 @!p1 $0x80;
	[tilespmem:$0x80] =	vst @!p1 v1  }
0xb3: {  	[tilespmem:s10], [sflag:$0x1] =	stream.indirect.gather @!p1 [hbm4b:s4+s9], $0x80, s9, s9, $0xb8;
	[tilespmem:$0x1C500] =	vst v63  }
0xb4: {  	_ =	swait.ge [sflag:s30], $0x4000  }
0xb5: {  	[sflag:s30] =	ssyncset.done $0x0  }
0xb6: {  	[sflag:s30] =	ssyncadd.s32 $0xFFFFC000  }
0xb7: {  	[spmem:s1] =	stream.indirect.scatter.add.f32 [tilespmem:s29], [sflag:$0x5], $0x80, s24, s21, $0xb8;
	[tilespmem:$0x1C500] =	vst v63  }
0xb8: {  	_ =	swait.ge [sflag:s19], $0x4000  }
0xb9: {  	[sflag:s19] =	ssyncset.done $0x0  }
0xba: {  	s14 =	simm.s32 $0x8300;
	s13 =	rddreg [dreg:$0x6];
	[sflag:s19] =	ssyncadd.s32 $0xFFFFC000  }
0xbb: {  	[tilespmem:s14], [sflag:$0x5] =	stream.linear.gather [hbm4b:s13+s2], $0x10, $0x38;
	[tilespmem:$0x1C500] =	vst v63  }
0xbc: {  	_ =	swait.ge [sflag:s19], $0x10  }
0xbd: {  	[sflag:s19] =	ssyncset.done $0x0  }
0xbe: {  	s11 =	rddreg [dreg:$0x7];
	[sflag:s19] =	ssyncadd.s32 $0xFFFFFFF0  }
0xbf: {  	[tilespmem:s0], [sflag:$0x5] =	stream.linear.gather [hbm4b:s11+s2], $0x10, $0x38;
	[tilespmem:$0x1C500] =	vst v63  }
0xc0: {  	_ =	swait.ge [sflag:s19], $0x10  }
0xc1: {  	[sflag:s19] =	ssyncset.done $0x0  }
0xc2: {  	[sflag:s19] =	ssyncadd.s32 $0xFFFFFFF0  }
0xc3: {  	v1 =	vld [tilespmem:$0x8300];
	_ =	sdelay $0x4  }
0xc4: {  	v1 =	vadd.s32 v0, v1  }
0xc5: {  	s12 =	simm.s32 $0x8380;
	[tilespmem:$0x8380] =	vst v1  }
0xc6: {  	[tilespmem:s31], [sflag:$0x1] =	stream.indirect.gather [hbm4b:s4+s3], $0x80, s12, s3, $0xb8;
	[tilespmem:$0x1C500] =	vst v63  }
0xc7: {  	_ =	swait.ge [sflag:s26], $0x800  }
0xc8: {  	[sflag:s26] =	ssyncset.done $0x0  }
0xc9: {  	[sflag:s26] =	ssyncadd.s32 $0xFFFFF800  }
0xca: {  	[spmem:s1] =	stream.indirect.scatter.add.f32 [tilespmem:s31], [sflag:$0x5], $0x80, s0, s3, $0xb8;
	[tilespmem:$0x1C500] =	vst v63  }
0xcb: {  	_ =	swait.ge [sflag:s19], $0x800  }
0xcc: {  	[sflag:s19] =	ssyncset.done $0x0  }
0xcd: {  	[sflag:s19] =	ssyncadd.s32 $0xFFFFF800  }
0xce: {  	[bflag:$0x0] =	sbarrier.arrive $0xFFFF  }
0xcf: {  	s13 =	rddreg [dreg:$0x8]  }
0xd0: {  	[hbm:s13], [sflag:s8] =	dma.local [spmem:s18], $0x2700  }
0xd1: {  	_ =	swait.ge [sflag:s19], $0x2700  }
0xd2: {  	[sflag:s19] =	ssyncset.done $0x0  }
0xd3: {  	s9 =	rddreg [dreg:$0x9];
	[sflag:s19] =	ssyncadd.s32 $0xFFFFD900  }
0xd4: {  	[hbm:s9], [sflag:s8] =	dma.local @!p0 [spmem:s7], $0x100  }
0xd5: {  	s7 =	simm.s32 @!p0 $0x5  }
0xd6: {  	_ =	swait.ge @!p0 [sflag:s7], $0x100  }
0xd7: {  	s6 =	sadd.s32 $0x1, s6;
	s14 =	rddreg [dreg:$0xa]  }
0xd8: {  	p1 =	sne.s32 s6, s14  }
.Ltmp1:
0xd9: {  	_ = 	snop;
	(pc) =	sbr.rel @p1 .LBB2_1-.Ltmp1, $3  }
0xda: {  	_ =	sdelay $0x1  }
0xdb: {  	[sflag:s7] =	ssyncset.done @!p0 $0x0  }
0xdc: {  	[sflag:s7] =	ssyncadd.s32 @!p0 $0xFFFFFF00  }
0xdd: {  	_ =	sfence.sel $0x180000  }
0xde: {  	[bflag:$0x0] =	sbarrier.arrive $0xFFFF  }
0xdf: {  	_ =	strace $0x90000056  }
0xe0: {  	s0 =	stileid.u32;
	[bflag:$0x2] =	sbarrier.arrive $0xFFFF  }
0xe1: {  	p0 =	sne.s32 s0, $0x0;
	s0 =	rddreg [dreg:$0x2]  }
0xe2: {  	s0 =	sadd.s32 @!p0 $0x100000, s0  }
0xe3: {  	[sflag:s0] =	ssyncadd.tile.s32 @!p0 $0x1;
	_ =	shalt  }
.Lfunc_end2:
_tile_overlayer_lowered:
.L_overlay_start_2:
0xe4: {  	(tag) =	ssettag $0x2  }
0xe5: {  	s0 =	rddreg [dreg:$0x0];
	s2 =	stileid.u32  }
0xe6: {  	s1 =	rddreg [dreg:$0x1];
	p0 =	sne.s32 s2, $0x0  }
0xe7: {  	s3 =	rddreg [dreg:$0x2];
	[bflag:$0x3] =	sbarrier.arrive $0xFFFF;
	s2 =	simm.s32 @!p0 $0x1C05  }
0xe8: {  	[timem:s3], [sflag:s2] =	dma.local @!p0 [hbm:s0], s1  }
0xe9: {  	s0 =	simm.s32 @!p0 $0x5  }
0xea: {  	_ =	swait.ge @!p0 [sflag:s0], s1  }
0xeb: {  	s1 =	ssub.s32 @!p0 $0x0, s1;
	[sflag:s0] =	ssyncset.done @!p0 $0x0  }
0xec: {  	[sflag:s0] =	ssyncadd.s32 @!p0 s1  }
0xed: {  	[bflag:$0x3] =	sbarrier.arrive $0xFFFF  }
0xee: {  	_ =	shalt  }

</sc_bundles>
